<compile_context>
chip_gen: v7x
topology: tpu7x:2x2x1
jax: 0.10.2.dev20260603
libtpu: 0.0.44.dev20260713+nightly
codegen_flags: <defaults>
</compile_context>

<pallas_src>
import functools

import jax
import jax.numpy as jnp
import numpy as np
from jax import lax
from jax.experimental import pallas as pl
from jax.experimental.pallas import tpu as pltpu
from jax.experimental.pallas import tpu_sc as plsc

NUM_POS_FEATS = 32
FRAME_RANGE = 5
TEMPERATURE = 10000.0

NC = 2
NS = 16
L = 16
D = FRAME_RANGE * 4


def _resolve_rows_sc(planes, detT, r_idx, rd_idx, g_idx, M):
    B = g_idx.shape[0]
    OWN = M // NS
    HALF = B // NC
    CHUNK = HALF // NS
    NQ = CHUNK // 128

    mesh = plsc.VectorSubcoreMesh(core_axis_name="c", subcore_axis_name="s")

    @functools.partial(
        pl.kernel,
        mesh=mesh,
        compiler_params=pltpu.CompilerParams(needs_layout_passes=False,
                                             use_tc_tiling_on_sc=False),
        out_type=jax.ShapeDtypeStruct((B * D,), jnp.float32),
        scratch_types=[
            pltpu.VMEM((OWN,), jnp.int32),
            pltpu.VMEM((B,), jnp.int32),
            pltpu.VMEM((HALF,), jnp.int32),
            pltpu.VMEM((HALF,), jnp.int32),
            pltpu.VMEM((CHUNK,), jnp.int32),
            pltpu.VMEM((CHUNK,), jnp.int32),
            pltpu.VMEM((NQ, 128), jnp.int32),
            pltpu.VMEM((NQ, 128), jnp.int32),
            pltpu.VMEM((NQ, 128), jnp.int32),
            pltpu.VMEM((CHUNK * 4,), jnp.float32),
            pltpu.VMEM((CHUNK * D,), jnp.float32),
            pltpu.VMEM_SHARED((NS, HALF), jnp.int32),
            pltpu.SemaphoreType.DMA,
            pltpu.SemaphoreType.DMA,
        ],
    )
    def k(*refs):
        tr_hbm = refs[:D]
        (det_hbm, r_hbm, rd_hbm, g_hbm, out_hbm,
         marker, r_all, g_sc, wpart, tmpc, wchunk, gq, ridx, rdv2,
         detflat, rows, stage, sem0, sem1) = refs[D:]
        c = lax.axis_index("c")
        s = lax.axis_index("s")
        own_base = s * OWN
        chunk_off = s * CHUNK
        gstart = c * HALF + s * CHUNK

        iota = lax.iota(jnp.int32, L)
        zeros = jnp.zeros((L,), jnp.int32)

        pltpu.sync_copy(g_hbm.at[pl.ds(c * HALF, HALF)], g_sc)
        pltpu.sync_copy(r_hbm, r_all)

        def owned(a16):
            local = a16 - own_base
            mask = (local >= 0) & (local < OWN)
            lcl = jnp.clip(local, 0, OWN - 1)
            return lcl, mask

        def ph_a(i, _):
            lcl, mask = owned(g_sc[pl.ds(i * L, L)])
            plsc.store_scatter(marker, [lcl], zeros, mask=mask)
            return 0
        lax.fori_loop(0, HALF // L, ph_a, 0)

        def ph_b(j, _):
            lcl, mask = owned(r_all[pl.ds(j * L, L)])
            plsc.store_scatter(marker, [lcl], j * L + iota + 1, mask=mask)
            return 0
        lax.fori_loop(0, B // L, ph_b, 0)

        def ph_c(i, _):
            lcl, mask = owned(g_sc[pl.ds(i * L, L)])
            w16 = plsc.load_gather(marker, [lcl], mask=mask)
            wpart[pl.ds(i * L, L)] = jnp.where(mask, w16, 0)
            return 0
        lax.fori_loop(0, HALF // L, ph_c, 0)

        pltpu.sync_copy(wpart, stage.at[s])
        plsc.subcore_barrier()

        def zerow(i, _):
            wchunk[pl.ds(i * L, L)] = zeros
            return 0
        lax.fori_loop(0, CHUNK // L, zerow, 0)
        for t in range(NS):
            pltpu.sync_copy(stage.at[t, pl.ds(chunk_off, CHUNK)], tmpc)

            def mx(i, _):
                wchunk[pl.ds(i * L, L)] = jnp.maximum(
                    wchunk[pl.ds(i * L, L)], tmpc[pl.ds(i * L, L)])
                return 0
            lax.fori_loop(0, CHUNK // L, mx, 0)

        def comb(i, _):
            acc = wchunk[pl.ds(i * L, L)]
            mask = acc > 0
            ii = i * L + iota
            q, sub = i // 8, (i % 8) * L
            ridx[q, pl.ds(sub, L)] = jnp.where(mask, acc - 1, gstart + ii)
            gq[q, pl.ds(sub, L)] = g_sc[pl.ds(chunk_off + i * L, L)]
            return 0
        lax.fori_loop(0, CHUNK // L, comb, 0)

        for q in range(NQ):
            cps = []
            for m in range(D):
                cps.append(pltpu.async_copy(
                    tr_hbm[m].at[gq.at[q]],
                    rows.at[pl.ds((q * D + m) * 128, 128)], sem0))
            cps.append(pltpu.async_copy(
                rd_hbm.at[ridx.at[q]], rdv2.at[q], sem1))
            for cp in cps:
                cp.wait()

        cps = []
        for q in range(NQ):
            for cc in range(4):
                cps.append(pltpu.async_copy(
                    det_hbm.at[cc].at[rdv2.at[q]],
                    detflat.at[pl.ds((q * 4 + cc) * 128, 128)], sem0))
        for cp in cps:
            cp.wait()

        def patch3(i, _):
            mask = wchunk[pl.ds(i * L, L)] > 0
            base = (i // 8) * (D * 128) + (i % 8) * L
            dbase = (i // 8) * 512 + (i % 8) * L
            for cc in range(4):
                dv = detflat[pl.ds(dbase + cc * 128, L)]
                for f in range(FRAME_RANGE):
                    m = f * 4 + cc
                    old = rows[pl.ds(base + m * 128, L)]
                    rows[pl.ds(base + m * 128, L)] = jnp.where(mask, dv, old)
            return 0
        lax.fori_loop(0, CHUNK // L, patch3, 0)

        pltpu.sync_copy(rows, out_hbm.at[pl.ds(gstart * D, CHUNK * D)])

    return k(*planes, detT, r_idx, rd_idx, g_idx)


def _sine_encode_tc(rows):
    B, _ = rows.shape
    OUTD = D * NUM_POS_FEATS
    BLK = 512

    dim_t = np.arange(NUM_POS_FEATS, dtype=np.float32)
    dim_t = np.float32(TEMPERATURE) ** (2 * np.floor(dim_t / 2).astype(np.float32)
                                        / np.float32(NUM_POS_FEATS))
    w16 = (np.float32(2.0) * np.float32(np.pi)) / dim_t[0::2]
    w32 = np.concatenate([w16, w16])
    off32 = np.concatenate([np.full(16, np.pi / 2, np.float32),
                            np.zeros(16, np.float32)])
    w128 = jnp.asarray(np.tile(w32, 4), jnp.float32)[None, :]
    off128 = jnp.asarray(np.tile(off32, 4), jnp.float32)[None, :]

    def enc(w_ref, o_ref, rows_ref, out_ref):
        w = w_ref[...]
        off = o_ref[...]
        for f in range(FRAME_RANGE):
            xs = [jnp.broadcast_to(rows_ref[:, f * 4 + cc:f * 4 + cc + 1],
                                   (BLK, 32)) for cc in range(4)]
            x128 = jnp.concatenate(xs, axis=1)
            out_ref[:, f * 128:(f + 1) * 128] = jnp.sin(x128 * w + off)

    return pl.pallas_call(
        enc,
        grid=(B // BLK,),
        in_specs=[pl.BlockSpec((1, 128), lambda i: (0, 0)),
                  pl.BlockSpec((1, 128), lambda i: (0, 0)),
                  pl.BlockSpec((BLK, D), lambda i: (i, 0))],
        out_specs=pl.BlockSpec((BLK, OUTD), lambda i: (i, 0)),
        out_shape=jax.ShapeDtypeStruct((B, OUTD), jnp.float32),
    )(w128, off128, rows)


def kernel(tracklets, detections, replace_track_indices, replace_det_indices,
           tracklets_indices):
    M = tracklets.shape[0]
    B = tracklets_indices.shape[0]
    planes = [tracklets[:, f, cc] for f in range(FRAME_RANGE)
              for cc in range(4)]
    detT = detections.T
    flat = _resolve_rows_sc(planes, detT, replace_track_indices,
                            replace_det_indices, tracklets_indices, M)
    rows = flat.reshape(B // 128, D, 128).transpose(0, 2, 1).reshape(B, D)
    return _sine_encode_tc(rows)

# --- scband reference (transcript-rebuilt; emitter-appended) ---
"""Pipeline reference for scband-kinet-tracking-base-3908420239662 (READ-ONLY COPY).

The authoritative reference and input builder live on the scoring server;
editing this copy changes nothing except your own understanding.
"""

import jax, jax.numpy as jnp
import numpy as np

NUM_POS_FEATS = 32
FRAME_RANGE = 5
TEMPERATURE = 10000.0


def sine_encoding_tracklet(x):
    # x: [N, frame_range, 4] in [0,1]
    dim_t = jnp.arange(NUM_POS_FEATS, dtype=jnp.float32)
    dim_t = TEMPERATURE ** (2 * jnp.floor(dim_t / 2) / NUM_POS_FEATS)
    freq = x[:, :, :, None] * jnp.pi * 2 / dim_t
    embed = jnp.concatenate([jnp.cos(freq[:, :, :, 0::2]), jnp.sin(freq[:, :, :, 1::2])], axis=3)
    return embed.reshape(embed.shape[0], -1)


def generate_pseudo_tracklets(detections, n_frames):
    # detections: [B, 4] -> [B, n_frames, 4]
    return jnp.tile(detections[:, None, :4], (1, n_frames, 1))


def setup_inputs(seed: int = 0) -> dict:
    key = jax.random.key(seed)
    k1, k2, k3, k4, k5 = jax.random.split(key, 5)
    M = 1000000
    B = 16384
    tracklets = jax.random.uniform(k1, (M, FRAME_RANGE, 4), dtype=jnp.float32)
    detections = jax.random.uniform(k2, (B, 4), dtype=jnp.float32)
    replace_track_indices = jax.random.randint(k3, (B,), 0, M, dtype=jnp.int64 if jax.config.read('jax_enable_x64') else jnp.int32).astype(jnp.int32)
    replace_det_indices = jax.random.randint(k4, (B,), 0, B).astype(jnp.int32)
    tracklets_indices = jax.random.randint(k5, (B,), 0, M).astype(jnp.int32)
    return {
        "tracklets": tracklets,
        "detections": detections,
        "replace_track_indices": replace_track_indices,
        "replace_det_indices": replace_det_indices,
        "tracklets_indices": tracklets_indices,
    }


def reference(tracklets, detections, replace_track_indices, replace_det_indices, tracklets_indices):
    # add_positive_detections_to_tracklets: scatter-overwrite of tracklet memory
    pseudo_tracklets = generate_pseudo_tracklets(detections[replace_det_indices], FRAME_RANGE)
    tracklets_modified = tracklets.at[replace_track_indices].set(pseudo_tracklets)
    # update_query_embeddings: gather selected tracklets and sine-encode them
    gathered = tracklets_modified[tracklets_indices]
    track_query_hs_embeds = sine_encoding_tracklet(gathered)
    return track_query_hs_embeds

if __name__ == "__main__":
    import jax
    _d = setup_inputs()
    print(jax.jit(kernel)(*tuple(_d.values())))

</pallas_src>

<mosaic_0001>
#map = affine_map<(d0, d1) -> (0)>
#map1 = affine_map<(d0, d1) -> (0, 0)>
module attributes {stable_mosaic.version = 14 : i64} {
  func.func @k(%arg0: i32, %arg1: i32, %arg2: memref<1000000xf32, #tpu.memory_space<hbm>>, %arg3: memref<1000000xf32, #tpu.memory_space<hbm>>, %arg4: memref<1000000xf32, #tpu.memory_space<hbm>>, %arg5: memref<1000000xf32, #tpu.memory_space<hbm>>, %arg6: memref<1000000xf32, #tpu.memory_space<hbm>>, %arg7: memref<1000000xf32, #tpu.memory_space<hbm>>, %arg8: memref<1000000xf32, #tpu.memory_space<hbm>>, %arg9: memref<1000000xf32, #tpu.memory_space<hbm>>, %arg10: memref<1000000xf32, #tpu.memory_space<hbm>>, %arg11: memref<1000000xf32, #tpu.memory_space<hbm>>, %arg12: memref<1000000xf32, #tpu.memory_space<hbm>>, %arg13: memref<1000000xf32, #tpu.memory_space<hbm>>, %arg14: memref<1000000xf32, #tpu.memory_space<hbm>>, %arg15: memref<1000000xf32, #tpu.memory_space<hbm>>, %arg16: memref<1000000xf32, #tpu.memory_space<hbm>>, %arg17: memref<1000000xf32, #tpu.memory_space<hbm>>, %arg18: memref<1000000xf32, #tpu.memory_space<hbm>>, %arg19: memref<1000000xf32, #tpu.memory_space<hbm>>, %arg20: memref<1000000xf32, #tpu.memory_space<hbm>>, %arg21: memref<1000000xf32, #tpu.memory_space<hbm>>, %arg22: memref<4x16384xf32, #tpu.memory_space<hbm>>, %arg23: memref<16384xi32, #tpu.memory_space<hbm>>, %arg24: memref<16384xi32, #tpu.memory_space<hbm>>, %arg25: memref<16384xi32, #tpu.memory_space<hbm>>, %arg26: memref<327680xf32, #tpu.memory_space<hbm>>, %arg27: memref<62500xi32, #tpu.memory_space<vmem>>, %arg28: memref<16384xi32, #tpu.memory_space<vmem>>, %arg29: memref<8192xi32, #tpu.memory_space<vmem>>, %arg30: memref<8192xi32, #tpu.memory_space<vmem>>, %arg31: memref<512xi32, #tpu.memory_space<vmem>>, %arg32: memref<512xi32, #tpu.memory_space<vmem>>, %arg33: memref<4x128xi32, #tpu.memory_space<vmem>>, %arg34: memref<4x128xi32, #tpu.memory_space<vmem>>, %arg35: memref<4x128xi32, #tpu.memory_space<vmem>>, %arg36: memref<2048xf32, #tpu.memory_space<vmem>>, %arg37: memref<10240xf32, #tpu.memory_space<vmem>>, %arg38: memref<16x8192xi32, #tpu.memory_space<vmem_shared>>, %arg39: memref<!tpu.dma_semaphore, #tpu.memory_space<semaphore_mem>>, %arg40: memref<!tpu.dma_semaphore, #tpu.memory_space<semaphore_mem>>) attributes {dimension_semantics = [#tpu.dimension_semantics<core_parallel>, #tpu.dimension_semantics<subcore_parallel>], iteration_bounds = array<i64: 2, 16>, scalar_prefetch = 0 : i64, scratch_operands = 14 : i64, tpu.core_type = #tpu.core_type<sc_vector_subcore>, window_params = [{transform_indices = #map}, {transform_indices = #map}, {transform_indices = #map}, {transform_indices = #map}, {transform_indices = #map}, {transform_indices = #map}, {transform_indices = #map}, {transform_indices = #map}, {transform_indices = #map}, {transform_indices = #map}, {transform_indices = #map}, {transform_indices = #map}, {transform_indices = #map}, {transform_indices = #map}, {transform_indices = #map}, {transform_indices = #map}, {transform_indices = #map}, {transform_indices = #map}, {transform_indices = #map}, {transform_indices = #map}, {transform_indices = #map1}, {transform_indices = #map}, {transform_indices = #map}, {transform_indices = #map}, {transform_indices = #map}]} {
    %mul3A = arith.constant 62500 : i32
    %mul3A_0 = arith.muli %arg1, %mul3A : i32
    %mul3A_1 = arith.constant 512 : i32
    %mul3A_2 = arith.muli %arg1, %mul3A_1 : i32
    %mul3A_3 = arith.constant 8192 : i32
    %mul3A_4 = arith.muli %arg0, %mul3A_3 : i32
    %mul3A_5 = arith.constant 512 : i32
    %mul3A_6 = arith.muli %arg1, %mul3A_5 : i32
    %add3A = arith.addi %mul3A_4, %mul3A_6 : i32
    %iota3A = tpu.iota {dimensions = array<i32: 0>} : vector<16xi32>
    %broadcast_in_dim3A = arith.constant 0 : i32
    %broadcast_in_dim3A_7 = vector.broadcast %broadcast_in_dim3A : i32 to vector<16xi32>
    %mul3A_8 = arith.constant 8192 : i32
    %mul3A_9 = arith.muli %arg0, %mul3A_8 : i32
    "tpu.region"() ({
      %run_scoped3A_1922 = tpu.sem_alloc : memref<!tpu.dma_semaphore, #tpu.memory_space<semaphore_mem>>
      %dma_start3A_1923 = tpu.memref_slice %arg25[%mul3A_9] : memref<16384xi32, #tpu.memory_space<hbm>> -> memref<8192xi32, #tpu.memory_space<hbm>>
      %dma_start3A_1924 = tpu.memref_slice %arg25[%mul3A_9] : memref<16384xi32, #tpu.memory_space<hbm>> -> memref<8192xi32, #tpu.memory_space<hbm>>
      tpu.enqueue_dma source(%dma_start3A_1924 : memref<8192xi32, #tpu.memory_space<hbm>>) target(%arg29 : memref<8192xi32, #tpu.memory_space<vmem>>) target_semaphore(%run_scoped3A_1922 : memref<!tpu.dma_semaphore, #tpu.memory_space<semaphore_mem>>)
      %dma_wait3A_1925 = tpu.memref_slice %arg25[%mul3A_9] : memref<16384xi32, #tpu.memory_space<hbm>> -> memref<8192xi32, #tpu.memory_space<hbm>>
      %dma_wait3A_1926 = tpu.memref_slice %arg25[%mul3A_9] : memref<16384xi32, #tpu.memory_space<hbm>> -> memref<8192xi32, #tpu.memory_space<hbm>>
      tpu.wait_dma2 semaphore(%run_scoped3A_1922 : memref<!tpu.dma_semaphore, #tpu.memory_space<semaphore_mem>>) src(%dma_wait3A_1926 : memref<8192xi32, #tpu.memory_space<hbm>>) dst(%arg29 : memref<8192xi32, #tpu.memory_space<vmem>>)
      tpu.yield
    }) : () -> ()
    "tpu.region"() ({
      %run_scoped3A_1922 = tpu.sem_alloc : memref<!tpu.dma_semaphore, #tpu.memory_space<semaphore_mem>>
      tpu.enqueue_dma source(%arg23 : memref<16384xi32, #tpu.memory_space<hbm>>) target(%arg28 : memref<16384xi32, #tpu.memory_space<vmem>>) target_semaphore(%run_scoped3A_1922 : memref<!tpu.dma_semaphore, #tpu.memory_space<semaphore_mem>>)
      tpu.wait_dma2 semaphore(%run_scoped3A_1922 : memref<!tpu.dma_semaphore, #tpu.memory_space<semaphore_mem>>) src(%arg23 : memref<16384xi32, #tpu.memory_space<hbm>>) dst(%arg28 : memref<16384xi32, #tpu.memory_space<vmem>>)
      tpu.yield
    }) : () -> ()
    %scan3A = arith.constant 0 : i32
    %scan3A_10 = arith.constant 0 : i32
    %scan3A_11 = arith.constant 512 : i32
    %scan3A_12 = arith.addi %scan3A_10, %scan3A_11 : i32
    %scan3A_13 = arith.constant 1 : i32
    %scan3A_14 = scf.for %scan3A_1922 = %scan3A_10 to %scan3A_12 step %scan3A_13 iter_args(%scan3A_1923 = %scan3A) -> (i32)  : i32 {
      %mul3A_1924 = arith.constant 16 : i32
      %mul3A_1925 = arith.muli %scan3A_1922, %mul3A_1924 : i32
      %get3A = arith.index_cast %mul3A_1925 : i32 to index
      %get3A_1926 = tpu.vector_load %arg29[%get3A] {strides = array<i32>} : memref<8192xi32, #tpu.memory_space<vmem>>, vector<16xi32>,
      %sub3A = vector.broadcast %mul3A_0 : i32 to vector<16xi32>
      %sub3A_1927 = arith.subi %get3A_1926, %sub3A : vector<16xi32>
      %ge3A = arith.constant 0 : i32
      %ge3A_1928 = vector.broadcast %ge3A : i32 to vector<16xi32>
      %ge3A_1929 = arith.cmpi sge, %sub3A_1927, %ge3A_1928 : vector<16xi32>
      %lt3A = arith.constant 62500 : i32
      %lt3A_1930 = vector.broadcast %lt3A : i32 to vector<16xi32>
      %lt3A_1931 = arith.cmpi slt, %sub3A_1927, %lt3A_1930 : vector<16xi32>
      %and3A = arith.andi %ge3A_1929, %lt3A_1931 : vector<16xi1>
      %jit3A = arith.constant 0 : i32
      %jit3A_1932 = arith.constant 62499 : i32
      %max3A = vector.broadcast %jit3A : i32 to vector<16xi32>
      %max3A_1933 = arith.maxsi %max3A, %sub3A_1927 : vector<16xi32>
      %min3A = vector.broadcast %jit3A_1932 : i32 to vector<16xi32>
      %min3A_1934 = arith.minsi %min3A, %max3A_1933 : vector<16xi32>
      tpu.vector_store_idx %arg27[%min3A_1934], %broadcast_in_dim3A_7 masked %and3A : memref<62500xi32, #tpu.memory_space<vmem>>[vector<16xi32>], vector<16xi32>, vector<16xi1>
      %scan3A_1935 = arith.constant 0 : i32
      scf.yield %scan3A_1935 : i32
    }
    %scan3A_15 = arith.constant 512 : i32
    %scan3A_16 = arith.constant 0 : i32
    %scan3A_17 = arith.constant 0 : i32
    %scan3A_18 = arith.constant 1024 : i32
    %scan3A_19 = arith.addi %scan3A_17, %scan3A_18 : i32
    %scan3A_20 = arith.constant 1 : i32
    %scan3A_21 = scf.for %scan3A_1922 = %scan3A_17 to %scan3A_19 step %scan3A_20 iter_args(%scan3A_1923 = %scan3A_16) -> (i32)  : i32 {
      %mul3A_1924 = arith.constant 16 : i32
      %mul3A_1925 = arith.muli %scan3A_1922, %mul3A_1924 : i32
      %get3A = arith.index_cast %mul3A_1925 : i32 to index
      %get3A_1926 = tpu.vector_load %arg28[%get3A] {strides = array<i32>} : memref<16384xi32, #tpu.memory_space<vmem>>, vector<16xi32>,
      %sub3A = vector.broadcast %mul3A_0 : i32 to vector<16xi32>
      %sub3A_1927 = arith.subi %get3A_1926, %sub3A : vector<16xi32>
      %ge3A = arith.constant 0 : i32
      %ge3A_1928 = vector.broadcast %ge3A : i32 to vector<16xi32>
      %ge3A_1929 = arith.cmpi sge, %sub3A_1927, %ge3A_1928 : vector<16xi32>
      %lt3A = arith.constant 62500 : i32
      %lt3A_1930 = vector.broadcast %lt3A : i32 to vector<16xi32>
      %lt3A_1931 = arith.cmpi slt, %sub3A_1927, %lt3A_1930 : vector<16xi32>
      %and3A = arith.andi %ge3A_1929, %lt3A_1931 : vector<16xi1>
      %jit3A = arith.constant 0 : i32
      %jit3A_1932 = arith.constant 62499 : i32
      %max3A = vector.broadcast %jit3A : i32 to vector<16xi32>
      %max3A_1933 = arith.maxsi %max3A, %sub3A_1927 : vector<16xi32>
      %min3A = vector.broadcast %jit3A_1932 : i32 to vector<16xi32>
      %min3A_1934 = arith.minsi %min3A, %max3A_1933 : vector<16xi32>
      %mul3A_1935 = arith.constant 16 : i32
      %mul3A_1936 = arith.muli %scan3A_1922, %mul3A_1935 : i32
      %add3A_1937 = vector.broadcast %mul3A_1936 : i32 to vector<16xi32>
      %add3A_1938 = arith.addi %add3A_1937, %iota3A : vector<16xi32>
      %add3A_1939 = arith.constant 1 : i32
      %add3A_1940 = vector.broadcast %add3A_1939 : i32 to vector<16xi32>
      %add3A_1941 = arith.addi %add3A_1938, %add3A_1940 : vector<16xi32>
      tpu.vector_store_idx %arg27[%min3A_1934], %add3A_1941 masked %and3A : memref<62500xi32, #tpu.memory_space<vmem>>[vector<16xi32>], vector<16xi32>, vector<16xi1>
      %scan3A_1942 = arith.constant 0 : i32
      scf.yield %scan3A_1942 : i32
    }
    %scan3A_22 = arith.constant 1024 : i32
    %scan3A_23 = arith.constant 0 : i32
    %scan3A_24 = arith.constant 0 : i32
    %scan3A_25 = arith.constant 512 : i32
    %scan3A_26 = arith.addi %scan3A_24, %scan3A_25 : i32
    %scan3A_27 = arith.constant 1 : i32
    %scan3A_28 = scf.for %scan3A_1922 = %scan3A_24 to %scan3A_26 step %scan3A_27 iter_args(%scan3A_1923 = %scan3A_23) -> (i32)  : i32 {
      %mul3A_1924 = arith.constant 16 : i32
      %mul3A_1925 = arith.muli %scan3A_1922, %mul3A_1924 : i32
      %get3A = arith.index_cast %mul3A_1925 : i32 to index
      %get3A_1926 = tpu.vector_load %arg29[%get3A] {strides = array<i32>} : memref<8192xi32, #tpu.memory_space<vmem>>, vector<16xi32>,
      %sub3A = vector.broadcast %mul3A_0 : i32 to vector<16xi32>
      %sub3A_1927 = arith.subi %get3A_1926, %sub3A : vector<16xi32>
      %ge3A = arith.constant 0 : i32
      %ge3A_1928 = vector.broadcast %ge3A : i32 to vector<16xi32>
      %ge3A_1929 = arith.cmpi sge, %sub3A_1927, %ge3A_1928 : vector<16xi32>
      %lt3A = arith.constant 62500 : i32
      %lt3A_1930 = vector.broadcast %lt3A : i32 to vector<16xi32>
      %lt3A_1931 = arith.cmpi slt, %sub3A_1927, %lt3A_1930 : vector<16xi32>
      %and3A = arith.andi %ge3A_1929, %lt3A_1931 : vector<16xi1>
      %jit3A = arith.constant 0 : i32
      %jit3A_1932 = arith.constant 62499 : i32
      %max3A = vector.broadcast %jit3A : i32 to vector<16xi32>
      %max3A_1933 = arith.maxsi %max3A, %sub3A_1927 : vector<16xi32>
      %min3A = vector.broadcast %jit3A_1932 : i32 to vector<16xi32>
      %min3A_1934 = arith.minsi %min3A, %max3A_1933 : vector<16xi32>
      %gather3A = tpu.vector_load_idx %arg27[%min3A_1934] masked %and3A : memref<62500xi32, #tpu.memory_space<vmem>>[vector<16xi32>], vector<16xi32>, vector<16xi1>
      %jit3A_1935 = arith.constant 0 : i32
      %broadcast_in_dim3A_1936 = vector.broadcast %jit3A_1935 : i32 to vector<16xi32>
      %select_n3A = arith.select %and3A, %gather3A, %broadcast_in_dim3A_1936 : vector<16xi1>, vector<16xi32>
      %mul3A_1937 = arith.constant 16 : i32
      %mul3A_1938 = arith.muli %scan3A_1922, %mul3A_1937 : i32
      %swap3A = arith.index_cast %mul3A_1938 : i32 to index
      %swap3A_1939 = tpu.vector_load %arg30[%swap3A] {strides = array<i32>} : memref<8192xi32, #tpu.memory_space<vmem>>, vector<16xi32>,
      tpu.vector_store %arg30[%swap3A], %select_n3A {strides = array<i32>} : memref<8192xi32, #tpu.memory_space<vmem>>, vector<16xi32>,
      %scan3A_1940 = arith.constant 0 : i32
      scf.yield %scan3A_1940 : i32
    }
    %scan3A_29 = arith.constant 512 : i32
    "tpu.region"() ({
      %run_scoped3A_1922 = tpu.sem_alloc : memref<!tpu.dma_semaphore, #tpu.memory_space<semaphore_mem>>
      %dma_start3A_1923 = arith.constant 0 : i32
      %dma_start3A_1924 = tpu.memref_slice %arg38[%arg1, %dma_start3A_1923] : memref<16x8192xi32, #tpu.memory_space<vmem_shared>> -> memref<1x8192xi32, #tpu.memory_space<vmem_shared>>
      %dma_start3A_1925 = tpu.memref_squeeze %dma_start3A_1924 : memref<1x8192xi32, #tpu.memory_space<vmem_shared>> -> memref<8192xi32, #tpu.memory_space<vmem_shared>>
      %dma_start3A_1926 = arith.constant 0 : i32
      %dma_start3A_1927 = tpu.memref_slice %arg38[%arg1, %dma_start3A_1926] : memref<16x8192xi32, #tpu.memory_space<vmem_shared>> -> memref<1x8192xi32, #tpu.memory_space<vmem_shared>>
      %dma_start3A_1928 = tpu.memref_squeeze %dma_start3A_1927 : memref<1x8192xi32, #tpu.memory_space<vmem_shared>> -> memref<8192xi32, #tpu.memory_space<vmem_shared>>
      tpu.enqueue_dma source(%arg30 : memref<8192xi32, #tpu.memory_space<vmem>>) target(%dma_start3A_1928 : memref<8192xi32, #tpu.memory_space<vmem_shared>>) target_semaphore(%run_scoped3A_1922 : memref<!tpu.dma_semaphore, #tpu.memory_space<semaphore_mem>>)
      %dma_wait3A_1929 = arith.constant 0 : i32
      %dma_wait3A_1930 = tpu.memref_slice %arg38[%arg1, %dma_wait3A_1929] : memref<16x8192xi32, #tpu.memory_space<vmem_shared>> -> memref<1x8192xi32, #tpu.memory_space<vmem_shared>>
      %dma_wait3A_1931 = tpu.memref_squeeze %dma_wait3A_1930 : memref<1x8192xi32, #tpu.memory_space<vmem_shared>> -> memref<8192xi32, #tpu.memory_space<vmem_shared>>
      %dma_wait3A_1932 = arith.constant 0 : i32
      %dma_wait3A_1933 = tpu.memref_slice %arg38[%arg1, %dma_wait3A_1932] : memref<16x8192xi32, #tpu.memory_space<vmem_shared>> -> memref<1x8192xi32, #tpu.memory_space<vmem_shared>>
      %dma_wait3A_1934 = tpu.memref_squeeze %dma_wait3A_1933 : memref<1x8192xi32, #tpu.memory_space<vmem_shared>> -> memref<8192xi32, #tpu.memory_space<vmem_shared>>
      tpu.wait_dma2 semaphore(%run_scoped3A_1922 : memref<!tpu.dma_semaphore, #tpu.memory_space<semaphore_mem>>) src(%arg30 : memref<8192xi32, #tpu.memory_space<vmem>>) dst(%dma_wait3A_1934 : memref<8192xi32, #tpu.memory_space<vmem_shared>>)
      tpu.yield
    }) : () -> ()
    %barrier3A = arith.constant 0 : index
    tpu.barrier barrier_id(%barrier3A)
    %scan3A_30 = arith.constant 0 : i32
    %scan3A_31 = arith.constant 0 : i32
    %scan3A_32 = arith.constant 32 : i32
    %scan3A_33 = arith.addi %scan3A_31, %scan3A_32 : i32
    %scan3A_34 = arith.constant 1 : i32
    %scan3A_35 = scf.for %scan3A_1922 = %scan3A_31 to %scan3A_33 step %scan3A_34 iter_args(%scan3A_1923 = %scan3A_30) -> (i32)  : i32 {
      %mul3A_1924 = arith.constant 16 : i32
      %mul3A_1925 = arith.muli %scan3A_1922, %mul3A_1924 : i32
      %swap3A = arith.index_cast %mul3A_1925 : i32 to index
      %swap3A_1926 = tpu.vector_load %arg32[%swap3A] {strides = array<i32>} : memref<512xi32, #tpu.memory_space<vmem>>, vector<16xi32>,
      tpu.vector_store %arg32[%swap3A], %broadcast_in_dim3A_7 {strides = array<i32>} : memref<512xi32, #tpu.memory_space<vmem>>, vector<16xi32>,
      %scan3A_1927 = arith.constant 0 : i32
      scf.yield %scan3A_1927 : i32
    }
    %scan3A_36 = arith.constant 32 : i32
    %run_scoped3A = arith.constant 0 : i32
    "tpu.region"() ({
      %run_scoped3A_1922 = tpu.sem_alloc : memref<!tpu.dma_semaphore, #tpu.memory_space<semaphore_mem>>
      %dma_start3A_1923 = tpu.memref_slice %arg38[%run_scoped3A, %mul3A_2] : memref<16x8192xi32, #tpu.memory_space<vmem_shared>> -> memref<1x512xi32, #tpu.memory_space<vmem_shared>>
      %dma_start3A_1924 = tpu.memref_squeeze %dma_start3A_1923 : memref<1x512xi32, #tpu.memory_space<vmem_shared>> -> memref<512xi32, #tpu.memory_space<vmem_shared>>
      %dma_start3A_1925 = tpu.memref_slice %arg38[%run_scoped3A, %mul3A_2] : memref<16x8192xi32, #tpu.memory_space<vmem_shared>> -> memref<1x512xi32, #tpu.memory_space<vmem_shared>>
      %dma_start3A_1926 = tpu.memref_squeeze %dma_start3A_1925 : memref<1x512xi32, #tpu.memory_space<vmem_shared>> -> memref<512xi32, #tpu.memory_space<vmem_shared>>
      tpu.enqueue_dma source(%dma_start3A_1926 : memref<512xi32, #tpu.memory_space<vmem_shared>>) target(%arg31 : memref<512xi32, #tpu.memory_space<vmem>>) target_semaphore(%run_scoped3A_1922 : memref<!tpu.dma_semaphore, #tpu.memory_space<semaphore_mem>>)
      %dma_wait3A_1927 = tpu.memref_slice %arg38[%run_scoped3A, %mul3A_2] : memref<16x8192xi32, #tpu.memory_space<vmem_shared>> -> memref<1x512xi32, #tpu.memory_space<vmem_shared>>
      %dma_wait3A_1928 = tpu.memref_squeeze %dma_wait3A_1927 : memref<1x512xi32, #tpu.memory_space<vmem_shared>> -> memref<512xi32, #tpu.memory_space<vmem_shared>>
      %dma_wait3A_1929 = tpu.memref_slice %arg38[%run_scoped3A, %mul3A_2] : memref<16x8192xi32, #tpu.memory_space<vmem_shared>> -> memref<1x512xi32, #tpu.memory_space<vmem_shared>>
      %dma_wait3A_1930 = tpu.memref_squeeze %dma_wait3A_1929 : memref<1x512xi32, #tpu.memory_space<vmem_shared>> -> memref<512xi32, #tpu.memory_space<vmem_shared>>
      tpu.wait_dma2 semaphore(%run_scoped3A_1922 : memref<!tpu.dma_semaphore, #tpu.memory_space<semaphore_mem>>) src(%dma_wait3A_1930 : memref<512xi32, #tpu.memory_space<vmem_shared>>) dst(%arg31 : memref<512xi32, #tpu.memory_space<vmem>>)
      tpu.yield
    }) : () -> ()
    %scan3A_37 = arith.constant 0 : i32
    %scan3A_38 = arith.constant 0 : i32
    %scan3A_39 = arith.constant 32 : i32
    %scan3A_40 = arith.addi %scan3A_38, %scan3A_39 : i32
    %scan3A_41 = arith.constant 1 : i32
    %scan3A_42 = scf.for %scan3A_1922 = %scan3A_38 to %scan3A_40 step %scan3A_41 iter_args(%scan3A_1923 = %scan3A_37) -> (i32)  : i32 {
      %mul3A_1924 = arith.constant 16 : i32
      %mul3A_1925 = arith.muli %scan3A_1922, %mul3A_1924 : i32
      %get3A = arith.index_cast %mul3A_1925 : i32 to index
      %get3A_1926 = tpu.vector_load %arg32[%get3A] {strides = array<i32>} : memref<512xi32, #tpu.memory_space<vmem>>, vector<16xi32>,
      %mul3A_1927 = arith.constant 16 : i32
      %mul3A_1928 = arith.muli %scan3A_1922, %mul3A_1927 : i32
      %get3A_1929 = arith.index_cast %mul3A_1928 : i32 to index
      %get3A_1930 = tpu.vector_load %arg31[%get3A_1929] {strides = array<i32>} : memref<512xi32, #tpu.memory_space<vmem>>, vector<16xi32>,
      %max3A = arith.maxsi %get3A_1926, %get3A_1930 : vector<16xi32>
      %mul3A_1931 = arith.constant 16 : i32
      %mul3A_1932 = arith.muli %scan3A_1922, %mul3A_1931 : i32
      %swap3A = arith.index_cast %mul3A_1932 : i32 to index
      %swap3A_1933 = tpu.vector_load %arg32[%swap3A] {strides = array<i32>} : memref<512xi32, #tpu.memory_space<vmem>>, vector<16xi32>,
      tpu.vector_store %arg32[%swap3A], %max3A {strides = array<i32>} : memref<512xi32, #tpu.memory_space<vmem>>, vector<16xi32>,
      %scan3A_1934 = arith.constant 0 : i32
      scf.yield %scan3A_1934 : i32
    }
    %scan3A_43 = arith.constant 32 : i32
    %run_scoped3A_44 = arith.constant 1 : i32
    "tpu.region"() ({
      %run_scoped3A_1922 = tpu.sem_alloc : memref<!tpu.dma_semaphore, #tpu.memory_space<semaphore_mem>>
      %dma_start3A_1923 = tpu.memref_slice %arg38[%run_scoped3A_44, %mul3A_2] : memref<16x8192xi32, #tpu.memory_space<vmem_shared>> -> memref<1x512xi32, #tpu.memory_space<vmem_shared>>
      %dma_start3A_1924 = tpu.memref_squeeze %dma_start3A_1923 : memref<1x512xi32, #tpu.memory_space<vmem_shared>> -> memref<512xi32, #tpu.memory_space<vmem_shared>>
      %dma_start3A_1925 = tpu.memref_slice %arg38[%run_scoped3A_44, %mul3A_2] : memref<16x8192xi32, #tpu.memory_space<vmem_shared>> -> memref<1x512xi32, #tpu.memory_space<vmem_shared>>
      %dma_start3A_1926 = tpu.memref_squeeze %dma_start3A_1925 : memref<1x512xi32, #tpu.memory_space<vmem_shared>> -> memref<512xi32, #tpu.memory_space<vmem_shared>>
      tpu.enqueue_dma source(%dma_start3A_1926 : memref<512xi32, #tpu.memory_space<vmem_shared>>) target(%arg31 : memref<512xi32, #tpu.memory_space<vmem>>) target_semaphore(%run_scoped3A_1922 : memref<!tpu.dma_semaphore, #tpu.memory_space<semaphore_mem>>)
      %dma_wait3A_1927 = tpu.memref_slice %arg38[%run_scoped3A_44, %mul3A_2] : memref<16x8192xi32, #tpu.memory_space<vmem_shared>> -> memref<1x512xi32, #tpu.memory_space<vmem_shared>>
      %dma_wait3A_1928 = tpu.memref_squeeze %dma_wait3A_1927 : memref<1x512xi32, #tpu.memory_space<vmem_shared>> -> memref<512xi32, #tpu.memory_space<vmem_shared>>
      %dma_wait3A_1929 = tpu.memref_slice %arg38[%run_scoped3A_44, %mul3A_2] : memref<16x8192xi32, #tpu.memory_space<vmem_shared>> -> memref<1x512xi32, #tpu.memory_space<vmem_shared>>
      %dma_wait3A_1930 = tpu.memref_squeeze %dma_wait3A_1929 : memref<1x512xi32, #tpu.memory_space<vmem_shared>> -> memref<512xi32, #tpu.memory_space<vmem_shared>>
      tpu.wait_dma2 semaphore(%run_scoped3A_1922 : memref<!tpu.dma_semaphore, #tpu.memory_space<semaphore_mem>>) src(%dma_wait3A_1930 : memref<512xi32, #tpu.memory_space<vmem_shared>>) dst(%arg31 : memref<512xi32, #tpu.memory_space<vmem>>)
      tpu.yield
    }) : () -> ()
    %scan3A_45 = arith.constant 0 : i32
    %scan3A_46 = arith.constant 0 : i32
    %scan3A_47 = arith.constant 32 : i32
    %scan3A_48 = arith.addi %scan3A_46, %scan3A_47 : i32
    %scan3A_49 = arith.constant 1 : i32
    %scan3A_50 = scf.for %scan3A_1922 = %scan3A_46 to %scan3A_48 step %scan3A_49 iter_args(%scan3A_1923 = %scan3A_45) -> (i32)  : i32 {
      %mul3A_1924 = arith.constant 16 : i32
      %mul3A_1925 = arith.muli %scan3A_1922, %mul3A_1924 : i32
      %get3A = arith.index_cast %mul3A_1925 : i32 to index
      %get3A_1926 = tpu.vector_load %arg32[%get3A] {strides = array<i32>} : memref<512xi32, #tpu.memory_space<vmem>>, vector<16xi32>,
      %mul3A_1927 = arith.constant 16 : i32
      %mul3A_1928 = arith.muli %scan3A_1922, %mul3A_1927 : i32
      %get3A_1929 = arith.index_cast %mul3A_1928 : i32 to index
      %get3A_1930 = tpu.vector_load %arg31[%get3A_1929] {strides = array<i32>} : memref<512xi32, #tpu.memory_space<vmem>>, vector<16xi32>,
      %max3A = arith.maxsi %get3A_1926, %get3A_1930 : vector<16xi32>
      %mul3A_1931 = arith.constant 16 : i32
      %mul3A_1932 = arith.muli %scan3A_1922, %mul3A_1931 : i32
      %swap3A = arith.index_cast %mul3A_1932 : i32 to index
      %swap3A_1933 = tpu.vector_load %arg32[%swap3A] {strides = array<i32>} : memref<512xi32, #tpu.memory_space<vmem>>, vector<16xi32>,
      tpu.vector_store %arg32[%swap3A], %max3A {strides = array<i32>} : memref<512xi32, #tpu.memory_space<vmem>>, vector<16xi32>,
      %scan3A_1934 = arith.constant 0 : i32
      scf.yield %scan3A_1934 : i32
    }
    %scan3A_51 = arith.constant 32 : i32
    %run_scoped3A_52 = arith.constant 2 : i32
    "tpu.region"() ({
      %run_scoped3A_1922 = tpu.sem_alloc : memref<!tpu.dma_semaphore, #tpu.memory_space<semaphore_mem>>
      %dma_start3A_1923 = tpu.memref_slice %arg38[%run_scoped3A_52, %mul3A_2] : memref<16x8192xi32, #tpu.memory_space<vmem_shared>> -> memref<1x512xi32, #tpu.memory_space<vmem_shared>>
      %dma_start3A_1924 = tpu.memref_squeeze %dma_start3A_1923 : memref<1x512xi32, #tpu.memory_space<vmem_shared>> -> memref<512xi32, #tpu.memory_space<vmem_shared>>
      %dma_start3A_1925 = tpu.memref_slice %arg38[%run_scoped3A_52, %mul3A_2] : memref<16x8192xi32, #tpu.memory_space<vmem_shared>> -> memref<1x512xi32, #tpu.memory_space<vmem_shared>>
      %dma_start3A_1926 = tpu.memref_squeeze %dma_start3A_1925 : memref<1x512xi32, #tpu.memory_space<vmem_shared>> -> memref<512xi32, #tpu.memory_space<vmem_shared>>
      tpu.enqueue_dma source(%dma_start3A_1926 : memref<512xi32, #tpu.memory_space<vmem_shared>>) target(%arg31 : memref<512xi32, #tpu.memory_space<vmem>>) target_semaphore(%run_scoped3A_1922 : memref<!tpu.dma_semaphore, #tpu.memory_space<semaphore_mem>>)
      %dma_wait3A_1927 = tpu.memref_slice %arg38[%run_scoped3A_52, %mul3A_2] : memref<16x8192xi32, #tpu.memory_space<vmem_shared>> -> memref<1x512xi32, #tpu.memory_space<vmem_shared>>
      %dma_wait3A_1928 = tpu.memref_squeeze %dma_wait3A_1927 : memref<1x512xi32, #tpu.memory_space<vmem_shared>> -> memref<512xi32, #tpu.memory_space<vmem_shared>>
      %dma_wait3A_1929 = tpu.memref_slice %arg38[%run_scoped3A_52, %mul3A_2] : memref<16x8192xi32, #tpu.memory_space<vmem_shared>> -> memref<1x512xi32, #tpu.memory_space<vmem_shared>>
      %dma_wait3A_1930 = tpu.memref_squeeze %dma_wait3A_1929 : memref<1x512xi32, #tpu.memory_space<vmem_shared>> -> memref<512xi32, #tpu.memory_space<vmem_shared>>
      tpu.wait_dma2 semaphore(%run_scoped3A_1922 : memref<!tpu.dma_semaphore, #tpu.memory_space<semaphore_mem>>) src(%dma_wait3A_1930 : memref<512xi32, #tpu.memory_space<vmem_shared>>) dst(%arg31 : memref<512xi32, #tpu.memory_space<vmem>>)
      tpu.yield
    }) : () -> ()
    %scan3A_53 = arith.constant 0 : i32
    %scan3A_54 = arith.constant 0 : i32
    %scan3A_55 = arith.constant 32 : i32
    %scan3A_56 = arith.addi %scan3A_54, %scan3A_55 : i32
    %scan3A_57 = arith.constant 1 : i32
    %scan3A_58 = scf.for %scan3A_1922 = %scan3A_54 to %scan3A_56 step %scan3A_57 iter_args(%scan3A_1923 = %scan3A_53) -> (i32)  : i32 {
      %mul3A_1924 = arith.constant 16 : i32
      %mul3A_1925 = arith.muli %scan3A_1922, %mul3A_1924 : i32
      %get3A = arith.index_cast %mul3A_1925 : i32 to index
      %get3A_1926 = tpu.vector_load %arg32[%get3A] {strides = array<i32>} : memref<512xi32, #tpu.memory_space<vmem>>, vector<16xi32>,
      %mul3A_1927 = arith.constant 16 : i32
      %mul3A_1928 = arith.muli %scan3A_1922, %mul3A_1927 : i32
      %get3A_1929 = arith.index_cast %mul3A_1928 : i32 to index
      %get3A_1930 = tpu.vector_load %arg31[%get3A_1929] {strides = array<i32>} : memref<512xi32, #tpu.memory_space<vmem>>, vector<16xi32>,
      %max3A = arith.maxsi %get3A_1926, %get3A_1930 : vector<16xi32>
      %mul3A_1931 = arith.constant 16 : i32
      %mul3A_1932 = arith.muli %scan3A_1922, %mul3A_1931 : i32
      %swap3A = arith.index_cast %mul3A_1932 : i32 to index
      %swap3A_1933 = tpu.vector_load %arg32[%swap3A] {strides = array<i32>} : memref<512xi32, #tpu.memory_space<vmem>>, vector<16xi32>,
      tpu.vector_store %arg32[%swap3A], %max3A {strides = array<i32>} : memref<512xi32, #tpu.memory_space<vmem>>, vector<16xi32>,
      %scan3A_1934 = arith.constant 0 : i32
      scf.yield %scan3A_1934 : i32
    }
    %scan3A_59 = arith.constant 32 : i32
    %run_scoped3A_60 = arith.constant 3 : i32
    "tpu.region"() ({
      %run_scoped3A_1922 = tpu.sem_alloc : memref<!tpu.dma_semaphore, #tpu.memory_space<semaphore_mem>>
      %dma_start3A_1923 = tpu.memref_slice %arg38[%run_scoped3A_60, %mul3A_2] : memref<16x8192xi32, #tpu.memory_space<vmem_shared>> -> memref<1x512xi32, #tpu.memory_space<vmem_shared>>
      %dma_start3A_1924 = tpu.memref_squeeze %dma_start3A_1923 : memref<1x512xi32, #tpu.memory_space<vmem_shared>> -> memref<512xi32, #tpu.memory_space<vmem_shared>>
      %dma_start3A_1925 = tpu.memref_slice %arg38[%run_scoped3A_60, %mul3A_2] : memref<16x8192xi32, #tpu.memory_space<vmem_shared>> -> memref<1x512xi32, #tpu.memory_space<vmem_shared>>
      %dma_start3A_1926 = tpu.memref_squeeze %dma_start3A_1925 : memref<1x512xi32, #tpu.memory_space<vmem_shared>> -> memref<512xi32, #tpu.memory_space<vmem_shared>>
      tpu.enqueue_dma source(%dma_start3A_1926 : memref<512xi32, #tpu.memory_space<vmem_shared>>) target(%arg31 : memref<512xi32, #tpu.memory_space<vmem>>) target_semaphore(%run_scoped3A_1922 : memref<!tpu.dma_semaphore, #tpu.memory_space<semaphore_mem>>)
      %dma_wait3A_1927 = tpu.memref_slice %arg38[%run_scoped3A_60, %mul3A_2] : memref<16x8192xi32, #tpu.memory_space<vmem_shared>> -> memref<1x512xi32, #tpu.memory_space<vmem_shared>>
      %dma_wait3A_1928 = tpu.memref_squeeze %dma_wait3A_1927 : memref<1x512xi32, #tpu.memory_space<vmem_shared>> -> memref<512xi32, #tpu.memory_space<vmem_shared>>
      %dma_wait3A_1929 = tpu.memref_slice %arg38[%run_scoped3A_60, %mul3A_2] : memref<16x8192xi32, #tpu.memory_space<vmem_shared>> -> memref<1x512xi32, #tpu.memory_space<vmem_shared>>
      %dma_wait3A_1930 = tpu.memref_squeeze %dma_wait3A_1929 : memref<1x512xi32, #tpu.memory_space<vmem_shared>> -> memref<512xi32, #tpu.memory_space<vmem_shared>>
      tpu.wait_dma2 semaphore(%run_scoped3A_1922 : memref<!tpu.dma_semaphore, #tpu.memory_space<semaphore_mem>>) src(%dma_wait3A_1930 : memref<512xi32, #tpu.memory_space<vmem_shared>>) dst(%arg31 : memref<512xi32, #tpu.memory_space<vmem>>)
      tpu.yield
    }) : () -> ()
    %scan3A_61 = arith.constant 0 : i32
    %scan3A_62 = arith.constant 0 : i32
    %scan3A_63 = arith.constant 32 : i32
    %scan3A_64 = arith.addi %scan3A_62, %scan3A_63 : i32
    %scan3A_65 = arith.constant 1 : i32
    %scan3A_66 = scf.for %scan3A_1922 = %scan3A_62 to %scan3A_64 step %scan3A_65 iter_args(%scan3A_1923 = %scan3A_61) -> (i32)  : i32 {
      %mul3A_1924 = arith.constant 16 : i32
      %mul3A_1925 = arith.muli %scan3A_1922, %mul3A_1924 : i32
      %get3A = arith.index_cast %mul3A_1925 : i32 to index
      %get3A_1926 = tpu.vector_load %arg32[%get3A] {strides = array<i32>} : memref<512xi32, #tpu.memory_space<vmem>>, vector<16xi32>,
      %mul3A_1927 = arith.constant 16 : i32
      %mul3A_1928 = arith.muli %scan3A_1922, %mul3A_1927 : i32
      %get3A_1929 = arith.index_cast %mul3A_1928 : i32 to index
      %get3A_1930 = tpu.vector_load %arg31[%get3A_1929] {strides = array<i32>} : memref<512xi32, #tpu.memory_space<vmem>>, vector<16xi32>,
      %max3A = arith.maxsi %get3A_1926, %get3A_1930 : vector<16xi32>
      %mul3A_1931 = arith.constant 16 : i32
      %mul3A_1932 = arith.muli %scan3A_1922, %mul3A_1931 : i32
      %swap3A = arith.index_cast %mul3A_1932 : i32 to index
      %swap3A_1933 = tpu.vector_load %arg32[%swap3A] {strides = array<i32>} : memref<512xi32, #tpu.memory_space<vmem>>, vector<16xi32>,
      tpu.vector_store %arg32[%swap3A], %max3A {strides = array<i32>} : memref<512xi32, #tpu.memory_space<vmem>>, vector<16xi32>,
      %scan3A_1934 = arith.constant 0 : i32
      scf.yield %scan3A_1934 : i32
    }
    %scan3A_67 = arith.constant 32 : i32
    %run_scoped3A_68 = arith.constant 4 : i32
    "tpu.region"() ({
      %run_scoped3A_1922 = tpu.sem_alloc : memref<!tpu.dma_semaphore, #tpu.memory_space<semaphore_mem>>
      %dma_start3A_1923 = tpu.memref_slice %arg38[%run_scoped3A_68, %mul3A_2] : memref<16x8192xi32, #tpu.memory_space<vmem_shared>> -> memref<1x512xi32, #tpu.memory_space<vmem_shared>>
      %dma_start3A_1924 = tpu.memref_squeeze %dma_start3A_1923 : memref<1x512xi32, #tpu.memory_space<vmem_shared>> -> memref<512xi32, #tpu.memory_space<vmem_shared>>
      %dma_start3A_1925 = tpu.memref_slice %arg38[%run_scoped3A_68, %mul3A_2] : memref<16x8192xi32, #tpu.memory_space<vmem_shared>> -> memref<1x512xi32, #tpu.memory_space<vmem_shared>>
      %dma_start3A_1926 = tpu.memref_squeeze %dma_start3A_1925 : memref<1x512xi32, #tpu.memory_space<vmem_shared>> -> memref<512xi32, #tpu.memory_space<vmem_shared>>
      tpu.enqueue_dma source(%dma_start3A_1926 : memref<512xi32, #tpu.memory_space<vmem_shared>>) target(%arg31 : memref<512xi32, #tpu.memory_space<vmem>>) target_semaphore(%run_scoped3A_1922 : memref<!tpu.dma_semaphore, #tpu.memory_space<semaphore_mem>>)
      %dma_wait3A_1927 = tpu.memref_slice %arg38[%run_scoped3A_68, %mul3A_2] : memref<16x8192xi32, #tpu.memory_space<vmem_shared>> -> memref<1x512xi32, #tpu.memory_space<vmem_shared>>
      %dma_wait3A_1928 = tpu.memref_squeeze %dma_wait3A_1927 : memref<1x512xi32, #tpu.memory_space<vmem_shared>> -> memref<512xi32, #tpu.memory_space<vmem_shared>>
      %dma_wait3A_1929 = tpu.memref_slice %arg38[%run_scoped3A_68, %mul3A_2] : memref<16x8192xi32, #tpu.memory_space<vmem_shared>> -> memref<1x512xi32, #tpu.memory_space<vmem_shared>>
      %dma_wait3A_1930 = tpu.memref_squeeze %dma_wait3A_1929 : memref<1x512xi32, #tpu.memory_space<vmem_shared>> -> memref<512xi32, #tpu.memory_space<vmem_shared>>
      tpu.wait_dma2 semaphore(%run_scoped3A_1922 : memref<!tpu.dma_semaphore, #tpu.memory_space<semaphore_mem>>) src(%dma_wait3A_1930 : memref<512xi32, #tpu.memory_space<vmem_shared>>) dst(%arg31 : memref<512xi32, #tpu.memory_space<vmem>>)
      tpu.yield
    }) : () -> ()
    %scan3A_69 = arith.constant 0 : i32
    %scan3A_70 = arith.constant 0 : i32
    %scan3A_71 = arith.constant 32 : i32
    %scan3A_72 = arith.addi %scan3A_70, %scan3A_71 : i32
    %scan3A_73 = arith.constant 1 : i32
    %scan3A_74 = scf.for %scan3A_1922 = %scan3A_70 to %scan3A_72 step %scan3A_73 iter_args(%scan3A_1923 = %scan3A_69) -> (i32)  : i32 {
      %mul3A_1924 = arith.constant 16 : i32
      %mul3A_1925 = arith.muli %scan3A_1922, %mul3A_1924 : i32
      %get3A = arith.index_cast %mul3A_1925 : i32 to index
      %get3A_1926 = tpu.vector_load %arg32[%get3A] {strides = array<i32>} : memref<512xi32, #tpu.memory_space<vmem>>, vector<16xi32>,
      %mul3A_1927 = arith.constant 16 : i32
      %mul3A_1928 = arith.muli %scan3A_1922, %mul3A_1927 : i32
      %get3A_1929 = arith.index_cast %mul3A_1928 : i32 to index
      %get3A_1930 = tpu.vector_load %arg31[%get3A_1929] {strides = array<i32>} : memref<512xi32, #tpu.memory_space<vmem>>, vector<16xi32>,
      %max3A = arith.maxsi %get3A_1926, %get3A_1930 : vector<16xi32>
      %mul3A_1931 = arith.constant 16 : i32
      %mul3A_1932 = arith.muli %scan3A_1922, %mul3A_1931 : i32
      %swap3A = arith.index_cast %mul3A_1932 : i32 to index
      %swap3A_1933 = tpu.vector_load %arg32[%swap3A] {strides = array<i32>} : memref<512xi32, #tpu.memory_space<vmem>>, vector<16xi32>,
      tpu.vector_store %arg32[%swap3A], %max3A {strides = array<i32>} : memref<512xi32, #tpu.memory_space<vmem>>, vector<16xi32>,
      %scan3A_1934 = arith.constant 0 : i32
      scf.yield %scan3A_1934 : i32
    }
    %scan3A_75 = arith.constant 32 : i32
    %run_scoped3A_76 = arith.constant 5 : i32
    "tpu.region"() ({
      %run_scoped3A_1922 = tpu.sem_alloc : memref<!tpu.dma_semaphore, #tpu.memory_space<semaphore_mem>>
      %dma_start3A_1923 = tpu.memref_slice %arg38[%run_scoped3A_76, %mul3A_2] : memref<16x8192xi32, #tpu.memory_space<vmem_shared>> -> memref<1x512xi32, #tpu.memory_space<vmem_shared>>
      %dma_start3A_1924 = tpu.memref_squeeze %dma_start3A_1923 : memref<1x512xi32, #tpu.memory_space<vmem_shared>> -> memref<512xi32, #tpu.memory_space<vmem_shared>>
      %dma_start3A_1925 = tpu.memref_slice %arg38[%run_scoped3A_76, %mul3A_2] : memref<16x8192xi32, #tpu.memory_space<vmem_shared>> -> memref<1x512xi32, #tpu.memory_space<vmem_shared>>
      %dma_start3A_1926 = tpu.memref_squeeze %dma_start3A_1925 : memref<1x512xi32, #tpu.memory_space<vmem_shared>> -> memref<512xi32, #tpu.memory_space<vmem_shared>>
      tpu.enqueue_dma source(%dma_start3A_1926 : memref<512xi32, #tpu.memory_space<vmem_shared>>) target(%arg31 : memref<512xi32, #tpu.memory_space<vmem>>) target_semaphore(%run_scoped3A_1922 : memref<!tpu.dma_semaphore, #tpu.memory_space<semaphore_mem>>)
      %dma_wait3A_1927 = tpu.memref_slice %arg38[%run_scoped3A_76, %mul3A_2] : memref<16x8192xi32, #tpu.memory_space<vmem_shared>> -> memref<1x512xi32, #tpu.memory_space<vmem_shared>>
      %dma_wait3A_1928 = tpu.memref_squeeze %dma_wait3A_1927 : memref<1x512xi32, #tpu.memory_space<vmem_shared>> -> memref<512xi32, #tpu.memory_space<vmem_shared>>
      %dma_wait3A_1929 = tpu.memref_slice %arg38[%run_scoped3A_76, %mul3A_2] : memref<16x8192xi32, #tpu.memory_space<vmem_shared>> -> memref<1x512xi32, #tpu.memory_space<vmem_shared>>
      %dma_wait3A_1930 = tpu.memref_squeeze %dma_wait3A_1929 : memref<1x512xi32, #tpu.memory_space<vmem_shared>> -> memref<512xi32, #tpu.memory_space<vmem_shared>>
      tpu.wait_dma2 semaphore(%run_scoped3A_1922 : memref<!tpu.dma_semaphore, #tpu.memory_space<semaphore_mem>>) src(%dma_wait3A_1930 : memref<512xi32, #tpu.memory_space<vmem_shared>>) dst(%arg31 : memref<512xi32, #tpu.memory_space<vmem>>)
      tpu.yield
    }) : () -> ()
    %scan3A_77 = arith.constant 0 : i32
    %scan3A_78 = arith.constant 0 : i32
    %scan3A_79 = arith.constant 32 : i32
    %scan3A_80 = arith.addi %scan3A_78, %scan3A_79 : i32
    %scan3A_81 = arith.constant 1 : i32
    %scan3A_82 = scf.for %scan3A_1922 = %scan3A_78 to %scan3A_80 step %scan3A_81 iter_args(%scan3A_1923 = %scan3A_77) -> (i32)  : i32 {
      %mul3A_1924 = arith.constant 16 : i32
      %mul3A_1925 = arith.muli %scan3A_1922, %mul3A_1924 : i32
      %get3A = arith.index_cast %mul3A_1925 : i32 to index
      %get3A_1926 = tpu.vector_load %arg32[%get3A] {strides = array<i32>} : memref<512xi32, #tpu.memory_space<vmem>>, vector<16xi32>,
      %mul3A_1927 = arith.constant 16 : i32
      %mul3A_1928 = arith.muli %scan3A_1922, %mul3A_1927 : i32
      %get3A_1929 = arith.index_cast %mul3A_1928 : i32 to index
      %get3A_1930 = tpu.vector_load %arg31[%get3A_1929] {strides = array<i32>} : memref<512xi32, #tpu.memory_space<vmem>>, vector<16xi32>,
      %max3A = arith.maxsi %get3A_1926, %get3A_1930 : vector<16xi32>
      %mul3A_1931 = arith.constant 16 : i32
      %mul3A_1932 = arith.muli %scan3A_1922, %mul3A_1931 : i32
      %swap3A = arith.index_cast %mul3A_1932 : i32 to index
      %swap3A_1933 = tpu.vector_load %arg32[%swap3A] {strides = array<i32>} : memref<512xi32, #tpu.memory_space<vmem>>, vector<16xi32>,
      tpu.vector_store %arg32[%swap3A], %max3A {strides = array<i32>} : memref<512xi32, #tpu.memory_space<vmem>>, vector<16xi32>,
      %scan3A_1934 = arith.constant 0 : i32
      scf.yield %scan3A_1934 : i32
    }
    %scan3A_83 = arith.constant 32 : i32
    %run_scoped3A_84 = arith.constant 6 : i32
    "tpu.region"() ({
      %run_scoped3A_1922 = tpu.sem_alloc : memref<!tpu.dma_semaphore, #tpu.memory_space<semaphore_mem>>
      %dma_start3A_1923 = tpu.memref_slice %arg38[%run_scoped3A_84, %mul3A_2] : memref<16x8192xi32, #tpu.memory_space<vmem_shared>> -> memref<1x512xi32, #tpu.memory_space<vmem_shared>>
      %dma_start3A_1924 = tpu.memref_squeeze %dma_start3A_1923 : memref<1x512xi32, #tpu.memory_space<vmem_shared>> -> memref<512xi32, #tpu.memory_space<vmem_shared>>
      %dma_start3A_1925 = tpu.memref_slice %arg38[%run_scoped3A_84, %mul3A_2] : memref<16x8192xi32, #tpu.memory_space<vmem_shared>> -> memref<1x512xi32, #tpu.memory_space<vmem_shared>>
      %dma_start3A_1926 = tpu.memref_squeeze %dma_start3A_1925 : memref<1x512xi32, #tpu.memory_space<vmem_shared>> -> memref<512xi32, #tpu.memory_space<vmem_shared>>
      tpu.enqueue_dma source(%dma_start3A_1926 : memref<512xi32, #tpu.memory_space<vmem_shared>>) target(%arg31 : memref<512xi32, #tpu.memory_space<vmem>>) target_semaphore(%run_scoped3A_1922 : memref<!tpu.dma_semaphore, #tpu.memory_space<semaphore_mem>>)
      %dma_wait3A_1927 = tpu.memref_slice %arg38[%run_scoped3A_84, %mul3A_2] : memref<16x8192xi32, #tpu.memory_space<vmem_shared>> -> memref<1x512xi32, #tpu.memory_space<vmem_shared>>
      %dma_wait3A_1928 = tpu.memref_squeeze %dma_wait3A_1927 : memref<1x512xi32, #tpu.memory_space<vmem_shared>> -> memref<512xi32, #tpu.memory_space<vmem_shared>>
      %dma_wait3A_1929 = tpu.memref_slice %arg38[%run_scoped3A_84, %mul3A_2] : memref<16x8192xi32, #tpu.memory_space<vmem_shared>> -> memref<1x512xi32, #tpu.memory_space<vmem_shared>>
      %dma_wait3A_1930 = tpu.memref_squeeze %dma_wait3A_1929 : memref<1x512xi32, #tpu.memory_space<vmem_shared>> -> memref<512xi32, #tpu.memory_space<vmem_shared>>
      tpu.wait_dma2 semaphore(%run_scoped3A_1922 : memref<!tpu.dma_semaphore, #tpu.memory_space<semaphore_mem>>) src(%dma_wait3A_1930 : memref<512xi32, #tpu.memory_space<vmem_shared>>) dst(%arg31 : memref<512xi32, #tpu.memory_space<vmem>>)
      tpu.yield
    }) : () -> ()
    %scan3A_85 = arith.constant 0 : i32
    %scan3A_86 = arith.constant 0 : i32
    %scan3A_87 = arith.constant 32 : i32
    %scan3A_88 = arith.addi %scan3A_86, %scan3A_87 : i32
    %scan3A_89 = arith.constant 1 : i32
    %scan3A_90 = scf.for %scan3A_1922 = %scan3A_86 to %scan3A_88 step %scan3A_89 iter_args(%scan3A_1923 = %scan3A_85) -> (i32)  : i32 {
      %mul3A_1924 = arith.constant 16 : i32
      %mul3A_1925 = arith.muli %scan3A_1922, %mul3A_1924 : i32
      %get3A = arith.index_cast %mul3A_1925 : i32 to index
      %get3A_1926 = tpu.vector_load %arg32[%get3A] {strides = array<i32>} : memref<512xi32, #tpu.memory_space<vmem>>, vector<16xi32>,
      %mul3A_1927 = arith.constant 16 : i32
      %mul3A_1928 = arith.muli %scan3A_1922, %mul3A_1927 : i32
      %get3A_1929 = arith.index_cast %mul3A_1928 : i32 to index
      %get3A_1930 = tpu.vector_load %arg31[%get3A_1929] {strides = array<i32>} : memref<512xi32, #tpu.memory_space<vmem>>, vector<16xi32>,
      %max3A = arith.maxsi %get3A_1926, %get3A_1930 : vector<16xi32>
      %mul3A_1931 = arith.constant 16 : i32
      %mul3A_1932 = arith.muli %scan3A_1922, %mul3A_1931 : i32
      %swap3A = arith.index_cast %mul3A_1932 : i32 to index
      %swap3A_1933 = tpu.vector_load %arg32[%swap3A] {strides = array<i32>} : memref<512xi32, #tpu.memory_space<vmem>>, vector<16xi32>,
      tpu.vector_store %arg32[%swap3A], %max3A {strides = array<i32>} : memref<512xi32, #tpu.memory_space<vmem>>, vector<16xi32>,
      %scan3A_1934 = arith.constant 0 : i32
      scf.yield %scan3A_1934 : i32
    }
    %scan3A_91 = arith.constant 32 : i32
    %run_scoped3A_92 = arith.constant 7 : i32
    "tpu.region"() ({
      %run_scoped3A_1922 = tpu.sem_alloc : memref<!tpu.dma_semaphore, #tpu.memory_space<semaphore_mem>>
      %dma_start3A_1923 = tpu.memref_slice %arg38[%run_scoped3A_92, %mul3A_2] : memref<16x8192xi32, #tpu.memory_space<vmem_shared>> -> memref<1x512xi32, #tpu.memory_space<vmem_shared>>
      %dma_start3A_1924 = tpu.memref_squeeze %dma_start3A_1923 : memref<1x512xi32, #tpu.memory_space<vmem_shared>> -> memref<512xi32, #tpu.memory_space<vmem_shared>>
      %dma_start3A_1925 = tpu.memref_slice %arg38[%run_scoped3A_92, %mul3A_2] : memref<16x8192xi32, #tpu.memory_space<vmem_shared>> -> memref<1x512xi32, #tpu.memory_space<vmem_shared>>
      %dma_start3A_1926 = tpu.memref_squeeze %dma_start3A_1925 : memref<1x512xi32, #tpu.memory_space<vmem_shared>> -> memref<512xi32, #tpu.memory_space<vmem_shared>>
      tpu.enqueue_dma source(%dma_start3A_1926 : memref<512xi32, #tpu.memory_space<vmem_shared>>) target(%arg31 : memref<512xi32, #tpu.memory_space<vmem>>) target_semaphore(%run_scoped3A_1922 : memref<!tpu.dma_semaphore, #tpu.memory_space<semaphore_mem>>)
      %dma_wait3A_1927 = tpu.memref_slice %arg38[%run_scoped3A_92, %mul3A_2] : memref<16x8192xi32, #tpu.memory_space<vmem_shared>> -> memref<1x512xi32, #tpu.memory_space<vmem_shared>>
      %dma_wait3A_1928 = tpu.memref_squeeze %dma_wait3A_1927 : memref<1x512xi32, #tpu.memory_space<vmem_shared>> -> memref<512xi32, #tpu.memory_space<vmem_shared>>
      %dma_wait3A_1929 = tpu.memref_slice %arg38[%run_scoped3A_92, %mul3A_2] : memref<16x8192xi32, #tpu.memory_space<vmem_shared>> -> memref<1x512xi32, #tpu.memory_space<vmem_shared>>
      %dma_wait3A_1930 = tpu.memref_squeeze %dma_wait3A_1929 : memref<1x512xi32, #tpu.memory_space<vmem_shared>> -> memref<512xi32, #tpu.memory_space<vmem_shared>>
      tpu.wait_dma2 semaphore(%run_scoped3A_1922 : memref<!tpu.dma_semaphore, #tpu.memory_space<semaphore_mem>>) src(%dma_wait3A_1930 : memref<512xi32, #tpu.memory_space<vmem_shared>>) dst(%arg31 : memref<512xi32, #tpu.memory_space<vmem>>)
      tpu.yield
    }) : () -> ()
    %scan3A_93 = arith.constant 0 : i32
    %scan3A_94 = arith.constant 0 : i32
    %scan3A_95 = arith.constant 32 : i32
    %scan3A_96 = arith.addi %scan3A_94, %scan3A_95 : i32
    %scan3A_97 = arith.constant 1 : i32
    %scan3A_98 = scf.for %scan3A_1922 = %scan3A_94 to %scan3A_96 step %scan3A_97 iter_args(%scan3A_1923 = %scan3A_93) -> (i32)  : i32 {
      %mul3A_1924 = arith.constant 16 : i32
      %mul3A_1925 = arith.muli %scan3A_1922, %mul3A_1924 : i32
      %get3A = arith.index_cast %mul3A_1925 : i32 to index
      %get3A_1926 = tpu.vector_load %arg32[%get3A] {strides = array<i32>} : memref<512xi32, #tpu.memory_space<vmem>>, vector<16xi32>,
      %mul3A_1927 = arith.constant 16 : i32
      %mul3A_1928 = arith.muli %scan3A_1922, %mul3A_1927 : i32
      %get3A_1929 = arith.index_cast %mul3A_1928 : i32 to index
      %get3A_1930 = tpu.vector_load %arg31[%get3A_1929] {strides = array<i32>} : memref<512xi32, #tpu.memory_space<vmem>>, vector<16xi32>,
      %max3A = arith.maxsi %get3A_1926, %get3A_1930 : vector<16xi32>
      %mul3A_1931 = arith.constant 16 : i32
      %mul3A_1932 = arith.muli %scan3A_1922, %mul3A_1931 : i32
      %swap3A = arith.index_cast %mul3A_1932 : i32 to index
      %swap3A_1933 = tpu.vector_load %arg32[%swap3A] {strides = array<i32>} : memref<512xi32, #tpu.memory_space<vmem>>, vector<16xi32>,
      tpu.vector_store %arg32[%swap3A], %max3A {strides = array<i32>} : memref<512xi32, #tpu.memory_space<vmem>>, vector<16xi32>,
      %scan3A_1934 = arith.constant 0 : i32
      scf.yield %scan3A_1934 : i32
    }
    %scan3A_99 = arith.constant 32 : i32
    %run_scoped3A_100 = arith.constant 8 : i32
    "tpu.region"() ({
      %run_scoped3A_1922 = tpu.sem_alloc : memref<!tpu.dma_semaphore, #tpu.memory_space<semaphore_mem>>
      %dma_start3A_1923 = tpu.memref_slice %arg38[%run_scoped3A_100, %mul3A_2] : memref<16x8192xi32, #tpu.memory_space<vmem_shared>> -> memref<1x512xi32, #tpu.memory_space<vmem_shared>>
      %dma_start3A_1924 = tpu.memref_squeeze %dma_start3A_1923 : memref<1x512xi32, #tpu.memory_space<vmem_shared>> -> memref<512xi32, #tpu.memory_space<vmem_shared>>
      %dma_start3A_1925 = tpu.memref_slice %arg38[%run_scoped3A_100, %mul3A_2] : memref<16x8192xi32, #tpu.memory_space<vmem_shared>> -> memref<1x512xi32, #tpu.memory_space<vmem_shared>>
      %dma_start3A_1926 = tpu.memref_squeeze %dma_start3A_1925 : memref<1x512xi32, #tpu.memory_space<vmem_shared>> -> memref<512xi32, #tpu.memory_space<vmem_shared>>
      tpu.enqueue_dma source(%dma_start3A_1926 : memref<512xi32, #tpu.memory_space<vmem_shared>>) target(%arg31 : memref<512xi32, #tpu.memory_space<vmem>>) target_semaphore(%run_scoped3A_1922 : memref<!tpu.dma_semaphore, #tpu.memory_space<semaphore_mem>>)
      %dma_wait3A_1927 = tpu.memref_slice %arg38[%run_scoped3A_100, %mul3A_2] : memref<16x8192xi32, #tpu.memory_space<vmem_shared>> -> memref<1x512xi32, #tpu.memory_space<vmem_shared>>
      %dma_wait3A_1928 = tpu.memref_squeeze %dma_wait3A_1927 : memref<1x512xi32, #tpu.memory_space<vmem_shared>> -> memref<512xi32, #tpu.memory_space<vmem_shared>>
      %dma_wait3A_1929 = tpu.memref_slice %arg38[%run_scoped3A_100, %mul3A_2] : memref<16x8192xi32, #tpu.memory_space<vmem_shared>> -> memref<1x512xi32, #tpu.memory_space<vmem_shared>>
      %dma_wait3A_1930 = tpu.memref_squeeze %dma_wait3A_1929 : memref<1x512xi32, #tpu.memory_space<vmem_shared>> -> memref<512xi32, #tpu.memory_space<vmem_shared>>
      tpu.wait_dma2 semaphore(%run_scoped3A_1922 : memref<!tpu.dma_semaphore, #tpu.memory_space<semaphore_mem>>) src(%dma_wait3A_1930 : memref<512xi32, #tpu.memory_space<vmem_shared>>) dst(%arg31 : memref<512xi32, #tpu.memory_space<vmem>>)
      tpu.yield
    }) : () -> ()
    %scan3A_101 = arith.constant 0 : i32
    %scan3A_102 = arith.constant 0 : i32
    %scan3A_103 = arith.constant 32 : i32
    %scan3A_104 = arith.addi %scan3A_102, %scan3A_103 : i32
    %scan3A_105 = arith.constant 1 : i32
    %scan3A_106 = scf.for %scan3A_1922 = %scan3A_102 to %scan3A_104 step %scan3A_105 iter_args(%scan3A_1923 = %scan3A_101) -> (i32)  : i32 {
      %mul3A_1924 = arith.constant 16 : i32
      %mul3A_1925 = arith.muli %scan3A_1922, %mul3A_1924 : i32
      %get3A = arith.index_cast %mul3A_1925 : i32 to index
      %get3A_1926 = tpu.vector_load %arg32[%get3A] {strides = array<i32>} : memref<512xi32, #tpu.memory_space<vmem>>, vector<16xi32>,
      %mul3A_1927 = arith.constant 16 : i32
      %mul3A_1928 = arith.muli %scan3A_1922, %mul3A_1927 : i32
      %get3A_1929 = arith.index_cast %mul3A_1928 : i32 to index
      %get3A_1930 = tpu.vector_load %arg31[%get3A_1929] {strides = array<i32>} : memref<512xi32, #tpu.memory_space<vmem>>, vector<16xi32>,
      %max3A = arith.maxsi %get3A_1926, %get3A_1930 : vector<16xi32>
      %mul3A_1931 = arith.constant 16 : i32
      %mul3A_1932 = arith.muli %scan3A_1922, %mul3A_1931 : i32
      %swap3A = arith.index_cast %mul3A_1932 : i32 to index
      %swap3A_1933 = tpu.vector_load %arg32[%swap3A] {strides = array<i32>} : memref<512xi32, #tpu.memory_space<vmem>>, vector<16xi32>,
      tpu.vector_store %arg32[%swap3A], %max3A {strides = array<i32>} : memref<512xi32, #tpu.memory_space<vmem>>, vector<16xi32>,
      %scan3A_1934 = arith.constant 0 : i32
      scf.yield %scan3A_1934 : i32
    }
    %scan3A_107 = arith.constant 32 : i32
    %run_scoped3A_108 = arith.constant 9 : i32
    "tpu.region"() ({
      %run_scoped3A_1922 = tpu.sem_alloc : memref<!tpu.dma_semaphore, #tpu.memory_space<semaphore_mem>>
      %dma_start3A_1923 = tpu.memref_slice %arg38[%run_scoped3A_108, %mul3A_2] : memref<16x8192xi32, #tpu.memory_space<vmem_shared>> -> memref<1x512xi32, #tpu.memory_space<vmem_shared>>
      %dma_start3A_1924 = tpu.memref_squeeze %dma_start3A_1923 : memref<1x512xi32, #tpu.memory_space<vmem_shared>> -> memref<512xi32, #tpu.memory_space<vmem_shared>>
      %dma_start3A_1925 = tpu.memref_slice %arg38[%run_scoped3A_108, %mul3A_2] : memref<16x8192xi32, #tpu.memory_space<vmem_shared>> -> memref<1x512xi32, #tpu.memory_space<vmem_shared>>
      %dma_start3A_1926 = tpu.memref_squeeze %dma_start3A_1925 : memref<1x512xi32, #tpu.memory_space<vmem_shared>> -> memref<512xi32, #tpu.memory_space<vmem_shared>>
      tpu.enqueue_dma source(%dma_start3A_1926 : memref<512xi32, #tpu.memory_space<vmem_shared>>) target(%arg31 : memref<512xi32, #tpu.memory_space<vmem>>) target_semaphore(%run_scoped3A_1922 : memref<!tpu.dma_semaphore, #tpu.memory_space<semaphore_mem>>)
      %dma_wait3A_1927 = tpu.memref_slice %arg38[%run_scoped3A_108, %mul3A_2] : memref<16x8192xi32, #tpu.memory_space<vmem_shared>> -> memref<1x512xi32, #tpu.memory_space<vmem_shared>>
      %dma_wait3A_1928 = tpu.memref_squeeze %dma_wait3A_1927 : memref<1x512xi32, #tpu.memory_space<vmem_shared>> -> memref<512xi32, #tpu.memory_space<vmem_shared>>
      %dma_wait3A_1929 = tpu.memref_slice %arg38[%run_scoped3A_108, %mul3A_2] : memref<16x8192xi32, #tpu.memory_space<vmem_shared>> -> memref<1x512xi32, #tpu.memory_space<vmem_shared>>
      %dma_wait3A_1930 = tpu.memref_squeeze %dma_wait3A_1929 : memref<1x512xi32, #tpu.memory_space<vmem_shared>> -> memref<512xi32, #tpu.memory_space<vmem_shared>>
      tpu.wait_dma2 semaphore(%run_scoped3A_1922 : memref<!tpu.dma_semaphore, #tpu.memory_space<semaphore_mem>>) src(%dma_wait3A_1930 : memref<512xi32, #tpu.memory_space<vmem_shared>>) dst(%arg31 : memref<512xi32, #tpu.memory_space<vmem>>)
      tpu.yield
    }) : () -> ()
    %scan3A_109 = arith.constant 0 : i32
    %scan3A_110 = arith.constant 0 : i32
    %scan3A_111 = arith.constant 32 : i32
    %scan3A_112 = arith.addi %scan3A_110, %scan3A_111 : i32
    %scan3A_113 = arith.constant 1 : i32
    %scan3A_114 = scf.for %scan3A_1922 = %scan3A_110 to %scan3A_112 step %scan3A_113 iter_args(%scan3A_1923 = %scan3A_109) -> (i32)  : i32 {
      %mul3A_1924 = arith.constant 16 : i32
      %mul3A_1925 = arith.muli %scan3A_1922, %mul3A_1924 : i32
      %get3A = arith.index_cast %mul3A_1925 : i32 to index
      %get3A_1926 = tpu.vector_load %arg32[%get3A] {strides = array<i32>} : memref<512xi32, #tpu.memory_space<vmem>>, vector<16xi32>,
      %mul3A_1927 = arith.constant 16 : i32
      %mul3A_1928 = arith.muli %scan3A_1922, %mul3A_1927 : i32
      %get3A_1929 = arith.index_cast %mul3A_1928 : i32 to index
      %get3A_1930 = tpu.vector_load %arg31[%get3A_1929] {strides = array<i32>} : memref<512xi32, #tpu.memory_space<vmem>>, vector<16xi32>,
      %max3A = arith.maxsi %get3A_1926, %get3A_1930 : vector<16xi32>
      %mul3A_1931 = arith.constant 16 : i32
      %mul3A_1932 = arith.muli %scan3A_1922, %mul3A_1931 : i32
      %swap3A = arith.index_cast %mul3A_1932 : i32 to index
      %swap3A_1933 = tpu.vector_load %arg32[%swap3A] {strides = array<i32>} : memref<512xi32, #tpu.memory_space<vmem>>, vector<16xi32>,
      tpu.vector_store %arg32[%swap3A], %max3A {strides = array<i32>} : memref<512xi32, #tpu.memory_space<vmem>>, vector<16xi32>,
      %scan3A_1934 = arith.constant 0 : i32
      scf.yield %scan3A_1934 : i32
    }
    %scan3A_115 = arith.constant 32 : i32
    %run_scoped3A_116 = arith.constant 10 : i32
    "tpu.region"() ({
      %run_scoped3A_1922 = tpu.sem_alloc : memref<!tpu.dma_semaphore, #tpu.memory_space<semaphore_mem>>
      %dma_start3A_1923 = tpu.memref_slice %arg38[%run_scoped3A_116, %mul3A_2] : memref<16x8192xi32, #tpu.memory_space<vmem_shared>> -> memref<1x512xi32, #tpu.memory_space<vmem_shared>>
      %dma_start3A_1924 = tpu.memref_squeeze %dma_start3A_1923 : memref<1x512xi32, #tpu.memory_space<vmem_shared>> -> memref<512xi32, #tpu.memory_space<vmem_shared>>
      %dma_start3A_1925 = tpu.memref_slice %arg38[%run_scoped3A_116, %mul3A_2] : memref<16x8192xi32, #tpu.memory_space<vmem_shared>> -> memref<1x512xi32, #tpu.memory_space<vmem_shared>>
      %dma_start3A_1926 = tpu.memref_squeeze %dma_start3A_1925 : memref<1x512xi32, #tpu.memory_space<vmem_shared>> -> memref<512xi32, #tpu.memory_space<vmem_shared>>
      tpu.enqueue_dma source(%dma_start3A_1926 : memref<512xi32, #tpu.memory_space<vmem_shared>>) target(%arg31 : memref<512xi32, #tpu.memory_space<vmem>>) target_semaphore(%run_scoped3A_1922 : memref<!tpu.dma_semaphore, #tpu.memory_space<semaphore_mem>>)
      %dma_wait3A_1927 = tpu.memref_slice %arg38[%run_scoped3A_116, %mul3A_2] : memref<16x8192xi32, #tpu.memory_space<vmem_shared>> -> memref<1x512xi32, #tpu.memory_space<vmem_shared>>
      %dma_wait3A_1928 = tpu.memref_squeeze %dma_wait3A_1927 : memref<1x512xi32, #tpu.memory_space<vmem_shared>> -> memref<512xi32, #tpu.memory_space<vmem_shared>>
      %dma_wait3A_1929 = tpu.memref_slice %arg38[%run_scoped3A_116, %mul3A_2] : memref<16x8192xi32, #tpu.memory_space<vmem_shared>> -> memref<1x512xi32, #tpu.memory_space<vmem_shared>>
      %dma_wait3A_1930 = tpu.memref_squeeze %dma_wait3A_1929 : memref<1x512xi32, #tpu.memory_space<vmem_shared>> -> memref<512xi32, #tpu.memory_space<vmem_shared>>
      tpu.wait_dma2 semaphore(%run_scoped3A_1922 : memref<!tpu.dma_semaphore, #tpu.memory_space<semaphore_mem>>) src(%dma_wait3A_1930 : memref<512xi32, #tpu.memory_space<vmem_shared>>) dst(%arg31 : memref<512xi32, #tpu.memory_space<vmem>>)
      tpu.yield
    }) : () -> ()
    %scan3A_117 = arith.constant 0 : i32
    %scan3A_118 = arith.constant 0 : i32
    %scan3A_119 = arith.constant 32 : i32
    %scan3A_120 = arith.addi %scan3A_118, %scan3A_119 : i32
    %scan3A_121 = arith.constant 1 : i32
    %scan3A_122 = scf.for %scan3A_1922 = %scan3A_118 to %scan3A_120 step %scan3A_121 iter_args(%scan3A_1923 = %scan3A_117) -> (i32)  : i32 {
      %mul3A_1924 = arith.constant 16 : i32
      %mul3A_1925 = arith.muli %scan3A_1922, %mul3A_1924 : i32
      %get3A = arith.index_cast %mul3A_1925 : i32 to index
      %get3A_1926 = tpu.vector_load %arg32[%get3A] {strides = array<i32>} : memref<512xi32, #tpu.memory_space<vmem>>, vector<16xi32>,
      %mul3A_1927 = arith.constant 16 : i32
      %mul3A_1928 = arith.muli %scan3A_1922, %mul3A_1927 : i32
      %get3A_1929 = arith.index_cast %mul3A_1928 : i32 to index
      %get3A_1930 = tpu.vector_load %arg31[%get3A_1929] {strides = array<i32>} : memref<512xi32, #tpu.memory_space<vmem>>, vector<16xi32>,
      %max3A = arith.maxsi %get3A_1926, %get3A_1930 : vector<16xi32>
      %mul3A_1931 = arith.constant 16 : i32
      %mul3A_1932 = arith.muli %scan3A_1922, %mul3A_1931 : i32
      %swap3A = arith.index_cast %mul3A_1932 : i32 to index
      %swap3A_1933 = tpu.vector_load %arg32[%swap3A] {strides = array<i32>} : memref<512xi32, #tpu.memory_space<vmem>>, vector<16xi32>,
      tpu.vector_store %arg32[%swap3A], %max3A {strides = array<i32>} : memref<512xi32, #tpu.memory_space<vmem>>, vector<16xi32>,
      %scan3A_1934 = arith.constant 0 : i32
      scf.yield %scan3A_1934 : i32
    }
    %scan3A_123 = arith.constant 32 : i32
    %run_scoped3A_124 = arith.constant 11 : i32
    "tpu.region"() ({
      %run_scoped3A_1922 = tpu.sem_alloc : memref<!tpu.dma_semaphore, #tpu.memory_space<semaphore_mem>>
      %dma_start3A_1923 = tpu.memref_slice %arg38[%run_scoped3A_124, %mul3A_2] : memref<16x8192xi32, #tpu.memory_space<vmem_shared>> -> memref<1x512xi32, #tpu.memory_space<vmem_shared>>
      %dma_start3A_1924 = tpu.memref_squeeze %dma_start3A_1923 : memref<1x512xi32, #tpu.memory_space<vmem_shared>> -> memref<512xi32, #tpu.memory_space<vmem_shared>>
      %dma_start3A_1925 = tpu.memref_slice %arg38[%run_scoped3A_124, %mul3A_2] : memref<16x8192xi32, #tpu.memory_space<vmem_shared>> -> memref<1x512xi32, #tpu.memory_space<vmem_shared>>
      %dma_start3A_1926 = tpu.memref_squeeze %dma_start3A_1925 : memref<1x512xi32, #tpu.memory_space<vmem_shared>> -> memref<512xi32, #tpu.memory_space<vmem_shared>>
      tpu.enqueue_dma source(%dma_start3A_1926 : memref<512xi32, #tpu.memory_space<vmem_shared>>) target(%arg31 : memref<512xi32, #tpu.memory_space<vmem>>) target_semaphore(%run_scoped3A_1922 : memref<!tpu.dma_semaphore, #tpu.memory_space<semaphore_mem>>)
      %dma_wait3A_1927 = tpu.memref_slice %arg38[%run_scoped3A_124, %mul3A_2] : memref<16x8192xi32, #tpu.memory_space<vmem_shared>> -> memref<1x512xi32, #tpu.memory_space<vmem_shared>>
      %dma_wait3A_1928 = tpu.memref_squeeze %dma_wait3A_1927 : memref<1x512xi32, #tpu.memory_space<vmem_shared>> -> memref<512xi32, #tpu.memory_space<vmem_shared>>
      %dma_wait3A_1929 = tpu.memref_slice %arg38[%run_scoped3A_124, %mul3A_2] : memref<16x8192xi32, #tpu.memory_space<vmem_shared>> -> memref<1x512xi32, #tpu.memory_space<vmem_shared>>
      %dma_wait3A_1930 = tpu.memref_squeeze %dma_wait3A_1929 : memref<1x512xi32, #tpu.memory_space<vmem_shared>> -> memref<512xi32, #tpu.memory_space<vmem_shared>>
      tpu.wait_dma2 semaphore(%run_scoped3A_1922 : memref<!tpu.dma_semaphore, #tpu.memory_space<semaphore_mem>>) src(%dma_wait3A_1930 : memref<512xi32, #tpu.memory_space<vmem_shared>>) dst(%arg31 : memref<512xi32, #tpu.memory_space<vmem>>)
      tpu.yield
    }) : () -> ()
    %scan3A_125 = arith.constant 0 : i32
    %scan3A_126 = arith.constant 0 : i32
    %scan3A_127 = arith.constant 32 : i32
    %scan3A_128 = arith.addi %scan3A_126, %scan3A_127 : i32
    %scan3A_129 = arith.constant 1 : i32
    %scan3A_130 = scf.for %scan3A_1922 = %scan3A_126 to %scan3A_128 step %scan3A_129 iter_args(%scan3A_1923 = %scan3A_125) -> (i32)  : i32 {
      %mul3A_1924 = arith.constant 16 : i32
      %mul3A_1925 = arith.muli %scan3A_1922, %mul3A_1924 : i32
      %get3A = arith.index_cast %mul3A_1925 : i32 to index
      %get3A_1926 = tpu.vector_load %arg32[%get3A] {strides = array<i32>} : memref<512xi32, #tpu.memory_space<vmem>>, vector<16xi32>,
      %mul3A_1927 = arith.constant 16 : i32
      %mul3A_1928 = arith.muli %scan3A_1922, %mul3A_1927 : i32
      %get3A_1929 = arith.index_cast %mul3A_1928 : i32 to index
      %get3A_1930 = tpu.vector_load %arg31[%get3A_1929] {strides = array<i32>} : memref<512xi32, #tpu.memory_space<vmem>>, vector<16xi32>,
      %max3A = arith.maxsi %get3A_1926, %get3A_1930 : vector<16xi32>
      %mul3A_1931 = arith.constant 16 : i32
      %mul3A_1932 = arith.muli %scan3A_1922, %mul3A_1931 : i32
      %swap3A = arith.index_cast %mul3A_1932 : i32 to index
      %swap3A_1933 = tpu.vector_load %arg32[%swap3A] {strides = array<i32>} : memref<512xi32, #tpu.memory_space<vmem>>, vector<16xi32>,
      tpu.vector_store %arg32[%swap3A], %max3A {strides = array<i32>} : memref<512xi32, #tpu.memory_space<vmem>>, vector<16xi32>,
      %scan3A_1934 = arith.constant 0 : i32
      scf.yield %scan3A_1934 : i32
    }
    %scan3A_131 = arith.constant 32 : i32
    %run_scoped3A_132 = arith.constant 12 : i32
    "tpu.region"() ({
      %run_scoped3A_1922 = tpu.sem_alloc : memref<!tpu.dma_semaphore, #tpu.memory_space<semaphore_mem>>
      %dma_start3A_1923 = tpu.memref_slice %arg38[%run_scoped3A_132, %mul3A_2] : memref<16x8192xi32, #tpu.memory_space<vmem_shared>> -> memref<1x512xi32, #tpu.memory_space<vmem_shared>>
      %dma_start3A_1924 = tpu.memref_squeeze %dma_start3A_1923 : memref<1x512xi32, #tpu.memory_space<vmem_shared>> -> memref<512xi32, #tpu.memory_space<vmem_shared>>
      %dma_start3A_1925 = tpu.memref_slice %arg38[%run_scoped3A_132, %mul3A_2] : memref<16x8192xi32, #tpu.memory_space<vmem_shared>> -> memref<1x512xi32, #tpu.memory_space<vmem_shared>>
      %dma_start3A_1926 = tpu.memref_squeeze %dma_start3A_1925 : memref<1x512xi32, #tpu.memory_space<vmem_shared>> -> memref<512xi32, #tpu.memory_space<vmem_shared>>
      tpu.enqueue_dma source(%dma_start3A_1926 : memref<512xi32, #tpu.memory_space<vmem_shared>>) target(%arg31 : memref<512xi32, #tpu.memory_space<vmem>>) target_semaphore(%run_scoped3A_1922 : memref<!tpu.dma_semaphore, #tpu.memory_space<semaphore_mem>>)
      %dma_wait3A_1927 = tpu.memref_slice %arg38[%run_scoped3A_132, %mul3A_2] : memref<16x8192xi32, #tpu.memory_space<vmem_shared>> -> memref<1x512xi32, #tpu.memory_space<vmem_shared>>
      %dma_wait3A_1928 = tpu.memref_squeeze %dma_wait3A_1927 : memref<1x512xi32, #tpu.memory_space<vmem_shared>> -> memref<512xi32, #tpu.memory_space<vmem_shared>>
      %dma_wait3A_1929 = tpu.memref_slice %arg38[%run_scoped3A_132, %mul3A_2] : memref<16x8192xi32, #tpu.memory_space<vmem_shared>> -> memref<1x512xi32, #tpu.memory_space<vmem_shared>>
      %dma_wait3A_1930 = tpu.memref_squeeze %dma_wait3A_1929 : memref<1x512xi32, #tpu.memory_space<vmem_shared>> -> memref<512xi32, #tpu.memory_space<vmem_shared>>
      tpu.wait_dma2 semaphore(%run_scoped3A_1922 : memref<!tpu.dma_semaphore, #tpu.memory_space<semaphore_mem>>) src(%dma_wait3A_1930 : memref<512xi32, #tpu.memory_space<vmem_shared>>) dst(%arg31 : memref<512xi32, #tpu.memory_space<vmem>>)
      tpu.yield
    }) : () -> ()
    %scan3A_133 = arith.constant 0 : i32
    %scan3A_134 = arith.constant 0 : i32
    %scan3A_135 = arith.constant 32 : i32
    %scan3A_136 = arith.addi %scan3A_134, %scan3A_135 : i32
    %scan3A_137 = arith.constant 1 : i32
    %scan3A_138 = scf.for %scan3A_1922 = %scan3A_134 to %scan3A_136 step %scan3A_137 iter_args(%scan3A_1923 = %scan3A_133) -> (i32)  : i32 {
      %mul3A_1924 = arith.constant 16 : i32
      %mul3A_1925 = arith.muli %scan3A_1922, %mul3A_1924 : i32
      %get3A = arith.index_cast %mul3A_1925 : i32 to index
      %get3A_1926 = tpu.vector_load %arg32[%get3A] {strides = array<i32>} : memref<512xi32, #tpu.memory_space<vmem>>, vector<16xi32>,
      %mul3A_1927 = arith.constant 16 : i32
      %mul3A_1928 = arith.muli %scan3A_1922, %mul3A_1927 : i32
      %get3A_1929 = arith.index_cast %mul3A_1928 : i32 to index
      %get3A_1930 = tpu.vector_load %arg31[%get3A_1929] {strides = array<i32>} : memref<512xi32, #tpu.memory_space<vmem>>, vector<16xi32>,
      %max3A = arith.maxsi %get3A_1926, %get3A_1930 : vector<16xi32>
      %mul3A_1931 = arith.constant 16 : i32
      %mul3A_1932 = arith.muli %scan3A_1922, %mul3A_1931 : i32
      %swap3A = arith.index_cast %mul3A_1932 : i32 to index
      %swap3A_1933 = tpu.vector_load %arg32[%swap3A] {strides = array<i32>} : memref<512xi32, #tpu.memory_space<vmem>>, vector<16xi32>,
      tpu.vector_store %arg32[%swap3A], %max3A {strides = array<i32>} : memref<512xi32, #tpu.memory_space<vmem>>, vector<16xi32>,
      %scan3A_1934 = arith.constant 0 : i32
      scf.yield %scan3A_1934 : i32
    }
    %scan3A_139 = arith.constant 32 : i32
    %run_scoped3A_140 = arith.constant 13 : i32
    "tpu.region"() ({
      %run_scoped3A_1922 = tpu.sem_alloc : memref<!tpu.dma_semaphore, #tpu.memory_space<semaphore_mem>>
      %dma_start3A_1923 = tpu.memref_slice %arg38[%run_scoped3A_140, %mul3A_2] : memref<16x8192xi32, #tpu.memory_space<vmem_shared>> -> memref<1x512xi32, #tpu.memory_space<vmem_shared>>
      %dma_start3A_1924 = tpu.memref_squeeze %dma_start3A_1923 : memref<1x512xi32, #tpu.memory_space<vmem_shared>> -> memref<512xi32, #tpu.memory_space<vmem_shared>>
      %dma_start3A_1925 = tpu.memref_slice %arg38[%run_scoped3A_140, %mul3A_2] : memref<16x8192xi32, #tpu.memory_space<vmem_shared>> -> memref<1x512xi32, #tpu.memory_space<vmem_shared>>
      %dma_start3A_1926 = tpu.memref_squeeze %dma_start3A_1925 : memref<1x512xi32, #tpu.memory_space<vmem_shared>> -> memref<512xi32, #tpu.memory_space<vmem_shared>>
      tpu.enqueue_dma source(%dma_start3A_1926 : memref<512xi32, #tpu.memory_space<vmem_shared>>) target(%arg31 : memref<512xi32, #tpu.memory_space<vmem>>) target_semaphore(%run_scoped3A_1922 : memref<!tpu.dma_semaphore, #tpu.memory_space<semaphore_mem>>)
      %dma_wait3A_1927 = tpu.memref_slice %arg38[%run_scoped3A_140, %mul3A_2] : memref<16x8192xi32, #tpu.memory_space<vmem_shared>> -> memref<1x512xi32, #tpu.memory_space<vmem_shared>>
      %dma_wait3A_1928 = tpu.memref_squeeze %dma_wait3A_1927 : memref<1x512xi32, #tpu.memory_space<vmem_shared>> -> memref<512xi32, #tpu.memory_space<vmem_shared>>
      %dma_wait3A_1929 = tpu.memref_slice %arg38[%run_scoped3A_140, %mul3A_2] : memref<16x8192xi32, #tpu.memory_space<vmem_shared>> -> memref<1x512xi32, #tpu.memory_space<vmem_shared>>
      %dma_wait3A_1930 = tpu.memref_squeeze %dma_wait3A_1929 : memref<1x512xi32, #tpu.memory_space<vmem_shared>> -> memref<512xi32, #tpu.memory_space<vmem_shared>>
      tpu.wait_dma2 semaphore(%run_scoped3A_1922 : memref<!tpu.dma_semaphore, #tpu.memory_space<semaphore_mem>>) src(%dma_wait3A_1930 : memref<512xi32, #tpu.memory_space<vmem_shared>>) dst(%arg31 : memref<512xi32, #tpu.memory_space<vmem>>)
      tpu.yield
    }) : () -> ()
    %scan3A_141 = arith.constant 0 : i32
    %scan3A_142 = arith.constant 0 : i32
    %scan3A_143 = arith.constant 32 : i32
    %scan3A_144 = arith.addi %scan3A_142, %scan3A_143 : i32
    %scan3A_145 = arith.constant 1 : i32
    %scan3A_146 = scf.for %scan3A_1922 = %scan3A_142 to %scan3A_144 step %scan3A_145 iter_args(%scan3A_1923 = %scan3A_141) -> (i32)  : i32 {
      %mul3A_1924 = arith.constant 16 : i32
      %mul3A_1925 = arith.muli %scan3A_1922, %mul3A_1924 : i32
      %get3A = arith.index_cast %mul3A_1925 : i32 to index
      %get3A_1926 = tpu.vector_load %arg32[%get3A] {strides = array<i32>} : memref<512xi32, #tpu.memory_space<vmem>>, vector<16xi32>,
      %mul3A_1927 = arith.constant 16 : i32
      %mul3A_1928 = arith.muli %scan3A_1922, %mul3A_1927 : i32
      %get3A_1929 = arith.index_cast %mul3A_1928 : i32 to index
      %get3A_1930 = tpu.vector_load %arg31[%get3A_1929] {strides = array<i32>} : memref<512xi32, #tpu.memory_space<vmem>>, vector<16xi32>,
      %max3A = arith.maxsi %get3A_1926, %get3A_1930 : vector<16xi32>
      %mul3A_1931 = arith.constant 16 : i32
      %mul3A_1932 = arith.muli %scan3A_1922, %mul3A_1931 : i32
      %swap3A = arith.index_cast %mul3A_1932 : i32 to index
      %swap3A_1933 = tpu.vector_load %arg32[%swap3A] {strides = array<i32>} : memref<512xi32, #tpu.memory_space<vmem>>, vector<16xi32>,
      tpu.vector_store %arg32[%swap3A], %max3A {strides = array<i32>} : memref<512xi32, #tpu.memory_space<vmem>>, vector<16xi32>,
      %scan3A_1934 = arith.constant 0 : i32
      scf.yield %scan3A_1934 : i32
    }
    %scan3A_147 = arith.constant 32 : i32
    %run_scoped3A_148 = arith.constant 14 : i32
    "tpu.region"() ({
      %run_scoped3A_1922 = tpu.sem_alloc : memref<!tpu.dma_semaphore, #tpu.memory_space<semaphore_mem>>
      %dma_start3A_1923 = tpu.memref_slice %arg38[%run_scoped3A_148, %mul3A_2] : memref<16x8192xi32, #tpu.memory_space<vmem_shared>> -> memref<1x512xi32, #tpu.memory_space<vmem_shared>>
      %dma_start3A_1924 = tpu.memref_squeeze %dma_start3A_1923 : memref<1x512xi32, #tpu.memory_space<vmem_shared>> -> memref<512xi32, #tpu.memory_space<vmem_shared>>
      %dma_start3A_1925 = tpu.memref_slice %arg38[%run_scoped3A_148, %mul3A_2] : memref<16x8192xi32, #tpu.memory_space<vmem_shared>> -> memref<1x512xi32, #tpu.memory_space<vmem_shared>>
      %dma_start3A_1926 = tpu.memref_squeeze %dma_start3A_1925 : memref<1x512xi32, #tpu.memory_space<vmem_shared>> -> memref<512xi32, #tpu.memory_space<vmem_shared>>
      tpu.enqueue_dma source(%dma_start3A_1926 : memref<512xi32, #tpu.memory_space<vmem_shared>>) target(%arg31 : memref<512xi32, #tpu.memory_space<vmem>>) target_semaphore(%run_scoped3A_1922 : memref<!tpu.dma_semaphore, #tpu.memory_space<semaphore_mem>>)
      %dma_wait3A_1927 = tpu.memref_slice %arg38[%run_scoped3A_148, %mul3A_2] : memref<16x8192xi32, #tpu.memory_space<vmem_shared>> -> memref<1x512xi32, #tpu.memory_space<vmem_shared>>
      %dma_wait3A_1928 = tpu.memref_squeeze %dma_wait3A_1927 : memref<1x512xi32, #tpu.memory_space<vmem_shared>> -> memref<512xi32, #tpu.memory_space<vmem_shared>>
      %dma_wait3A_1929 = tpu.memref_slice %arg38[%run_scoped3A_148, %mul3A_2] : memref<16x8192xi32, #tpu.memory_space<vmem_shared>> -> memref<1x512xi32, #tpu.memory_space<vmem_shared>>
      %dma_wait3A_1930 = tpu.memref_squeeze %dma_wait3A_1929 : memref<1x512xi32, #tpu.memory_space<vmem_shared>> -> memref<512xi32, #tpu.memory_space<vmem_shared>>
      tpu.wait_dma2 semaphore(%run_scoped3A_1922 : memref<!tpu.dma_semaphore, #tpu.memory_space<semaphore_mem>>) src(%dma_wait3A_1930 : memref<512xi32, #tpu.memory_space<vmem_shared>>) dst(%arg31 : memref<512xi32, #tpu.memory_space<vmem>>)
      tpu.yield
    }) : () -> ()
    %scan3A_149 = arith.constant 0 : i32
    %scan3A_150 = arith.constant 0 : i32
    %scan3A_151 = arith.constant 32 : i32
    %scan3A_152 = arith.addi %scan3A_150, %scan3A_151 : i32
    %scan3A_153 = arith.constant 1 : i32
    %scan3A_154 = scf.for %scan3A_1922 = %scan3A_150 to %scan3A_152 step %scan3A_153 iter_args(%scan3A_1923 = %scan3A_149) -> (i32)  : i32 {
      %mul3A_1924 = arith.constant 16 : i32
      %mul3A_1925 = arith.muli %scan3A_1922, %mul3A_1924 : i32
      %get3A = arith.index_cast %mul3A_1925 : i32 to index
      %get3A_1926 = tpu.vector_load %arg32[%get3A] {strides = array<i32>} : memref<512xi32, #tpu.memory_space<vmem>>, vector<16xi32>,
      %mul3A_1927 = arith.constant 16 : i32
      %mul3A_1928 = arith.muli %scan3A_1922, %mul3A_1927 : i32
      %get3A_1929 = arith.index_cast %mul3A_1928 : i32 to index
      %get3A_1930 = tpu.vector_load %arg31[%get3A_1929] {strides = array<i32>} : memref<512xi32, #tpu.memory_space<vmem>>, vector<16xi32>,
      %max3A = arith.maxsi %get3A_1926, %get3A_1930 : vector<16xi32>
      %mul3A_1931 = arith.constant 16 : i32
      %mul3A_1932 = arith.muli %scan3A_1922, %mul3A_1931 : i32
      %swap3A = arith.index_cast %mul3A_1932 : i32 to index
      %swap3A_1933 = tpu.vector_load %arg32[%swap3A] {strides = array<i32>} : memref<512xi32, #tpu.memory_space<vmem>>, vector<16xi32>,
      tpu.vector_store %arg32[%swap3A], %max3A {strides = array<i32>} : memref<512xi32, #tpu.memory_space<vmem>>, vector<16xi32>,
      %scan3A_1934 = arith.constant 0 : i32
      scf.yield %scan3A_1934 : i32
    }
    %scan3A_155 = arith.constant 32 : i32
    %run_scoped3A_156 = arith.constant 15 : i32
    "tpu.region"() ({
      %run_scoped3A_1922 = tpu.sem_alloc : memref<!tpu.dma_semaphore, #tpu.memory_space<semaphore_mem>>
      %dma_start3A_1923 = tpu.memref_slice %arg38[%run_scoped3A_156, %mul3A_2] : memref<16x8192xi32, #tpu.memory_space<vmem_shared>> -> memref<1x512xi32, #tpu.memory_space<vmem_shared>>
      %dma_start3A_1924 = tpu.memref_squeeze %dma_start3A_1923 : memref<1x512xi32, #tpu.memory_space<vmem_shared>> -> memref<512xi32, #tpu.memory_space<vmem_shared>>
      %dma_start3A_1925 = tpu.memref_slice %arg38[%run_scoped3A_156, %mul3A_2] : memref<16x8192xi32, #tpu.memory_space<vmem_shared>> -> memref<1x512xi32, #tpu.memory_space<vmem_shared>>
      %dma_start3A_1926 = tpu.memref_squeeze %dma_start3A_1925 : memref<1x512xi32, #tpu.memory_space<vmem_shared>> -> memref<512xi32, #tpu.memory_space<vmem_shared>>
      tpu.enqueue_dma source(%dma_start3A_1926 : memref<512xi32, #tpu.memory_space<vmem_shared>>) target(%arg31 : memref<512xi32, #tpu.memory_space<vmem>>) target_semaphore(%run_scoped3A_1922 : memref<!tpu.dma_semaphore, #tpu.memory_space<semaphore_mem>>)
      %dma_wait3A_1927 = tpu.memref_slice %arg38[%run_scoped3A_156, %mul3A_2] : memref<16x8192xi32, #tpu.memory_space<vmem_shared>> -> memref<1x512xi32, #tpu.memory_space<vmem_shared>>
      %dma_wait3A_1928 = tpu.memref_squeeze %dma_wait3A_1927 : memref<1x512xi32, #tpu.memory_space<vmem_shared>> -> memref<512xi32, #tpu.memory_space<vmem_shared>>
      %dma_wait3A_1929 = tpu.memref_slice %arg38[%run_scoped3A_156, %mul3A_2] : memref<16x8192xi32, #tpu.memory_space<vmem_shared>> -> memref<1x512xi32, #tpu.memory_space<vmem_shared>>
      %dma_wait3A_1930 = tpu.memref_squeeze %dma_wait3A_1929 : memref<1x512xi32, #tpu.memory_space<vmem_shared>> -> memref<512xi32, #tpu.memory_space<vmem_shared>>
      tpu.wait_dma2 semaphore(%run_scoped3A_1922 : memref<!tpu.dma_semaphore, #tpu.memory_space<semaphore_mem>>) src(%dma_wait3A_1930 : memref<512xi32, #tpu.memory_space<vmem_shared>>) dst(%arg31 : memref<512xi32, #tpu.memory_space<vmem>>)
      tpu.yield
    }) : () -> ()
    %scan3A_157 = arith.constant 0 : i32
    %scan3A_158 = arith.constant 0 : i32
    %scan3A_159 = arith.constant 32 : i32
    %scan3A_160 = arith.addi %scan3A_158, %scan3A_159 : i32
    %scan3A_161 = arith.constant 1 : i32
    %scan3A_162 = scf.for %scan3A_1922 = %scan3A_158 to %scan3A_160 step %scan3A_161 iter_args(%scan3A_1923 = %scan3A_157) -> (i32)  : i32 {
      %mul3A_1924 = arith.constant 16 : i32
      %mul3A_1925 = arith.muli %scan3A_1922, %mul3A_1924 : i32
      %get3A = arith.index_cast %mul3A_1925 : i32 to index
      %get3A_1926 = tpu.vector_load %arg32[%get3A] {strides = array<i32>} : memref<512xi32, #tpu.memory_space<vmem>>, vector<16xi32>,
      %mul3A_1927 = arith.constant 16 : i32
      %mul3A_1928 = arith.muli %scan3A_1922, %mul3A_1927 : i32
      %get3A_1929 = arith.index_cast %mul3A_1928 : i32 to index
      %get3A_1930 = tpu.vector_load %arg31[%get3A_1929] {strides = array<i32>} : memref<512xi32, #tpu.memory_space<vmem>>, vector<16xi32>,
      %max3A = arith.maxsi %get3A_1926, %get3A_1930 : vector<16xi32>
      %mul3A_1931 = arith.constant 16 : i32
      %mul3A_1932 = arith.muli %scan3A_1922, %mul3A_1931 : i32
      %swap3A = arith.index_cast %mul3A_1932 : i32 to index
      %swap3A_1933 = tpu.vector_load %arg32[%swap3A] {strides = array<i32>} : memref<512xi32, #tpu.memory_space<vmem>>, vector<16xi32>,
      tpu.vector_store %arg32[%swap3A], %max3A {strides = array<i32>} : memref<512xi32, #tpu.memory_space<vmem>>, vector<16xi32>,
      %scan3A_1934 = arith.constant 0 : i32
      scf.yield %scan3A_1934 : i32
    }
    %scan3A_163 = arith.constant 32 : i32
    %scan3A_164 = arith.constant 0 : i32
    %scan3A_165 = arith.constant 0 : i32
    %scan3A_166 = arith.constant 32 : i32
    %scan3A_167 = arith.addi %scan3A_165, %scan3A_166 : i32
    %scan3A_168 = arith.constant 1 : i32
    %scan3A_169 = scf.for %scan3A_1922 = %scan3A_165 to %scan3A_167 step %scan3A_168 iter_args(%scan3A_1923 = %scan3A_164) -> (i32)  : i32 {
      %mul3A_1924 = arith.constant 16 : i32
      %mul3A_1925 = arith.muli %scan3A_1922, %mul3A_1924 : i32
      %get3A = arith.index_cast %mul3A_1925 : i32 to index
      %get3A_1926 = tpu.vector_load %arg32[%get3A] {strides = array<i32>} : memref<512xi32, #tpu.memory_space<vmem>>, vector<16xi32>,
      %gt3A = arith.constant 0 : i32
      %gt3A_1927 = vector.broadcast %gt3A : i32 to vector<16xi32>
      %gt3A_1928 = arith.cmpi sgt, %get3A_1926, %gt3A_1927 : vector<16xi32>
      %mul3A_1929 = arith.constant 16 : i32
      %mul3A_1930 = arith.muli %scan3A_1922, %mul3A_1929 : i32
      %add3A_1931 = vector.broadcast %mul3A_1930 : i32 to vector<16xi32>
      %add3A_1932 = arith.addi %add3A_1931, %iota3A : vector<16xi32>
      %jit3A = arith.constant 8 : i32
      %div3A = arith.divsi %scan3A_1922, %jit3A : i32
      %sign3A = arith.constant 0 : i32
      %sign3A_1933 = arith.cmpi sgt, %scan3A_1922, %sign3A : i32
      %sign3A_1934 = arith.extui %sign3A_1933 : i1 to i32
      %sign3A_1935 = arith.constant 0 : i32
      %sign3A_1936 = arith.cmpi slt, %scan3A_1922, %sign3A_1935 : i32
      %sign3A_1937 = arith.extui %sign3A_1936 : i1 to i32
      %sign3A_1938 = arith.subi %sign3A_1934, %sign3A_1937 : i32
      %sign3A_1939 = arith.constant 0 : i32
      %sign3A_1940 = arith.cmpi sgt, %jit3A, %sign3A_1939 : i32
      %sign3A_1941 = arith.extui %sign3A_1940 : i1 to i32
      %sign3A_1942 = arith.constant 0 : i32
      %sign3A_1943 = arith.cmpi slt, %jit3A, %sign3A_1942 : i32
      %sign3A_1944 = arith.extui %sign3A_1943 : i1 to i32
      %sign3A_1945 = arith.subi %sign3A_1941, %sign3A_1944 : i32
      %ne3A = arith.cmpi ne, %sign3A_1938, %sign3A_1945 : i32
      %rem3A = arith.remsi %scan3A_1922, %jit3A : i32
      %ne3A_1946 = arith.constant 0 : i32
      %ne3A_1947 = arith.cmpi ne, %rem3A, %ne3A_1946 : i32
      %and3A = arith.andi %ne3A, %ne3A_1947 : i1
      %sub3A = arith.constant 1 : i32
      %sub3A_1948 = arith.subi %div3A, %sub3A : i32
      %select_n3A = arith.select %and3A, %sub3A_1948, %div3A : i32
      %jit3A_1949 = arith.constant 8 : i32
      %eq3A = arith.constant 0 : i32
      %eq3A_1950 = arith.cmpi eq, %jit3A_1949, %eq3A : i32
      %jit3A_1951 = arith.constant 1 : i32
      %select_n3A_1952 = arith.select %eq3A_1950, %jit3A_1951, %jit3A_1949 : i32
      %rem3A_1953 = arith.remsi %scan3A_1922, %select_n3A_1952 : i32
      %ne3A_1954 = arith.constant 0 : i32
      %ne3A_1955 = arith.cmpi ne, %rem3A_1953, %ne3A_1954 : i32
      %lt3A = arith.constant 0 : i32
      %lt3A_1956 = arith.cmpi slt, %rem3A_1953, %lt3A : i32
      %lt3A_1957 = arith.constant 0 : i32
      %lt3A_1958 = arith.cmpi slt, %select_n3A_1952, %lt3A_1957 : i32
      %ne3A_1959 = arith.xori %lt3A_1956, %lt3A_1958 : i1
      %and3A_1960 = arith.andi %ne3A_1959, %ne3A_1955 : i1
      %add3A_1961 = arith.addi %rem3A_1953, %select_n3A_1952 : i32
      %select_n3A_1962 = arith.select %and3A_1960, %add3A_1961, %rem3A_1953 : i32
      %mul3A_1963 = arith.constant 16 : i32
      %mul3A_1964 = arith.muli %select_n3A_1962, %mul3A_1963 : i32
      %sub3A_1965 = arith.constant 1 : i32
      %sub3A_1966 = vector.broadcast %sub3A_1965 : i32 to vector<16xi32>
      %sub3A_1967 = arith.subi %get3A_1926, %sub3A_1966 : vector<16xi32>
      %add3A_1968 = vector.broadcast %add3A : i32 to vector<16xi32>
      %add3A_1969 = arith.addi %add3A_1968, %add3A_1932 : vector<16xi32>
      %select_n3A_1970 = arith.select %gt3A_1928, %sub3A_1967, %add3A_1969 : vector<16xi1>, vector<16xi32>
      %swap3A = arith.index_cast %select_n3A : i32 to index
      %swap3A_1971 = arith.index_cast %mul3A_1964 : i32 to index
      %swap3A_1972 = tpu.vector_load %arg34[%swap3A, %swap3A_1971] {strides = array<i32>} : memref<4x128xi32, #tpu.memory_space<vmem>>, vector<16xi32>,
      tpu.vector_store %arg34[%swap3A, %swap3A_1971], %select_n3A_1970 {strides = array<i32>} : memref<4x128xi32, #tpu.memory_space<vmem>>, vector<16xi32>,
      %mul3A_1973 = arith.constant 16 : i32
      %mul3A_1974 = arith.muli %scan3A_1922, %mul3A_1973 : i32
      %add3A_1975 = arith.addi %mul3A_2, %mul3A_1974 : i32
      %get3A_1976 = arith.index_cast %add3A_1975 : i32 to index
      %get3A_1977 = tpu.vector_load %arg29[%get3A_1976] {strides = array<i32>} : memref<8192xi32, #tpu.memory_space<vmem>>, vector<16xi32>,
      %swap3A_1978 = arith.index_cast %select_n3A : i32 to index
      %swap3A_1979 = arith.index_cast %mul3A_1964 : i32 to index
      %swap3A_1980 = tpu.vector_load %arg33[%swap3A_1978, %swap3A_1979] {strides = array<i32>} : memref<4x128xi32, #tpu.memory_space<vmem>>, vector<16xi32>,
      tpu.vector_store %arg33[%swap3A_1978, %swap3A_1979], %get3A_1977 {strides = array<i32>} : memref<4x128xi32, #tpu.memory_space<vmem>>, vector<16xi32>,
      %scan3A_1981 = arith.constant 0 : i32
      scf.yield %scan3A_1981 : i32
    }
    %scan3A_170 = arith.constant 32 : i32
    %dma_start3A = arith.constant 0 : i32
    %dma_start3A_171 = arith.constant 0 : i32
    %dma_start3A_172 = tpu.memref_slice %arg37[%dma_start3A_171] : memref<10240xf32, #tpu.memory_space<vmem>> -> memref<128xf32, #tpu.memory_space<vmem>>
    %dma_start3A_173 = arith.constant 0 : i32
    %dma_start3A_174 = tpu.memref_slice %arg33[%dma_start3A, %dma_start3A_173] : memref<4x128xi32, #tpu.memory_space<vmem>> -> memref<1x128xi32, #tpu.memory_space<vmem>>
    %dma_start3A_175 = tpu.memref_squeeze %dma_start3A_174 : memref<1x128xi32, #tpu.memory_space<vmem>> -> memref<128xi32, #tpu.memory_space<vmem>>
    %dma_start3A_176 = arith.constant 0 : i32
    %dma_start3A_177 = tpu.memref_slice %arg2[%dma_start3A_176] : memref<1000000xf32, #tpu.memory_space<hbm>> -> memref<1000000xf32, #tpu.memory_space<hbm>>
    tpu.enqueue_indirect_dma source(%dma_start3A_177 : memref<1000000xf32, #tpu.memory_space<hbm>>) target(%dma_start3A_172 : memref<128xf32, #tpu.memory_space<vmem>>) offsets(%dma_start3A_175 : memref<128xi32, #tpu.memory_space<vmem>>) semaphore(%arg39 : memref<!tpu.dma_semaphore, #tpu.memory_space<semaphore_mem>>)
    %dma_start3A_178 = arith.constant 0 : i32
    %dma_start3A_179 = arith.constant 128 : i32
    %dma_start3A_180 = tpu.memref_slice %arg37[%dma_start3A_179] : memref<10240xf32, #tpu.memory_space<vmem>> -> memref<128xf32, #tpu.memory_space<vmem>>
    %dma_start3A_181 = arith.constant 0 : i32
    %dma_start3A_182 = tpu.memref_slice %arg33[%dma_start3A_178, %dma_start3A_181] : memref<4x128xi32, #tpu.memory_space<vmem>> -> memref<1x128xi32, #tpu.memory_space<vmem>>
    %dma_start3A_183 = tpu.memref_squeeze %dma_start3A_182 : memref<1x128xi32, #tpu.memory_space<vmem>> -> memref<128xi32, #tpu.memory_space<vmem>>
    %dma_start3A_184 = arith.constant 0 : i32
    %dma_start3A_185 = tpu.memref_slice %arg3[%dma_start3A_184] : memref<1000000xf32, #tpu.memory_space<hbm>> -> memref<1000000xf32, #tpu.memory_space<hbm>>
    tpu.enqueue_indirect_dma source(%dma_start3A_185 : memref<1000000xf32, #tpu.memory_space<hbm>>) target(%dma_start3A_180 : memref<128xf32, #tpu.memory_space<vmem>>) offsets(%dma_start3A_183 : memref<128xi32, #tpu.memory_space<vmem>>) semaphore(%arg39 : memref<!tpu.dma_semaphore, #tpu.memory_space<semaphore_mem>>)
    %dma_start3A_186 = arith.constant 0 : i32
    %dma_start3A_187 = arith.constant 256 : i32
    %dma_start3A_188 = tpu.memref_slice %arg37[%dma_start3A_187] : memref<10240xf32, #tpu.memory_space<vmem>> -> memref<128xf32, #tpu.memory_space<vmem>>
    %dma_start3A_189 = arith.constant 0 : i32
    %dma_start3A_190 = tpu.memref_slice %arg33[%dma_start3A_186, %dma_start3A_189] : memref<4x128xi32, #tpu.memory_space<vmem>> -> memref<1x128xi32, #tpu.memory_space<vmem>>
    %dma_start3A_191 = tpu.memref_squeeze %dma_start3A_190 : memref<1x128xi32, #tpu.memory_space<vmem>> -> memref<128xi32, #tpu.memory_space<vmem>>
    %dma_start3A_192 = arith.constant 0 : i32
    %dma_start3A_193 = tpu.memref_slice %arg4[%dma_start3A_192] : memref<1000000xf32, #tpu.memory_space<hbm>> -> memref<1000000xf32, #tpu.memory_space<hbm>>
    tpu.enqueue_indirect_dma source(%dma_start3A_193 : memref<1000000xf32, #tpu.memory_space<hbm>>) target(%dma_start3A_188 : memref<128xf32, #tpu.memory_space<vmem>>) offsets(%dma_start3A_191 : memref<128xi32, #tpu.memory_space<vmem>>) semaphore(%arg39 : memref<!tpu.dma_semaphore, #tpu.memory_space<semaphore_mem>>)
    %dma_start3A_194 = arith.constant 0 : i32
    %dma_start3A_195 = arith.constant 384 : i32
    %dma_start3A_196 = tpu.memref_slice %arg37[%dma_start3A_195] : memref<10240xf32, #tpu.memory_space<vmem>> -> memref<128xf32, #tpu.memory_space<vmem>>
    %dma_start3A_197 = arith.constant 0 : i32
    %dma_start3A_198 = tpu.memref_slice %arg33[%dma_start3A_194, %dma_start3A_197] : memref<4x128xi32, #tpu.memory_space<vmem>> -> memref<1x128xi32, #tpu.memory_space<vmem>>
    %dma_start3A_199 = tpu.memref_squeeze %dma_start3A_198 : memref<1x128xi32, #tpu.memory_space<vmem>> -> memref<128xi32, #tpu.memory_space<vmem>>
    %dma_start3A_200 = arith.constant 0 : i32
    %dma_start3A_201 = tpu.memref_slice %arg5[%dma_start3A_200] : memref<1000000xf32, #tpu.memory_space<hbm>> -> memref<1000000xf32, #tpu.memory_space<hbm>>
    tpu.enqueue_indirect_dma source(%dma_start3A_201 : memref<1000000xf32, #tpu.memory_space<hbm>>) target(%dma_start3A_196 : memref<128xf32, #tpu.memory_space<vmem>>) offsets(%dma_start3A_199 : memref<128xi32, #tpu.memory_space<vmem>>) semaphore(%arg39 : memref<!tpu.dma_semaphore, #tpu.memory_space<semaphore_mem>>)
    %dma_start3A_202 = arith.constant 0 : i32
    %dma_start3A_203 = arith.constant 512 : i32
    %dma_start3A_204 = tpu.memref_slice %arg37[%dma_start3A_203] : memref<10240xf32, #tpu.memory_space<vmem>> -> memref<128xf32, #tpu.memory_space<vmem>>
    %dma_start3A_205 = arith.constant 0 : i32
    %dma_start3A_206 = tpu.memref_slice %arg33[%dma_start3A_202, %dma_start3A_205] : memref<4x128xi32, #tpu.memory_space<vmem>> -> memref<1x128xi32, #tpu.memory_space<vmem>>
    %dma_start3A_207 = tpu.memref_squeeze %dma_start3A_206 : memref<1x128xi32, #tpu.memory_space<vmem>> -> memref<128xi32, #tpu.memory_space<vmem>>
    %dma_start3A_208 = arith.constant 0 : i32
    %dma_start3A_209 = tpu.memref_slice %arg6[%dma_start3A_208] : memref<1000000xf32, #tpu.memory_space<hbm>> -> memref<1000000xf32, #tpu.memory_space<hbm>>
    tpu.enqueue_indirect_dma source(%dma_start3A_209 : memref<1000000xf32, #tpu.memory_space<hbm>>) target(%dma_start3A_204 : memref<128xf32, #tpu.memory_space<vmem>>) offsets(%dma_start3A_207 : memref<128xi32, #tpu.memory_space<vmem>>) semaphore(%arg39 : memref<!tpu.dma_semaphore, #tpu.memory_space<semaphore_mem>>)
    %dma_start3A_210 = arith.constant 0 : i32
    %dma_start3A_211 = arith.constant 640 : i32
    %dma_start3A_212 = tpu.memref_slice %arg37[%dma_start3A_211] : memref<10240xf32, #tpu.memory_space<vmem>> -> memref<128xf32, #tpu.memory_space<vmem>>
    %dma_start3A_213 = arith.constant 0 : i32
    %dma_start3A_214 = tpu.memref_slice %arg33[%dma_start3A_210, %dma_start3A_213] : memref<4x128xi32, #tpu.memory_space<vmem>> -> memref<1x128xi32, #tpu.memory_space<vmem>>
    %dma_start3A_215 = tpu.memref_squeeze %dma_start3A_214 : memref<1x128xi32, #tpu.memory_space<vmem>> -> memref<128xi32, #tpu.memory_space<vmem>>
    %dma_start3A_216 = arith.constant 0 : i32
    %dma_start3A_217 = tpu.memref_slice %arg7[%dma_start3A_216] : memref<1000000xf32, #tpu.memory_space<hbm>> -> memref<1000000xf32, #tpu.memory_space<hbm>>
    tpu.enqueue_indirect_dma source(%dma_start3A_217 : memref<1000000xf32, #tpu.memory_space<hbm>>) target(%dma_start3A_212 : memref<128xf32, #tpu.memory_space<vmem>>) offsets(%dma_start3A_215 : memref<128xi32, #tpu.memory_space<vmem>>) semaphore(%arg39 : memref<!tpu.dma_semaphore, #tpu.memory_space<semaphore_mem>>)
    %dma_start3A_218 = arith.constant 0 : i32
    %dma_start3A_219 = arith.constant 768 : i32
    %dma_start3A_220 = tpu.memref_slice %arg37[%dma_start3A_219] : memref<10240xf32, #tpu.memory_space<vmem>> -> memref<128xf32, #tpu.memory_space<vmem>>
    %dma_start3A_221 = arith.constant 0 : i32
    %dma_start3A_222 = tpu.memref_slice %arg33[%dma_start3A_218, %dma_start3A_221] : memref<4x128xi32, #tpu.memory_space<vmem>> -> memref<1x128xi32, #tpu.memory_space<vmem>>
    %dma_start3A_223 = tpu.memref_squeeze %dma_start3A_222 : memref<1x128xi32, #tpu.memory_space<vmem>> -> memref<128xi32, #tpu.memory_space<vmem>>
    %dma_start3A_224 = arith.constant 0 : i32
    %dma_start3A_225 = tpu.memref_slice %arg8[%dma_start3A_224] : memref<1000000xf32, #tpu.memory_space<hbm>> -> memref<1000000xf32, #tpu.memory_space<hbm>>
    tpu.enqueue_indirect_dma source(%dma_start3A_225 : memref<1000000xf32, #tpu.memory_space<hbm>>) target(%dma_start3A_220 : memref<128xf32, #tpu.memory_space<vmem>>) offsets(%dma_start3A_223 : memref<128xi32, #tpu.memory_space<vmem>>) semaphore(%arg39 : memref<!tpu.dma_semaphore, #tpu.memory_space<semaphore_mem>>)
    %dma_start3A_226 = arith.constant 0 : i32
    %dma_start3A_227 = arith.constant 896 : i32
    %dma_start3A_228 = tpu.memref_slice %arg37[%dma_start3A_227] : memref<10240xf32, #tpu.memory_space<vmem>> -> memref<128xf32, #tpu.memory_space<vmem>>
    %dma_start3A_229 = arith.constant 0 : i32
    %dma_start3A_230 = tpu.memref_slice %arg33[%dma_start3A_226, %dma_start3A_229] : memref<4x128xi32, #tpu.memory_space<vmem>> -> memref<1x128xi32, #tpu.memory_space<vmem>>
    %dma_start3A_231 = tpu.memref_squeeze %dma_start3A_230 : memref<1x128xi32, #tpu.memory_space<vmem>> -> memref<128xi32, #tpu.memory_space<vmem>>
    %dma_start3A_232 = arith.constant 0 : i32
    %dma_start3A_233 = tpu.memref_slice %arg9[%dma_start3A_232] : memref<1000000xf32, #tpu.memory_space<hbm>> -> memref<1000000xf32, #tpu.memory_space<hbm>>
    tpu.enqueue_indirect_dma source(%dma_start3A_233 : memref<1000000xf32, #tpu.memory_space<hbm>>) target(%dma_start3A_228 : memref<128xf32, #tpu.memory_space<vmem>>) offsets(%dma_start3A_231 : memref<128xi32, #tpu.memory_space<vmem>>) semaphore(%arg39 : memref<!tpu.dma_semaphore, #tpu.memory_space<semaphore_mem>>)
    %dma_start3A_234 = arith.constant 0 : i32
    %dma_start3A_235 = arith.constant 1024 : i32
    %dma_start3A_236 = tpu.memref_slice %arg37[%dma_start3A_235] : memref<10240xf32, #tpu.memory_space<vmem>> -> memref<128xf32, #tpu.memory_space<vmem>>
    %dma_start3A_237 = arith.constant 0 : i32
    %dma_start3A_238 = tpu.memref_slice %arg33[%dma_start3A_234, %dma_start3A_237] : memref<4x128xi32, #tpu.memory_space<vmem>> -> memref<1x128xi32, #tpu.memory_space<vmem>>
    %dma_start3A_239 = tpu.memref_squeeze %dma_start3A_238 : memref<1x128xi32, #tpu.memory_space<vmem>> -> memref<128xi32, #tpu.memory_space<vmem>>
    %dma_start3A_240 = arith.constant 0 : i32
    %dma_start3A_241 = tpu.memref_slice %arg10[%dma_start3A_240] : memref<1000000xf32, #tpu.memory_space<hbm>> -> memref<1000000xf32, #tpu.memory_space<hbm>>
    tpu.enqueue_indirect_dma source(%dma_start3A_241 : memref<1000000xf32, #tpu.memory_space<hbm>>) target(%dma_start3A_236 : memref<128xf32, #tpu.memory_space<vmem>>) offsets(%dma_start3A_239 : memref<128xi32, #tpu.memory_space<vmem>>) semaphore(%arg39 : memref<!tpu.dma_semaphore, #tpu.memory_space<semaphore_mem>>)
    %dma_start3A_242 = arith.constant 0 : i32
    %dma_start3A_243 = arith.constant 1152 : i32
    %dma_start3A_244 = tpu.memref_slice %arg37[%dma_start3A_243] : memref<10240xf32, #tpu.memory_space<vmem>> -> memref<128xf32, #tpu.memory_space<vmem>>
    %dma_start3A_245 = arith.constant 0 : i32
    %dma_start3A_246 = tpu.memref_slice %arg33[%dma_start3A_242, %dma_start3A_245] : memref<4x128xi32, #tpu.memory_space<vmem>> -> memref<1x128xi32, #tpu.memory_space<vmem>>
    %dma_start3A_247 = tpu.memref_squeeze %dma_start3A_246 : memref<1x128xi32, #tpu.memory_space<vmem>> -> memref<128xi32, #tpu.memory_space<vmem>>
    %dma_start3A_248 = arith.constant 0 : i32
    %dma_start3A_249 = tpu.memref_slice %arg11[%dma_start3A_248] : memref<1000000xf32, #tpu.memory_space<hbm>> -> memref<1000000xf32, #tpu.memory_space<hbm>>
    tpu.enqueue_indirect_dma source(%dma_start3A_249 : memref<1000000xf32, #tpu.memory_space<hbm>>) target(%dma_start3A_244 : memref<128xf32, #tpu.memory_space<vmem>>) offsets(%dma_start3A_247 : memref<128xi32, #tpu.memory_space<vmem>>) semaphore(%arg39 : memref<!tpu.dma_semaphore, #tpu.memory_space<semaphore_mem>>)
    %dma_start3A_250 = arith.constant 0 : i32
    %dma_start3A_251 = arith.constant 1280 : i32
    %dma_start3A_252 = tpu.memref_slice %arg37[%dma_start3A_251] : memref<10240xf32, #tpu.memory_space<vmem>> -> memref<128xf32, #tpu.memory_space<vmem>>
    %dma_start3A_253 = arith.constant 0 : i32
    %dma_start3A_254 = tpu.memref_slice %arg33[%dma_start3A_250, %dma_start3A_253] : memref<4x128xi32, #tpu.memory_space<vmem>> -> memref<1x128xi32, #tpu.memory_space<vmem>>
    %dma_start3A_255 = tpu.memref_squeeze %dma_start3A_254 : memref<1x128xi32, #tpu.memory_space<vmem>> -> memref<128xi32, #tpu.memory_space<vmem>>
    %dma_start3A_256 = arith.constant 0 : i32
    %dma_start3A_257 = tpu.memref_slice %arg12[%dma_start3A_256] : memref<1000000xf32, #tpu.memory_space<hbm>> -> memref<1000000xf32, #tpu.memory_space<hbm>>
    tpu.enqueue_indirect_dma source(%dma_start3A_257 : memref<1000000xf32, #tpu.memory_space<hbm>>) target(%dma_start3A_252 : memref<128xf32, #tpu.memory_space<vmem>>) offsets(%dma_start3A_255 : memref<128xi32, #tpu.memory_space<vmem>>) semaphore(%arg39 : memref<!tpu.dma_semaphore, #tpu.memory_space<semaphore_mem>>)
    %dma_start3A_258 = arith.constant 0 : i32
    %dma_start3A_259 = arith.constant 1408 : i32
    %dma_start3A_260 = tpu.memref_slice %arg37[%dma_start3A_259] : memref<10240xf32, #tpu.memory_space<vmem>> -> memref<128xf32, #tpu.memory_space<vmem>>
    %dma_start3A_261 = arith.constant 0 : i32
    %dma_start3A_262 = tpu.memref_slice %arg33[%dma_start3A_258, %dma_start3A_261] : memref<4x128xi32, #tpu.memory_space<vmem>> -> memref<1x128xi32, #tpu.memory_space<vmem>>
    %dma_start3A_263 = tpu.memref_squeeze %dma_start3A_262 : memref<1x128xi32, #tpu.memory_space<vmem>> -> memref<128xi32, #tpu.memory_space<vmem>>
    %dma_start3A_264 = arith.constant 0 : i32
    %dma_start3A_265 = tpu.memref_slice %arg13[%dma_start3A_264] : memref<1000000xf32, #tpu.memory_space<hbm>> -> memref<1000000xf32, #tpu.memory_space<hbm>>
    tpu.enqueue_indirect_dma source(%dma_start3A_265 : memref<1000000xf32, #tpu.memory_space<hbm>>) target(%dma_start3A_260 : memref<128xf32, #tpu.memory_space<vmem>>) offsets(%dma_start3A_263 : memref<128xi32, #tpu.memory_space<vmem>>) semaphore(%arg39 : memref<!tpu.dma_semaphore, #tpu.memory_space<semaphore_mem>>)
    %dma_start3A_266 = arith.constant 0 : i32
    %dma_start3A_267 = arith.constant 1536 : i32
    %dma_start3A_268 = tpu.memref_slice %arg37[%dma_start3A_267] : memref<10240xf32, #tpu.memory_space<vmem>> -> memref<128xf32, #tpu.memory_space<vmem>>
    %dma_start3A_269 = arith.constant 0 : i32
    %dma_start3A_270 = tpu.memref_slice %arg33[%dma_start3A_266, %dma_start3A_269] : memref<4x128xi32, #tpu.memory_space<vmem>> -> memref<1x128xi32, #tpu.memory_space<vmem>>
    %dma_start3A_271 = tpu.memref_squeeze %dma_start3A_270 : memref<1x128xi32, #tpu.memory_space<vmem>> -> memref<128xi32, #tpu.memory_space<vmem>>
    %dma_start3A_272 = arith.constant 0 : i32
    %dma_start3A_273 = tpu.memref_slice %arg14[%dma_start3A_272] : memref<1000000xf32, #tpu.memory_space<hbm>> -> memref<1000000xf32, #tpu.memory_space<hbm>>
    tpu.enqueue_indirect_dma source(%dma_start3A_273 : memref<1000000xf32, #tpu.memory_space<hbm>>) target(%dma_start3A_268 : memref<128xf32, #tpu.memory_space<vmem>>) offsets(%dma_start3A_271 : memref<128xi32, #tpu.memory_space<vmem>>) semaphore(%arg39 : memref<!tpu.dma_semaphore, #tpu.memory_space<semaphore_mem>>)
    %dma_start3A_274 = arith.constant 0 : i32
    %dma_start3A_275 = arith.constant 1664 : i32
    %dma_start3A_276 = tpu.memref_slice %arg37[%dma_start3A_275] : memref<10240xf32, #tpu.memory_space<vmem>> -> memref<128xf32, #tpu.memory_space<vmem>>
    %dma_start3A_277 = arith.constant 0 : i32
    %dma_start3A_278 = tpu.memref_slice %arg33[%dma_start3A_274, %dma_start3A_277] : memref<4x128xi32, #tpu.memory_space<vmem>> -> memref<1x128xi32, #tpu.memory_space<vmem>>
    %dma_start3A_279 = tpu.memref_squeeze %dma_start3A_278 : memref<1x128xi32, #tpu.memory_space<vmem>> -> memref<128xi32, #tpu.memory_space<vmem>>
    %dma_start3A_280 = arith.constant 0 : i32
    %dma_start3A_281 = tpu.memref_slice %arg15[%dma_start3A_280] : memref<1000000xf32, #tpu.memory_space<hbm>> -> memref<1000000xf32, #tpu.memory_space<hbm>>
    tpu.enqueue_indirect_dma source(%dma_start3A_281 : memref<1000000xf32, #tpu.memory_space<hbm>>) target(%dma_start3A_276 : memref<128xf32, #tpu.memory_space<vmem>>) offsets(%dma_start3A_279 : memref<128xi32, #tpu.memory_space<vmem>>) semaphore(%arg39 : memref<!tpu.dma_semaphore, #tpu.memory_space<semaphore_mem>>)
    %dma_start3A_282 = arith.constant 0 : i32
    %dma_start3A_283 = arith.constant 1792 : i32
    %dma_start3A_284 = tpu.memref_slice %arg37[%dma_start3A_283] : memref<10240xf32, #tpu.memory_space<vmem>> -> memref<128xf32, #tpu.memory_space<vmem>>
    %dma_start3A_285 = arith.constant 0 : i32
    %dma_start3A_286 = tpu.memref_slice %arg33[%dma_start3A_282, %dma_start3A_285] : memref<4x128xi32, #tpu.memory_space<vmem>> -> memref<1x128xi32, #tpu.memory_space<vmem>>
    %dma_start3A_287 = tpu.memref_squeeze %dma_start3A_286 : memref<1x128xi32, #tpu.memory_space<vmem>> -> memref<128xi32, #tpu.memory_space<vmem>>
    %dma_start3A_288 = arith.constant 0 : i32
    %dma_start3A_289 = tpu.memref_slice %arg16[%dma_start3A_288] : memref<1000000xf32, #tpu.memory_space<hbm>> -> memref<1000000xf32, #tpu.memory_space<hbm>>
    tpu.enqueue_indirect_dma source(%dma_start3A_289 : memref<1000000xf32, #tpu.memory_space<hbm>>) target(%dma_start3A_284 : memref<128xf32, #tpu.memory_space<vmem>>) offsets(%dma_start3A_287 : memref<128xi32, #tpu.memory_space<vmem>>) semaphore(%arg39 : memref<!tpu.dma_semaphore, #tpu.memory_space<semaphore_mem>>)
    %dma_start3A_290 = arith.constant 0 : i32
    %dma_start3A_291 = arith.constant 1920 : i32
    %dma_start3A_292 = tpu.memref_slice %arg37[%dma_start3A_291] : memref<10240xf32, #tpu.memory_space<vmem>> -> memref<128xf32, #tpu.memory_space<vmem>>
    %dma_start3A_293 = arith.constant 0 : i32
    %dma_start3A_294 = tpu.memref_slice %arg33[%dma_start3A_290, %dma_start3A_293] : memref<4x128xi32, #tpu.memory_space<vmem>> -> memref<1x128xi32, #tpu.memory_space<vmem>>
    %dma_start3A_295 = tpu.memref_squeeze %dma_start3A_294 : memref<1x128xi32, #tpu.memory_space<vmem>> -> memref<128xi32, #tpu.memory_space<vmem>>
    %dma_start3A_296 = arith.constant 0 : i32
    %dma_start3A_297 = tpu.memref_slice %arg17[%dma_start3A_296] : memref<1000000xf32, #tpu.memory_space<hbm>> -> memref<1000000xf32, #tpu.memory_space<hbm>>
    tpu.enqueue_indirect_dma source(%dma_start3A_297 : memref<1000000xf32, #tpu.memory_space<hbm>>) target(%dma_start3A_292 : memref<128xf32, #tpu.memory_space<vmem>>) offsets(%dma_start3A_295 : memref<128xi32, #tpu.memory_space<vmem>>) semaphore(%arg39 : memref<!tpu.dma_semaphore, #tpu.memory_space<semaphore_mem>>)
    %dma_start3A_298 = arith.constant 0 : i32
    %dma_start3A_299 = arith.constant 2048 : i32
    %dma_start3A_300 = tpu.memref_slice %arg37[%dma_start3A_299] : memref<10240xf32, #tpu.memory_space<vmem>> -> memref<128xf32, #tpu.memory_space<vmem>>
    %dma_start3A_301 = arith.constant 0 : i32
    %dma_start3A_302 = tpu.memref_slice %arg33[%dma_start3A_298, %dma_start3A_301] : memref<4x128xi32, #tpu.memory_space<vmem>> -> memref<1x128xi32, #tpu.memory_space<vmem>>
    %dma_start3A_303 = tpu.memref_squeeze %dma_start3A_302 : memref<1x128xi32, #tpu.memory_space<vmem>> -> memref<128xi32, #tpu.memory_space<vmem>>
    %dma_start3A_304 = arith.constant 0 : i32
    %dma_start3A_305 = tpu.memref_slice %arg18[%dma_start3A_304] : memref<1000000xf32, #tpu.memory_space<hbm>> -> memref<1000000xf32, #tpu.memory_space<hbm>>
    tpu.enqueue_indirect_dma source(%dma_start3A_305 : memref<1000000xf32, #tpu.memory_space<hbm>>) target(%dma_start3A_300 : memref<128xf32, #tpu.memory_space<vmem>>) offsets(%dma_start3A_303 : memref<128xi32, #tpu.memory_space<vmem>>) semaphore(%arg39 : memref<!tpu.dma_semaphore, #tpu.memory_space<semaphore_mem>>)
    %dma_start3A_306 = arith.constant 0 : i32
    %dma_start3A_307 = arith.constant 2176 : i32
    %dma_start3A_308 = tpu.memref_slice %arg37[%dma_start3A_307] : memref<10240xf32, #tpu.memory_space<vmem>> -> memref<128xf32, #tpu.memory_space<vmem>>
    %dma_start3A_309 = arith.constant 0 : i32
    %dma_start3A_310 = tpu.memref_slice %arg33[%dma_start3A_306, %dma_start3A_309] : memref<4x128xi32, #tpu.memory_space<vmem>> -> memref<1x128xi32, #tpu.memory_space<vmem>>
    %dma_start3A_311 = tpu.memref_squeeze %dma_start3A_310 : memref<1x128xi32, #tpu.memory_space<vmem>> -> memref<128xi32, #tpu.memory_space<vmem>>
    %dma_start3A_312 = arith.constant 0 : i32
    %dma_start3A_313 = tpu.memref_slice %arg19[%dma_start3A_312] : memref<1000000xf32, #tpu.memory_space<hbm>> -> memref<1000000xf32, #tpu.memory_space<hbm>>
    tpu.enqueue_indirect_dma source(%dma_start3A_313 : memref<1000000xf32, #tpu.memory_space<hbm>>) target(%dma_start3A_308 : memref<128xf32, #tpu.memory_space<vmem>>) offsets(%dma_start3A_311 : memref<128xi32, #tpu.memory_space<vmem>>) semaphore(%arg39 : memref<!tpu.dma_semaphore, #tpu.memory_space<semaphore_mem>>)
    %dma_start3A_314 = arith.constant 0 : i32
    %dma_start3A_315 = arith.constant 2304 : i32
    %dma_start3A_316 = tpu.memref_slice %arg37[%dma_start3A_315] : memref<10240xf32, #tpu.memory_space<vmem>> -> memref<128xf32, #tpu.memory_space<vmem>>
    %dma_start3A_317 = arith.constant 0 : i32
    %dma_start3A_318 = tpu.memref_slice %arg33[%dma_start3A_314, %dma_start3A_317] : memref<4x128xi32, #tpu.memory_space<vmem>> -> memref<1x128xi32, #tpu.memory_space<vmem>>
    %dma_start3A_319 = tpu.memref_squeeze %dma_start3A_318 : memref<1x128xi32, #tpu.memory_space<vmem>> -> memref<128xi32, #tpu.memory_space<vmem>>
    %dma_start3A_320 = arith.constant 0 : i32
    %dma_start3A_321 = tpu.memref_slice %arg20[%dma_start3A_320] : memref<1000000xf32, #tpu.memory_space<hbm>> -> memref<1000000xf32, #tpu.memory_space<hbm>>
    tpu.enqueue_indirect_dma source(%dma_start3A_321 : memref<1000000xf32, #tpu.memory_space<hbm>>) target(%dma_start3A_316 : memref<128xf32, #tpu.memory_space<vmem>>) offsets(%dma_start3A_319 : memref<128xi32, #tpu.memory_space<vmem>>) semaphore(%arg39 : memref<!tpu.dma_semaphore, #tpu.memory_space<semaphore_mem>>)
    %dma_start3A_322 = arith.constant 0 : i32
    %dma_start3A_323 = arith.constant 2432 : i32
    %dma_start3A_324 = tpu.memref_slice %arg37[%dma_start3A_323] : memref<10240xf32, #tpu.memory_space<vmem>> -> memref<128xf32, #tpu.memory_space<vmem>>
    %dma_start3A_325 = arith.constant 0 : i32
    %dma_start3A_326 = tpu.memref_slice %arg33[%dma_start3A_322, %dma_start3A_325] : memref<4x128xi32, #tpu.memory_space<vmem>> -> memref<1x128xi32, #tpu.memory_space<vmem>>
    %dma_start3A_327 = tpu.memref_squeeze %dma_start3A_326 : memref<1x128xi32, #tpu.memory_space<vmem>> -> memref<128xi32, #tpu.memory_space<vmem>>
    %dma_start3A_328 = arith.constant 0 : i32
    %dma_start3A_329 = tpu.memref_slice %arg21[%dma_start3A_328] : memref<1000000xf32, #tpu.memory_space<hbm>> -> memref<1000000xf32, #tpu.memory_space<hbm>>
    tpu.enqueue_indirect_dma source(%dma_start3A_329 : memref<1000000xf32, #tpu.memory_space<hbm>>) target(%dma_start3A_324 : memref<128xf32, #tpu.memory_space<vmem>>) offsets(%dma_start3A_327 : memref<128xi32, #tpu.memory_space<vmem>>) semaphore(%arg39 : memref<!tpu.dma_semaphore, #tpu.memory_space<semaphore_mem>>)
    %dma_start3A_330 = arith.constant 0 : i32
    %dma_start3A_331 = arith.constant 0 : i32
    %dma_start3A_332 = arith.constant 0 : i32
    %dma_start3A_333 = tpu.memref_slice %arg35[%dma_start3A_331, %dma_start3A_332] : memref<4x128xi32, #tpu.memory_space<vmem>> -> memref<1x128xi32, #tpu.memory_space<vmem>>
    %dma_start3A_334 = tpu.memref_squeeze %dma_start3A_333 : memref<1x128xi32, #tpu.memory_space<vmem>> -> memref<128xi32, #tpu.memory_space<vmem>>
    %dma_start3A_335 = arith.constant 0 : i32
    %dma_start3A_336 = tpu.memref_slice %arg34[%dma_start3A_330, %dma_start3A_335] : memref<4x128xi32, #tpu.memory_space<vmem>> -> memref<1x128xi32, #tpu.memory_space<vmem>>
    %dma_start3A_337 = tpu.memref_squeeze %dma_start3A_336 : memref<1x128xi32, #tpu.memory_space<vmem>> -> memref<128xi32, #tpu.memory_space<vmem>>
    %dma_start3A_338 = arith.constant 0 : i32
    %dma_start3A_339 = tpu.memref_slice %arg24[%dma_start3A_338] : memref<16384xi32, #tpu.memory_space<hbm>> -> memref<16384xi32, #tpu.memory_space<hbm>>
    tpu.enqueue_indirect_dma source(%dma_start3A_339 : memref<16384xi32, #tpu.memory_space<hbm>>) target(%dma_start3A_334 : memref<128xi32, #tpu.memory_space<vmem>>) offsets(%dma_start3A_337 : memref<128xi32, #tpu.memory_space<vmem>>) semaphore(%arg40 : memref<!tpu.dma_semaphore, #tpu.memory_space<semaphore_mem>>)
    %dma_wait3A = arith.constant 0 : i32
    %dma_wait3A_340 = arith.constant 0 : i32
    %dma_wait3A_341 = tpu.memref_slice %arg37[%dma_wait3A_340] : memref<10240xf32, #tpu.memory_space<vmem>> -> memref<128xf32, #tpu.memory_space<vmem>>
    %dma_wait3A_342 = arith.constant 0 : i32
    %dma_wait3A_343 = tpu.memref_slice %arg33[%dma_wait3A, %dma_wait3A_342] : memref<4x128xi32, #tpu.memory_space<vmem>> -> memref<1x128xi32, #tpu.memory_space<vmem>>
    %dma_wait3A_344 = tpu.memref_squeeze %dma_wait3A_343 : memref<1x128xi32, #tpu.memory_space<vmem>> -> memref<128xi32, #tpu.memory_space<vmem>>
    %dma_wait3A_345 = arith.constant 0 : i32
    %dma_wait3A_346 = tpu.memref_slice %arg2[%dma_wait3A_345] : memref<1000000xf32, #tpu.memory_space<hbm>> -> memref<1000000xf32, #tpu.memory_space<hbm>>
    tpu.wait_indirect_dma semaphore(%arg39 : memref<!tpu.dma_semaphore, #tpu.memory_space<semaphore_mem>>) src(%dma_wait3A_346 : memref<1000000xf32, #tpu.memory_space<hbm>>) dst(%dma_wait3A_341 : memref<128xf32, #tpu.memory_space<vmem>>)
    %dma_wait3A_347 = arith.constant 0 : i32
    %dma_wait3A_348 = arith.constant 128 : i32
    %dma_wait3A_349 = tpu.memref_slice %arg37[%dma_wait3A_348] : memref<10240xf32, #tpu.memory_space<vmem>> -> memref<128xf32, #tpu.memory_space<vmem>>
    %dma_wait3A_350 = arith.constant 0 : i32
    %dma_wait3A_351 = tpu.memref_slice %arg33[%dma_wait3A_347, %dma_wait3A_350] : memref<4x128xi32, #tpu.memory_space<vmem>> -> memref<1x128xi32, #tpu.memory_space<vmem>>
    %dma_wait3A_352 = tpu.memref_squeeze %dma_wait3A_351 : memref<1x128xi32, #tpu.memory_space<vmem>> -> memref<128xi32, #tpu.memory_space<vmem>>
    %dma_wait3A_353 = arith.constant 0 : i32
    %dma_wait3A_354 = tpu.memref_slice %arg3[%dma_wait3A_353] : memref<1000000xf32, #tpu.memory_space<hbm>> -> memref<1000000xf32, #tpu.memory_space<hbm>>
    tpu.wait_indirect_dma semaphore(%arg39 : memref<!tpu.dma_semaphore, #tpu.memory_space<semaphore_mem>>) src(%dma_wait3A_354 : memref<1000000xf32, #tpu.memory_space<hbm>>) dst(%dma_wait3A_349 : memref<128xf32, #tpu.memory_space<vmem>>)
    %dma_wait3A_355 = arith.constant 0 : i32
    %dma_wait3A_356 = arith.constant 256 : i32
    %dma_wait3A_357 = tpu.memref_slice %arg37[%dma_wait3A_356] : memref<10240xf32, #tpu.memory_space<vmem>> -> memref<128xf32, #tpu.memory_space<vmem>>
    %dma_wait3A_358 = arith.constant 0 : i32
    %dma_wait3A_359 = tpu.memref_slice %arg33[%dma_wait3A_355, %dma_wait3A_358] : memref<4x128xi32, #tpu.memory_space<vmem>> -> memref<1x128xi32, #tpu.memory_space<vmem>>
    %dma_wait3A_360 = tpu.memref_squeeze %dma_wait3A_359 : memref<1x128xi32, #tpu.memory_space<vmem>> -> memref<128xi32, #tpu.memory_space<vmem>>
    %dma_wait3A_361 = arith.constant 0 : i32
    %dma_wait3A_362 = tpu.memref_slice %arg4[%dma_wait3A_361] : memref<1000000xf32, #tpu.memory_space<hbm>> -> memref<1000000xf32, #tpu.memory_space<hbm>>
    tpu.wait_indirect_dma semaphore(%arg39 : memref<!tpu.dma_semaphore, #tpu.memory_space<semaphore_mem>>) src(%dma_wait3A_362 : memref<1000000xf32, #tpu.memory_space<hbm>>) dst(%dma_wait3A_357 : memref<128xf32, #tpu.memory_space<vmem>>)
    %dma_wait3A_363 = arith.constant 0 : i32
    %dma_wait3A_364 = arith.constant 384 : i32
    %dma_wait3A_365 = tpu.memref_slice %arg37[%dma_wait3A_364] : memref<10240xf32, #tpu.memory_space<vmem>> -> memref<128xf32, #tpu.memory_space<vmem>>
    %dma_wait3A_366 = arith.constant 0 : i32
    %dma_wait3A_367 = tpu.memref_slice %arg33[%dma_wait3A_363, %dma_wait3A_366] : memref<4x128xi32, #tpu.memory_space<vmem>> -> memref<1x128xi32, #tpu.memory_space<vmem>>
    %dma_wait3A_368 = tpu.memref_squeeze %dma_wait3A_367 : memref<1x128xi32, #tpu.memory_space<vmem>> -> memref<128xi32, #tpu.memory_space<vmem>>
    %dma_wait3A_369 = arith.constant 0 : i32
    %dma_wait3A_370 = tpu.memref_slice %arg5[%dma_wait3A_369] : memref<1000000xf32, #tpu.memory_space<hbm>> -> memref<1000000xf32, #tpu.memory_space<hbm>>
    tpu.wait_indirect_dma semaphore(%arg39 : memref<!tpu.dma_semaphore, #tpu.memory_space<semaphore_mem>>) src(%dma_wait3A_370 : memref<1000000xf32, #tpu.memory_space<hbm>>) dst(%dma_wait3A_365 : memref<128xf32, #tpu.memory_space<vmem>>)
    %dma_wait3A_371 = arith.constant 0 : i32
    %dma_wait3A_372 = arith.constant 512 : i32
    %dma_wait3A_373 = tpu.memref_slice %arg37[%dma_wait3A_372] : memref<10240xf32, #tpu.memory_space<vmem>> -> memref<128xf32, #tpu.memory_space<vmem>>
    %dma_wait3A_374 = arith.constant 0 : i32
    %dma_wait3A_375 = tpu.memref_slice %arg33[%dma_wait3A_371, %dma_wait3A_374] : memref<4x128xi32, #tpu.memory_space<vmem>> -> memref<1x128xi32, #tpu.memory_space<vmem>>
    %dma_wait3A_376 = tpu.memref_squeeze %dma_wait3A_375 : memref<1x128xi32, #tpu.memory_space<vmem>> -> memref<128xi32, #tpu.memory_space<vmem>>
    %dma_wait3A_377 = arith.constant 0 : i32
    %dma_wait3A_378 = tpu.memref_slice %arg6[%dma_wait3A_377] : memref<1000000xf32, #tpu.memory_space<hbm>> -> memref<1000000xf32, #tpu.memory_space<hbm>>
    tpu.wait_indirect_dma semaphore(%arg39 : memref<!tpu.dma_semaphore, #tpu.memory_space<semaphore_mem>>) src(%dma_wait3A_378 : memref<1000000xf32, #tpu.memory_space<hbm>>) dst(%dma_wait3A_373 : memref<128xf32, #tpu.memory_space<vmem>>)
    %dma_wait3A_379 = arith.constant 0 : i32
    %dma_wait3A_380 = arith.constant 640 : i32
    %dma_wait3A_381 = tpu.memref_slice %arg37[%dma_wait3A_380] : memref<10240xf32, #tpu.memory_space<vmem>> -> memref<128xf32, #tpu.memory_space<vmem>>
    %dma_wait3A_382 = arith.constant 0 : i32
    %dma_wait3A_383 = tpu.memref_slice %arg33[%dma_wait3A_379, %dma_wait3A_382] : memref<4x128xi32, #tpu.memory_space<vmem>> -> memref<1x128xi32, #tpu.memory_space<vmem>>
    %dma_wait3A_384 = tpu.memref_squeeze %dma_wait3A_383 : memref<1x128xi32, #tpu.memory_space<vmem>> -> memref<128xi32, #tpu.memory_space<vmem>>
    %dma_wait3A_385 = arith.constant 0 : i32
    %dma_wait3A_386 = tpu.memref_slice %arg7[%dma_wait3A_385] : memref<1000000xf32, #tpu.memory_space<hbm>> -> memref<1000000xf32, #tpu.memory_space<hbm>>
    tpu.wait_indirect_dma semaphore(%arg39 : memref<!tpu.dma_semaphore, #tpu.memory_space<semaphore_mem>>) src(%dma_wait3A_386 : memref<1000000xf32, #tpu.memory_space<hbm>>) dst(%dma_wait3A_381 : memref<128xf32, #tpu.memory_space<vmem>>)
    %dma_wait3A_387 = arith.constant 0 : i32
    %dma_wait3A_388 = arith.constant 768 : i32
    %dma_wait3A_389 = tpu.memref_slice %arg37[%dma_wait3A_388] : memref<10240xf32, #tpu.memory_space<vmem>> -> memref<128xf32, #tpu.memory_space<vmem>>
    %dma_wait3A_390 = arith.constant 0 : i32
    %dma_wait3A_391 = tpu.memref_slice %arg33[%dma_wait3A_387, %dma_wait3A_390] : memref<4x128xi32, #tpu.memory_space<vmem>> -> memref<1x128xi32, #tpu.memory_space<vmem>>
    %dma_wait3A_392 = tpu.memref_squeeze %dma_wait3A_391 : memref<1x128xi32, #tpu.memory_space<vmem>> -> memref<128xi32, #tpu.memory_space<vmem>>
    %dma_wait3A_393 = arith.constant 0 : i32
    %dma_wait3A_394 = tpu.memref_slice %arg8[%dma_wait3A_393] : memref<1000000xf32, #tpu.memory_space<hbm>> -> memref<1000000xf32, #tpu.memory_space<hbm>>
    tpu.wait_indirect_dma semaphore(%arg39 : memref<!tpu.dma_semaphore, #tpu.memory_space<semaphore_mem>>) src(%dma_wait3A_394 : memref<1000000xf32, #tpu.memory_space<hbm>>) dst(%dma_wait3A_389 : memref<128xf32, #tpu.memory_space<vmem>>)
    %dma_wait3A_395 = arith.constant 0 : i32
    %dma_wait3A_396 = arith.constant 896 : i32
    %dma_wait3A_397 = tpu.memref_slice %arg37[%dma_wait3A_396] : memref<10240xf32, #tpu.memory_space<vmem>> -> memref<128xf32, #tpu.memory_space<vmem>>
    %dma_wait3A_398 = arith.constant 0 : i32
    %dma_wait3A_399 = tpu.memref_slice %arg33[%dma_wait3A_395, %dma_wait3A_398] : memref<4x128xi32, #tpu.memory_space<vmem>> -> memref<1x128xi32, #tpu.memory_space<vmem>>
    %dma_wait3A_400 = tpu.memref_squeeze %dma_wait3A_399 : memref<1x128xi32, #tpu.memory_space<vmem>> -> memref<128xi32, #tpu.memory_space<vmem>>
    %dma_wait3A_401 = arith.constant 0 : i32
    %dma_wait3A_402 = tpu.memref_slice %arg9[%dma_wait3A_401] : memref<1000000xf32, #tpu.memory_space<hbm>> -> memref<1000000xf32, #tpu.memory_space<hbm>>
    tpu.wait_indirect_dma semaphore(%arg39 : memref<!tpu.dma_semaphore, #tpu.memory_space<semaphore_mem>>) src(%dma_wait3A_402 : memref<1000000xf32, #tpu.memory_space<hbm>>) dst(%dma_wait3A_397 : memref<128xf32, #tpu.memory_space<vmem>>)
    %dma_wait3A_403 = arith.constant 0 : i32
    %dma_wait3A_404 = arith.constant 1024 : i32
    %dma_wait3A_405 = tpu.memref_slice %arg37[%dma_wait3A_404] : memref<10240xf32, #tpu.memory_space<vmem>> -> memref<128xf32, #tpu.memory_space<vmem>>
    %dma_wait3A_406 = arith.constant 0 : i32
    %dma_wait3A_407 = tpu.memref_slice %arg33[%dma_wait3A_403, %dma_wait3A_406] : memref<4x128xi32, #tpu.memory_space<vmem>> -> memref<1x128xi32, #tpu.memory_space<vmem>>
    %dma_wait3A_408 = tpu.memref_squeeze %dma_wait3A_407 : memref<1x128xi32, #tpu.memory_space<vmem>> -> memref<128xi32, #tpu.memory_space<vmem>>
    %dma_wait3A_409 = arith.constant 0 : i32
    %dma_wait3A_410 = tpu.memref_slice %arg10[%dma_wait3A_409] : memref<1000000xf32, #tpu.memory_space<hbm>> -> memref<1000000xf32, #tpu.memory_space<hbm>>
    tpu.wait_indirect_dma semaphore(%arg39 : memref<!tpu.dma_semaphore, #tpu.memory_space<semaphore_mem>>) src(%dma_wait3A_410 : memref<1000000xf32, #tpu.memory_space<hbm>>) dst(%dma_wait3A_405 : memref<128xf32, #tpu.memory_space<vmem>>)
    %dma_wait3A_411 = arith.constant 0 : i32
    %dma_wait3A_412 = arith.constant 1152 : i32
    %dma_wait3A_413 = tpu.memref_slice %arg37[%dma_wait3A_412] : memref<10240xf32, #tpu.memory_space<vmem>> -> memref<128xf32, #tpu.memory_space<vmem>>
    %dma_wait3A_414 = arith.constant 0 : i32
    %dma_wait3A_415 = tpu.memref_slice %arg33[%dma_wait3A_411, %dma_wait3A_414] : memref<4x128xi32, #tpu.memory_space<vmem>> -> memref<1x128xi32, #tpu.memory_space<vmem>>
    %dma_wait3A_416 = tpu.memref_squeeze %dma_wait3A_415 : memref<1x128xi32, #tpu.memory_space<vmem>> -> memref<128xi32, #tpu.memory_space<vmem>>
    %dma_wait3A_417 = arith.constant 0 : i32
    %dma_wait3A_418 = tpu.memref_slice %arg11[%dma_wait3A_417] : memref<1000000xf32, #tpu.memory_space<hbm>> -> memref<1000000xf32, #tpu.memory_space<hbm>>
    tpu.wait_indirect_dma semaphore(%arg39 : memref<!tpu.dma_semaphore, #tpu.memory_space<semaphore_mem>>) src(%dma_wait3A_418 : memref<1000000xf32, #tpu.memory_space<hbm>>) dst(%dma_wait3A_413 : memref<128xf32, #tpu.memory_space<vmem>>)
    %dma_wait3A_419 = arith.constant 0 : i32
    %dma_wait3A_420 = arith.constant 1280 : i32
    %dma_wait3A_421 = tpu.memref_slice %arg37[%dma_wait3A_420] : memref<10240xf32, #tpu.memory_space<vmem>> -> memref<128xf32, #tpu.memory_space<vmem>>
    %dma_wait3A_422 = arith.constant 0 : i32
    %dma_wait3A_423 = tpu.memref_slice %arg33[%dma_wait3A_419, %dma_wait3A_422] : memref<4x128xi32, #tpu.memory_space<vmem>> -> memref<1x128xi32, #tpu.memory_space<vmem>>
    %dma_wait3A_424 = tpu.memref_squeeze %dma_wait3A_423 : memref<1x128xi32, #tpu.memory_space<vmem>> -> memref<128xi32, #tpu.memory_space<vmem>>
    %dma_wait3A_425 = arith.constant 0 : i32
    %dma_wait3A_426 = tpu.memref_slice %arg12[%dma_wait3A_425] : memref<1000000xf32, #tpu.memory_space<hbm>> -> memref<1000000xf32, #tpu.memory_space<hbm>>
    tpu.wait_indirect_dma semaphore(%arg39 : memref<!tpu.dma_semaphore, #tpu.memory_space<semaphore_mem>>) src(%dma_wait3A_426 : memref<1000000xf32, #tpu.memory_space<hbm>>) dst(%dma_wait3A_421 : memref<128xf32, #tpu.memory_space<vmem>>)
    %dma_wait3A_427 = arith.constant 0 : i32
    %dma_wait3A_428 = arith.constant 1408 : i32
    %dma_wait3A_429 = tpu.memref_slice %arg37[%dma_wait3A_428] : memref<10240xf32, #tpu.memory_space<vmem>> -> memref<128xf32, #tpu.memory_space<vmem>>
    %dma_wait3A_430 = arith.constant 0 : i32
    %dma_wait3A_431 = tpu.memref_slice %arg33[%dma_wait3A_427, %dma_wait3A_430] : memref<4x128xi32, #tpu.memory_space<vmem>> -> memref<1x128xi32, #tpu.memory_space<vmem>>
    %dma_wait3A_432 = tpu.memref_squeeze %dma_wait3A_431 : memref<1x128xi32, #tpu.memory_space<vmem>> -> memref<128xi32, #tpu.memory_space<vmem>>
    %dma_wait3A_433 = arith.constant 0 : i32
    %dma_wait3A_434 = tpu.memref_slice %arg13[%dma_wait3A_433] : memref<1000000xf32, #tpu.memory_space<hbm>> -> memref<1000000xf32, #tpu.memory_space<hbm>>
    tpu.wait_indirect_dma semaphore(%arg39 : memref<!tpu.dma_semaphore, #tpu.memory_space<semaphore_mem>>) src(%dma_wait3A_434 : memref<1000000xf32, #tpu.memory_space<hbm>>) dst(%dma_wait3A_429 : memref<128xf32, #tpu.memory_space<vmem>>)
    %dma_wait3A_435 = arith.constant 0 : i32
    %dma_wait3A_436 = arith.constant 1536 : i32
    %dma_wait3A_437 = tpu.memref_slice %arg37[%dma_wait3A_436] : memref<10240xf32, #tpu.memory_space<vmem>> -> memref<128xf32, #tpu.memory_space<vmem>>
    %dma_wait3A_438 = arith.constant 0 : i32
    %dma_wait3A_439 = tpu.memref_slice %arg33[%dma_wait3A_435, %dma_wait3A_438] : memref<4x128xi32, #tpu.memory_space<vmem>> -> memref<1x128xi32, #tpu.memory_space<vmem>>
    %dma_wait3A_440 = tpu.memref_squeeze %dma_wait3A_439 : memref<1x128xi32, #tpu.memory_space<vmem>> -> memref<128xi32, #tpu.memory_space<vmem>>
    %dma_wait3A_441 = arith.constant 0 : i32
    %dma_wait3A_442 = tpu.memref_slice %arg14[%dma_wait3A_441] : memref<1000000xf32, #tpu.memory_space<hbm>> -> memref<1000000xf32, #tpu.memory_space<hbm>>
    tpu.wait_indirect_dma semaphore(%arg39 : memref<!tpu.dma_semaphore, #tpu.memory_space<semaphore_mem>>) src(%dma_wait3A_442 : memref<1000000xf32, #tpu.memory_space<hbm>>) dst(%dma_wait3A_437 : memref<128xf32, #tpu.memory_space<vmem>>)
    %dma_wait3A_443 = arith.constant 0 : i32
    %dma_wait3A_444 = arith.constant 1664 : i32
    %dma_wait3A_445 = tpu.memref_slice %arg37[%dma_wait3A_444] : memref<10240xf32, #tpu.memory_space<vmem>> -> memref<128xf32, #tpu.memory_space<vmem>>
    %dma_wait3A_446 = arith.constant 0 : i32
    %dma_wait3A_447 = tpu.memref_slice %arg33[%dma_wait3A_443, %dma_wait3A_446] : memref<4x128xi32, #tpu.memory_space<vmem>> -> memref<1x128xi32, #tpu.memory_space<vmem>>
    %dma_wait3A_448 = tpu.memref_squeeze %dma_wait3A_447 : memref<1x128xi32, #tpu.memory_space<vmem>> -> memref<128xi32, #tpu.memory_space<vmem>>
    %dma_wait3A_449 = arith.constant 0 : i32
    %dma_wait3A_450 = tpu.memref_slice %arg15[%dma_wait3A_449] : memref<1000000xf32, #tpu.memory_space<hbm>> -> memref<1000000xf32, #tpu.memory_space<hbm>>
    tpu.wait_indirect_dma semaphore(%arg39 : memref<!tpu.dma_semaphore, #tpu.memory_space<semaphore_mem>>) src(%dma_wait3A_450 : memref<1000000xf32, #tpu.memory_space<hbm>>) dst(%dma_wait3A_445 : memref<128xf32, #tpu.memory_space<vmem>>)
    %dma_wait3A_451 = arith.constant 0 : i32
    %dma_wait3A_452 = arith.constant 1792 : i32
    %dma_wait3A_453 = tpu.memref_slice %arg37[%dma_wait3A_452] : memref<10240xf32, #tpu.memory_space<vmem>> -> memref<128xf32, #tpu.memory_space<vmem>>
    %dma_wait3A_454 = arith.constant 0 : i32
    %dma_wait3A_455 = tpu.memref_slice %arg33[%dma_wait3A_451, %dma_wait3A_454] : memref<4x128xi32, #tpu.memory_space<vmem>> -> memref<1x128xi32, #tpu.memory_space<vmem>>
    %dma_wait3A_456 = tpu.memref_squeeze %dma_wait3A_455 : memref<1x128xi32, #tpu.memory_space<vmem>> -> memref<128xi32, #tpu.memory_space<vmem>>
    %dma_wait3A_457 = arith.constant 0 : i32
    %dma_wait3A_458 = tpu.memref_slice %arg16[%dma_wait3A_457] : memref<1000000xf32, #tpu.memory_space<hbm>> -> memref<1000000xf32, #tpu.memory_space<hbm>>
    tpu.wait_indirect_dma semaphore(%arg39 : memref<!tpu.dma_semaphore, #tpu.memory_space<semaphore_mem>>) src(%dma_wait3A_458 : memref<1000000xf32, #tpu.memory_space<hbm>>) dst(%dma_wait3A_453 : memref<128xf32, #tpu.memory_space<vmem>>)
    %dma_wait3A_459 = arith.constant 0 : i32
    %dma_wait3A_460 = arith.constant 1920 : i32
    %dma_wait3A_461 = tpu.memref_slice %arg37[%dma_wait3A_460] : memref<10240xf32, #tpu.memory_space<vmem>> -> memref<128xf32, #tpu.memory_space<vmem>>
    %dma_wait3A_462 = arith.constant 0 : i32
    %dma_wait3A_463 = tpu.memref_slice %arg33[%dma_wait3A_459, %dma_wait3A_462] : memref<4x128xi32, #tpu.memory_space<vmem>> -> memref<1x128xi32, #tpu.memory_space<vmem>>
    %dma_wait3A_464 = tpu.memref_squeeze %dma_wait3A_463 : memref<1x128xi32, #tpu.memory_space<vmem>> -> memref<128xi32, #tpu.memory_space<vmem>>
    %dma_wait3A_465 = arith.constant 0 : i32
    %dma_wait3A_466 = tpu.memref_slice %arg17[%dma_wait3A_465] : memref<1000000xf32, #tpu.memory_space<hbm>> -> memref<1000000xf32, #tpu.memory_space<hbm>>
    tpu.wait_indirect_dma semaphore(%arg39 : memref<!tpu.dma_semaphore, #tpu.memory_space<semaphore_mem>>) src(%dma_wait3A_466 : memref<1000000xf32, #tpu.memory_space<hbm>>) dst(%dma_wait3A_461 : memref<128xf32, #tpu.memory_space<vmem>>)
    %dma_wait3A_467 = arith.constant 0 : i32
    %dma_wait3A_468 = arith.constant 2048 : i32
    %dma_wait3A_469 = tpu.memref_slice %arg37[%dma_wait3A_468] : memref<10240xf32, #tpu.memory_space<vmem>> -> memref<128xf32, #tpu.memory_space<vmem>>
    %dma_wait3A_470 = arith.constant 0 : i32
    %dma_wait3A_471 = tpu.memref_slice %arg33[%dma_wait3A_467, %dma_wait3A_470] : memref<4x128xi32, #tpu.memory_space<vmem>> -> memref<1x128xi32, #tpu.memory_space<vmem>>
    %dma_wait3A_472 = tpu.memref_squeeze %dma_wait3A_471 : memref<1x128xi32, #tpu.memory_space<vmem>> -> memref<128xi32, #tpu.memory_space<vmem>>
    %dma_wait3A_473 = arith.constant 0 : i32
    %dma_wait3A_474 = tpu.memref_slice %arg18[%dma_wait3A_473] : memref<1000000xf32, #tpu.memory_space<hbm>> -> memref<1000000xf32, #tpu.memory_space<hbm>>
    tpu.wait_indirect_dma semaphore(%arg39 : memref<!tpu.dma_semaphore, #tpu.memory_space<semaphore_mem>>) src(%dma_wait3A_474 : memref<1000000xf32, #tpu.memory_space<hbm>>) dst(%dma_wait3A_469 : memref<128xf32, #tpu.memory_space<vmem>>)
    %dma_wait3A_475 = arith.constant 0 : i32
    %dma_wait3A_476 = arith.constant 2176 : i32
    %dma_wait3A_477 = tpu.memref_slice %arg37[%dma_wait3A_476] : memref<10240xf32, #tpu.memory_space<vmem>> -> memref<128xf32, #tpu.memory_space<vmem>>
    %dma_wait3A_478 = arith.constant 0 : i32
    %dma_wait3A_479 = tpu.memref_slice %arg33[%dma_wait3A_475, %dma_wait3A_478] : memref<4x128xi32, #tpu.memory_space<vmem>> -> memref<1x128xi32, #tpu.memory_space<vmem>>
    %dma_wait3A_480 = tpu.memref_squeeze %dma_wait3A_479 : memref<1x128xi32, #tpu.memory_space<vmem>> -> memref<128xi32, #tpu.memory_space<vmem>>
    %dma_wait3A_481 = arith.constant 0 : i32
    %dma_wait3A_482 = tpu.memref_slice %arg19[%dma_wait3A_481] : memref<1000000xf32, #tpu.memory_space<hbm>> -> memref<1000000xf32, #tpu.memory_space<hbm>>
    tpu.wait_indirect_dma semaphore(%arg39 : memref<!tpu.dma_semaphore, #tpu.memory_space<semaphore_mem>>) src(%dma_wait3A_482 : memref<1000000xf32, #tpu.memory_space<hbm>>) dst(%dma_wait3A_477 : memref<128xf32, #tpu.memory_space<vmem>>)
    %dma_wait3A_483 = arith.constant 0 : i32
    %dma_wait3A_484 = arith.constant 2304 : i32
    %dma_wait3A_485 = tpu.memref_slice %arg37[%dma_wait3A_484] : memref<10240xf32, #tpu.memory_space<vmem>> -> memref<128xf32, #tpu.memory_space<vmem>>
    %dma_wait3A_486 = arith.constant 0 : i32
    %dma_wait3A_487 = tpu.memref_slice %arg33[%dma_wait3A_483, %dma_wait3A_486] : memref<4x128xi32, #tpu.memory_space<vmem>> -> memref<1x128xi32, #tpu.memory_space<vmem>>
    %dma_wait3A_488 = tpu.memref_squeeze %dma_wait3A_487 : memref<1x128xi32, #tpu.memory_space<vmem>> -> memref<128xi32, #tpu.memory_space<vmem>>
    %dma_wait3A_489 = arith.constant 0 : i32
    %dma_wait3A_490 = tpu.memref_slice %arg20[%dma_wait3A_489] : memref<1000000xf32, #tpu.memory_space<hbm>> -> memref<1000000xf32, #tpu.memory_space<hbm>>
    tpu.wait_indirect_dma semaphore(%arg39 : memref<!tpu.dma_semaphore, #tpu.memory_space<semaphore_mem>>) src(%dma_wait3A_490 : memref<1000000xf32, #tpu.memory_space<hbm>>) dst(%dma_wait3A_485 : memref<128xf32, #tpu.memory_space<vmem>>)
    %dma_wait3A_491 = arith.constant 0 : i32
    %dma_wait3A_492 = arith.constant 2432 : i32
    %dma_wait3A_493 = tpu.memref_slice %arg37[%dma_wait3A_492] : memref<10240xf32, #tpu.memory_space<vmem>> -> memref<128xf32, #tpu.memory_space<vmem>>
    %dma_wait3A_494 = arith.constant 0 : i32
    %dma_wait3A_495 = tpu.memref_slice %arg33[%dma_wait3A_491, %dma_wait3A_494] : memref<4x128xi32, #tpu.memory_space<vmem>> -> memref<1x128xi32, #tpu.memory_space<vmem>>
    %dma_wait3A_496 = tpu.memref_squeeze %dma_wait3A_495 : memref<1x128xi32, #tpu.memory_space<vmem>> -> memref<128xi32, #tpu.memory_space<vmem>>
    %dma_wait3A_497 = arith.constant 0 : i32
    %dma_wait3A_498 = tpu.memref_slice %arg21[%dma_wait3A_497] : memref<1000000xf32, #tpu.memory_space<hbm>> -> memref<1000000xf32, #tpu.memory_space<hbm>>
    tpu.wait_indirect_dma semaphore(%arg39 : memref<!tpu.dma_semaphore, #tpu.memory_space<semaphore_mem>>) src(%dma_wait3A_498 : memref<1000000xf32, #tpu.memory_space<hbm>>) dst(%dma_wait3A_493 : memref<128xf32, #tpu.memory_space<vmem>>)
    %dma_wait3A_499 = arith.constant 0 : i32
    %dma_wait3A_500 = arith.constant 0 : i32
    %dma_wait3A_501 = arith.constant 0 : i32
    %dma_wait3A_502 = tpu.memref_slice %arg35[%dma_wait3A_500, %dma_wait3A_501] : memref<4x128xi32, #tpu.memory_space<vmem>> -> memref<1x128xi32, #tpu.memory_space<vmem>>
    %dma_wait3A_503 = tpu.memref_squeeze %dma_wait3A_502 : memref<1x128xi32, #tpu.memory_space<vmem>> -> memref<128xi32, #tpu.memory_space<vmem>>
    %dma_wait3A_504 = arith.constant 0 : i32
    %dma_wait3A_505 = tpu.memref_slice %arg34[%dma_wait3A_499, %dma_wait3A_504] : memref<4x128xi32, #tpu.memory_space<vmem>> -> memref<1x128xi32, #tpu.memory_space<vmem>>
    %dma_wait3A_506 = tpu.memref_squeeze %dma_wait3A_505 : memref<1x128xi32, #tpu.memory_space<vmem>> -> memref<128xi32, #tpu.memory_space<vmem>>
    %dma_wait3A_507 = arith.constant 0 : i32
    %dma_wait3A_508 = tpu.memref_slice %arg24[%dma_wait3A_507] : memref<16384xi32, #tpu.memory_space<hbm>> -> memref<16384xi32, #tpu.memory_space<hbm>>
    tpu.wait_indirect_dma semaphore(%arg40 : memref<!tpu.dma_semaphore, #tpu.memory_space<semaphore_mem>>) src(%dma_wait3A_508 : memref<16384xi32, #tpu.memory_space<hbm>>) dst(%dma_wait3A_503 : memref<128xi32, #tpu.memory_space<vmem>>)
    %dma_start3A_509 = arith.constant 1 : i32
    %dma_start3A_510 = arith.constant 2560 : i32
    %dma_start3A_511 = tpu.memref_slice %arg37[%dma_start3A_510] : memref<10240xf32, #tpu.memory_space<vmem>> -> memref<128xf32, #tpu.memory_space<vmem>>
    %dma_start3A_512 = arith.constant 0 : i32
    %dma_start3A_513 = tpu.memref_slice %arg33[%dma_start3A_509, %dma_start3A_512] : memref<4x128xi32, #tpu.memory_space<vmem>> -> memref<1x128xi32, #tpu.memory_space<vmem>>
    %dma_start3A_514 = tpu.memref_squeeze %dma_start3A_513 : memref<1x128xi32, #tpu.memory_space<vmem>> -> memref<128xi32, #tpu.memory_space<vmem>>
    %dma_start3A_515 = arith.constant 0 : i32
    %dma_start3A_516 = tpu.memref_slice %arg2[%dma_start3A_515] : memref<1000000xf32, #tpu.memory_space<hbm>> -> memref<1000000xf32, #tpu.memory_space<hbm>>
    tpu.enqueue_indirect_dma source(%dma_start3A_516 : memref<1000000xf32, #tpu.memory_space<hbm>>) target(%dma_start3A_511 : memref<128xf32, #tpu.memory_space<vmem>>) offsets(%dma_start3A_514 : memref<128xi32, #tpu.memory_space<vmem>>) semaphore(%arg39 : memref<!tpu.dma_semaphore, #tpu.memory_space<semaphore_mem>>)
    %dma_start3A_517 = arith.constant 1 : i32
    %dma_start3A_518 = arith.constant 2688 : i32
    %dma_start3A_519 = tpu.memref_slice %arg37[%dma_start3A_518] : memref<10240xf32, #tpu.memory_space<vmem>> -> memref<128xf32, #tpu.memory_space<vmem>>
    %dma_start3A_520 = arith.constant 0 : i32
    %dma_start3A_521 = tpu.memref_slice %arg33[%dma_start3A_517, %dma_start3A_520] : memref<4x128xi32, #tpu.memory_space<vmem>> -> memref<1x128xi32, #tpu.memory_space<vmem>>
    %dma_start3A_522 = tpu.memref_squeeze %dma_start3A_521 : memref<1x128xi32, #tpu.memory_space<vmem>> -> memref<128xi32, #tpu.memory_space<vmem>>
    %dma_start3A_523 = arith.constant 0 : i32
    %dma_start3A_524 = tpu.memref_slice %arg3[%dma_start3A_523] : memref<1000000xf32, #tpu.memory_space<hbm>> -> memref<1000000xf32, #tpu.memory_space<hbm>>
    tpu.enqueue_indirect_dma source(%dma_start3A_524 : memref<1000000xf32, #tpu.memory_space<hbm>>) target(%dma_start3A_519 : memref<128xf32, #tpu.memory_space<vmem>>) offsets(%dma_start3A_522 : memref<128xi32, #tpu.memory_space<vmem>>) semaphore(%arg39 : memref<!tpu.dma_semaphore, #tpu.memory_space<semaphore_mem>>)
    %dma_start3A_525 = arith.constant 1 : i32
    %dma_start3A_526 = arith.constant 2816 : i32
    %dma_start3A_527 = tpu.memref_slice %arg37[%dma_start3A_526] : memref<10240xf32, #tpu.memory_space<vmem>> -> memref<128xf32, #tpu.memory_space<vmem>>
    %dma_start3A_528 = arith.constant 0 : i32
    %dma_start3A_529 = tpu.memref_slice %arg33[%dma_start3A_525, %dma_start3A_528] : memref<4x128xi32, #tpu.memory_space<vmem>> -> memref<1x128xi32, #tpu.memory_space<vmem>>
    %dma_start3A_530 = tpu.memref_squeeze %dma_start3A_529 : memref<1x128xi32, #tpu.memory_space<vmem>> -> memref<128xi32, #tpu.memory_space<vmem>>
    %dma_start3A_531 = arith.constant 0 : i32
    %dma_start3A_532 = tpu.memref_slice %arg4[%dma_start3A_531] : memref<1000000xf32, #tpu.memory_space<hbm>> -> memref<1000000xf32, #tpu.memory_space<hbm>>
    tpu.enqueue_indirect_dma source(%dma_start3A_532 : memref<1000000xf32, #tpu.memory_space<hbm>>) target(%dma_start3A_527 : memref<128xf32, #tpu.memory_space<vmem>>) offsets(%dma_start3A_530 : memref<128xi32, #tpu.memory_space<vmem>>) semaphore(%arg39 : memref<!tpu.dma_semaphore, #tpu.memory_space<semaphore_mem>>)
    %dma_start3A_533 = arith.constant 1 : i32
    %dma_start3A_534 = arith.constant 2944 : i32
    %dma_start3A_535 = tpu.memref_slice %arg37[%dma_start3A_534] : memref<10240xf32, #tpu.memory_space<vmem>> -> memref<128xf32, #tpu.memory_space<vmem>>
    %dma_start3A_536 = arith.constant 0 : i32
    %dma_start3A_537 = tpu.memref_slice %arg33[%dma_start3A_533, %dma_start3A_536] : memref<4x128xi32, #tpu.memory_space<vmem>> -> memref<1x128xi32, #tpu.memory_space<vmem>>
    %dma_start3A_538 = tpu.memref_squeeze %dma_start3A_537 : memref<1x128xi32, #tpu.memory_space<vmem>> -> memref<128xi32, #tpu.memory_space<vmem>>
    %dma_start3A_539 = arith.constant 0 : i32
    %dma_start3A_540 = tpu.memref_slice %arg5[%dma_start3A_539] : memref<1000000xf32, #tpu.memory_space<hbm>> -> memref<1000000xf32, #tpu.memory_space<hbm>>
    tpu.enqueue_indirect_dma source(%dma_start3A_540 : memref<1000000xf32, #tpu.memory_space<hbm>>) target(%dma_start3A_535 : memref<128xf32, #tpu.memory_space<vmem>>) offsets(%dma_start3A_538 : memref<128xi32, #tpu.memory_space<vmem>>) semaphore(%arg39 : memref<!tpu.dma_semaphore, #tpu.memory_space<semaphore_mem>>)
    %dma_start3A_541 = arith.constant 1 : i32
    %dma_start3A_542 = arith.constant 3072 : i32
    %dma_start3A_543 = tpu.memref_slice %arg37[%dma_start3A_542] : memref<10240xf32, #tpu.memory_space<vmem>> -> memref<128xf32, #tpu.memory_space<vmem>>
    %dma_start3A_544 = arith.constant 0 : i32
    %dma_start3A_545 = tpu.memref_slice %arg33[%dma_start3A_541, %dma_start3A_544] : memref<4x128xi32, #tpu.memory_space<vmem>> -> memref<1x128xi32, #tpu.memory_space<vmem>>
    %dma_start3A_546 = tpu.memref_squeeze %dma_start3A_545 : memref<1x128xi32, #tpu.memory_space<vmem>> -> memref<128xi32, #tpu.memory_space<vmem>>
    %dma_start3A_547 = arith.constant 0 : i32
    %dma_start3A_548 = tpu.memref_slice %arg6[%dma_start3A_547] : memref<1000000xf32, #tpu.memory_space<hbm>> -> memref<1000000xf32, #tpu.memory_space<hbm>>
    tpu.enqueue_indirect_dma source(%dma_start3A_548 : memref<1000000xf32, #tpu.memory_space<hbm>>) target(%dma_start3A_543 : memref<128xf32, #tpu.memory_space<vmem>>) offsets(%dma_start3A_546 : memref<128xi32, #tpu.memory_space<vmem>>) semaphore(%arg39 : memref<!tpu.dma_semaphore, #tpu.memory_space<semaphore_mem>>)
    %dma_start3A_549 = arith.constant 1 : i32
    %dma_start3A_550 = arith.constant 3200 : i32
    %dma_start3A_551 = tpu.memref_slice %arg37[%dma_start3A_550] : memref<10240xf32, #tpu.memory_space<vmem>> -> memref<128xf32, #tpu.memory_space<vmem>>
    %dma_start3A_552 = arith.constant 0 : i32
    %dma_start3A_553 = tpu.memref_slice %arg33[%dma_start3A_549, %dma_start3A_552] : memref<4x128xi32, #tpu.memory_space<vmem>> -> memref<1x128xi32, #tpu.memory_space<vmem>>
    %dma_start3A_554 = tpu.memref_squeeze %dma_start3A_553 : memref<1x128xi32, #tpu.memory_space<vmem>> -> memref<128xi32, #tpu.memory_space<vmem>>
    %dma_start3A_555 = arith.constant 0 : i32
    %dma_start3A_556 = tpu.memref_slice %arg7[%dma_start3A_555] : memref<1000000xf32, #tpu.memory_space<hbm>> -> memref<1000000xf32, #tpu.memory_space<hbm>>
    tpu.enqueue_indirect_dma source(%dma_start3A_556 : memref<1000000xf32, #tpu.memory_space<hbm>>) target(%dma_start3A_551 : memref<128xf32, #tpu.memory_space<vmem>>) offsets(%dma_start3A_554 : memref<128xi32, #tpu.memory_space<vmem>>) semaphore(%arg39 : memref<!tpu.dma_semaphore, #tpu.memory_space<semaphore_mem>>)
    %dma_start3A_557 = arith.constant 1 : i32
    %dma_start3A_558 = arith.constant 3328 : i32
    %dma_start3A_559 = tpu.memref_slice %arg37[%dma_start3A_558] : memref<10240xf32, #tpu.memory_space<vmem>> -> memref<128xf32, #tpu.memory_space<vmem>>
    %dma_start3A_560 = arith.constant 0 : i32
    %dma_start3A_561 = tpu.memref_slice %arg33[%dma_start3A_557, %dma_start3A_560] : memref<4x128xi32, #tpu.memory_space<vmem>> -> memref<1x128xi32, #tpu.memory_space<vmem>>
    %dma_start3A_562 = tpu.memref_squeeze %dma_start3A_561 : memref<1x128xi32, #tpu.memory_space<vmem>> -> memref<128xi32, #tpu.memory_space<vmem>>
    %dma_start3A_563 = arith.constant 0 : i32
    %dma_start3A_564 = tpu.memref_slice %arg8[%dma_start3A_563] : memref<1000000xf32, #tpu.memory_space<hbm>> -> memref<1000000xf32, #tpu.memory_space<hbm>>
    tpu.enqueue_indirect_dma source(%dma_start3A_564 : memref<1000000xf32, #tpu.memory_space<hbm>>) target(%dma_start3A_559 : memref<128xf32, #tpu.memory_space<vmem>>) offsets(%dma_start3A_562 : memref<128xi32, #tpu.memory_space<vmem>>) semaphore(%arg39 : memref<!tpu.dma_semaphore, #tpu.memory_space<semaphore_mem>>)
    %dma_start3A_565 = arith.constant 1 : i32
    %dma_start3A_566 = arith.constant 3456 : i32
    %dma_start3A_567 = tpu.memref_slice %arg37[%dma_start3A_566] : memref<10240xf32, #tpu.memory_space<vmem>> -> memref<128xf32, #tpu.memory_space<vmem>>
    %dma_start3A_568 = arith.constant 0 : i32
    %dma_start3A_569 = tpu.memref_slice %arg33[%dma_start3A_565, %dma_start3A_568] : memref<4x128xi32, #tpu.memory_space<vmem>> -> memref<1x128xi32, #tpu.memory_space<vmem>>
    %dma_start3A_570 = tpu.memref_squeeze %dma_start3A_569 : memref<1x128xi32, #tpu.memory_space<vmem>> -> memref<128xi32, #tpu.memory_space<vmem>>
    %dma_start3A_571 = arith.constant 0 : i32
    %dma_start3A_572 = tpu.memref_slice %arg9[%dma_start3A_571] : memref<1000000xf32, #tpu.memory_space<hbm>> -> memref<1000000xf32, #tpu.memory_space<hbm>>
    tpu.enqueue_indirect_dma source(%dma_start3A_572 : memref<1000000xf32, #tpu.memory_space<hbm>>) target(%dma_start3A_567 : memref<128xf32, #tpu.memory_space<vmem>>) offsets(%dma_start3A_570 : memref<128xi32, #tpu.memory_space<vmem>>) semaphore(%arg39 : memref<!tpu.dma_semaphore, #tpu.memory_space<semaphore_mem>>)
    %dma_start3A_573 = arith.constant 1 : i32
    %dma_start3A_574 = arith.constant 3584 : i32
    %dma_start3A_575 = tpu.memref_slice %arg37[%dma_start3A_574] : memref<10240xf32, #tpu.memory_space<vmem>> -> memref<128xf32, #tpu.memory_space<vmem>>
    %dma_start3A_576 = arith.constant 0 : i32
    %dma_start3A_577 = tpu.memref_slice %arg33[%dma_start3A_573, %dma_start3A_576] : memref<4x128xi32, #tpu.memory_space<vmem>> -> memref<1x128xi32, #tpu.memory_space<vmem>>
    %dma_start3A_578 = tpu.memref_squeeze %dma_start3A_577 : memref<1x128xi32, #tpu.memory_space<vmem>> -> memref<128xi32, #tpu.memory_space<vmem>>
    %dma_start3A_579 = arith.constant 0 : i32
    %dma_start3A_580 = tpu.memref_slice %arg10[%dma_start3A_579] : memref<1000000xf32, #tpu.memory_space<hbm>> -> memref<1000000xf32, #tpu.memory_space<hbm>>
    tpu.enqueue_indirect_dma source(%dma_start3A_580 : memref<1000000xf32, #tpu.memory_space<hbm>>) target(%dma_start3A_575 : memref<128xf32, #tpu.memory_space<vmem>>) offsets(%dma_start3A_578 : memref<128xi32, #tpu.memory_space<vmem>>) semaphore(%arg39 : memref<!tpu.dma_semaphore, #tpu.memory_space<semaphore_mem>>)
    %dma_start3A_581 = arith.constant 1 : i32
    %dma_start3A_582 = arith.constant 3712 : i32
    %dma_start3A_583 = tpu.memref_slice %arg37[%dma_start3A_582] : memref<10240xf32, #tpu.memory_space<vmem>> -> memref<128xf32, #tpu.memory_space<vmem>>
    %dma_start3A_584 = arith.constant 0 : i32
    %dma_start3A_585 = tpu.memref_slice %arg33[%dma_start3A_581, %dma_start3A_584] : memref<4x128xi32, #tpu.memory_space<vmem>> -> memref<1x128xi32, #tpu.memory_space<vmem>>
    %dma_start3A_586 = tpu.memref_squeeze %dma_start3A_585 : memref<1x128xi32, #tpu.memory_space<vmem>> -> memref<128xi32, #tpu.memory_space<vmem>>
    %dma_start3A_587 = arith.constant 0 : i32
    %dma_start3A_588 = tpu.memref_slice %arg11[%dma_start3A_587] : memref<1000000xf32, #tpu.memory_space<hbm>> -> memref<1000000xf32, #tpu.memory_space<hbm>>
    tpu.enqueue_indirect_dma source(%dma_start3A_588 : memref<1000000xf32, #tpu.memory_space<hbm>>) target(%dma_start3A_583 : memref<128xf32, #tpu.memory_space<vmem>>) offsets(%dma_start3A_586 : memref<128xi32, #tpu.memory_space<vmem>>) semaphore(%arg39 : memref<!tpu.dma_semaphore, #tpu.memory_space<semaphore_mem>>)
    %dma_start3A_589 = arith.constant 1 : i32
    %dma_start3A_590 = arith.constant 3840 : i32
    %dma_start3A_591 = tpu.memref_slice %arg37[%dma_start3A_590] : memref<10240xf32, #tpu.memory_space<vmem>> -> memref<128xf32, #tpu.memory_space<vmem>>
    %dma_start3A_592 = arith.constant 0 : i32
    %dma_start3A_593 = tpu.memref_slice %arg33[%dma_start3A_589, %dma_start3A_592] : memref<4x128xi32, #tpu.memory_space<vmem>> -> memref<1x128xi32, #tpu.memory_space<vmem>>
    %dma_start3A_594 = tpu.memref_squeeze %dma_start3A_593 : memref<1x128xi32, #tpu.memory_space<vmem>> -> memref<128xi32, #tpu.memory_space<vmem>>
    %dma_start3A_595 = arith.constant 0 : i32
    %dma_start3A_596 = tpu.memref_slice %arg12[%dma_start3A_595] : memref<1000000xf32, #tpu.memory_space<hbm>> -> memref<1000000xf32, #tpu.memory_space<hbm>>
    tpu.enqueue_indirect_dma source(%dma_start3A_596 : memref<1000000xf32, #tpu.memory_space<hbm>>) target(%dma_start3A_591 : memref<128xf32, #tpu.memory_space<vmem>>) offsets(%dma_start3A_594 : memref<128xi32, #tpu.memory_space<vmem>>) semaphore(%arg39 : memref<!tpu.dma_semaphore, #tpu.memory_space<semaphore_mem>>)
    %dma_start3A_597 = arith.constant 1 : i32
    %dma_start3A_598 = arith.constant 3968 : i32
    %dma_start3A_599 = tpu.memref_slice %arg37[%dma_start3A_598] : memref<10240xf32, #tpu.memory_space<vmem>> -> memref<128xf32, #tpu.memory_space<vmem>>
    %dma_start3A_600 = arith.constant 0 : i32
    %dma_start3A_601 = tpu.memref_slice %arg33[%dma_start3A_597, %dma_start3A_600] : memref<4x128xi32, #tpu.memory_space<vmem>> -> memref<1x128xi32, #tpu.memory_space<vmem>>
    %dma_start3A_602 = tpu.memref_squeeze %dma_start3A_601 : memref<1x128xi32, #tpu.memory_space<vmem>> -> memref<128xi32, #tpu.memory_space<vmem>>
    %dma_start3A_603 = arith.constant 0 : i32
    %dma_start3A_604 = tpu.memref_slice %arg13[%dma_start3A_603] : memref<1000000xf32, #tpu.memory_space<hbm>> -> memref<1000000xf32, #tpu.memory_space<hbm>>
    tpu.enqueue_indirect_dma source(%dma_start3A_604 : memref<1000000xf32, #tpu.memory_space<hbm>>) target(%dma_start3A_599 : memref<128xf32, #tpu.memory_space<vmem>>) offsets(%dma_start3A_602 : memref<128xi32, #tpu.memory_space<vmem>>) semaphore(%arg39 : memref<!tpu.dma_semaphore, #tpu.memory_space<semaphore_mem>>)
    %dma_start3A_605 = arith.constant 1 : i32
    %dma_start3A_606 = arith.constant 4096 : i32
    %dma_start3A_607 = tpu.memref_slice %arg37[%dma_start3A_606] : memref<10240xf32, #tpu.memory_space<vmem>> -> memref<128xf32, #tpu.memory_space<vmem>>
    %dma_start3A_608 = arith.constant 0 : i32
    %dma_start3A_609 = tpu.memref_slice %arg33[%dma_start3A_605, %dma_start3A_608] : memref<4x128xi32, #tpu.memory_space<vmem>> -> memref<1x128xi32, #tpu.memory_space<vmem>>
    %dma_start3A_610 = tpu.memref_squeeze %dma_start3A_609 : memref<1x128xi32, #tpu.memory_space<vmem>> -> memref<128xi32, #tpu.memory_space<vmem>>
    %dma_start3A_611 = arith.constant 0 : i32
    %dma_start3A_612 = tpu.memref_slice %arg14[%dma_start3A_611] : memref<1000000xf32, #tpu.memory_space<hbm>> -> memref<1000000xf32, #tpu.memory_space<hbm>>
    tpu.enqueue_indirect_dma source(%dma_start3A_612 : memref<1000000xf32, #tpu.memory_space<hbm>>) target(%dma_start3A_607 : memref<128xf32, #tpu.memory_space<vmem>>) offsets(%dma_start3A_610 : memref<128xi32, #tpu.memory_space<vmem>>) semaphore(%arg39 : memref<!tpu.dma_semaphore, #tpu.memory_space<semaphore_mem>>)
    %dma_start3A_613 = arith.constant 1 : i32
    %dma_start3A_614 = arith.constant 4224 : i32
    %dma_start3A_615 = tpu.memref_slice %arg37[%dma_start3A_614] : memref<10240xf32, #tpu.memory_space<vmem>> -> memref<128xf32, #tpu.memory_space<vmem>>
    %dma_start3A_616 = arith.constant 0 : i32
    %dma_start3A_617 = tpu.memref_slice %arg33[%dma_start3A_613, %dma_start3A_616] : memref<4x128xi32, #tpu.memory_space<vmem>> -> memref<1x128xi32, #tpu.memory_space<vmem>>
    %dma_start3A_618 = tpu.memref_squeeze %dma_start3A_617 : memref<1x128xi32, #tpu.memory_space<vmem>> -> memref<128xi32, #tpu.memory_space<vmem>>
    %dma_start3A_619 = arith.constant 0 : i32
    %dma_start3A_620 = tpu.memref_slice %arg15[%dma_start3A_619] : memref<1000000xf32, #tpu.memory_space<hbm>> -> memref<1000000xf32, #tpu.memory_space<hbm>>
    tpu.enqueue_indirect_dma source(%dma_start3A_620 : memref<1000000xf32, #tpu.memory_space<hbm>>) target(%dma_start3A_615 : memref<128xf32, #tpu.memory_space<vmem>>) offsets(%dma_start3A_618 : memref<128xi32, #tpu.memory_space<vmem>>) semaphore(%arg39 : memref<!tpu.dma_semaphore, #tpu.memory_space<semaphore_mem>>)
    %dma_start3A_621 = arith.constant 1 : i32
    %dma_start3A_622 = arith.constant 4352 : i32
    %dma_start3A_623 = tpu.memref_slice %arg37[%dma_start3A_622] : memref<10240xf32, #tpu.memory_space<vmem>> -> memref<128xf32, #tpu.memory_space<vmem>>
    %dma_start3A_624 = arith.constant 0 : i32
    %dma_start3A_625 = tpu.memref_slice %arg33[%dma_start3A_621, %dma_start3A_624] : memref<4x128xi32, #tpu.memory_space<vmem>> -> memref<1x128xi32, #tpu.memory_space<vmem>>
    %dma_start3A_626 = tpu.memref_squeeze %dma_start3A_625 : memref<1x128xi32, #tpu.memory_space<vmem>> -> memref<128xi32, #tpu.memory_space<vmem>>
    %dma_start3A_627 = arith.constant 0 : i32
    %dma_start3A_628 = tpu.memref_slice %arg16[%dma_start3A_627] : memref<1000000xf32, #tpu.memory_space<hbm>> -> memref<1000000xf32, #tpu.memory_space<hbm>>
    tpu.enqueue_indirect_dma source(%dma_start3A_628 : memref<1000000xf32, #tpu.memory_space<hbm>>) target(%dma_start3A_623 : memref<128xf32, #tpu.memory_space<vmem>>) offsets(%dma_start3A_626 : memref<128xi32, #tpu.memory_space<vmem>>) semaphore(%arg39 : memref<!tpu.dma_semaphore, #tpu.memory_space<semaphore_mem>>)
    %dma_start3A_629 = arith.constant 1 : i32
    %dma_start3A_630 = arith.constant 4480 : i32
    %dma_start3A_631 = tpu.memref_slice %arg37[%dma_start3A_630] : memref<10240xf32, #tpu.memory_space<vmem>> -> memref<128xf32, #tpu.memory_space<vmem>>
    %dma_start3A_632 = arith.constant 0 : i32
    %dma_start3A_633 = tpu.memref_slice %arg33[%dma_start3A_629, %dma_start3A_632] : memref<4x128xi32, #tpu.memory_space<vmem>> -> memref<1x128xi32, #tpu.memory_space<vmem>>
    %dma_start3A_634 = tpu.memref_squeeze %dma_start3A_633 : memref<1x128xi32, #tpu.memory_space<vmem>> -> memref<128xi32, #tpu.memory_space<vmem>>
    %dma_start3A_635 = arith.constant 0 : i32
    %dma_start3A_636 = tpu.memref_slice %arg17[%dma_start3A_635] : memref<1000000xf32, #tpu.memory_space<hbm>> -> memref<1000000xf32, #tpu.memory_space<hbm>>
    tpu.enqueue_indirect_dma source(%dma_start3A_636 : memref<1000000xf32, #tpu.memory_space<hbm>>) target(%dma_start3A_631 : memref<128xf32, #tpu.memory_space<vmem>>) offsets(%dma_start3A_634 : memref<128xi32, #tpu.memory_space<vmem>>) semaphore(%arg39 : memref<!tpu.dma_semaphore, #tpu.memory_space<semaphore_mem>>)
    %dma_start3A_637 = arith.constant 1 : i32
    %dma_start3A_638 = arith.constant 4608 : i32
    %dma_start3A_639 = tpu.memref_slice %arg37[%dma_start3A_638] : memref<10240xf32, #tpu.memory_space<vmem>> -> memref<128xf32, #tpu.memory_space<vmem>>
    %dma_start3A_640 = arith.constant 0 : i32
    %dma_start3A_641 = tpu.memref_slice %arg33[%dma_start3A_637, %dma_start3A_640] : memref<4x128xi32, #tpu.memory_space<vmem>> -> memref<1x128xi32, #tpu.memory_space<vmem>>
    %dma_start3A_642 = tpu.memref_squeeze %dma_start3A_641 : memref<1x128xi32, #tpu.memory_space<vmem>> -> memref<128xi32, #tpu.memory_space<vmem>>
    %dma_start3A_643 = arith.constant 0 : i32
    %dma_start3A_644 = tpu.memref_slice %arg18[%dma_start3A_643] : memref<1000000xf32, #tpu.memory_space<hbm>> -> memref<1000000xf32, #tpu.memory_space<hbm>>
    tpu.enqueue_indirect_dma source(%dma_start3A_644 : memref<1000000xf32, #tpu.memory_space<hbm>>) target(%dma_start3A_639 : memref<128xf32, #tpu.memory_space<vmem>>) offsets(%dma_start3A_642 : memref<128xi32, #tpu.memory_space<vmem>>) semaphore(%arg39 : memref<!tpu.dma_semaphore, #tpu.memory_space<semaphore_mem>>)
    %dma_start3A_645 = arith.constant 1 : i32
    %dma_start3A_646 = arith.constant 4736 : i32
    %dma_start3A_647 = tpu.memref_slice %arg37[%dma_start3A_646] : memref<10240xf32, #tpu.memory_space<vmem>> -> memref<128xf32, #tpu.memory_space<vmem>>
    %dma_start3A_648 = arith.constant 0 : i32
    %dma_start3A_649 = tpu.memref_slice %arg33[%dma_start3A_645, %dma_start3A_648] : memref<4x128xi32, #tpu.memory_space<vmem>> -> memref<1x128xi32, #tpu.memory_space<vmem>>
    %dma_start3A_650 = tpu.memref_squeeze %dma_start3A_649 : memref<1x128xi32, #tpu.memory_space<vmem>> -> memref<128xi32, #tpu.memory_space<vmem>>
    %dma_start3A_651 = arith.constant 0 : i32
    %dma_start3A_652 = tpu.memref_slice %arg19[%dma_start3A_651] : memref<1000000xf32, #tpu.memory_space<hbm>> -> memref<1000000xf32, #tpu.memory_space<hbm>>
    tpu.enqueue_indirect_dma source(%dma_start3A_652 : memref<1000000xf32, #tpu.memory_space<hbm>>) target(%dma_start3A_647 : memref<128xf32, #tpu.memory_space<vmem>>) offsets(%dma_start3A_650 : memref<128xi32, #tpu.memory_space<vmem>>) semaphore(%arg39 : memref<!tpu.dma_semaphore, #tpu.memory_space<semaphore_mem>>)
    %dma_start3A_653 = arith.constant 1 : i32
    %dma_start3A_654 = arith.constant 4864 : i32
    %dma_start3A_655 = tpu.memref_slice %arg37[%dma_start3A_654] : memref<10240xf32, #tpu.memory_space<vmem>> -> memref<128xf32, #tpu.memory_space<vmem>>
    %dma_start3A_656 = arith.constant 0 : i32
    %dma_start3A_657 = tpu.memref_slice %arg33[%dma_start3A_653, %dma_start3A_656] : memref<4x128xi32, #tpu.memory_space<vmem>> -> memref<1x128xi32, #tpu.memory_space<vmem>>
    %dma_start3A_658 = tpu.memref_squeeze %dma_start3A_657 : memref<1x128xi32, #tpu.memory_space<vmem>> -> memref<128xi32, #tpu.memory_space<vmem>>
    %dma_start3A_659 = arith.constant 0 : i32
    %dma_start3A_660 = tpu.memref_slice %arg20[%dma_start3A_659] : memref<1000000xf32, #tpu.memory_space<hbm>> -> memref<1000000xf32, #tpu.memory_space<hbm>>
    tpu.enqueue_indirect_dma source(%dma_start3A_660 : memref<1000000xf32, #tpu.memory_space<hbm>>) target(%dma_start3A_655 : memref<128xf32, #tpu.memory_space<vmem>>) offsets(%dma_start3A_658 : memref<128xi32, #tpu.memory_space<vmem>>) semaphore(%arg39 : memref<!tpu.dma_semaphore, #tpu.memory_space<semaphore_mem>>)
    %dma_start3A_661 = arith.constant 1 : i32
    %dma_start3A_662 = arith.constant 4992 : i32
    %dma_start3A_663 = tpu.memref_slice %arg37[%dma_start3A_662] : memref<10240xf32, #tpu.memory_space<vmem>> -> memref<128xf32, #tpu.memory_space<vmem>>
    %dma_start3A_664 = arith.constant 0 : i32
    %dma_start3A_665 = tpu.memref_slice %arg33[%dma_start3A_661, %dma_start3A_664] : memref<4x128xi32, #tpu.memory_space<vmem>> -> memref<1x128xi32, #tpu.memory_space<vmem>>
    %dma_start3A_666 = tpu.memref_squeeze %dma_start3A_665 : memref<1x128xi32, #tpu.memory_space<vmem>> -> memref<128xi32, #tpu.memory_space<vmem>>
    %dma_start3A_667 = arith.constant 0 : i32
    %dma_start3A_668 = tpu.memref_slice %arg21[%dma_start3A_667] : memref<1000000xf32, #tpu.memory_space<hbm>> -> memref<1000000xf32, #tpu.memory_space<hbm>>
    tpu.enqueue_indirect_dma source(%dma_start3A_668 : memref<1000000xf32, #tpu.memory_space<hbm>>) target(%dma_start3A_663 : memref<128xf32, #tpu.memory_space<vmem>>) offsets(%dma_start3A_666 : memref<128xi32, #tpu.memory_space<vmem>>) semaphore(%arg39 : memref<!tpu.dma_semaphore, #tpu.memory_space<semaphore_mem>>)
    %dma_start3A_669 = arith.constant 1 : i32
    %dma_start3A_670 = arith.constant 1 : i32
    %dma_start3A_671 = arith.constant 0 : i32
    %dma_start3A_672 = tpu.memref_slice %arg35[%dma_start3A_670, %dma_start3A_671] : memref<4x128xi32, #tpu.memory_space<vmem>> -> memref<1x128xi32, #tpu.memory_space<vmem>>
    %dma_start3A_673 = tpu.memref_squeeze %dma_start3A_672 : memref<1x128xi32, #tpu.memory_space<vmem>> -> memref<128xi32, #tpu.memory_space<vmem>>
    %dma_start3A_674 = arith.constant 0 : i32
    %dma_start3A_675 = tpu.memref_slice %arg34[%dma_start3A_669, %dma_start3A_674] : memref<4x128xi32, #tpu.memory_space<vmem>> -> memref<1x128xi32, #tpu.memory_space<vmem>>
    %dma_start3A_676 = tpu.memref_squeeze %dma_start3A_675 : memref<1x128xi32, #tpu.memory_space<vmem>> -> memref<128xi32, #tpu.memory_space<vmem>>
    %dma_start3A_677 = arith.constant 0 : i32
    %dma_start3A_678 = tpu.memref_slice %arg24[%dma_start3A_677] : memref<16384xi32, #tpu.memory_space<hbm>> -> memref<16384xi32, #tpu.memory_space<hbm>>
    tpu.enqueue_indirect_dma source(%dma_start3A_678 : memref<16384xi32, #tpu.memory_space<hbm>>) target(%dma_start3A_673 : memref<128xi32, #tpu.memory_space<vmem>>) offsets(%dma_start3A_676 : memref<128xi32, #tpu.memory_space<vmem>>) semaphore(%arg40 : memref<!tpu.dma_semaphore, #tpu.memory_space<semaphore_mem>>)
    %dma_wait3A_679 = arith.constant 1 : i32
    %dma_wait3A_680 = arith.constant 2560 : i32
    %dma_wait3A_681 = tpu.memref_slice %arg37[%dma_wait3A_680] : memref<10240xf32, #tpu.memory_space<vmem>> -> memref<128xf32, #tpu.memory_space<vmem>>
    %dma_wait3A_682 = arith.constant 0 : i32
    %dma_wait3A_683 = tpu.memref_slice %arg33[%dma_wait3A_679, %dma_wait3A_682] : memref<4x128xi32, #tpu.memory_space<vmem>> -> memref<1x128xi32, #tpu.memory_space<vmem>>
    %dma_wait3A_684 = tpu.memref_squeeze %dma_wait3A_683 : memref<1x128xi32, #tpu.memory_space<vmem>> -> memref<128xi32, #tpu.memory_space<vmem>>
    %dma_wait3A_685 = arith.constant 0 : i32
    %dma_wait3A_686 = tpu.memref_slice %arg2[%dma_wait3A_685] : memref<1000000xf32, #tpu.memory_space<hbm>> -> memref<1000000xf32, #tpu.memory_space<hbm>>
    tpu.wait_indirect_dma semaphore(%arg39 : memref<!tpu.dma_semaphore, #tpu.memory_space<semaphore_mem>>) src(%dma_wait3A_686 : memref<1000000xf32, #tpu.memory_space<hbm>>) dst(%dma_wait3A_681 : memref<128xf32, #tpu.memory_space<vmem>>)
    %dma_wait3A_687 = arith.constant 1 : i32
    %dma_wait3A_688 = arith.constant 2688 : i32
    %dma_wait3A_689 = tpu.memref_slice %arg37[%dma_wait3A_688] : memref<10240xf32, #tpu.memory_space<vmem>> -> memref<128xf32, #tpu.memory_space<vmem>>
    %dma_wait3A_690 = arith.constant 0 : i32
    %dma_wait3A_691 = tpu.memref_slice %arg33[%dma_wait3A_687, %dma_wait3A_690] : memref<4x128xi32, #tpu.memory_space<vmem>> -> memref<1x128xi32, #tpu.memory_space<vmem>>
    %dma_wait3A_692 = tpu.memref_squeeze %dma_wait3A_691 : memref<1x128xi32, #tpu.memory_space<vmem>> -> memref<128xi32, #tpu.memory_space<vmem>>
    %dma_wait3A_693 = arith.constant 0 : i32
    %dma_wait3A_694 = tpu.memref_slice %arg3[%dma_wait3A_693] : memref<1000000xf32, #tpu.memory_space<hbm>> -> memref<1000000xf32, #tpu.memory_space<hbm>>
    tpu.wait_indirect_dma semaphore(%arg39 : memref<!tpu.dma_semaphore, #tpu.memory_space<semaphore_mem>>) src(%dma_wait3A_694 : memref<1000000xf32, #tpu.memory_space<hbm>>) dst(%dma_wait3A_689 : memref<128xf32, #tpu.memory_space<vmem>>)
    %dma_wait3A_695 = arith.constant 1 : i32
    %dma_wait3A_696 = arith.constant 2816 : i32
    %dma_wait3A_697 = tpu.memref_slice %arg37[%dma_wait3A_696] : memref<10240xf32, #tpu.memory_space<vmem>> -> memref<128xf32, #tpu.memory_space<vmem>>
    %dma_wait3A_698 = arith.constant 0 : i32
    %dma_wait3A_699 = tpu.memref_slice %arg33[%dma_wait3A_695, %dma_wait3A_698] : memref<4x128xi32, #tpu.memory_space<vmem>> -> memref<1x128xi32, #tpu.memory_space<vmem>>
    %dma_wait3A_700 = tpu.memref_squeeze %dma_wait3A_699 : memref<1x128xi32, #tpu.memory_space<vmem>> -> memref<128xi32, #tpu.memory_space<vmem>>
    %dma_wait3A_701 = arith.constant 0 : i32
    %dma_wait3A_702 = tpu.memref_slice %arg4[%dma_wait3A_701] : memref<1000000xf32, #tpu.memory_space<hbm>> -> memref<1000000xf32, #tpu.memory_space<hbm>>
    tpu.wait_indirect_dma semaphore(%arg39 : memref<!tpu.dma_semaphore, #tpu.memory_space<semaphore_mem>>) src(%dma_wait3A_702 : memref<1000000xf32, #tpu.memory_space<hbm>>) dst(%dma_wait3A_697 : memref<128xf32, #tpu.memory_space<vmem>>)
    %dma_wait3A_703 = arith.constant 1 : i32
    %dma_wait3A_704 = arith.constant 2944 : i32
    %dma_wait3A_705 = tpu.memref_slice %arg37[%dma_wait3A_704] : memref<10240xf32, #tpu.memory_space<vmem>> -> memref<128xf32, #tpu.memory_space<vmem>>
    %dma_wait3A_706 = arith.constant 0 : i32
    %dma_wait3A_707 = tpu.memref_slice %arg33[%dma_wait3A_703, %dma_wait3A_706] : memref<4x128xi32, #tpu.memory_space<vmem>> -> memref<1x128xi32, #tpu.memory_space<vmem>>
    %dma_wait3A_708 = tpu.memref_squeeze %dma_wait3A_707 : memref<1x128xi32, #tpu.memory_space<vmem>> -> memref<128xi32, #tpu.memory_space<vmem>>
    %dma_wait3A_709 = arith.constant 0 : i32
    %dma_wait3A_710 = tpu.memref_slice %arg5[%dma_wait3A_709] : memref<1000000xf32, #tpu.memory_space<hbm>> -> memref<1000000xf32, #tpu.memory_space<hbm>>
    tpu.wait_indirect_dma semaphore(%arg39 : memref<!tpu.dma_semaphore, #tpu.memory_space<semaphore_mem>>) src(%dma_wait3A_710 : memref<1000000xf32, #tpu.memory_space<hbm>>) dst(%dma_wait3A_705 : memref<128xf32, #tpu.memory_space<vmem>>)
    %dma_wait3A_711 = arith.constant 1 : i32
    %dma_wait3A_712 = arith.constant 3072 : i32
    %dma_wait3A_713 = tpu.memref_slice %arg37[%dma_wait3A_712] : memref<10240xf32, #tpu.memory_space<vmem>> -> memref<128xf32, #tpu.memory_space<vmem>>
    %dma_wait3A_714 = arith.constant 0 : i32
    %dma_wait3A_715 = tpu.memref_slice %arg33[%dma_wait3A_711, %dma_wait3A_714] : memref<4x128xi32, #tpu.memory_space<vmem>> -> memref<1x128xi32, #tpu.memory_space<vmem>>
    %dma_wait3A_716 = tpu.memref_squeeze %dma_wait3A_715 : memref<1x128xi32, #tpu.memory_space<vmem>> -> memref<128xi32, #tpu.memory_space<vmem>>
    %dma_wait3A_717 = arith.constant 0 : i32
    %dma_wait3A_718 = tpu.memref_slice %arg6[%dma_wait3A_717] : memref<1000000xf32, #tpu.memory_space<hbm>> -> memref<1000000xf32, #tpu.memory_space<hbm>>
    tpu.wait_indirect_dma semaphore(%arg39 : memref<!tpu.dma_semaphore, #tpu.memory_space<semaphore_mem>>) src(%dma_wait3A_718 : memref<1000000xf32, #tpu.memory_space<hbm>>) dst(%dma_wait3A_713 : memref<128xf32, #tpu.memory_space<vmem>>)
    %dma_wait3A_719 = arith.constant 1 : i32
    %dma_wait3A_720 = arith.constant 3200 : i32
    %dma_wait3A_721 = tpu.memref_slice %arg37[%dma_wait3A_720] : memref<10240xf32, #tpu.memory_space<vmem>> -> memref<128xf32, #tpu.memory_space<vmem>>
    %dma_wait3A_722 = arith.constant 0 : i32
    %dma_wait3A_723 = tpu.memref_slice %arg33[%dma_wait3A_719, %dma_wait3A_722] : memref<4x128xi32, #tpu.memory_space<vmem>> -> memref<1x128xi32, #tpu.memory_space<vmem>>
    %dma_wait3A_724 = tpu.memref_squeeze %dma_wait3A_723 : memref<1x128xi32, #tpu.memory_space<vmem>> -> memref<128xi32, #tpu.memory_space<vmem>>
    %dma_wait3A_725 = arith.constant 0 : i32
    %dma_wait3A_726 = tpu.memref_slice %arg7[%dma_wait3A_725] : memref<1000000xf32, #tpu.memory_space<hbm>> -> memref<1000000xf32, #tpu.memory_space<hbm>>
    tpu.wait_indirect_dma semaphore(%arg39 : memref<!tpu.dma_semaphore, #tpu.memory_space<semaphore_mem>>) src(%dma_wait3A_726 : memref<1000000xf32, #tpu.memory_space<hbm>>) dst(%dma_wait3A_721 : memref<128xf32, #tpu.memory_space<vmem>>)
    %dma_wait3A_727 = arith.constant 1 : i32
    %dma_wait3A_728 = arith.constant 3328 : i32
    %dma_wait3A_729 = tpu.memref_slice %arg37[%dma_wait3A_728] : memref<10240xf32, #tpu.memory_space<vmem>> -> memref<128xf32, #tpu.memory_space<vmem>>
    %dma_wait3A_730 = arith.constant 0 : i32
    %dma_wait3A_731 = tpu.memref_slice %arg33[%dma_wait3A_727, %dma_wait3A_730] : memref<4x128xi32, #tpu.memory_space<vmem>> -> memref<1x128xi32, #tpu.memory_space<vmem>>
    %dma_wait3A_732 = tpu.memref_squeeze %dma_wait3A_731 : memref<1x128xi32, #tpu.memory_space<vmem>> -> memref<128xi32, #tpu.memory_space<vmem>>
    %dma_wait3A_733 = arith.constant 0 : i32
    %dma_wait3A_734 = tpu.memref_slice %arg8[%dma_wait3A_733] : memref<1000000xf32, #tpu.memory_space<hbm>> -> memref<1000000xf32, #tpu.memory_space<hbm>>
    tpu.wait_indirect_dma semaphore(%arg39 : memref<!tpu.dma_semaphore, #tpu.memory_space<semaphore_mem>>) src(%dma_wait3A_734 : memref<1000000xf32, #tpu.memory_space<hbm>>) dst(%dma_wait3A_729 : memref<128xf32, #tpu.memory_space<vmem>>)
    %dma_wait3A_735 = arith.constant 1 : i32
    %dma_wait3A_736 = arith.constant 3456 : i32
    %dma_wait3A_737 = tpu.memref_slice %arg37[%dma_wait3A_736] : memref<10240xf32, #tpu.memory_space<vmem>> -> memref<128xf32, #tpu.memory_space<vmem>>
    %dma_wait3A_738 = arith.constant 0 : i32
    %dma_wait3A_739 = tpu.memref_slice %arg33[%dma_wait3A_735, %dma_wait3A_738] : memref<4x128xi32, #tpu.memory_space<vmem>> -> memref<1x128xi32, #tpu.memory_space<vmem>>
    %dma_wait3A_740 = tpu.memref_squeeze %dma_wait3A_739 : memref<1x128xi32, #tpu.memory_space<vmem>> -> memref<128xi32, #tpu.memory_space<vmem>>
    %dma_wait3A_741 = arith.constant 0 : i32
    %dma_wait3A_742 = tpu.memref_slice %arg9[%dma_wait3A_741] : memref<1000000xf32, #tpu.memory_space<hbm>> -> memref<1000000xf32, #tpu.memory_space<hbm>>
    tpu.wait_indirect_dma semaphore(%arg39 : memref<!tpu.dma_semaphore, #tpu.memory_space<semaphore_mem>>) src(%dma_wait3A_742 : memref<1000000xf32, #tpu.memory_space<hbm>>) dst(%dma_wait3A_737 : memref<128xf32, #tpu.memory_space<vmem>>)
    %dma_wait3A_743 = arith.constant 1 : i32
    %dma_wait3A_744 = arith.constant 3584 : i32
    %dma_wait3A_745 = tpu.memref_slice %arg37[%dma_wait3A_744] : memref<10240xf32, #tpu.memory_space<vmem>> -> memref<128xf32, #tpu.memory_space<vmem>>
    %dma_wait3A_746 = arith.constant 0 : i32
    %dma_wait3A_747 = tpu.memref_slice %arg33[%dma_wait3A_743, %dma_wait3A_746] : memref<4x128xi32, #tpu.memory_space<vmem>> -> memref<1x128xi32, #tpu.memory_space<vmem>>
    %dma_wait3A_748 = tpu.memref_squeeze %dma_wait3A_747 : memref<1x128xi32, #tpu.memory_space<vmem>> -> memref<128xi32, #tpu.memory_space<vmem>>
    %dma_wait3A_749 = arith.constant 0 : i32
    %dma_wait3A_750 = tpu.memref_slice %arg10[%dma_wait3A_749] : memref<1000000xf32, #tpu.memory_space<hbm>> -> memref<1000000xf32, #tpu.memory_space<hbm>>
    tpu.wait_indirect_dma semaphore(%arg39 : memref<!tpu.dma_semaphore, #tpu.memory_space<semaphore_mem>>) src(%dma_wait3A_750 : memref<1000000xf32, #tpu.memory_space<hbm>>) dst(%dma_wait3A_745 : memref<128xf32, #tpu.memory_space<vmem>>)
    %dma_wait3A_751 = arith.constant 1 : i32
    %dma_wait3A_752 = arith.constant 3712 : i32
    %dma_wait3A_753 = tpu.memref_slice %arg37[%dma_wait3A_752] : memref<10240xf32, #tpu.memory_space<vmem>> -> memref<128xf32, #tpu.memory_space<vmem>>
    %dma_wait3A_754 = arith.constant 0 : i32
    %dma_wait3A_755 = tpu.memref_slice %arg33[%dma_wait3A_751, %dma_wait3A_754] : memref<4x128xi32, #tpu.memory_space<vmem>> -> memref<1x128xi32, #tpu.memory_space<vmem>>
    %dma_wait3A_756 = tpu.memref_squeeze %dma_wait3A_755 : memref<1x128xi32, #tpu.memory_space<vmem>> -> memref<128xi32, #tpu.memory_space<vmem>>
    %dma_wait3A_757 = arith.constant 0 : i32
    %dma_wait3A_758 = tpu.memref_slice %arg11[%dma_wait3A_757] : memref<1000000xf32, #tpu.memory_space<hbm>> -> memref<1000000xf32, #tpu.memory_space<hbm>>
    tpu.wait_indirect_dma semaphore(%arg39 : memref<!tpu.dma_semaphore, #tpu.memory_space<semaphore_mem>>) src(%dma_wait3A_758 : memref<1000000xf32, #tpu.memory_space<hbm>>) dst(%dma_wait3A_753 : memref<128xf32, #tpu.memory_space<vmem>>)
    %dma_wait3A_759 = arith.constant 1 : i32
    %dma_wait3A_760 = arith.constant 3840 : i32
    %dma_wait3A_761 = tpu.memref_slice %arg37[%dma_wait3A_760] : memref<10240xf32, #tpu.memory_space<vmem>> -> memref<128xf32, #tpu.memory_space<vmem>>
    %dma_wait3A_762 = arith.constant 0 : i32
    %dma_wait3A_763 = tpu.memref_slice %arg33[%dma_wait3A_759, %dma_wait3A_762] : memref<4x128xi32, #tpu.memory_space<vmem>> -> memref<1x128xi32, #tpu.memory_space<vmem>>
    %dma_wait3A_764 = tpu.memref_squeeze %dma_wait3A_763 : memref<1x128xi32, #tpu.memory_space<vmem>> -> memref<128xi32, #tpu.memory_space<vmem>>
    %dma_wait3A_765 = arith.constant 0 : i32
    %dma_wait3A_766 = tpu.memref_slice %arg12[%dma_wait3A_765] : memref<1000000xf32, #tpu.memory_space<hbm>> -> memref<1000000xf32, #tpu.memory_space<hbm>>
    tpu.wait_indirect_dma semaphore(%arg39 : memref<!tpu.dma_semaphore, #tpu.memory_space<semaphore_mem>>) src(%dma_wait3A_766 : memref<1000000xf32, #tpu.memory_space<hbm>>) dst(%dma_wait3A_761 : memref<128xf32, #tpu.memory_space<vmem>>)
    %dma_wait3A_767 = arith.constant 1 : i32
    %dma_wait3A_768 = arith.constant 3968 : i32
    %dma_wait3A_769 = tpu.memref_slice %arg37[%dma_wait3A_768] : memref<10240xf32, #tpu.memory_space<vmem>> -> memref<128xf32, #tpu.memory_space<vmem>>
    %dma_wait3A_770 = arith.constant 0 : i32
    %dma_wait3A_771 = tpu.memref_slice %arg33[%dma_wait3A_767, %dma_wait3A_770] : memref<4x128xi32, #tpu.memory_space<vmem>> -> memref<1x128xi32, #tpu.memory_space<vmem>>
    %dma_wait3A_772 = tpu.memref_squeeze %dma_wait3A_771 : memref<1x128xi32, #tpu.memory_space<vmem>> -> memref<128xi32, #tpu.memory_space<vmem>>
    %dma_wait3A_773 = arith.constant 0 : i32
    %dma_wait3A_774 = tpu.memref_slice %arg13[%dma_wait3A_773] : memref<1000000xf32, #tpu.memory_space<hbm>> -> memref<1000000xf32, #tpu.memory_space<hbm>>
    tpu.wait_indirect_dma semaphore(%arg39 : memref<!tpu.dma_semaphore, #tpu.memory_space<semaphore_mem>>) src(%dma_wait3A_774 : memref<1000000xf32, #tpu.memory_space<hbm>>) dst(%dma_wait3A_769 : memref<128xf32, #tpu.memory_space<vmem>>)
    %dma_wait3A_775 = arith.constant 1 : i32
    %dma_wait3A_776 = arith.constant 4096 : i32
    %dma_wait3A_777 = tpu.memref_slice %arg37[%dma_wait3A_776] : memref<10240xf32, #tpu.memory_space<vmem>> -> memref<128xf32, #tpu.memory_space<vmem>>
    %dma_wait3A_778 = arith.constant 0 : i32
    %dma_wait3A_779 = tpu.memref_slice %arg33[%dma_wait3A_775, %dma_wait3A_778] : memref<4x128xi32, #tpu.memory_space<vmem>> -> memref<1x128xi32, #tpu.memory_space<vmem>>
    %dma_wait3A_780 = tpu.memref_squeeze %dma_wait3A_779 : memref<1x128xi32, #tpu.memory_space<vmem>> -> memref<128xi32, #tpu.memory_space<vmem>>
    %dma_wait3A_781 = arith.constant 0 : i32
    %dma_wait3A_782 = tpu.memref_slice %arg14[%dma_wait3A_781] : memref<1000000xf32, #tpu.memory_space<hbm>> -> memref<1000000xf32, #tpu.memory_space<hbm>>
    tpu.wait_indirect_dma semaphore(%arg39 : memref<!tpu.dma_semaphore, #tpu.memory_space<semaphore_mem>>) src(%dma_wait3A_782 : memref<1000000xf32, #tpu.memory_space<hbm>>) dst(%dma_wait3A_777 : memref<128xf32, #tpu.memory_space<vmem>>)
    %dma_wait3A_783 = arith.constant 1 : i32
    %dma_wait3A_784 = arith.constant 4224 : i32
    %dma_wait3A_785 = tpu.memref_slice %arg37[%dma_wait3A_784] : memref<10240xf32, #tpu.memory_space<vmem>> -> memref<128xf32, #tpu.memory_space<vmem>>
    %dma_wait3A_786 = arith.constant 0 : i32
    %dma_wait3A_787 = tpu.memref_slice %arg33[%dma_wait3A_783, %dma_wait3A_786] : memref<4x128xi32, #tpu.memory_space<vmem>> -> memref<1x128xi32, #tpu.memory_space<vmem>>
    %dma_wait3A_788 = tpu.memref_squeeze %dma_wait3A_787 : memref<1x128xi32, #tpu.memory_space<vmem>> -> memref<128xi32, #tpu.memory_space<vmem>>
    %dma_wait3A_789 = arith.constant 0 : i32
    %dma_wait3A_790 = tpu.memref_slice %arg15[%dma_wait3A_789] : memref<1000000xf32, #tpu.memory_space<hbm>> -> memref<1000000xf32, #tpu.memory_space<hbm>>
    tpu.wait_indirect_dma semaphore(%arg39 : memref<!tpu.dma_semaphore, #tpu.memory_space<semaphore_mem>>) src(%dma_wait3A_790 : memref<1000000xf32, #tpu.memory_space<hbm>>) dst(%dma_wait3A_785 : memref<128xf32, #tpu.memory_space<vmem>>)
    %dma_wait3A_791 = arith.constant 1 : i32
    %dma_wait3A_792 = arith.constant 4352 : i32
    %dma_wait3A_793 = tpu.memref_slice %arg37[%dma_wait3A_792] : memref<10240xf32, #tpu.memory_space<vmem>> -> memref<128xf32, #tpu.memory_space<vmem>>
    %dma_wait3A_794 = arith.constant 0 : i32
    %dma_wait3A_795 = tpu.memref_slice %arg33[%dma_wait3A_791, %dma_wait3A_794] : memref<4x128xi32, #tpu.memory_space<vmem>> -> memref<1x128xi32, #tpu.memory_space<vmem>>
    %dma_wait3A_796 = tpu.memref_squeeze %dma_wait3A_795 : memref<1x128xi32, #tpu.memory_space<vmem>> -> memref<128xi32, #tpu.memory_space<vmem>>
    %dma_wait3A_797 = arith.constant 0 : i32
    %dma_wait3A_798 = tpu.memref_slice %arg16[%dma_wait3A_797] : memref<1000000xf32, #tpu.memory_space<hbm>> -> memref<1000000xf32, #tpu.memory_space<hbm>>
    tpu.wait_indirect_dma semaphore(%arg39 : memref<!tpu.dma_semaphore, #tpu.memory_space<semaphore_mem>>) src(%dma_wait3A_798 : memref<1000000xf32, #tpu.memory_space<hbm>>) dst(%dma_wait3A_793 : memref<128xf32, #tpu.memory_space<vmem>>)
    %dma_wait3A_799 = arith.constant 1 : i32
    %dma_wait3A_800 = arith.constant 4480 : i32
    %dma_wait3A_801 = tpu.memref_slice %arg37[%dma_wait3A_800] : memref<10240xf32, #tpu.memory_space<vmem>> -> memref<128xf32, #tpu.memory_space<vmem>>
    %dma_wait3A_802 = arith.constant 0 : i32
    %dma_wait3A_803 = tpu.memref_slice %arg33[%dma_wait3A_799, %dma_wait3A_802] : memref<4x128xi32, #tpu.memory_space<vmem>> -> memref<1x128xi32, #tpu.memory_space<vmem>>
    %dma_wait3A_804 = tpu.memref_squeeze %dma_wait3A_803 : memref<1x128xi32, #tpu.memory_space<vmem>> -> memref<128xi32, #tpu.memory_space<vmem>>
    %dma_wait3A_805 = arith.constant 0 : i32
    %dma_wait3A_806 = tpu.memref_slice %arg17[%dma_wait3A_805] : memref<1000000xf32, #tpu.memory_space<hbm>> -> memref<1000000xf32, #tpu.memory_space<hbm>>
    tpu.wait_indirect_dma semaphore(%arg39 : memref<!tpu.dma_semaphore, #tpu.memory_space<semaphore_mem>>) src(%dma_wait3A_806 : memref<1000000xf32, #tpu.memory_space<hbm>>) dst(%dma_wait3A_801 : memref<128xf32, #tpu.memory_space<vmem>>)
    %dma_wait3A_807 = arith.constant 1 : i32
    %dma_wait3A_808 = arith.constant 4608 : i32
    %dma_wait3A_809 = tpu.memref_slice %arg37[%dma_wait3A_808] : memref<10240xf32, #tpu.memory_space<vmem>> -> memref<128xf32, #tpu.memory_space<vmem>>
    %dma_wait3A_810 = arith.constant 0 : i32
    %dma_wait3A_811 = tpu.memref_slice %arg33[%dma_wait3A_807, %dma_wait3A_810] : memref<4x128xi32, #tpu.memory_space<vmem>> -> memref<1x128xi32, #tpu.memory_space<vmem>>
    %dma_wait3A_812 = tpu.memref_squeeze %dma_wait3A_811 : memref<1x128xi32, #tpu.memory_space<vmem>> -> memref<128xi32, #tpu.memory_space<vmem>>
    %dma_wait3A_813 = arith.constant 0 : i32
    %dma_wait3A_814 = tpu.memref_slice %arg18[%dma_wait3A_813] : memref<1000000xf32, #tpu.memory_space<hbm>> -> memref<1000000xf32, #tpu.memory_space<hbm>>
    tpu.wait_indirect_dma semaphore(%arg39 : memref<!tpu.dma_semaphore, #tpu.memory_space<semaphore_mem>>) src(%dma_wait3A_814 : memref<1000000xf32, #tpu.memory_space<hbm>>) dst(%dma_wait3A_809 : memref<128xf32, #tpu.memory_space<vmem>>)
    %dma_wait3A_815 = arith.constant 1 : i32
    %dma_wait3A_816 = arith.constant 4736 : i32
    %dma_wait3A_817 = tpu.memref_slice %arg37[%dma_wait3A_816] : memref<10240xf32, #tpu.memory_space<vmem>> -> memref<128xf32, #tpu.memory_space<vmem>>
    %dma_wait3A_818 = arith.constant 0 : i32
    %dma_wait3A_819 = tpu.memref_slice %arg33[%dma_wait3A_815, %dma_wait3A_818] : memref<4x128xi32, #tpu.memory_space<vmem>> -> memref<1x128xi32, #tpu.memory_space<vmem>>
    %dma_wait3A_820 = tpu.memref_squeeze %dma_wait3A_819 : memref<1x128xi32, #tpu.memory_space<vmem>> -> memref<128xi32, #tpu.memory_space<vmem>>
    %dma_wait3A_821 = arith.constant 0 : i32
    %dma_wait3A_822 = tpu.memref_slice %arg19[%dma_wait3A_821] : memref<1000000xf32, #tpu.memory_space<hbm>> -> memref<1000000xf32, #tpu.memory_space<hbm>>
    tpu.wait_indirect_dma semaphore(%arg39 : memref<!tpu.dma_semaphore, #tpu.memory_space<semaphore_mem>>) src(%dma_wait3A_822 : memref<1000000xf32, #tpu.memory_space<hbm>>) dst(%dma_wait3A_817 : memref<128xf32, #tpu.memory_space<vmem>>)
    %dma_wait3A_823 = arith.constant 1 : i32
    %dma_wait3A_824 = arith.constant 4864 : i32
    %dma_wait3A_825 = tpu.memref_slice %arg37[%dma_wait3A_824] : memref<10240xf32, #tpu.memory_space<vmem>> -> memref<128xf32, #tpu.memory_space<vmem>>
    %dma_wait3A_826 = arith.constant 0 : i32
    %dma_wait3A_827 = tpu.memref_slice %arg33[%dma_wait3A_823, %dma_wait3A_826] : memref<4x128xi32, #tpu.memory_space<vmem>> -> memref<1x128xi32, #tpu.memory_space<vmem>>
    %dma_wait3A_828 = tpu.memref_squeeze %dma_wait3A_827 : memref<1x128xi32, #tpu.memory_space<vmem>> -> memref<128xi32, #tpu.memory_space<vmem>>
    %dma_wait3A_829 = arith.constant 0 : i32
    %dma_wait3A_830 = tpu.memref_slice %arg20[%dma_wait3A_829] : memref<1000000xf32, #tpu.memory_space<hbm>> -> memref<1000000xf32, #tpu.memory_space<hbm>>
    tpu.wait_indirect_dma semaphore(%arg39 : memref<!tpu.dma_semaphore, #tpu.memory_space<semaphore_mem>>) src(%dma_wait3A_830 : memref<1000000xf32, #tpu.memory_space<hbm>>) dst(%dma_wait3A_825 : memref<128xf32, #tpu.memory_space<vmem>>)
    %dma_wait3A_831 = arith.constant 1 : i32
    %dma_wait3A_832 = arith.constant 4992 : i32
    %dma_wait3A_833 = tpu.memref_slice %arg37[%dma_wait3A_832] : memref<10240xf32, #tpu.memory_space<vmem>> -> memref<128xf32, #tpu.memory_space<vmem>>
    %dma_wait3A_834 = arith.constant 0 : i32
    %dma_wait3A_835 = tpu.memref_slice %arg33[%dma_wait3A_831, %dma_wait3A_834] : memref<4x128xi32, #tpu.memory_space<vmem>> -> memref<1x128xi32, #tpu.memory_space<vmem>>
    %dma_wait3A_836 = tpu.memref_squeeze %dma_wait3A_835 : memref<1x128xi32, #tpu.memory_space<vmem>> -> memref<128xi32, #tpu.memory_space<vmem>>
    %dma_wait3A_837 = arith.constant 0 : i32
    %dma_wait3A_838 = tpu.memref_slice %arg21[%dma_wait3A_837] : memref<1000000xf32, #tpu.memory_space<hbm>> -> memref<1000000xf32, #tpu.memory_space<hbm>>
    tpu.wait_indirect_dma semaphore(%arg39 : memref<!tpu.dma_semaphore, #tpu.memory_space<semaphore_mem>>) src(%dma_wait3A_838 : memref<1000000xf32, #tpu.memory_space<hbm>>) dst(%dma_wait3A_833 : memref<128xf32, #tpu.memory_space<vmem>>)
    %dma_wait3A_839 = arith.constant 1 : i32
    %dma_wait3A_840 = arith.constant 1 : i32
    %dma_wait3A_841 = arith.constant 0 : i32
    %dma_wait3A_842 = tpu.memref_slice %arg35[%dma_wait3A_840, %dma_wait3A_841] : memref<4x128xi32, #tpu.memory_space<vmem>> -> memref<1x128xi32, #tpu.memory_space<vmem>>
    %dma_wait3A_843 = tpu.memref_squeeze %dma_wait3A_842 : memref<1x128xi32, #tpu.memory_space<vmem>> -> memref<128xi32, #tpu.memory_space<vmem>>
    %dma_wait3A_844 = arith.constant 0 : i32
    %dma_wait3A_845 = tpu.memref_slice %arg34[%dma_wait3A_839, %dma_wait3A_844] : memref<4x128xi32, #tpu.memory_space<vmem>> -> memref<1x128xi32, #tpu.memory_space<vmem>>
    %dma_wait3A_846 = tpu.memref_squeeze %dma_wait3A_845 : memref<1x128xi32, #tpu.memory_space<vmem>> -> memref<128xi32, #tpu.memory_space<vmem>>
    %dma_wait3A_847 = arith.constant 0 : i32
    %dma_wait3A_848 = tpu.memref_slice %arg24[%dma_wait3A_847] : memref<16384xi32, #tpu.memory_space<hbm>> -> memref<16384xi32, #tpu.memory_space<hbm>>
    tpu.wait_indirect_dma semaphore(%arg40 : memref<!tpu.dma_semaphore, #tpu.memory_space<semaphore_mem>>) src(%dma_wait3A_848 : memref<16384xi32, #tpu.memory_space<hbm>>) dst(%dma_wait3A_843 : memref<128xi32, #tpu.memory_space<vmem>>)
    %dma_start3A_849 = arith.constant 2 : i32
    %dma_start3A_850 = arith.constant 5120 : i32
    %dma_start3A_851 = tpu.memref_slice %arg37[%dma_start3A_850] : memref<10240xf32, #tpu.memory_space<vmem>> -> memref<128xf32, #tpu.memory_space<vmem>>
    %dma_start3A_852 = arith.constant 0 : i32
    %dma_start3A_853 = tpu.memref_slice %arg33[%dma_start3A_849, %dma_start3A_852] : memref<4x128xi32, #tpu.memory_space<vmem>> -> memref<1x128xi32, #tpu.memory_space<vmem>>
    %dma_start3A_854 = tpu.memref_squeeze %dma_start3A_853 : memref<1x128xi32, #tpu.memory_space<vmem>> -> memref<128xi32, #tpu.memory_space<vmem>>
    %dma_start3A_855 = arith.constant 0 : i32
    %dma_start3A_856 = tpu.memref_slice %arg2[%dma_start3A_855] : memref<1000000xf32, #tpu.memory_space<hbm>> -> memref<1000000xf32, #tpu.memory_space<hbm>>
    tpu.enqueue_indirect_dma source(%dma_start3A_856 : memref<1000000xf32, #tpu.memory_space<hbm>>) target(%dma_start3A_851 : memref<128xf32, #tpu.memory_space<vmem>>) offsets(%dma_start3A_854 : memref<128xi32, #tpu.memory_space<vmem>>) semaphore(%arg39 : memref<!tpu.dma_semaphore, #tpu.memory_space<semaphore_mem>>)
    %dma_start3A_857 = arith.constant 2 : i32
    %dma_start3A_858 = arith.constant 5248 : i32
    %dma_start3A_859 = tpu.memref_slice %arg37[%dma_start3A_858] : memref<10240xf32, #tpu.memory_space<vmem>> -> memref<128xf32, #tpu.memory_space<vmem>>
    %dma_start3A_860 = arith.constant 0 : i32
    %dma_start3A_861 = tpu.memref_slice %arg33[%dma_start3A_857, %dma_start3A_860] : memref<4x128xi32, #tpu.memory_space<vmem>> -> memref<1x128xi32, #tpu.memory_space<vmem>>
    %dma_start3A_862 = tpu.memref_squeeze %dma_start3A_861 : memref<1x128xi32, #tpu.memory_space<vmem>> -> memref<128xi32, #tpu.memory_space<vmem>>
    %dma_start3A_863 = arith.constant 0 : i32
    %dma_start3A_864 = tpu.memref_slice %arg3[%dma_start3A_863] : memref<1000000xf32, #tpu.memory_space<hbm>> -> memref<1000000xf32, #tpu.memory_space<hbm>>
    tpu.enqueue_indirect_dma source(%dma_start3A_864 : memref<1000000xf32, #tpu.memory_space<hbm>>) target(%dma_start3A_859 : memref<128xf32, #tpu.memory_space<vmem>>) offsets(%dma_start3A_862 : memref<128xi32, #tpu.memory_space<vmem>>) semaphore(%arg39 : memref<!tpu.dma_semaphore, #tpu.memory_space<semaphore_mem>>)
    %dma_start3A_865 = arith.constant 2 : i32
    %dma_start3A_866 = arith.constant 5376 : i32
    %dma_start3A_867 = tpu.memref_slice %arg37[%dma_start3A_866] : memref<10240xf32, #tpu.memory_space<vmem>> -> memref<128xf32, #tpu.memory_space<vmem>>
    %dma_start3A_868 = arith.constant 0 : i32
    %dma_start3A_869 = tpu.memref_slice %arg33[%dma_start3A_865, %dma_start3A_868] : memref<4x128xi32, #tpu.memory_space<vmem>> -> memref<1x128xi32, #tpu.memory_space<vmem>>
    %dma_start3A_870 = tpu.memref_squeeze %dma_start3A_869 : memref<1x128xi32, #tpu.memory_space<vmem>> -> memref<128xi32, #tpu.memory_space<vmem>>
    %dma_start3A_871 = arith.constant 0 : i32
    %dma_start3A_872 = tpu.memref_slice %arg4[%dma_start3A_871] : memref<1000000xf32, #tpu.memory_space<hbm>> -> memref<1000000xf32, #tpu.memory_space<hbm>>
    tpu.enqueue_indirect_dma source(%dma_start3A_872 : memref<1000000xf32, #tpu.memory_space<hbm>>) target(%dma_start3A_867 : memref<128xf32, #tpu.memory_space<vmem>>) offsets(%dma_start3A_870 : memref<128xi32, #tpu.memory_space<vmem>>) semaphore(%arg39 : memref<!tpu.dma_semaphore, #tpu.memory_space<semaphore_mem>>)
    %dma_start3A_873 = arith.constant 2 : i32
    %dma_start3A_874 = arith.constant 5504 : i32
    %dma_start3A_875 = tpu.memref_slice %arg37[%dma_start3A_874] : memref<10240xf32, #tpu.memory_space<vmem>> -> memref<128xf32, #tpu.memory_space<vmem>>
    %dma_start3A_876 = arith.constant 0 : i32
    %dma_start3A_877 = tpu.memref_slice %arg33[%dma_start3A_873, %dma_start3A_876] : memref<4x128xi32, #tpu.memory_space<vmem>> -> memref<1x128xi32, #tpu.memory_space<vmem>>
    %dma_start3A_878 = tpu.memref_squeeze %dma_start3A_877 : memref<1x128xi32, #tpu.memory_space<vmem>> -> memref<128xi32, #tpu.memory_space<vmem>>
    %dma_start3A_879 = arith.constant 0 : i32
    %dma_start3A_880 = tpu.memref_slice %arg5[%dma_start3A_879] : memref<1000000xf32, #tpu.memory_space<hbm>> -> memref<1000000xf32, #tpu.memory_space<hbm>>
    tpu.enqueue_indirect_dma source(%dma_start3A_880 : memref<1000000xf32, #tpu.memory_space<hbm>>) target(%dma_start3A_875 : memref<128xf32, #tpu.memory_space<vmem>>) offsets(%dma_start3A_878 : memref<128xi32, #tpu.memory_space<vmem>>) semaphore(%arg39 : memref<!tpu.dma_semaphore, #tpu.memory_space<semaphore_mem>>)
    %dma_start3A_881 = arith.constant 2 : i32
    %dma_start3A_882 = arith.constant 5632 : i32
    %dma_start3A_883 = tpu.memref_slice %arg37[%dma_start3A_882] : memref<10240xf32, #tpu.memory_space<vmem>> -> memref<128xf32, #tpu.memory_space<vmem>>
    %dma_start3A_884 = arith.constant 0 : i32
    %dma_start3A_885 = tpu.memref_slice %arg33[%dma_start3A_881, %dma_start3A_884] : memref<4x128xi32, #tpu.memory_space<vmem>> -> memref<1x128xi32, #tpu.memory_space<vmem>>
    %dma_start3A_886 = tpu.memref_squeeze %dma_start3A_885 : memref<1x128xi32, #tpu.memory_space<vmem>> -> memref<128xi32, #tpu.memory_space<vmem>>
    %dma_start3A_887 = arith.constant 0 : i32
    %dma_start3A_888 = tpu.memref_slice %arg6[%dma_start3A_887] : memref<1000000xf32, #tpu.memory_space<hbm>> -> memref<1000000xf32, #tpu.memory_space<hbm>>
    tpu.enqueue_indirect_dma source(%dma_start3A_888 : memref<1000000xf32, #tpu.memory_space<hbm>>) target(%dma_start3A_883 : memref<128xf32, #tpu.memory_space<vmem>>) offsets(%dma_start3A_886 : memref<128xi32, #tpu.memory_space<vmem>>) semaphore(%arg39 : memref<!tpu.dma_semaphore, #tpu.memory_space<semaphore_mem>>)
    %dma_start3A_889 = arith.constant 2 : i32
    %dma_start3A_890 = arith.constant 5760 : i32
    %dma_start3A_891 = tpu.memref_slice %arg37[%dma_start3A_890] : memref<10240xf32, #tpu.memory_space<vmem>> -> memref<128xf32, #tpu.memory_space<vmem>>
    %dma_start3A_892 = arith.constant 0 : i32
    %dma_start3A_893 = tpu.memref_slice %arg33[%dma_start3A_889, %dma_start3A_892] : memref<4x128xi32, #tpu.memory_space<vmem>> -> memref<1x128xi32, #tpu.memory_space<vmem>>
    %dma_start3A_894 = tpu.memref_squeeze %dma_start3A_893 : memref<1x128xi32, #tpu.memory_space<vmem>> -> memref<128xi32, #tpu.memory_space<vmem>>
    %dma_start3A_895 = arith.constant 0 : i32
    %dma_start3A_896 = tpu.memref_slice %arg7[%dma_start3A_895] : memref<1000000xf32, #tpu.memory_space<hbm>> -> memref<1000000xf32, #tpu.memory_space<hbm>>
    tpu.enqueue_indirect_dma source(%dma_start3A_896 : memref<1000000xf32, #tpu.memory_space<hbm>>) target(%dma_start3A_891 : memref<128xf32, #tpu.memory_space<vmem>>) offsets(%dma_start3A_894 : memref<128xi32, #tpu.memory_space<vmem>>) semaphore(%arg39 : memref<!tpu.dma_semaphore, #tpu.memory_space<semaphore_mem>>)
    %dma_start3A_897 = arith.constant 2 : i32
    %dma_start3A_898 = arith.constant 5888 : i32
    %dma_start3A_899 = tpu.memref_slice %arg37[%dma_start3A_898] : memref<10240xf32, #tpu.memory_space<vmem>> -> memref<128xf32, #tpu.memory_space<vmem>>
    %dma_start3A_900 = arith.constant 0 : i32
    %dma_start3A_901 = tpu.memref_slice %arg33[%dma_start3A_897, %dma_start3A_900] : memref<4x128xi32, #tpu.memory_space<vmem>> -> memref<1x128xi32, #tpu.memory_space<vmem>>
    %dma_start3A_902 = tpu.memref_squeeze %dma_start3A_901 : memref<1x128xi32, #tpu.memory_space<vmem>> -> memref<128xi32, #tpu.memory_space<vmem>>
    %dma_start3A_903 = arith.constant 0 : i32
    %dma_start3A_904 = tpu.memref_slice %arg8[%dma_start3A_903] : memref<1000000xf32, #tpu.memory_space<hbm>> -> memref<1000000xf32, #tpu.memory_space<hbm>>
    tpu.enqueue_indirect_dma source(%dma_start3A_904 : memref<1000000xf32, #tpu.memory_space<hbm>>) target(%dma_start3A_899 : memref<128xf32, #tpu.memory_space<vmem>>) offsets(%dma_start3A_902 : memref<128xi32, #tpu.memory_space<vmem>>) semaphore(%arg39 : memref<!tpu.dma_semaphore, #tpu.memory_space<semaphore_mem>>)
    %dma_start3A_905 = arith.constant 2 : i32
    %dma_start3A_906 = arith.constant 6016 : i32
    %dma_start3A_907 = tpu.memref_slice %arg37[%dma_start3A_906] : memref<10240xf32, #tpu.memory_space<vmem>> -> memref<128xf32, #tpu.memory_space<vmem>>
    %dma_start3A_908 = arith.constant 0 : i32
    %dma_start3A_909 = tpu.memref_slice %arg33[%dma_start3A_905, %dma_start3A_908] : memref<4x128xi32, #tpu.memory_space<vmem>> -> memref<1x128xi32, #tpu.memory_space<vmem>>
    %dma_start3A_910 = tpu.memref_squeeze %dma_start3A_909 : memref<1x128xi32, #tpu.memory_space<vmem>> -> memref<128xi32, #tpu.memory_space<vmem>>
    %dma_start3A_911 = arith.constant 0 : i32
    %dma_start3A_912 = tpu.memref_slice %arg9[%dma_start3A_911] : memref<1000000xf32, #tpu.memory_space<hbm>> -> memref<1000000xf32, #tpu.memory_space<hbm>>
    tpu.enqueue_indirect_dma source(%dma_start3A_912 : memref<1000000xf32, #tpu.memory_space<hbm>>) target(%dma_start3A_907 : memref<128xf32, #tpu.memory_space<vmem>>) offsets(%dma_start3A_910 : memref<128xi32, #tpu.memory_space<vmem>>) semaphore(%arg39 : memref<!tpu.dma_semaphore, #tpu.memory_space<semaphore_mem>>)
    %dma_start3A_913 = arith.constant 2 : i32
    %dma_start3A_914 = arith.constant 6144 : i32
    %dma_start3A_915 = tpu.memref_slice %arg37[%dma_start3A_914] : memref<10240xf32, #tpu.memory_space<vmem>> -> memref<128xf32, #tpu.memory_space<vmem>>
    %dma_start3A_916 = arith.constant 0 : i32
    %dma_start3A_917 = tpu.memref_slice %arg33[%dma_start3A_913, %dma_start3A_916] : memref<4x128xi32, #tpu.memory_space<vmem>> -> memref<1x128xi32, #tpu.memory_space<vmem>>
    %dma_start3A_918 = tpu.memref_squeeze %dma_start3A_917 : memref<1x128xi32, #tpu.memory_space<vmem>> -> memref<128xi32, #tpu.memory_space<vmem>>
    %dma_start3A_919 = arith.constant 0 : i32
    %dma_start3A_920 = tpu.memref_slice %arg10[%dma_start3A_919] : memref<1000000xf32, #tpu.memory_space<hbm>> -> memref<1000000xf32, #tpu.memory_space<hbm>>
    tpu.enqueue_indirect_dma source(%dma_start3A_920 : memref<1000000xf32, #tpu.memory_space<hbm>>) target(%dma_start3A_915 : memref<128xf32, #tpu.memory_space<vmem>>) offsets(%dma_start3A_918 : memref<128xi32, #tpu.memory_space<vmem>>) semaphore(%arg39 : memref<!tpu.dma_semaphore, #tpu.memory_space<semaphore_mem>>)
    %dma_start3A_921 = arith.constant 2 : i32
    %dma_start3A_922 = arith.constant 6272 : i32
    %dma_start3A_923 = tpu.memref_slice %arg37[%dma_start3A_922] : memref<10240xf32, #tpu.memory_space<vmem>> -> memref<128xf32, #tpu.memory_space<vmem>>
    %dma_start3A_924 = arith.constant 0 : i32
    %dma_start3A_925 = tpu.memref_slice %arg33[%dma_start3A_921, %dma_start3A_924] : memref<4x128xi32, #tpu.memory_space<vmem>> -> memref<1x128xi32, #tpu.memory_space<vmem>>
    %dma_start3A_926 = tpu.memref_squeeze %dma_start3A_925 : memref<1x128xi32, #tpu.memory_space<vmem>> -> memref<128xi32, #tpu.memory_space<vmem>>
    %dma_start3A_927 = arith.constant 0 : i32
    %dma_start3A_928 = tpu.memref_slice %arg11[%dma_start3A_927] : memref<1000000xf32, #tpu.memory_space<hbm>> -> memref<1000000xf32, #tpu.memory_space<hbm>>
    tpu.enqueue_indirect_dma source(%dma_start3A_928 : memref<1000000xf32, #tpu.memory_space<hbm>>) target(%dma_start3A_923 : memref<128xf32, #tpu.memory_space<vmem>>) offsets(%dma_start3A_926 : memref<128xi32, #tpu.memory_space<vmem>>) semaphore(%arg39 : memref<!tpu.dma_semaphore, #tpu.memory_space<semaphore_mem>>)
    %dma_start3A_929 = arith.constant 2 : i32
    %dma_start3A_930 = arith.constant 6400 : i32
    %dma_start3A_931 = tpu.memref_slice %arg37[%dma_start3A_930] : memref<10240xf32, #tpu.memory_space<vmem>> -> memref<128xf32, #tpu.memory_space<vmem>>
    %dma_start3A_932 = arith.constant 0 : i32
    %dma_start3A_933 = tpu.memref_slice %arg33[%dma_start3A_929, %dma_start3A_932] : memref<4x128xi32, #tpu.memory_space<vmem>> -> memref<1x128xi32, #tpu.memory_space<vmem>>
    %dma_start3A_934 = tpu.memref_squeeze %dma_start3A_933 : memref<1x128xi32, #tpu.memory_space<vmem>> -> memref<128xi32, #tpu.memory_space<vmem>>
    %dma_start3A_935 = arith.constant 0 : i32
    %dma_start3A_936 = tpu.memref_slice %arg12[%dma_start3A_935] : memref<1000000xf32, #tpu.memory_space<hbm>> -> memref<1000000xf32, #tpu.memory_space<hbm>>
    tpu.enqueue_indirect_dma source(%dma_start3A_936 : memref<1000000xf32, #tpu.memory_space<hbm>>) target(%dma_start3A_931 : memref<128xf32, #tpu.memory_space<vmem>>) offsets(%dma_start3A_934 : memref<128xi32, #tpu.memory_space<vmem>>) semaphore(%arg39 : memref<!tpu.dma_semaphore, #tpu.memory_space<semaphore_mem>>)
    %dma_start3A_937 = arith.constant 2 : i32
    %dma_start3A_938 = arith.constant 6528 : i32
    %dma_start3A_939 = tpu.memref_slice %arg37[%dma_start3A_938] : memref<10240xf32, #tpu.memory_space<vmem>> -> memref<128xf32, #tpu.memory_space<vmem>>
    %dma_start3A_940 = arith.constant 0 : i32
    %dma_start3A_941 = tpu.memref_slice %arg33[%dma_start3A_937, %dma_start3A_940] : memref<4x128xi32, #tpu.memory_space<vmem>> -> memref<1x128xi32, #tpu.memory_space<vmem>>
    %dma_start3A_942 = tpu.memref_squeeze %dma_start3A_941 : memref<1x128xi32, #tpu.memory_space<vmem>> -> memref<128xi32, #tpu.memory_space<vmem>>
    %dma_start3A_943 = arith.constant 0 : i32
    %dma_start3A_944 = tpu.memref_slice %arg13[%dma_start3A_943] : memref<1000000xf32, #tpu.memory_space<hbm>> -> memref<1000000xf32, #tpu.memory_space<hbm>>
    tpu.enqueue_indirect_dma source(%dma_start3A_944 : memref<1000000xf32, #tpu.memory_space<hbm>>) target(%dma_start3A_939 : memref<128xf32, #tpu.memory_space<vmem>>) offsets(%dma_start3A_942 : memref<128xi32, #tpu.memory_space<vmem>>) semaphore(%arg39 : memref<!tpu.dma_semaphore, #tpu.memory_space<semaphore_mem>>)
    %dma_start3A_945 = arith.constant 2 : i32
    %dma_start3A_946 = arith.constant 6656 : i32
    %dma_start3A_947 = tpu.memref_slice %arg37[%dma_start3A_946] : memref<10240xf32, #tpu.memory_space<vmem>> -> memref<128xf32, #tpu.memory_space<vmem>>
    %dma_start3A_948 = arith.constant 0 : i32
    %dma_start3A_949 = tpu.memref_slice %arg33[%dma_start3A_945, %dma_start3A_948] : memref<4x128xi32, #tpu.memory_space<vmem>> -> memref<1x128xi32, #tpu.memory_space<vmem>>
    %dma_start3A_950 = tpu.memref_squeeze %dma_start3A_949 : memref<1x128xi32, #tpu.memory_space<vmem>> -> memref<128xi32, #tpu.memory_space<vmem>>
    %dma_start3A_951 = arith.constant 0 : i32
    %dma_start3A_952 = tpu.memref_slice %arg14[%dma_start3A_951] : memref<1000000xf32, #tpu.memory_space<hbm>> -> memref<1000000xf32, #tpu.memory_space<hbm>>
    tpu.enqueue_indirect_dma source(%dma_start3A_952 : memref<1000000xf32, #tpu.memory_space<hbm>>) target(%dma_start3A_947 : memref<128xf32, #tpu.memory_space<vmem>>) offsets(%dma_start3A_950 : memref<128xi32, #tpu.memory_space<vmem>>) semaphore(%arg39 : memref<!tpu.dma_semaphore, #tpu.memory_space<semaphore_mem>>)
    %dma_start3A_953 = arith.constant 2 : i32
    %dma_start3A_954 = arith.constant 6784 : i32
    %dma_start3A_955 = tpu.memref_slice %arg37[%dma_start3A_954] : memref<10240xf32, #tpu.memory_space<vmem>> -> memref<128xf32, #tpu.memory_space<vmem>>
    %dma_start3A_956 = arith.constant 0 : i32
    %dma_start3A_957 = tpu.memref_slice %arg33[%dma_start3A_953, %dma_start3A_956] : memref<4x128xi32, #tpu.memory_space<vmem>> -> memref<1x128xi32, #tpu.memory_space<vmem>>
    %dma_start3A_958 = tpu.memref_squeeze %dma_start3A_957 : memref<1x128xi32, #tpu.memory_space<vmem>> -> memref<128xi32, #tpu.memory_space<vmem>>
    %dma_start3A_959 = arith.constant 0 : i32
    %dma_start3A_960 = tpu.memref_slice %arg15[%dma_start3A_959] : memref<1000000xf32, #tpu.memory_space<hbm>> -> memref<1000000xf32, #tpu.memory_space<hbm>>
    tpu.enqueue_indirect_dma source(%dma_start3A_960 : memref<1000000xf32, #tpu.memory_space<hbm>>) target(%dma_start3A_955 : memref<128xf32, #tpu.memory_space<vmem>>) offsets(%dma_start3A_958 : memref<128xi32, #tpu.memory_space<vmem>>) semaphore(%arg39 : memref<!tpu.dma_semaphore, #tpu.memory_space<semaphore_mem>>)
    %dma_start3A_961 = arith.constant 2 : i32
    %dma_start3A_962 = arith.constant 6912 : i32
    %dma_start3A_963 = tpu.memref_slice %arg37[%dma_start3A_962] : memref<10240xf32, #tpu.memory_space<vmem>> -> memref<128xf32, #tpu.memory_space<vmem>>
    %dma_start3A_964 = arith.constant 0 : i32
    %dma_start3A_965 = tpu.memref_slice %arg33[%dma_start3A_961, %dma_start3A_964] : memref<4x128xi32, #tpu.memory_space<vmem>> -> memref<1x128xi32, #tpu.memory_space<vmem>>
    %dma_start3A_966 = tpu.memref_squeeze %dma_start3A_965 : memref<1x128xi32, #tpu.memory_space<vmem>> -> memref<128xi32, #tpu.memory_space<vmem>>
    %dma_start3A_967 = arith.constant 0 : i32
    %dma_start3A_968 = tpu.memref_slice %arg16[%dma_start3A_967] : memref<1000000xf32, #tpu.memory_space<hbm>> -> memref<1000000xf32, #tpu.memory_space<hbm>>
    tpu.enqueue_indirect_dma source(%dma_start3A_968 : memref<1000000xf32, #tpu.memory_space<hbm>>) target(%dma_start3A_963 : memref<128xf32, #tpu.memory_space<vmem>>) offsets(%dma_start3A_966 : memref<128xi32, #tpu.memory_space<vmem>>) semaphore(%arg39 : memref<!tpu.dma_semaphore, #tpu.memory_space<semaphore_mem>>)
    %dma_start3A_969 = arith.constant 2 : i32
    %dma_start3A_970 = arith.constant 7040 : i32
    %dma_start3A_971 = tpu.memref_slice %arg37[%dma_start3A_970] : memref<10240xf32, #tpu.memory_space<vmem>> -> memref<128xf32, #tpu.memory_space<vmem>>
    %dma_start3A_972 = arith.constant 0 : i32
    %dma_start3A_973 = tpu.memref_slice %arg33[%dma_start3A_969, %dma_start3A_972] : memref<4x128xi32, #tpu.memory_space<vmem>> -> memref<1x128xi32, #tpu.memory_space<vmem>>
    %dma_start3A_974 = tpu.memref_squeeze %dma_start3A_973 : memref<1x128xi32, #tpu.memory_space<vmem>> -> memref<128xi32, #tpu.memory_space<vmem>>
    %dma_start3A_975 = arith.constant 0 : i32
    %dma_start3A_976 = tpu.memref_slice %arg17[%dma_start3A_975] : memref<1000000xf32, #tpu.memory_space<hbm>> -> memref<1000000xf32, #tpu.memory_space<hbm>>
    tpu.enqueue_indirect_dma source(%dma_start3A_976 : memref<1000000xf32, #tpu.memory_space<hbm>>) target(%dma_start3A_971 : memref<128xf32, #tpu.memory_space<vmem>>) offsets(%dma_start3A_974 : memref<128xi32, #tpu.memory_space<vmem>>) semaphore(%arg39 : memref<!tpu.dma_semaphore, #tpu.memory_space<semaphore_mem>>)
    %dma_start3A_977 = arith.constant 2 : i32
    %dma_start3A_978 = arith.constant 7168 : i32
    %dma_start3A_979 = tpu.memref_slice %arg37[%dma_start3A_978] : memref<10240xf32, #tpu.memory_space<vmem>> -> memref<128xf32, #tpu.memory_space<vmem>>
    %dma_start3A_980 = arith.constant 0 : i32
    %dma_start3A_981 = tpu.memref_slice %arg33[%dma_start3A_977, %dma_start3A_980] : memref<4x128xi32, #tpu.memory_space<vmem>> -> memref<1x128xi32, #tpu.memory_space<vmem>>
    %dma_start3A_982 = tpu.memref_squeeze %dma_start3A_981 : memref<1x128xi32, #tpu.memory_space<vmem>> -> memref<128xi32, #tpu.memory_space<vmem>>
    %dma_start3A_983 = arith.constant 0 : i32
    %dma_start3A_984 = tpu.memref_slice %arg18[%dma_start3A_983] : memref<1000000xf32, #tpu.memory_space<hbm>> -> memref<1000000xf32, #tpu.memory_space<hbm>>
    tpu.enqueue_indirect_dma source(%dma_start3A_984 : memref<1000000xf32, #tpu.memory_space<hbm>>) target(%dma_start3A_979 : memref<128xf32, #tpu.memory_space<vmem>>) offsets(%dma_start3A_982 : memref<128xi32, #tpu.memory_space<vmem>>) semaphore(%arg39 : memref<!tpu.dma_semaphore, #tpu.memory_space<semaphore_mem>>)
    %dma_start3A_985 = arith.constant 2 : i32
    %dma_start3A_986 = arith.constant 7296 : i32
    %dma_start3A_987 = tpu.memref_slice %arg37[%dma_start3A_986] : memref<10240xf32, #tpu.memory_space<vmem>> -> memref<128xf32, #tpu.memory_space<vmem>>
    %dma_start3A_988 = arith.constant 0 : i32
    %dma_start3A_989 = tpu.memref_slice %arg33[%dma_start3A_985, %dma_start3A_988] : memref<4x128xi32, #tpu.memory_space<vmem>> -> memref<1x128xi32, #tpu.memory_space<vmem>>
    %dma_start3A_990 = tpu.memref_squeeze %dma_start3A_989 : memref<1x128xi32, #tpu.memory_space<vmem>> -> memref<128xi32, #tpu.memory_space<vmem>>
    %dma_start3A_991 = arith.constant 0 : i32
    %dma_start3A_992 = tpu.memref_slice %arg19[%dma_start3A_991] : memref<1000000xf32, #tpu.memory_space<hbm>> -> memref<1000000xf32, #tpu.memory_space<hbm>>
    tpu.enqueue_indirect_dma source(%dma_start3A_992 : memref<1000000xf32, #tpu.memory_space<hbm>>) target(%dma_start3A_987 : memref<128xf32, #tpu.memory_space<vmem>>) offsets(%dma_start3A_990 : memref<128xi32, #tpu.memory_space<vmem>>) semaphore(%arg39 : memref<!tpu.dma_semaphore, #tpu.memory_space<semaphore_mem>>)
    %dma_start3A_993 = arith.constant 2 : i32
    %dma_start3A_994 = arith.constant 7424 : i32
    %dma_start3A_995 = tpu.memref_slice %arg37[%dma_start3A_994] : memref<10240xf32, #tpu.memory_space<vmem>> -> memref<128xf32, #tpu.memory_space<vmem>>
    %dma_start3A_996 = arith.constant 0 : i32
    %dma_start3A_997 = tpu.memref_slice %arg33[%dma_start3A_993, %dma_start3A_996] : memref<4x128xi32, #tpu.memory_space<vmem>> -> memref<1x128xi32, #tpu.memory_space<vmem>>
    %dma_start3A_998 = tpu.memref_squeeze %dma_start3A_997 : memref<1x128xi32, #tpu.memory_space<vmem>> -> memref<128xi32, #tpu.memory_space<vmem>>
    %dma_start3A_999 = arith.constant 0 : i32
    %dma_start3A_1000 = tpu.memref_slice %arg20[%dma_start3A_999] : memref<1000000xf32, #tpu.memory_space<hbm>> -> memref<1000000xf32, #tpu.memory_space<hbm>>
    tpu.enqueue_indirect_dma source(%dma_start3A_1000 : memref<1000000xf32, #tpu.memory_space<hbm>>) target(%dma_start3A_995 : memref<128xf32, #tpu.memory_space<vmem>>) offsets(%dma_start3A_998 : memref<128xi32, #tpu.memory_space<vmem>>) semaphore(%arg39 : memref<!tpu.dma_semaphore, #tpu.memory_space<semaphore_mem>>)
    %dma_start3A_1001 = arith.constant 2 : i32
    %dma_start3A_1002 = arith.constant 7552 : i32
    %dma_start3A_1003 = tpu.memref_slice %arg37[%dma_start3A_1002] : memref<10240xf32, #tpu.memory_space<vmem>> -> memref<128xf32, #tpu.memory_space<vmem>>
    %dma_start3A_1004 = arith.constant 0 : i32
    %dma_start3A_1005 = tpu.memref_slice %arg33[%dma_start3A_1001, %dma_start3A_1004] : memref<4x128xi32, #tpu.memory_space<vmem>> -> memref<1x128xi32, #tpu.memory_space<vmem>>
    %dma_start3A_1006 = tpu.memref_squeeze %dma_start3A_1005 : memref<1x128xi32, #tpu.memory_space<vmem>> -> memref<128xi32, #tpu.memory_space<vmem>>
    %dma_start3A_1007 = arith.constant 0 : i32
    %dma_start3A_1008 = tpu.memref_slice %arg21[%dma_start3A_1007] : memref<1000000xf32, #tpu.memory_space<hbm>> -> memref<1000000xf32, #tpu.memory_space<hbm>>
    tpu.enqueue_indirect_dma source(%dma_start3A_1008 : memref<1000000xf32, #tpu.memory_space<hbm>>) target(%dma_start3A_1003 : memref<128xf32, #tpu.memory_space<vmem>>) offsets(%dma_start3A_1006 : memref<128xi32, #tpu.memory_space<vmem>>) semaphore(%arg39 : memref<!tpu.dma_semaphore, #tpu.memory_space<semaphore_mem>>)
    %dma_start3A_1009 = arith.constant 2 : i32
    %dma_start3A_1010 = arith.constant 2 : i32
    %dma_start3A_1011 = arith.constant 0 : i32
    %dma_start3A_1012 = tpu.memref_slice %arg35[%dma_start3A_1010, %dma_start3A_1011] : memref<4x128xi32, #tpu.memory_space<vmem>> -> memref<1x128xi32, #tpu.memory_space<vmem>>
    %dma_start3A_1013 = tpu.memref_squeeze %dma_start3A_1012 : memref<1x128xi32, #tpu.memory_space<vmem>> -> memref<128xi32, #tpu.memory_space<vmem>>
    %dma_start3A_1014 = arith.constant 0 : i32
    %dma_start3A_1015 = tpu.memref_slice %arg34[%dma_start3A_1009, %dma_start3A_1014] : memref<4x128xi32, #tpu.memory_space<vmem>> -> memref<1x128xi32, #tpu.memory_space<vmem>>
    %dma_start3A_1016 = tpu.memref_squeeze %dma_start3A_1015 : memref<1x128xi32, #tpu.memory_space<vmem>> -> memref<128xi32, #tpu.memory_space<vmem>>
    %dma_start3A_1017 = arith.constant 0 : i32
    %dma_start3A_1018 = tpu.memref_slice %arg24[%dma_start3A_1017] : memref<16384xi32, #tpu.memory_space<hbm>> -> memref<16384xi32, #tpu.memory_space<hbm>>
    tpu.enqueue_indirect_dma source(%dma_start3A_1018 : memref<16384xi32, #tpu.memory_space<hbm>>) target(%dma_start3A_1013 : memref<128xi32, #tpu.memory_space<vmem>>) offsets(%dma_start3A_1016 : memref<128xi32, #tpu.memory_space<vmem>>) semaphore(%arg40 : memref<!tpu.dma_semaphore, #tpu.memory_space<semaphore_mem>>)
    %dma_wait3A_1019 = arith.constant 2 : i32
    %dma_wait3A_1020 = arith.constant 5120 : i32
    %dma_wait3A_1021 = tpu.memref_slice %arg37[%dma_wait3A_1020] : memref<10240xf32, #tpu.memory_space<vmem>> -> memref<128xf32, #tpu.memory_space<vmem>>
    %dma_wait3A_1022 = arith.constant 0 : i32
    %dma_wait3A_1023 = tpu.memref_slice %arg33[%dma_wait3A_1019, %dma_wait3A_1022] : memref<4x128xi32, #tpu.memory_space<vmem>> -> memref<1x128xi32, #tpu.memory_space<vmem>>
    %dma_wait3A_1024 = tpu.memref_squeeze %dma_wait3A_1023 : memref<1x128xi32, #tpu.memory_space<vmem>> -> memref<128xi32, #tpu.memory_space<vmem>>
    %dma_wait3A_1025 = arith.constant 0 : i32
    %dma_wait3A_1026 = tpu.memref_slice %arg2[%dma_wait3A_1025] : memref<1000000xf32, #tpu.memory_space<hbm>> -> memref<1000000xf32, #tpu.memory_space<hbm>>
    tpu.wait_indirect_dma semaphore(%arg39 : memref<!tpu.dma_semaphore, #tpu.memory_space<semaphore_mem>>) src(%dma_wait3A_1026 : memref<1000000xf32, #tpu.memory_space<hbm>>) dst(%dma_wait3A_1021 : memref<128xf32, #tpu.memory_space<vmem>>)
    %dma_wait3A_1027 = arith.constant 2 : i32
    %dma_wait3A_1028 = arith.constant 5248 : i32
    %dma_wait3A_1029 = tpu.memref_slice %arg37[%dma_wait3A_1028] : memref<10240xf32, #tpu.memory_space<vmem>> -> memref<128xf32, #tpu.memory_space<vmem>>
    %dma_wait3A_1030 = arith.constant 0 : i32
    %dma_wait3A_1031 = tpu.memref_slice %arg33[%dma_wait3A_1027, %dma_wait3A_1030] : memref<4x128xi32, #tpu.memory_space<vmem>> -> memref<1x128xi32, #tpu.memory_space<vmem>>
    %dma_wait3A_1032 = tpu.memref_squeeze %dma_wait3A_1031 : memref<1x128xi32, #tpu.memory_space<vmem>> -> memref<128xi32, #tpu.memory_space<vmem>>
    %dma_wait3A_1033 = arith.constant 0 : i32
    %dma_wait3A_1034 = tpu.memref_slice %arg3[%dma_wait3A_1033] : memref<1000000xf32, #tpu.memory_space<hbm>> -> memref<1000000xf32, #tpu.memory_space<hbm>>
    tpu.wait_indirect_dma semaphore(%arg39 : memref<!tpu.dma_semaphore, #tpu.memory_space<semaphore_mem>>) src(%dma_wait3A_1034 : memref<1000000xf32, #tpu.memory_space<hbm>>) dst(%dma_wait3A_1029 : memref<128xf32, #tpu.memory_space<vmem>>)
    %dma_wait3A_1035 = arith.constant 2 : i32
    %dma_wait3A_1036 = arith.constant 5376 : i32
    %dma_wait3A_1037 = tpu.memref_slice %arg37[%dma_wait3A_1036] : memref<10240xf32, #tpu.memory_space<vmem>> -> memref<128xf32, #tpu.memory_space<vmem>>
    %dma_wait3A_1038 = arith.constant 0 : i32
    %dma_wait3A_1039 = tpu.memref_slice %arg33[%dma_wait3A_1035, %dma_wait3A_1038] : memref<4x128xi32, #tpu.memory_space<vmem>> -> memref<1x128xi32, #tpu.memory_space<vmem>>
    %dma_wait3A_1040 = tpu.memref_squeeze %dma_wait3A_1039 : memref<1x128xi32, #tpu.memory_space<vmem>> -> memref<128xi32, #tpu.memory_space<vmem>>
    %dma_wait3A_1041 = arith.constant 0 : i32
    %dma_wait3A_1042 = tpu.memref_slice %arg4[%dma_wait3A_1041] : memref<1000000xf32, #tpu.memory_space<hbm>> -> memref<1000000xf32, #tpu.memory_space<hbm>>
    tpu.wait_indirect_dma semaphore(%arg39 : memref<!tpu.dma_semaphore, #tpu.memory_space<semaphore_mem>>) src(%dma_wait3A_1042 : memref<1000000xf32, #tpu.memory_space<hbm>>) dst(%dma_wait3A_1037 : memref<128xf32, #tpu.memory_space<vmem>>)
    %dma_wait3A_1043 = arith.constant 2 : i32
    %dma_wait3A_1044 = arith.constant 5504 : i32
    %dma_wait3A_1045 = tpu.memref_slice %arg37[%dma_wait3A_1044] : memref<10240xf32, #tpu.memory_space<vmem>> -> memref<128xf32, #tpu.memory_space<vmem>>
    %dma_wait3A_1046 = arith.constant 0 : i32
    %dma_wait3A_1047 = tpu.memref_slice %arg33[%dma_wait3A_1043, %dma_wait3A_1046] : memref<4x128xi32, #tpu.memory_space<vmem>> -> memref<1x128xi32, #tpu.memory_space<vmem>>
    %dma_wait3A_1048 = tpu.memref_squeeze %dma_wait3A_1047 : memref<1x128xi32, #tpu.memory_space<vmem>> -> memref<128xi32, #tpu.memory_space<vmem>>
    %dma_wait3A_1049 = arith.constant 0 : i32
    %dma_wait3A_1050 = tpu.memref_slice %arg5[%dma_wait3A_1049] : memref<1000000xf32, #tpu.memory_space<hbm>> -> memref<1000000xf32, #tpu.memory_space<hbm>>
    tpu.wait_indirect_dma semaphore(%arg39 : memref<!tpu.dma_semaphore, #tpu.memory_space<semaphore_mem>>) src(%dma_wait3A_1050 : memref<1000000xf32, #tpu.memory_space<hbm>>) dst(%dma_wait3A_1045 : memref<128xf32, #tpu.memory_space<vmem>>)
    %dma_wait3A_1051 = arith.constant 2 : i32
    %dma_wait3A_1052 = arith.constant 5632 : i32
    %dma_wait3A_1053 = tpu.memref_slice %arg37[%dma_wait3A_1052] : memref<10240xf32, #tpu.memory_space<vmem>> -> memref<128xf32, #tpu.memory_space<vmem>>
    %dma_wait3A_1054 = arith.constant 0 : i32
    %dma_wait3A_1055 = tpu.memref_slice %arg33[%dma_wait3A_1051, %dma_wait3A_1054] : memref<4x128xi32, #tpu.memory_space<vmem>> -> memref<1x128xi32, #tpu.memory_space<vmem>>
    %dma_wait3A_1056 = tpu.memref_squeeze %dma_wait3A_1055 : memref<1x128xi32, #tpu.memory_space<vmem>> -> memref<128xi32, #tpu.memory_space<vmem>>
    %dma_wait3A_1057 = arith.constant 0 : i32
    %dma_wait3A_1058 = tpu.memref_slice %arg6[%dma_wait3A_1057] : memref<1000000xf32, #tpu.memory_space<hbm>> -> memref<1000000xf32, #tpu.memory_space<hbm>>
    tpu.wait_indirect_dma semaphore(%arg39 : memref<!tpu.dma_semaphore, #tpu.memory_space<semaphore_mem>>) src(%dma_wait3A_1058 : memref<1000000xf32, #tpu.memory_space<hbm>>) dst(%dma_wait3A_1053 : memref<128xf32, #tpu.memory_space<vmem>>)
    %dma_wait3A_1059 = arith.constant 2 : i32
    %dma_wait3A_1060 = arith.constant 5760 : i32
    %dma_wait3A_1061 = tpu.memref_slice %arg37[%dma_wait3A_1060] : memref<10240xf32, #tpu.memory_space<vmem>> -> memref<128xf32, #tpu.memory_space<vmem>>
    %dma_wait3A_1062 = arith.constant 0 : i32
    %dma_wait3A_1063 = tpu.memref_slice %arg33[%dma_wait3A_1059, %dma_wait3A_1062] : memref<4x128xi32, #tpu.memory_space<vmem>> -> memref<1x128xi32, #tpu.memory_space<vmem>>
    %dma_wait3A_1064 = tpu.memref_squeeze %dma_wait3A_1063 : memref<1x128xi32, #tpu.memory_space<vmem>> -> memref<128xi32, #tpu.memory_space<vmem>>
    %dma_wait3A_1065 = arith.constant 0 : i32
    %dma_wait3A_1066 = tpu.memref_slice %arg7[%dma_wait3A_1065] : memref<1000000xf32, #tpu.memory_space<hbm>> -> memref<1000000xf32, #tpu.memory_space<hbm>>
    tpu.wait_indirect_dma semaphore(%arg39 : memref<!tpu.dma_semaphore, #tpu.memory_space<semaphore_mem>>) src(%dma_wait3A_1066 : memref<1000000xf32, #tpu.memory_space<hbm>>) dst(%dma_wait3A_1061 : memref<128xf32, #tpu.memory_space<vmem>>)
    %dma_wait3A_1067 = arith.constant 2 : i32
    %dma_wait3A_1068 = arith.constant 5888 : i32
    %dma_wait3A_1069 = tpu.memref_slice %arg37[%dma_wait3A_1068] : memref<10240xf32, #tpu.memory_space<vmem>> -> memref<128xf32, #tpu.memory_space<vmem>>
    %dma_wait3A_1070 = arith.constant 0 : i32
    %dma_wait3A_1071 = tpu.memref_slice %arg33[%dma_wait3A_1067, %dma_wait3A_1070] : memref<4x128xi32, #tpu.memory_space<vmem>> -> memref<1x128xi32, #tpu.memory_space<vmem>>
    %dma_wait3A_1072 = tpu.memref_squeeze %dma_wait3A_1071 : memref<1x128xi32, #tpu.memory_space<vmem>> -> memref<128xi32, #tpu.memory_space<vmem>>
    %dma_wait3A_1073 = arith.constant 0 : i32
    %dma_wait3A_1074 = tpu.memref_slice %arg8[%dma_wait3A_1073] : memref<1000000xf32, #tpu.memory_space<hbm>> -> memref<1000000xf32, #tpu.memory_space<hbm>>
    tpu.wait_indirect_dma semaphore(%arg39 : memref<!tpu.dma_semaphore, #tpu.memory_space<semaphore_mem>>) src(%dma_wait3A_1074 : memref<1000000xf32, #tpu.memory_space<hbm>>) dst(%dma_wait3A_1069 : memref<128xf32, #tpu.memory_space<vmem>>)
    %dma_wait3A_1075 = arith.constant 2 : i32
    %dma_wait3A_1076 = arith.constant 6016 : i32
    %dma_wait3A_1077 = tpu.memref_slice %arg37[%dma_wait3A_1076] : memref<10240xf32, #tpu.memory_space<vmem>> -> memref<128xf32, #tpu.memory_space<vmem>>
    %dma_wait3A_1078 = arith.constant 0 : i32
    %dma_wait3A_1079 = tpu.memref_slice %arg33[%dma_wait3A_1075, %dma_wait3A_1078] : memref<4x128xi32, #tpu.memory_space<vmem>> -> memref<1x128xi32, #tpu.memory_space<vmem>>
    %dma_wait3A_1080 = tpu.memref_squeeze %dma_wait3A_1079 : memref<1x128xi32, #tpu.memory_space<vmem>> -> memref<128xi32, #tpu.memory_space<vmem>>
    %dma_wait3A_1081 = arith.constant 0 : i32
    %dma_wait3A_1082 = tpu.memref_slice %arg9[%dma_wait3A_1081] : memref<1000000xf32, #tpu.memory_space<hbm>> -> memref<1000000xf32, #tpu.memory_space<hbm>>
    tpu.wait_indirect_dma semaphore(%arg39 : memref<!tpu.dma_semaphore, #tpu.memory_space<semaphore_mem>>) src(%dma_wait3A_1082 : memref<1000000xf32, #tpu.memory_space<hbm>>) dst(%dma_wait3A_1077 : memref<128xf32, #tpu.memory_space<vmem>>)
    %dma_wait3A_1083 = arith.constant 2 : i32
    %dma_wait3A_1084 = arith.constant 6144 : i32
    %dma_wait3A_1085 = tpu.memref_slice %arg37[%dma_wait3A_1084] : memref<10240xf32, #tpu.memory_space<vmem>> -> memref<128xf32, #tpu.memory_space<vmem>>
    %dma_wait3A_1086 = arith.constant 0 : i32
    %dma_wait3A_1087 = tpu.memref_slice %arg33[%dma_wait3A_1083, %dma_wait3A_1086] : memref<4x128xi32, #tpu.memory_space<vmem>> -> memref<1x128xi32, #tpu.memory_space<vmem>>
    %dma_wait3A_1088 = tpu.memref_squeeze %dma_wait3A_1087 : memref<1x128xi32, #tpu.memory_space<vmem>> -> memref<128xi32, #tpu.memory_space<vmem>>
    %dma_wait3A_1089 = arith.constant 0 : i32
    %dma_wait3A_1090 = tpu.memref_slice %arg10[%dma_wait3A_1089] : memref<1000000xf32, #tpu.memory_space<hbm>> -> memref<1000000xf32, #tpu.memory_space<hbm>>
    tpu.wait_indirect_dma semaphore(%arg39 : memref<!tpu.dma_semaphore, #tpu.memory_space<semaphore_mem>>) src(%dma_wait3A_1090 : memref<1000000xf32, #tpu.memory_space<hbm>>) dst(%dma_wait3A_1085 : memref<128xf32, #tpu.memory_space<vmem>>)
    %dma_wait3A_1091 = arith.constant 2 : i32
    %dma_wait3A_1092 = arith.constant 6272 : i32
    %dma_wait3A_1093 = tpu.memref_slice %arg37[%dma_wait3A_1092] : memref<10240xf32, #tpu.memory_space<vmem>> -> memref<128xf32, #tpu.memory_space<vmem>>
    %dma_wait3A_1094 = arith.constant 0 : i32
    %dma_wait3A_1095 = tpu.memref_slice %arg33[%dma_wait3A_1091, %dma_wait3A_1094] : memref<4x128xi32, #tpu.memory_space<vmem>> -> memref<1x128xi32, #tpu.memory_space<vmem>>
    %dma_wait3A_1096 = tpu.memref_squeeze %dma_wait3A_1095 : memref<1x128xi32, #tpu.memory_space<vmem>> -> memref<128xi32, #tpu.memory_space<vmem>>
    %dma_wait3A_1097 = arith.constant 0 : i32
    %dma_wait3A_1098 = tpu.memref_slice %arg11[%dma_wait3A_1097] : memref<1000000xf32, #tpu.memory_space<hbm>> -> memref<1000000xf32, #tpu.memory_space<hbm>>
    tpu.wait_indirect_dma semaphore(%arg39 : memref<!tpu.dma_semaphore, #tpu.memory_space<semaphore_mem>>) src(%dma_wait3A_1098 : memref<1000000xf32, #tpu.memory_space<hbm>>) dst(%dma_wait3A_1093 : memref<128xf32, #tpu.memory_space<vmem>>)
    %dma_wait3A_1099 = arith.constant 2 : i32
    %dma_wait3A_1100 = arith.constant 6400 : i32
    %dma_wait3A_1101 = tpu.memref_slice %arg37[%dma_wait3A_1100] : memref<10240xf32, #tpu.memory_space<vmem>> -> memref<128xf32, #tpu.memory_space<vmem>>
    %dma_wait3A_1102 = arith.constant 0 : i32
    %dma_wait3A_1103 = tpu.memref_slice %arg33[%dma_wait3A_1099, %dma_wait3A_1102] : memref<4x128xi32, #tpu.memory_space<vmem>> -> memref<1x128xi32, #tpu.memory_space<vmem>>
    %dma_wait3A_1104 = tpu.memref_squeeze %dma_wait3A_1103 : memref<1x128xi32, #tpu.memory_space<vmem>> -> memref<128xi32, #tpu.memory_space<vmem>>
    %dma_wait3A_1105 = arith.constant 0 : i32
    %dma_wait3A_1106 = tpu.memref_slice %arg12[%dma_wait3A_1105] : memref<1000000xf32, #tpu.memory_space<hbm>> -> memref<1000000xf32, #tpu.memory_space<hbm>>
    tpu.wait_indirect_dma semaphore(%arg39 : memref<!tpu.dma_semaphore, #tpu.memory_space<semaphore_mem>>) src(%dma_wait3A_1106 : memref<1000000xf32, #tpu.memory_space<hbm>>) dst(%dma_wait3A_1101 : memref<128xf32, #tpu.memory_space<vmem>>)
    %dma_wait3A_1107 = arith.constant 2 : i32
    %dma_wait3A_1108 = arith.constant 6528 : i32
    %dma_wait3A_1109 = tpu.memref_slice %arg37[%dma_wait3A_1108] : memref<10240xf32, #tpu.memory_space<vmem>> -> memref<128xf32, #tpu.memory_space<vmem>>
    %dma_wait3A_1110 = arith.constant 0 : i32
    %dma_wait3A_1111 = tpu.memref_slice %arg33[%dma_wait3A_1107, %dma_wait3A_1110] : memref<4x128xi32, #tpu.memory_space<vmem>> -> memref<1x128xi32, #tpu.memory_space<vmem>>
    %dma_wait3A_1112 = tpu.memref_squeeze %dma_wait3A_1111 : memref<1x128xi32, #tpu.memory_space<vmem>> -> memref<128xi32, #tpu.memory_space<vmem>>
    %dma_wait3A_1113 = arith.constant 0 : i32
    %dma_wait3A_1114 = tpu.memref_slice %arg13[%dma_wait3A_1113] : memref<1000000xf32, #tpu.memory_space<hbm>> -> memref<1000000xf32, #tpu.memory_space<hbm>>
    tpu.wait_indirect_dma semaphore(%arg39 : memref<!tpu.dma_semaphore, #tpu.memory_space<semaphore_mem>>) src(%dma_wait3A_1114 : memref<1000000xf32, #tpu.memory_space<hbm>>) dst(%dma_wait3A_1109 : memref<128xf32, #tpu.memory_space<vmem>>)
    %dma_wait3A_1115 = arith.constant 2 : i32
    %dma_wait3A_1116 = arith.constant 6656 : i32
    %dma_wait3A_1117 = tpu.memref_slice %arg37[%dma_wait3A_1116] : memref<10240xf32, #tpu.memory_space<vmem>> -> memref<128xf32, #tpu.memory_space<vmem>>
    %dma_wait3A_1118 = arith.constant 0 : i32
    %dma_wait3A_1119 = tpu.memref_slice %arg33[%dma_wait3A_1115, %dma_wait3A_1118] : memref<4x128xi32, #tpu.memory_space<vmem>> -> memref<1x128xi32, #tpu.memory_space<vmem>>
    %dma_wait3A_1120 = tpu.memref_squeeze %dma_wait3A_1119 : memref<1x128xi32, #tpu.memory_space<vmem>> -> memref<128xi32, #tpu.memory_space<vmem>>
    %dma_wait3A_1121 = arith.constant 0 : i32
    %dma_wait3A_1122 = tpu.memref_slice %arg14[%dma_wait3A_1121] : memref<1000000xf32, #tpu.memory_space<hbm>> -> memref<1000000xf32, #tpu.memory_space<hbm>>
    tpu.wait_indirect_dma semaphore(%arg39 : memref<!tpu.dma_semaphore, #tpu.memory_space<semaphore_mem>>) src(%dma_wait3A_1122 : memref<1000000xf32, #tpu.memory_space<hbm>>) dst(%dma_wait3A_1117 : memref<128xf32, #tpu.memory_space<vmem>>)
    %dma_wait3A_1123 = arith.constant 2 : i32
    %dma_wait3A_1124 = arith.constant 6784 : i32
    %dma_wait3A_1125 = tpu.memref_slice %arg37[%dma_wait3A_1124] : memref<10240xf32, #tpu.memory_space<vmem>> -> memref<128xf32, #tpu.memory_space<vmem>>
    %dma_wait3A_1126 = arith.constant 0 : i32
    %dma_wait3A_1127 = tpu.memref_slice %arg33[%dma_wait3A_1123, %dma_wait3A_1126] : memref<4x128xi32, #tpu.memory_space<vmem>> -> memref<1x128xi32, #tpu.memory_space<vmem>>
    %dma_wait3A_1128 = tpu.memref_squeeze %dma_wait3A_1127 : memref<1x128xi32, #tpu.memory_space<vmem>> -> memref<128xi32, #tpu.memory_space<vmem>>
    %dma_wait3A_1129 = arith.constant 0 : i32
    %dma_wait3A_1130 = tpu.memref_slice %arg15[%dma_wait3A_1129] : memref<1000000xf32, #tpu.memory_space<hbm>> -> memref<1000000xf32, #tpu.memory_space<hbm>>
    tpu.wait_indirect_dma semaphore(%arg39 : memref<!tpu.dma_semaphore, #tpu.memory_space<semaphore_mem>>) src(%dma_wait3A_1130 : memref<1000000xf32, #tpu.memory_space<hbm>>) dst(%dma_wait3A_1125 : memref<128xf32, #tpu.memory_space<vmem>>)
    %dma_wait3A_1131 = arith.constant 2 : i32
    %dma_wait3A_1132 = arith.constant 6912 : i32
    %dma_wait3A_1133 = tpu.memref_slice %arg37[%dma_wait3A_1132] : memref<10240xf32, #tpu.memory_space<vmem>> -> memref<128xf32, #tpu.memory_space<vmem>>
    %dma_wait3A_1134 = arith.constant 0 : i32
    %dma_wait3A_1135 = tpu.memref_slice %arg33[%dma_wait3A_1131, %dma_wait3A_1134] : memref<4x128xi32, #tpu.memory_space<vmem>> -> memref<1x128xi32, #tpu.memory_space<vmem>>
    %dma_wait3A_1136 = tpu.memref_squeeze %dma_wait3A_1135 : memref<1x128xi32, #tpu.memory_space<vmem>> -> memref<128xi32, #tpu.memory_space<vmem>>
    %dma_wait3A_1137 = arith.constant 0 : i32
    %dma_wait3A_1138 = tpu.memref_slice %arg16[%dma_wait3A_1137] : memref<1000000xf32, #tpu.memory_space<hbm>> -> memref<1000000xf32, #tpu.memory_space<hbm>>
    tpu.wait_indirect_dma semaphore(%arg39 : memref<!tpu.dma_semaphore, #tpu.memory_space<semaphore_mem>>) src(%dma_wait3A_1138 : memref<1000000xf32, #tpu.memory_space<hbm>>) dst(%dma_wait3A_1133 : memref<128xf32, #tpu.memory_space<vmem>>)
    %dma_wait3A_1139 = arith.constant 2 : i32
    %dma_wait3A_1140 = arith.constant 7040 : i32
    %dma_wait3A_1141 = tpu.memref_slice %arg37[%dma_wait3A_1140] : memref<10240xf32, #tpu.memory_space<vmem>> -> memref<128xf32, #tpu.memory_space<vmem>>
    %dma_wait3A_1142 = arith.constant 0 : i32
    %dma_wait3A_1143 = tpu.memref_slice %arg33[%dma_wait3A_1139, %dma_wait3A_1142] : memref<4x128xi32, #tpu.memory_space<vmem>> -> memref<1x128xi32, #tpu.memory_space<vmem>>
    %dma_wait3A_1144 = tpu.memref_squeeze %dma_wait3A_1143 : memref<1x128xi32, #tpu.memory_space<vmem>> -> memref<128xi32, #tpu.memory_space<vmem>>
    %dma_wait3A_1145 = arith.constant 0 : i32
    %dma_wait3A_1146 = tpu.memref_slice %arg17[%dma_wait3A_1145] : memref<1000000xf32, #tpu.memory_space<hbm>> -> memref<1000000xf32, #tpu.memory_space<hbm>>
    tpu.wait_indirect_dma semaphore(%arg39 : memref<!tpu.dma_semaphore, #tpu.memory_space<semaphore_mem>>) src(%dma_wait3A_1146 : memref<1000000xf32, #tpu.memory_space<hbm>>) dst(%dma_wait3A_1141 : memref<128xf32, #tpu.memory_space<vmem>>)
    %dma_wait3A_1147 = arith.constant 2 : i32
    %dma_wait3A_1148 = arith.constant 7168 : i32
    %dma_wait3A_1149 = tpu.memref_slice %arg37[%dma_wait3A_1148] : memref<10240xf32, #tpu.memory_space<vmem>> -> memref<128xf32, #tpu.memory_space<vmem>>
    %dma_wait3A_1150 = arith.constant 0 : i32
    %dma_wait3A_1151 = tpu.memref_slice %arg33[%dma_wait3A_1147, %dma_wait3A_1150] : memref<4x128xi32, #tpu.memory_space<vmem>> -> memref<1x128xi32, #tpu.memory_space<vmem>>
    %dma_wait3A_1152 = tpu.memref_squeeze %dma_wait3A_1151 : memref<1x128xi32, #tpu.memory_space<vmem>> -> memref<128xi32, #tpu.memory_space<vmem>>
    %dma_wait3A_1153 = arith.constant 0 : i32
    %dma_wait3A_1154 = tpu.memref_slice %arg18[%dma_wait3A_1153] : memref<1000000xf32, #tpu.memory_space<hbm>> -> memref<1000000xf32, #tpu.memory_space<hbm>>
    tpu.wait_indirect_dma semaphore(%arg39 : memref<!tpu.dma_semaphore, #tpu.memory_space<semaphore_mem>>) src(%dma_wait3A_1154 : memref<1000000xf32, #tpu.memory_space<hbm>>) dst(%dma_wait3A_1149 : memref<128xf32, #tpu.memory_space<vmem>>)
    %dma_wait3A_1155 = arith.constant 2 : i32
    %dma_wait3A_1156 = arith.constant 7296 : i32
    %dma_wait3A_1157 = tpu.memref_slice %arg37[%dma_wait3A_1156] : memref<10240xf32, #tpu.memory_space<vmem>> -> memref<128xf32, #tpu.memory_space<vmem>>
    %dma_wait3A_1158 = arith.constant 0 : i32
    %dma_wait3A_1159 = tpu.memref_slice %arg33[%dma_wait3A_1155, %dma_wait3A_1158] : memref<4x128xi32, #tpu.memory_space<vmem>> -> memref<1x128xi32, #tpu.memory_space<vmem>>
    %dma_wait3A_1160 = tpu.memref_squeeze %dma_wait3A_1159 : memref<1x128xi32, #tpu.memory_space<vmem>> -> memref<128xi32, #tpu.memory_space<vmem>>
    %dma_wait3A_1161 = arith.constant 0 : i32
    %dma_wait3A_1162 = tpu.memref_slice %arg19[%dma_wait3A_1161] : memref<1000000xf32, #tpu.memory_space<hbm>> -> memref<1000000xf32, #tpu.memory_space<hbm>>
    tpu.wait_indirect_dma semaphore(%arg39 : memref<!tpu.dma_semaphore, #tpu.memory_space<semaphore_mem>>) src(%dma_wait3A_1162 : memref<1000000xf32, #tpu.memory_space<hbm>>) dst(%dma_wait3A_1157 : memref<128xf32, #tpu.memory_space<vmem>>)
    %dma_wait3A_1163 = arith.constant 2 : i32
    %dma_wait3A_1164 = arith.constant 7424 : i32
    %dma_wait3A_1165 = tpu.memref_slice %arg37[%dma_wait3A_1164] : memref<10240xf32, #tpu.memory_space<vmem>> -> memref<128xf32, #tpu.memory_space<vmem>>
    %dma_wait3A_1166 = arith.constant 0 : i32
    %dma_wait3A_1167 = tpu.memref_slice %arg33[%dma_wait3A_1163, %dma_wait3A_1166] : memref<4x128xi32, #tpu.memory_space<vmem>> -> memref<1x128xi32, #tpu.memory_space<vmem>>
    %dma_wait3A_1168 = tpu.memref_squeeze %dma_wait3A_1167 : memref<1x128xi32, #tpu.memory_space<vmem>> -> memref<128xi32, #tpu.memory_space<vmem>>
    %dma_wait3A_1169 = arith.constant 0 : i32
    %dma_wait3A_1170 = tpu.memref_slice %arg20[%dma_wait3A_1169] : memref<1000000xf32, #tpu.memory_space<hbm>> -> memref<1000000xf32, #tpu.memory_space<hbm>>
    tpu.wait_indirect_dma semaphore(%arg39 : memref<!tpu.dma_semaphore, #tpu.memory_space<semaphore_mem>>) src(%dma_wait3A_1170 : memref<1000000xf32, #tpu.memory_space<hbm>>) dst(%dma_wait3A_1165 : memref<128xf32, #tpu.memory_space<vmem>>)
    %dma_wait3A_1171 = arith.constant 2 : i32
    %dma_wait3A_1172 = arith.constant 7552 : i32
    %dma_wait3A_1173 = tpu.memref_slice %arg37[%dma_wait3A_1172] : memref<10240xf32, #tpu.memory_space<vmem>> -> memref<128xf32, #tpu.memory_space<vmem>>
    %dma_wait3A_1174 = arith.constant 0 : i32
    %dma_wait3A_1175 = tpu.memref_slice %arg33[%dma_wait3A_1171, %dma_wait3A_1174] : memref<4x128xi32, #tpu.memory_space<vmem>> -> memref<1x128xi32, #tpu.memory_space<vmem>>
    %dma_wait3A_1176 = tpu.memref_squeeze %dma_wait3A_1175 : memref<1x128xi32, #tpu.memory_space<vmem>> -> memref<128xi32, #tpu.memory_space<vmem>>
    %dma_wait3A_1177 = arith.constant 0 : i32
    %dma_wait3A_1178 = tpu.memref_slice %arg21[%dma_wait3A_1177] : memref<1000000xf32, #tpu.memory_space<hbm>> -> memref<1000000xf32, #tpu.memory_space<hbm>>
    tpu.wait_indirect_dma semaphore(%arg39 : memref<!tpu.dma_semaphore, #tpu.memory_space<semaphore_mem>>) src(%dma_wait3A_1178 : memref<1000000xf32, #tpu.memory_space<hbm>>) dst(%dma_wait3A_1173 : memref<128xf32, #tpu.memory_space<vmem>>)
    %dma_wait3A_1179 = arith.constant 2 : i32
    %dma_wait3A_1180 = arith.constant 2 : i32
    %dma_wait3A_1181 = arith.constant 0 : i32
    %dma_wait3A_1182 = tpu.memref_slice %arg35[%dma_wait3A_1180, %dma_wait3A_1181] : memref<4x128xi32, #tpu.memory_space<vmem>> -> memref<1x128xi32, #tpu.memory_space<vmem>>
    %dma_wait3A_1183 = tpu.memref_squeeze %dma_wait3A_1182 : memref<1x128xi32, #tpu.memory_space<vmem>> -> memref<128xi32, #tpu.memory_space<vmem>>
    %dma_wait3A_1184 = arith.constant 0 : i32
    %dma_wait3A_1185 = tpu.memref_slice %arg34[%dma_wait3A_1179, %dma_wait3A_1184] : memref<4x128xi32, #tpu.memory_space<vmem>> -> memref<1x128xi32, #tpu.memory_space<vmem>>
    %dma_wait3A_1186 = tpu.memref_squeeze %dma_wait3A_1185 : memref<1x128xi32, #tpu.memory_space<vmem>> -> memref<128xi32, #tpu.memory_space<vmem>>
    %dma_wait3A_1187 = arith.constant 0 : i32
    %dma_wait3A_1188 = tpu.memref_slice %arg24[%dma_wait3A_1187] : memref<16384xi32, #tpu.memory_space<hbm>> -> memref<16384xi32, #tpu.memory_space<hbm>>
    tpu.wait_indirect_dma semaphore(%arg40 : memref<!tpu.dma_semaphore, #tpu.memory_space<semaphore_mem>>) src(%dma_wait3A_1188 : memref<16384xi32, #tpu.memory_space<hbm>>) dst(%dma_wait3A_1183 : memref<128xi32, #tpu.memory_space<vmem>>)
    %dma_start3A_1189 = arith.constant 3 : i32
    %dma_start3A_1190 = arith.constant 7680 : i32
    %dma_start3A_1191 = tpu.memref_slice %arg37[%dma_start3A_1190] : memref<10240xf32, #tpu.memory_space<vmem>> -> memref<128xf32, #tpu.memory_space<vmem>>
    %dma_start3A_1192 = arith.constant 0 : i32
    %dma_start3A_1193 = tpu.memref_slice %arg33[%dma_start3A_1189, %dma_start3A_1192] : memref<4x128xi32, #tpu.memory_space<vmem>> -> memref<1x128xi32, #tpu.memory_space<vmem>>
    %dma_start3A_1194 = tpu.memref_squeeze %dma_start3A_1193 : memref<1x128xi32, #tpu.memory_space<vmem>> -> memref<128xi32, #tpu.memory_space<vmem>>
    %dma_start3A_1195 = arith.constant 0 : i32
    %dma_start3A_1196 = tpu.memref_slice %arg2[%dma_start3A_1195] : memref<1000000xf32, #tpu.memory_space<hbm>> -> memref<1000000xf32, #tpu.memory_space<hbm>>
    tpu.enqueue_indirect_dma source(%dma_start3A_1196 : memref<1000000xf32, #tpu.memory_space<hbm>>) target(%dma_start3A_1191 : memref<128xf32, #tpu.memory_space<vmem>>) offsets(%dma_start3A_1194 : memref<128xi32, #tpu.memory_space<vmem>>) semaphore(%arg39 : memref<!tpu.dma_semaphore, #tpu.memory_space<semaphore_mem>>)
    %dma_start3A_1197 = arith.constant 3 : i32
    %dma_start3A_1198 = arith.constant 7808 : i32
    %dma_start3A_1199 = tpu.memref_slice %arg37[%dma_start3A_1198] : memref<10240xf32, #tpu.memory_space<vmem>> -> memref<128xf32, #tpu.memory_space<vmem>>
    %dma_start3A_1200 = arith.constant 0 : i32
    %dma_start3A_1201 = tpu.memref_slice %arg33[%dma_start3A_1197, %dma_start3A_1200] : memref<4x128xi32, #tpu.memory_space<vmem>> -> memref<1x128xi32, #tpu.memory_space<vmem>>
    %dma_start3A_1202 = tpu.memref_squeeze %dma_start3A_1201 : memref<1x128xi32, #tpu.memory_space<vmem>> -> memref<128xi32, #tpu.memory_space<vmem>>
    %dma_start3A_1203 = arith.constant 0 : i32
    %dma_start3A_1204 = tpu.memref_slice %arg3[%dma_start3A_1203] : memref<1000000xf32, #tpu.memory_space<hbm>> -> memref<1000000xf32, #tpu.memory_space<hbm>>
    tpu.enqueue_indirect_dma source(%dma_start3A_1204 : memref<1000000xf32, #tpu.memory_space<hbm>>) target(%dma_start3A_1199 : memref<128xf32, #tpu.memory_space<vmem>>) offsets(%dma_start3A_1202 : memref<128xi32, #tpu.memory_space<vmem>>) semaphore(%arg39 : memref<!tpu.dma_semaphore, #tpu.memory_space<semaphore_mem>>)
    %dma_start3A_1205 = arith.constant 3 : i32
    %dma_start3A_1206 = arith.constant 7936 : i32
    %dma_start3A_1207 = tpu.memref_slice %arg37[%dma_start3A_1206] : memref<10240xf32, #tpu.memory_space<vmem>> -> memref<128xf32, #tpu.memory_space<vmem>>
    %dma_start3A_1208 = arith.constant 0 : i32
    %dma_start3A_1209 = tpu.memref_slice %arg33[%dma_start3A_1205, %dma_start3A_1208] : memref<4x128xi32, #tpu.memory_space<vmem>> -> memref<1x128xi32, #tpu.memory_space<vmem>>
    %dma_start3A_1210 = tpu.memref_squeeze %dma_start3A_1209 : memref<1x128xi32, #tpu.memory_space<vmem>> -> memref<128xi32, #tpu.memory_space<vmem>>
    %dma_start3A_1211 = arith.constant 0 : i32
    %dma_start3A_1212 = tpu.memref_slice %arg4[%dma_start3A_1211] : memref<1000000xf32, #tpu.memory_space<hbm>> -> memref<1000000xf32, #tpu.memory_space<hbm>>
    tpu.enqueue_indirect_dma source(%dma_start3A_1212 : memref<1000000xf32, #tpu.memory_space<hbm>>) target(%dma_start3A_1207 : memref<128xf32, #tpu.memory_space<vmem>>) offsets(%dma_start3A_1210 : memref<128xi32, #tpu.memory_space<vmem>>) semaphore(%arg39 : memref<!tpu.dma_semaphore, #tpu.memory_space<semaphore_mem>>)
    %dma_start3A_1213 = arith.constant 3 : i32
    %dma_start3A_1214 = arith.constant 8064 : i32
    %dma_start3A_1215 = tpu.memref_slice %arg37[%dma_start3A_1214] : memref<10240xf32, #tpu.memory_space<vmem>> -> memref<128xf32, #tpu.memory_space<vmem>>
    %dma_start3A_1216 = arith.constant 0 : i32
    %dma_start3A_1217 = tpu.memref_slice %arg33[%dma_start3A_1213, %dma_start3A_1216] : memref<4x128xi32, #tpu.memory_space<vmem>> -> memref<1x128xi32, #tpu.memory_space<vmem>>
    %dma_start3A_1218 = tpu.memref_squeeze %dma_start3A_1217 : memref<1x128xi32, #tpu.memory_space<vmem>> -> memref<128xi32, #tpu.memory_space<vmem>>
    %dma_start3A_1219 = arith.constant 0 : i32
    %dma_start3A_1220 = tpu.memref_slice %arg5[%dma_start3A_1219] : memref<1000000xf32, #tpu.memory_space<hbm>> -> memref<1000000xf32, #tpu.memory_space<hbm>>
    tpu.enqueue_indirect_dma source(%dma_start3A_1220 : memref<1000000xf32, #tpu.memory_space<hbm>>) target(%dma_start3A_1215 : memref<128xf32, #tpu.memory_space<vmem>>) offsets(%dma_start3A_1218 : memref<128xi32, #tpu.memory_space<vmem>>) semaphore(%arg39 : memref<!tpu.dma_semaphore, #tpu.memory_space<semaphore_mem>>)
    %dma_start3A_1221 = arith.constant 3 : i32
    %dma_start3A_1222 = arith.constant 8192 : i32
    %dma_start3A_1223 = tpu.memref_slice %arg37[%dma_start3A_1222] : memref<10240xf32, #tpu.memory_space<vmem>> -> memref<128xf32, #tpu.memory_space<vmem>>
    %dma_start3A_1224 = arith.constant 0 : i32
    %dma_start3A_1225 = tpu.memref_slice %arg33[%dma_start3A_1221, %dma_start3A_1224] : memref<4x128xi32, #tpu.memory_space<vmem>> -> memref<1x128xi32, #tpu.memory_space<vmem>>
    %dma_start3A_1226 = tpu.memref_squeeze %dma_start3A_1225 : memref<1x128xi32, #tpu.memory_space<vmem>> -> memref<128xi32, #tpu.memory_space<vmem>>
    %dma_start3A_1227 = arith.constant 0 : i32
    %dma_start3A_1228 = tpu.memref_slice %arg6[%dma_start3A_1227] : memref<1000000xf32, #tpu.memory_space<hbm>> -> memref<1000000xf32, #tpu.memory_space<hbm>>
    tpu.enqueue_indirect_dma source(%dma_start3A_1228 : memref<1000000xf32, #tpu.memory_space<hbm>>) target(%dma_start3A_1223 : memref<128xf32, #tpu.memory_space<vmem>>) offsets(%dma_start3A_1226 : memref<128xi32, #tpu.memory_space<vmem>>) semaphore(%arg39 : memref<!tpu.dma_semaphore, #tpu.memory_space<semaphore_mem>>)
    %dma_start3A_1229 = arith.constant 3 : i32
    %dma_start3A_1230 = arith.constant 8320 : i32
    %dma_start3A_1231 = tpu.memref_slice %arg37[%dma_start3A_1230] : memref<10240xf32, #tpu.memory_space<vmem>> -> memref<128xf32, #tpu.memory_space<vmem>>
    %dma_start3A_1232 = arith.constant 0 : i32
    %dma_start3A_1233 = tpu.memref_slice %arg33[%dma_start3A_1229, %dma_start3A_1232] : memref<4x128xi32, #tpu.memory_space<vmem>> -> memref<1x128xi32, #tpu.memory_space<vmem>>
    %dma_start3A_1234 = tpu.memref_squeeze %dma_start3A_1233 : memref<1x128xi32, #tpu.memory_space<vmem>> -> memref<128xi32, #tpu.memory_space<vmem>>
    %dma_start3A_1235 = arith.constant 0 : i32
    %dma_start3A_1236 = tpu.memref_slice %arg7[%dma_start3A_1235] : memref<1000000xf32, #tpu.memory_space<hbm>> -> memref<1000000xf32, #tpu.memory_space<hbm>>
    tpu.enqueue_indirect_dma source(%dma_start3A_1236 : memref<1000000xf32, #tpu.memory_space<hbm>>) target(%dma_start3A_1231 : memref<128xf32, #tpu.memory_space<vmem>>) offsets(%dma_start3A_1234 : memref<128xi32, #tpu.memory_space<vmem>>) semaphore(%arg39 : memref<!tpu.dma_semaphore, #tpu.memory_space<semaphore_mem>>)
    %dma_start3A_1237 = arith.constant 3 : i32
    %dma_start3A_1238 = arith.constant 8448 : i32
    %dma_start3A_1239 = tpu.memref_slice %arg37[%dma_start3A_1238] : memref<10240xf32, #tpu.memory_space<vmem>> -> memref<128xf32, #tpu.memory_space<vmem>>
    %dma_start3A_1240 = arith.constant 0 : i32
    %dma_start3A_1241 = tpu.memref_slice %arg33[%dma_start3A_1237, %dma_start3A_1240] : memref<4x128xi32, #tpu.memory_space<vmem>> -> memref<1x128xi32, #tpu.memory_space<vmem>>
    %dma_start3A_1242 = tpu.memref_squeeze %dma_start3A_1241 : memref<1x128xi32, #tpu.memory_space<vmem>> -> memref<128xi32, #tpu.memory_space<vmem>>
    %dma_start3A_1243 = arith.constant 0 : i32
    %dma_start3A_1244 = tpu.memref_slice %arg8[%dma_start3A_1243] : memref<1000000xf32, #tpu.memory_space<hbm>> -> memref<1000000xf32, #tpu.memory_space<hbm>>
    tpu.enqueue_indirect_dma source(%dma_start3A_1244 : memref<1000000xf32, #tpu.memory_space<hbm>>) target(%dma_start3A_1239 : memref<128xf32, #tpu.memory_space<vmem>>) offsets(%dma_start3A_1242 : memref<128xi32, #tpu.memory_space<vmem>>) semaphore(%arg39 : memref<!tpu.dma_semaphore, #tpu.memory_space<semaphore_mem>>)
    %dma_start3A_1245 = arith.constant 3 : i32
    %dma_start3A_1246 = arith.constant 8576 : i32
    %dma_start3A_1247 = tpu.memref_slice %arg37[%dma_start3A_1246] : memref<10240xf32, #tpu.memory_space<vmem>> -> memref<128xf32, #tpu.memory_space<vmem>>
    %dma_start3A_1248 = arith.constant 0 : i32
    %dma_start3A_1249 = tpu.memref_slice %arg33[%dma_start3A_1245, %dma_start3A_1248] : memref<4x128xi32, #tpu.memory_space<vmem>> -> memref<1x128xi32, #tpu.memory_space<vmem>>
    %dma_start3A_1250 = tpu.memref_squeeze %dma_start3A_1249 : memref<1x128xi32, #tpu.memory_space<vmem>> -> memref<128xi32, #tpu.memory_space<vmem>>
    %dma_start3A_1251 = arith.constant 0 : i32
    %dma_start3A_1252 = tpu.memref_slice %arg9[%dma_start3A_1251] : memref<1000000xf32, #tpu.memory_space<hbm>> -> memref<1000000xf32, #tpu.memory_space<hbm>>
    tpu.enqueue_indirect_dma source(%dma_start3A_1252 : memref<1000000xf32, #tpu.memory_space<hbm>>) target(%dma_start3A_1247 : memref<128xf32, #tpu.memory_space<vmem>>) offsets(%dma_start3A_1250 : memref<128xi32, #tpu.memory_space<vmem>>) semaphore(%arg39 : memref<!tpu.dma_semaphore, #tpu.memory_space<semaphore_mem>>)
    %dma_start3A_1253 = arith.constant 3 : i32
    %dma_start3A_1254 = arith.constant 8704 : i32
    %dma_start3A_1255 = tpu.memref_slice %arg37[%dma_start3A_1254] : memref<10240xf32, #tpu.memory_space<vmem>> -> memref<128xf32, #tpu.memory_space<vmem>>
    %dma_start3A_1256 = arith.constant 0 : i32
    %dma_start3A_1257 = tpu.memref_slice %arg33[%dma_start3A_1253, %dma_start3A_1256] : memref<4x128xi32, #tpu.memory_space<vmem>> -> memref<1x128xi32, #tpu.memory_space<vmem>>
    %dma_start3A_1258 = tpu.memref_squeeze %dma_start3A_1257 : memref<1x128xi32, #tpu.memory_space<vmem>> -> memref<128xi32, #tpu.memory_space<vmem>>
    %dma_start3A_1259 = arith.constant 0 : i32
    %dma_start3A_1260 = tpu.memref_slice %arg10[%dma_start3A_1259] : memref<1000000xf32, #tpu.memory_space<hbm>> -> memref<1000000xf32, #tpu.memory_space<hbm>>
    tpu.enqueue_indirect_dma source(%dma_start3A_1260 : memref<1000000xf32, #tpu.memory_space<hbm>>) target(%dma_start3A_1255 : memref<128xf32, #tpu.memory_space<vmem>>) offsets(%dma_start3A_1258 : memref<128xi32, #tpu.memory_space<vmem>>) semaphore(%arg39 : memref<!tpu.dma_semaphore, #tpu.memory_space<semaphore_mem>>)
    %dma_start3A_1261 = arith.constant 3 : i32
    %dma_start3A_1262 = arith.constant 8832 : i32
    %dma_start3A_1263 = tpu.memref_slice %arg37[%dma_start3A_1262] : memref<10240xf32, #tpu.memory_space<vmem>> -> memref<128xf32, #tpu.memory_space<vmem>>
    %dma_start3A_1264 = arith.constant 0 : i32
    %dma_start3A_1265 = tpu.memref_slice %arg33[%dma_start3A_1261, %dma_start3A_1264] : memref<4x128xi32, #tpu.memory_space<vmem>> -> memref<1x128xi32, #tpu.memory_space<vmem>>
    %dma_start3A_1266 = tpu.memref_squeeze %dma_start3A_1265 : memref<1x128xi32, #tpu.memory_space<vmem>> -> memref<128xi32, #tpu.memory_space<vmem>>
    %dma_start3A_1267 = arith.constant 0 : i32
    %dma_start3A_1268 = tpu.memref_slice %arg11[%dma_start3A_1267] : memref<1000000xf32, #tpu.memory_space<hbm>> -> memref<1000000xf32, #tpu.memory_space<hbm>>
    tpu.enqueue_indirect_dma source(%dma_start3A_1268 : memref<1000000xf32, #tpu.memory_space<hbm>>) target(%dma_start3A_1263 : memref<128xf32, #tpu.memory_space<vmem>>) offsets(%dma_start3A_1266 : memref<128xi32, #tpu.memory_space<vmem>>) semaphore(%arg39 : memref<!tpu.dma_semaphore, #tpu.memory_space<semaphore_mem>>)
    %dma_start3A_1269 = arith.constant 3 : i32
    %dma_start3A_1270 = arith.constant 8960 : i32
    %dma_start3A_1271 = tpu.memref_slice %arg37[%dma_start3A_1270] : memref<10240xf32, #tpu.memory_space<vmem>> -> memref<128xf32, #tpu.memory_space<vmem>>
    %dma_start3A_1272 = arith.constant 0 : i32
    %dma_start3A_1273 = tpu.memref_slice %arg33[%dma_start3A_1269, %dma_start3A_1272] : memref<4x128xi32, #tpu.memory_space<vmem>> -> memref<1x128xi32, #tpu.memory_space<vmem>>
    %dma_start3A_1274 = tpu.memref_squeeze %dma_start3A_1273 : memref<1x128xi32, #tpu.memory_space<vmem>> -> memref<128xi32, #tpu.memory_space<vmem>>
    %dma_start3A_1275 = arith.constant 0 : i32
    %dma_start3A_1276 = tpu.memref_slice %arg12[%dma_start3A_1275] : memref<1000000xf32, #tpu.memory_space<hbm>> -> memref<1000000xf32, #tpu.memory_space<hbm>>
    tpu.enqueue_indirect_dma source(%dma_start3A_1276 : memref<1000000xf32, #tpu.memory_space<hbm>>) target(%dma_start3A_1271 : memref<128xf32, #tpu.memory_space<vmem>>) offsets(%dma_start3A_1274 : memref<128xi32, #tpu.memory_space<vmem>>) semaphore(%arg39 : memref<!tpu.dma_semaphore, #tpu.memory_space<semaphore_mem>>)
    %dma_start3A_1277 = arith.constant 3 : i32
    %dma_start3A_1278 = arith.constant 9088 : i32
    %dma_start3A_1279 = tpu.memref_slice %arg37[%dma_start3A_1278] : memref<10240xf32, #tpu.memory_space<vmem>> -> memref<128xf32, #tpu.memory_space<vmem>>
    %dma_start3A_1280 = arith.constant 0 : i32
    %dma_start3A_1281 = tpu.memref_slice %arg33[%dma_start3A_1277, %dma_start3A_1280] : memref<4x128xi32, #tpu.memory_space<vmem>> -> memref<1x128xi32, #tpu.memory_space<vmem>>
    %dma_start3A_1282 = tpu.memref_squeeze %dma_start3A_1281 : memref<1x128xi32, #tpu.memory_space<vmem>> -> memref<128xi32, #tpu.memory_space<vmem>>
    %dma_start3A_1283 = arith.constant 0 : i32
    %dma_start3A_1284 = tpu.memref_slice %arg13[%dma_start3A_1283] : memref<1000000xf32, #tpu.memory_space<hbm>> -> memref<1000000xf32, #tpu.memory_space<hbm>>
    tpu.enqueue_indirect_dma source(%dma_start3A_1284 : memref<1000000xf32, #tpu.memory_space<hbm>>) target(%dma_start3A_1279 : memref<128xf32, #tpu.memory_space<vmem>>) offsets(%dma_start3A_1282 : memref<128xi32, #tpu.memory_space<vmem>>) semaphore(%arg39 : memref<!tpu.dma_semaphore, #tpu.memory_space<semaphore_mem>>)
    %dma_start3A_1285 = arith.constant 3 : i32
    %dma_start3A_1286 = arith.constant 9216 : i32
    %dma_start3A_1287 = tpu.memref_slice %arg37[%dma_start3A_1286] : memref<10240xf32, #tpu.memory_space<vmem>> -> memref<128xf32, #tpu.memory_space<vmem>>
    %dma_start3A_1288 = arith.constant 0 : i32
    %dma_start3A_1289 = tpu.memref_slice %arg33[%dma_start3A_1285, %dma_start3A_1288] : memref<4x128xi32, #tpu.memory_space<vmem>> -> memref<1x128xi32, #tpu.memory_space<vmem>>
    %dma_start3A_1290 = tpu.memref_squeeze %dma_start3A_1289 : memref<1x128xi32, #tpu.memory_space<vmem>> -> memref<128xi32, #tpu.memory_space<vmem>>
    %dma_start3A_1291 = arith.constant 0 : i32
    %dma_start3A_1292 = tpu.memref_slice %arg14[%dma_start3A_1291] : memref<1000000xf32, #tpu.memory_space<hbm>> -> memref<1000000xf32, #tpu.memory_space<hbm>>
    tpu.enqueue_indirect_dma source(%dma_start3A_1292 : memref<1000000xf32, #tpu.memory_space<hbm>>) target(%dma_start3A_1287 : memref<128xf32, #tpu.memory_space<vmem>>) offsets(%dma_start3A_1290 : memref<128xi32, #tpu.memory_space<vmem>>) semaphore(%arg39 : memref<!tpu.dma_semaphore, #tpu.memory_space<semaphore_mem>>)
    %dma_start3A_1293 = arith.constant 3 : i32
    %dma_start3A_1294 = arith.constant 9344 : i32
    %dma_start3A_1295 = tpu.memref_slice %arg37[%dma_start3A_1294] : memref<10240xf32, #tpu.memory_space<vmem>> -> memref<128xf32, #tpu.memory_space<vmem>>
    %dma_start3A_1296 = arith.constant 0 : i32
    %dma_start3A_1297 = tpu.memref_slice %arg33[%dma_start3A_1293, %dma_start3A_1296] : memref<4x128xi32, #tpu.memory_space<vmem>> -> memref<1x128xi32, #tpu.memory_space<vmem>>
    %dma_start3A_1298 = tpu.memref_squeeze %dma_start3A_1297 : memref<1x128xi32, #tpu.memory_space<vmem>> -> memref<128xi32, #tpu.memory_space<vmem>>
    %dma_start3A_1299 = arith.constant 0 : i32
    %dma_start3A_1300 = tpu.memref_slice %arg15[%dma_start3A_1299] : memref<1000000xf32, #tpu.memory_space<hbm>> -> memref<1000000xf32, #tpu.memory_space<hbm>>
    tpu.enqueue_indirect_dma source(%dma_start3A_1300 : memref<1000000xf32, #tpu.memory_space<hbm>>) target(%dma_start3A_1295 : memref<128xf32, #tpu.memory_space<vmem>>) offsets(%dma_start3A_1298 : memref<128xi32, #tpu.memory_space<vmem>>) semaphore(%arg39 : memref<!tpu.dma_semaphore, #tpu.memory_space<semaphore_mem>>)
    %dma_start3A_1301 = arith.constant 3 : i32
    %dma_start3A_1302 = arith.constant 9472 : i32
    %dma_start3A_1303 = tpu.memref_slice %arg37[%dma_start3A_1302] : memref<10240xf32, #tpu.memory_space<vmem>> -> memref<128xf32, #tpu.memory_space<vmem>>
    %dma_start3A_1304 = arith.constant 0 : i32
    %dma_start3A_1305 = tpu.memref_slice %arg33[%dma_start3A_1301, %dma_start3A_1304] : memref<4x128xi32, #tpu.memory_space<vmem>> -> memref<1x128xi32, #tpu.memory_space<vmem>>
    %dma_start3A_1306 = tpu.memref_squeeze %dma_start3A_1305 : memref<1x128xi32, #tpu.memory_space<vmem>> -> memref<128xi32, #tpu.memory_space<vmem>>
    %dma_start3A_1307 = arith.constant 0 : i32
    %dma_start3A_1308 = tpu.memref_slice %arg16[%dma_start3A_1307] : memref<1000000xf32, #tpu.memory_space<hbm>> -> memref<1000000xf32, #tpu.memory_space<hbm>>
    tpu.enqueue_indirect_dma source(%dma_start3A_1308 : memref<1000000xf32, #tpu.memory_space<hbm>>) target(%dma_start3A_1303 : memref<128xf32, #tpu.memory_space<vmem>>) offsets(%dma_start3A_1306 : memref<128xi32, #tpu.memory_space<vmem>>) semaphore(%arg39 : memref<!tpu.dma_semaphore, #tpu.memory_space<semaphore_mem>>)
    %dma_start3A_1309 = arith.constant 3 : i32
    %dma_start3A_1310 = arith.constant 9600 : i32
    %dma_start3A_1311 = tpu.memref_slice %arg37[%dma_start3A_1310] : memref<10240xf32, #tpu.memory_space<vmem>> -> memref<128xf32, #tpu.memory_space<vmem>>
    %dma_start3A_1312 = arith.constant 0 : i32
    %dma_start3A_1313 = tpu.memref_slice %arg33[%dma_start3A_1309, %dma_start3A_1312] : memref<4x128xi32, #tpu.memory_space<vmem>> -> memref<1x128xi32, #tpu.memory_space<vmem>>
    %dma_start3A_1314 = tpu.memref_squeeze %dma_start3A_1313 : memref<1x128xi32, #tpu.memory_space<vmem>> -> memref<128xi32, #tpu.memory_space<vmem>>
    %dma_start3A_1315 = arith.constant 0 : i32
    %dma_start3A_1316 = tpu.memref_slice %arg17[%dma_start3A_1315] : memref<1000000xf32, #tpu.memory_space<hbm>> -> memref<1000000xf32, #tpu.memory_space<hbm>>
    tpu.enqueue_indirect_dma source(%dma_start3A_1316 : memref<1000000xf32, #tpu.memory_space<hbm>>) target(%dma_start3A_1311 : memref<128xf32, #tpu.memory_space<vmem>>) offsets(%dma_start3A_1314 : memref<128xi32, #tpu.memory_space<vmem>>) semaphore(%arg39 : memref<!tpu.dma_semaphore, #tpu.memory_space<semaphore_mem>>)
    %dma_start3A_1317 = arith.constant 3 : i32
    %dma_start3A_1318 = arith.constant 9728 : i32
    %dma_start3A_1319 = tpu.memref_slice %arg37[%dma_start3A_1318] : memref<10240xf32, #tpu.memory_space<vmem>> -> memref<128xf32, #tpu.memory_space<vmem>>
    %dma_start3A_1320 = arith.constant 0 : i32
    %dma_start3A_1321 = tpu.memref_slice %arg33[%dma_start3A_1317, %dma_start3A_1320] : memref<4x128xi32, #tpu.memory_space<vmem>> -> memref<1x128xi32, #tpu.memory_space<vmem>>
    %dma_start3A_1322 = tpu.memref_squeeze %dma_start3A_1321 : memref<1x128xi32, #tpu.memory_space<vmem>> -> memref<128xi32, #tpu.memory_space<vmem>>
    %dma_start3A_1323 = arith.constant 0 : i32
    %dma_start3A_1324 = tpu.memref_slice %arg18[%dma_start3A_1323] : memref<1000000xf32, #tpu.memory_space<hbm>> -> memref<1000000xf32, #tpu.memory_space<hbm>>
    tpu.enqueue_indirect_dma source(%dma_start3A_1324 : memref<1000000xf32, #tpu.memory_space<hbm>>) target(%dma_start3A_1319 : memref<128xf32, #tpu.memory_space<vmem>>) offsets(%dma_start3A_1322 : memref<128xi32, #tpu.memory_space<vmem>>) semaphore(%arg39 : memref<!tpu.dma_semaphore, #tpu.memory_space<semaphore_mem>>)
    %dma_start3A_1325 = arith.constant 3 : i32
    %dma_start3A_1326 = arith.constant 9856 : i32
    %dma_start3A_1327 = tpu.memref_slice %arg37[%dma_start3A_1326] : memref<10240xf32, #tpu.memory_space<vmem>> -> memref<128xf32, #tpu.memory_space<vmem>>
    %dma_start3A_1328 = arith.constant 0 : i32
    %dma_start3A_1329 = tpu.memref_slice %arg33[%dma_start3A_1325, %dma_start3A_1328] : memref<4x128xi32, #tpu.memory_space<vmem>> -> memref<1x128xi32, #tpu.memory_space<vmem>>
    %dma_start3A_1330 = tpu.memref_squeeze %dma_start3A_1329 : memref<1x128xi32, #tpu.memory_space<vmem>> -> memref<128xi32, #tpu.memory_space<vmem>>
    %dma_start3A_1331 = arith.constant 0 : i32
    %dma_start3A_1332 = tpu.memref_slice %arg19[%dma_start3A_1331] : memref<1000000xf32, #tpu.memory_space<hbm>> -> memref<1000000xf32, #tpu.memory_space<hbm>>
    tpu.enqueue_indirect_dma source(%dma_start3A_1332 : memref<1000000xf32, #tpu.memory_space<hbm>>) target(%dma_start3A_1327 : memref<128xf32, #tpu.memory_space<vmem>>) offsets(%dma_start3A_1330 : memref<128xi32, #tpu.memory_space<vmem>>) semaphore(%arg39 : memref<!tpu.dma_semaphore, #tpu.memory_space<semaphore_mem>>)
    %dma_start3A_1333 = arith.constant 3 : i32
    %dma_start3A_1334 = arith.constant 9984 : i32
    %dma_start3A_1335 = tpu.memref_slice %arg37[%dma_start3A_1334] : memref<10240xf32, #tpu.memory_space<vmem>> -> memref<128xf32, #tpu.memory_space<vmem>>
    %dma_start3A_1336 = arith.constant 0 : i32
    %dma_start3A_1337 = tpu.memref_slice %arg33[%dma_start3A_1333, %dma_start3A_1336] : memref<4x128xi32, #tpu.memory_space<vmem>> -> memref<1x128xi32, #tpu.memory_space<vmem>>
    %dma_start3A_1338 = tpu.memref_squeeze %dma_start3A_1337 : memref<1x128xi32, #tpu.memory_space<vmem>> -> memref<128xi32, #tpu.memory_space<vmem>>
    %dma_start3A_1339 = arith.constant 0 : i32
    %dma_start3A_1340 = tpu.memref_slice %arg20[%dma_start3A_1339] : memref<1000000xf32, #tpu.memory_space<hbm>> -> memref<1000000xf32, #tpu.memory_space<hbm>>
    tpu.enqueue_indirect_dma source(%dma_start3A_1340 : memref<1000000xf32, #tpu.memory_space<hbm>>) target(%dma_start3A_1335 : memref<128xf32, #tpu.memory_space<vmem>>) offsets(%dma_start3A_1338 : memref<128xi32, #tpu.memory_space<vmem>>) semaphore(%arg39 : memref<!tpu.dma_semaphore, #tpu.memory_space<semaphore_mem>>)
    %dma_start3A_1341 = arith.constant 3 : i32
    %dma_start3A_1342 = arith.constant 10112 : i32
    %dma_start3A_1343 = tpu.memref_slice %arg37[%dma_start3A_1342] : memref<10240xf32, #tpu.memory_space<vmem>> -> memref<128xf32, #tpu.memory_space<vmem>>
    %dma_start3A_1344 = arith.constant 0 : i32
    %dma_start3A_1345 = tpu.memref_slice %arg33[%dma_start3A_1341, %dma_start3A_1344] : memref<4x128xi32, #tpu.memory_space<vmem>> -> memref<1x128xi32, #tpu.memory_space<vmem>>
    %dma_start3A_1346 = tpu.memref_squeeze %dma_start3A_1345 : memref<1x128xi32, #tpu.memory_space<vmem>> -> memref<128xi32, #tpu.memory_space<vmem>>
    %dma_start3A_1347 = arith.constant 0 : i32
    %dma_start3A_1348 = tpu.memref_slice %arg21[%dma_start3A_1347] : memref<1000000xf32, #tpu.memory_space<hbm>> -> memref<1000000xf32, #tpu.memory_space<hbm>>
    tpu.enqueue_indirect_dma source(%dma_start3A_1348 : memref<1000000xf32, #tpu.memory_space<hbm>>) target(%dma_start3A_1343 : memref<128xf32, #tpu.memory_space<vmem>>) offsets(%dma_start3A_1346 : memref<128xi32, #tpu.memory_space<vmem>>) semaphore(%arg39 : memref<!tpu.dma_semaphore, #tpu.memory_space<semaphore_mem>>)
    %dma_start3A_1349 = arith.constant 3 : i32
    %dma_start3A_1350 = arith.constant 3 : i32
    %dma_start3A_1351 = arith.constant 0 : i32
    %dma_start3A_1352 = tpu.memref_slice %arg35[%dma_start3A_1350, %dma_start3A_1351] : memref<4x128xi32, #tpu.memory_space<vmem>> -> memref<1x128xi32, #tpu.memory_space<vmem>>
    %dma_start3A_1353 = tpu.memref_squeeze %dma_start3A_1352 : memref<1x128xi32, #tpu.memory_space<vmem>> -> memref<128xi32, #tpu.memory_space<vmem>>
    %dma_start3A_1354 = arith.constant 0 : i32
    %dma_start3A_1355 = tpu.memref_slice %arg34[%dma_start3A_1349, %dma_start3A_1354] : memref<4x128xi32, #tpu.memory_space<vmem>> -> memref<1x128xi32, #tpu.memory_space<vmem>>
    %dma_start3A_1356 = tpu.memref_squeeze %dma_start3A_1355 : memref<1x128xi32, #tpu.memory_space<vmem>> -> memref<128xi32, #tpu.memory_space<vmem>>
    %dma_start3A_1357 = arith.constant 0 : i32
    %dma_start3A_1358 = tpu.memref_slice %arg24[%dma_start3A_1357] : memref<16384xi32, #tpu.memory_space<hbm>> -> memref<16384xi32, #tpu.memory_space<hbm>>
    tpu.enqueue_indirect_dma source(%dma_start3A_1358 : memref<16384xi32, #tpu.memory_space<hbm>>) target(%dma_start3A_1353 : memref<128xi32, #tpu.memory_space<vmem>>) offsets(%dma_start3A_1356 : memref<128xi32, #tpu.memory_space<vmem>>) semaphore(%arg40 : memref<!tpu.dma_semaphore, #tpu.memory_space<semaphore_mem>>)
    %dma_wait3A_1359 = arith.constant 3 : i32
    %dma_wait3A_1360 = arith.constant 7680 : i32
    %dma_wait3A_1361 = tpu.memref_slice %arg37[%dma_wait3A_1360] : memref<10240xf32, #tpu.memory_space<vmem>> -> memref<128xf32, #tpu.memory_space<vmem>>
    %dma_wait3A_1362 = arith.constant 0 : i32
    %dma_wait3A_1363 = tpu.memref_slice %arg33[%dma_wait3A_1359, %dma_wait3A_1362] : memref<4x128xi32, #tpu.memory_space<vmem>> -> memref<1x128xi32, #tpu.memory_space<vmem>>
    %dma_wait3A_1364 = tpu.memref_squeeze %dma_wait3A_1363 : memref<1x128xi32, #tpu.memory_space<vmem>> -> memref<128xi32, #tpu.memory_space<vmem>>
    %dma_wait3A_1365 = arith.constant 0 : i32
    %dma_wait3A_1366 = tpu.memref_slice %arg2[%dma_wait3A_1365] : memref<1000000xf32, #tpu.memory_space<hbm>> -> memref<1000000xf32, #tpu.memory_space<hbm>>
    tpu.wait_indirect_dma semaphore(%arg39 : memref<!tpu.dma_semaphore, #tpu.memory_space<semaphore_mem>>) src(%dma_wait3A_1366 : memref<1000000xf32, #tpu.memory_space<hbm>>) dst(%dma_wait3A_1361 : memref<128xf32, #tpu.memory_space<vmem>>)
    %dma_wait3A_1367 = arith.constant 3 : i32
    %dma_wait3A_1368 = arith.constant 7808 : i32
    %dma_wait3A_1369 = tpu.memref_slice %arg37[%dma_wait3A_1368] : memref<10240xf32, #tpu.memory_space<vmem>> -> memref<128xf32, #tpu.memory_space<vmem>>
    %dma_wait3A_1370 = arith.constant 0 : i32
    %dma_wait3A_1371 = tpu.memref_slice %arg33[%dma_wait3A_1367, %dma_wait3A_1370] : memref<4x128xi32, #tpu.memory_space<vmem>> -> memref<1x128xi32, #tpu.memory_space<vmem>>
    %dma_wait3A_1372 = tpu.memref_squeeze %dma_wait3A_1371 : memref<1x128xi32, #tpu.memory_space<vmem>> -> memref<128xi32, #tpu.memory_space<vmem>>
    %dma_wait3A_1373 = arith.constant 0 : i32
    %dma_wait3A_1374 = tpu.memref_slice %arg3[%dma_wait3A_1373] : memref<1000000xf32, #tpu.memory_space<hbm>> -> memref<1000000xf32, #tpu.memory_space<hbm>>
    tpu.wait_indirect_dma semaphore(%arg39 : memref<!tpu.dma_semaphore, #tpu.memory_space<semaphore_mem>>) src(%dma_wait3A_1374 : memref<1000000xf32, #tpu.memory_space<hbm>>) dst(%dma_wait3A_1369 : memref<128xf32, #tpu.memory_space<vmem>>)
    %dma_wait3A_1375 = arith.constant 3 : i32
    %dma_wait3A_1376 = arith.constant 7936 : i32
    %dma_wait3A_1377 = tpu.memref_slice %arg37[%dma_wait3A_1376] : memref<10240xf32, #tpu.memory_space<vmem>> -> memref<128xf32, #tpu.memory_space<vmem>>
    %dma_wait3A_1378 = arith.constant 0 : i32
    %dma_wait3A_1379 = tpu.memref_slice %arg33[%dma_wait3A_1375, %dma_wait3A_1378] : memref<4x128xi32, #tpu.memory_space<vmem>> -> memref<1x128xi32, #tpu.memory_space<vmem>>
    %dma_wait3A_1380 = tpu.memref_squeeze %dma_wait3A_1379 : memref<1x128xi32, #tpu.memory_space<vmem>> -> memref<128xi32, #tpu.memory_space<vmem>>
    %dma_wait3A_1381 = arith.constant 0 : i32
    %dma_wait3A_1382 = tpu.memref_slice %arg4[%dma_wait3A_1381] : memref<1000000xf32, #tpu.memory_space<hbm>> -> memref<1000000xf32, #tpu.memory_space<hbm>>
    tpu.wait_indirect_dma semaphore(%arg39 : memref<!tpu.dma_semaphore, #tpu.memory_space<semaphore_mem>>) src(%dma_wait3A_1382 : memref<1000000xf32, #tpu.memory_space<hbm>>) dst(%dma_wait3A_1377 : memref<128xf32, #tpu.memory_space<vmem>>)
    %dma_wait3A_1383 = arith.constant 3 : i32
    %dma_wait3A_1384 = arith.constant 8064 : i32
    %dma_wait3A_1385 = tpu.memref_slice %arg37[%dma_wait3A_1384] : memref<10240xf32, #tpu.memory_space<vmem>> -> memref<128xf32, #tpu.memory_space<vmem>>
    %dma_wait3A_1386 = arith.constant 0 : i32
    %dma_wait3A_1387 = tpu.memref_slice %arg33[%dma_wait3A_1383, %dma_wait3A_1386] : memref<4x128xi32, #tpu.memory_space<vmem>> -> memref<1x128xi32, #tpu.memory_space<vmem>>
    %dma_wait3A_1388 = tpu.memref_squeeze %dma_wait3A_1387 : memref<1x128xi32, #tpu.memory_space<vmem>> -> memref<128xi32, #tpu.memory_space<vmem>>
    %dma_wait3A_1389 = arith.constant 0 : i32
    %dma_wait3A_1390 = tpu.memref_slice %arg5[%dma_wait3A_1389] : memref<1000000xf32, #tpu.memory_space<hbm>> -> memref<1000000xf32, #tpu.memory_space<hbm>>
    tpu.wait_indirect_dma semaphore(%arg39 : memref<!tpu.dma_semaphore, #tpu.memory_space<semaphore_mem>>) src(%dma_wait3A_1390 : memref<1000000xf32, #tpu.memory_space<hbm>>) dst(%dma_wait3A_1385 : memref<128xf32, #tpu.memory_space<vmem>>)
    %dma_wait3A_1391 = arith.constant 3 : i32
    %dma_wait3A_1392 = arith.constant 8192 : i32
    %dma_wait3A_1393 = tpu.memref_slice %arg37[%dma_wait3A_1392] : memref<10240xf32, #tpu.memory_space<vmem>> -> memref<128xf32, #tpu.memory_space<vmem>>
    %dma_wait3A_1394 = arith.constant 0 : i32
    %dma_wait3A_1395 = tpu.memref_slice %arg33[%dma_wait3A_1391, %dma_wait3A_1394] : memref<4x128xi32, #tpu.memory_space<vmem>> -> memref<1x128xi32, #tpu.memory_space<vmem>>
    %dma_wait3A_1396 = tpu.memref_squeeze %dma_wait3A_1395 : memref<1x128xi32, #tpu.memory_space<vmem>> -> memref<128xi32, #tpu.memory_space<vmem>>
    %dma_wait3A_1397 = arith.constant 0 : i32
    %dma_wait3A_1398 = tpu.memref_slice %arg6[%dma_wait3A_1397] : memref<1000000xf32, #tpu.memory_space<hbm>> -> memref<1000000xf32, #tpu.memory_space<hbm>>
    tpu.wait_indirect_dma semaphore(%arg39 : memref<!tpu.dma_semaphore, #tpu.memory_space<semaphore_mem>>) src(%dma_wait3A_1398 : memref<1000000xf32, #tpu.memory_space<hbm>>) dst(%dma_wait3A_1393 : memref<128xf32, #tpu.memory_space<vmem>>)
    %dma_wait3A_1399 = arith.constant 3 : i32
    %dma_wait3A_1400 = arith.constant 8320 : i32
    %dma_wait3A_1401 = tpu.memref_slice %arg37[%dma_wait3A_1400] : memref<10240xf32, #tpu.memory_space<vmem>> -> memref<128xf32, #tpu.memory_space<vmem>>
    %dma_wait3A_1402 = arith.constant 0 : i32
    %dma_wait3A_1403 = tpu.memref_slice %arg33[%dma_wait3A_1399, %dma_wait3A_1402] : memref<4x128xi32, #tpu.memory_space<vmem>> -> memref<1x128xi32, #tpu.memory_space<vmem>>
    %dma_wait3A_1404 = tpu.memref_squeeze %dma_wait3A_1403 : memref<1x128xi32, #tpu.memory_space<vmem>> -> memref<128xi32, #tpu.memory_space<vmem>>
    %dma_wait3A_1405 = arith.constant 0 : i32
    %dma_wait3A_1406 = tpu.memref_slice %arg7[%dma_wait3A_1405] : memref<1000000xf32, #tpu.memory_space<hbm>> -> memref<1000000xf32, #tpu.memory_space<hbm>>
    tpu.wait_indirect_dma semaphore(%arg39 : memref<!tpu.dma_semaphore, #tpu.memory_space<semaphore_mem>>) src(%dma_wait3A_1406 : memref<1000000xf32, #tpu.memory_space<hbm>>) dst(%dma_wait3A_1401 : memref<128xf32, #tpu.memory_space<vmem>>)
    %dma_wait3A_1407 = arith.constant 3 : i32
    %dma_wait3A_1408 = arith.constant 8448 : i32
    %dma_wait3A_1409 = tpu.memref_slice %arg37[%dma_wait3A_1408] : memref<10240xf32, #tpu.memory_space<vmem>> -> memref<128xf32, #tpu.memory_space<vmem>>
    %dma_wait3A_1410 = arith.constant 0 : i32
    %dma_wait3A_1411 = tpu.memref_slice %arg33[%dma_wait3A_1407, %dma_wait3A_1410] : memref<4x128xi32, #tpu.memory_space<vmem>> -> memref<1x128xi32, #tpu.memory_space<vmem>>
    %dma_wait3A_1412 = tpu.memref_squeeze %dma_wait3A_1411 : memref<1x128xi32, #tpu.memory_space<vmem>> -> memref<128xi32, #tpu.memory_space<vmem>>
    %dma_wait3A_1413 = arith.constant 0 : i32
    %dma_wait3A_1414 = tpu.memref_slice %arg8[%dma_wait3A_1413] : memref<1000000xf32, #tpu.memory_space<hbm>> -> memref<1000000xf32, #tpu.memory_space<hbm>>
    tpu.wait_indirect_dma semaphore(%arg39 : memref<!tpu.dma_semaphore, #tpu.memory_space<semaphore_mem>>) src(%dma_wait3A_1414 : memref<1000000xf32, #tpu.memory_space<hbm>>) dst(%dma_wait3A_1409 : memref<128xf32, #tpu.memory_space<vmem>>)
    %dma_wait3A_1415 = arith.constant 3 : i32
    %dma_wait3A_1416 = arith.constant 8576 : i32
    %dma_wait3A_1417 = tpu.memref_slice %arg37[%dma_wait3A_1416] : memref<10240xf32, #tpu.memory_space<vmem>> -> memref<128xf32, #tpu.memory_space<vmem>>
    %dma_wait3A_1418 = arith.constant 0 : i32
    %dma_wait3A_1419 = tpu.memref_slice %arg33[%dma_wait3A_1415, %dma_wait3A_1418] : memref<4x128xi32, #tpu.memory_space<vmem>> -> memref<1x128xi32, #tpu.memory_space<vmem>>
    %dma_wait3A_1420 = tpu.memref_squeeze %dma_wait3A_1419 : memref<1x128xi32, #tpu.memory_space<vmem>> -> memref<128xi32, #tpu.memory_space<vmem>>
    %dma_wait3A_1421 = arith.constant 0 : i32
    %dma_wait3A_1422 = tpu.memref_slice %arg9[%dma_wait3A_1421] : memref<1000000xf32, #tpu.memory_space<hbm>> -> memref<1000000xf32, #tpu.memory_space<hbm>>
    tpu.wait_indirect_dma semaphore(%arg39 : memref<!tpu.dma_semaphore, #tpu.memory_space<semaphore_mem>>) src(%dma_wait3A_1422 : memref<1000000xf32, #tpu.memory_space<hbm>>) dst(%dma_wait3A_1417 : memref<128xf32, #tpu.memory_space<vmem>>)
    %dma_wait3A_1423 = arith.constant 3 : i32
    %dma_wait3A_1424 = arith.constant 8704 : i32
    %dma_wait3A_1425 = tpu.memref_slice %arg37[%dma_wait3A_1424] : memref<10240xf32, #tpu.memory_space<vmem>> -> memref<128xf32, #tpu.memory_space<vmem>>
    %dma_wait3A_1426 = arith.constant 0 : i32
    %dma_wait3A_1427 = tpu.memref_slice %arg33[%dma_wait3A_1423, %dma_wait3A_1426] : memref<4x128xi32, #tpu.memory_space<vmem>> -> memref<1x128xi32, #tpu.memory_space<vmem>>
    %dma_wait3A_1428 = tpu.memref_squeeze %dma_wait3A_1427 : memref<1x128xi32, #tpu.memory_space<vmem>> -> memref<128xi32, #tpu.memory_space<vmem>>
    %dma_wait3A_1429 = arith.constant 0 : i32
    %dma_wait3A_1430 = tpu.memref_slice %arg10[%dma_wait3A_1429] : memref<1000000xf32, #tpu.memory_space<hbm>> -> memref<1000000xf32, #tpu.memory_space<hbm>>
    tpu.wait_indirect_dma semaphore(%arg39 : memref<!tpu.dma_semaphore, #tpu.memory_space<semaphore_mem>>) src(%dma_wait3A_1430 : memref<1000000xf32, #tpu.memory_space<hbm>>) dst(%dma_wait3A_1425 : memref<128xf32, #tpu.memory_space<vmem>>)
    %dma_wait3A_1431 = arith.constant 3 : i32
    %dma_wait3A_1432 = arith.constant 8832 : i32
    %dma_wait3A_1433 = tpu.memref_slice %arg37[%dma_wait3A_1432] : memref<10240xf32, #tpu.memory_space<vmem>> -> memref<128xf32, #tpu.memory_space<vmem>>
    %dma_wait3A_1434 = arith.constant 0 : i32
    %dma_wait3A_1435 = tpu.memref_slice %arg33[%dma_wait3A_1431, %dma_wait3A_1434] : memref<4x128xi32, #tpu.memory_space<vmem>> -> memref<1x128xi32, #tpu.memory_space<vmem>>
    %dma_wait3A_1436 = tpu.memref_squeeze %dma_wait3A_1435 : memref<1x128xi32, #tpu.memory_space<vmem>> -> memref<128xi32, #tpu.memory_space<vmem>>
    %dma_wait3A_1437 = arith.constant 0 : i32
    %dma_wait3A_1438 = tpu.memref_slice %arg11[%dma_wait3A_1437] : memref<1000000xf32, #tpu.memory_space<hbm>> -> memref<1000000xf32, #tpu.memory_space<hbm>>
    tpu.wait_indirect_dma semaphore(%arg39 : memref<!tpu.dma_semaphore, #tpu.memory_space<semaphore_mem>>) src(%dma_wait3A_1438 : memref<1000000xf32, #tpu.memory_space<hbm>>) dst(%dma_wait3A_1433 : memref<128xf32, #tpu.memory_space<vmem>>)
    %dma_wait3A_1439 = arith.constant 3 : i32
    %dma_wait3A_1440 = arith.constant 8960 : i32
    %dma_wait3A_1441 = tpu.memref_slice %arg37[%dma_wait3A_1440] : memref<10240xf32, #tpu.memory_space<vmem>> -> memref<128xf32, #tpu.memory_space<vmem>>
    %dma_wait3A_1442 = arith.constant 0 : i32
    %dma_wait3A_1443 = tpu.memref_slice %arg33[%dma_wait3A_1439, %dma_wait3A_1442] : memref<4x128xi32, #tpu.memory_space<vmem>> -> memref<1x128xi32, #tpu.memory_space<vmem>>
    %dma_wait3A_1444 = tpu.memref_squeeze %dma_wait3A_1443 : memref<1x128xi32, #tpu.memory_space<vmem>> -> memref<128xi32, #tpu.memory_space<vmem>>
    %dma_wait3A_1445 = arith.constant 0 : i32
    %dma_wait3A_1446 = tpu.memref_slice %arg12[%dma_wait3A_1445] : memref<1000000xf32, #tpu.memory_space<hbm>> -> memref<1000000xf32, #tpu.memory_space<hbm>>
    tpu.wait_indirect_dma semaphore(%arg39 : memref<!tpu.dma_semaphore, #tpu.memory_space<semaphore_mem>>) src(%dma_wait3A_1446 : memref<1000000xf32, #tpu.memory_space<hbm>>) dst(%dma_wait3A_1441 : memref<128xf32, #tpu.memory_space<vmem>>)
    %dma_wait3A_1447 = arith.constant 3 : i32
    %dma_wait3A_1448 = arith.constant 9088 : i32
    %dma_wait3A_1449 = tpu.memref_slice %arg37[%dma_wait3A_1448] : memref<10240xf32, #tpu.memory_space<vmem>> -> memref<128xf32, #tpu.memory_space<vmem>>
    %dma_wait3A_1450 = arith.constant 0 : i32
    %dma_wait3A_1451 = tpu.memref_slice %arg33[%dma_wait3A_1447, %dma_wait3A_1450] : memref<4x128xi32, #tpu.memory_space<vmem>> -> memref<1x128xi32, #tpu.memory_space<vmem>>
    %dma_wait3A_1452 = tpu.memref_squeeze %dma_wait3A_1451 : memref<1x128xi32, #tpu.memory_space<vmem>> -> memref<128xi32, #tpu.memory_space<vmem>>
    %dma_wait3A_1453 = arith.constant 0 : i32
    %dma_wait3A_1454 = tpu.memref_slice %arg13[%dma_wait3A_1453] : memref<1000000xf32, #tpu.memory_space<hbm>> -> memref<1000000xf32, #tpu.memory_space<hbm>>
    tpu.wait_indirect_dma semaphore(%arg39 : memref<!tpu.dma_semaphore, #tpu.memory_space<semaphore_mem>>) src(%dma_wait3A_1454 : memref<1000000xf32, #tpu.memory_space<hbm>>) dst(%dma_wait3A_1449 : memref<128xf32, #tpu.memory_space<vmem>>)
    %dma_wait3A_1455 = arith.constant 3 : i32
    %dma_wait3A_1456 = arith.constant 9216 : i32
    %dma_wait3A_1457 = tpu.memref_slice %arg37[%dma_wait3A_1456] : memref<10240xf32, #tpu.memory_space<vmem>> -> memref<128xf32, #tpu.memory_space<vmem>>
    %dma_wait3A_1458 = arith.constant 0 : i32
    %dma_wait3A_1459 = tpu.memref_slice %arg33[%dma_wait3A_1455, %dma_wait3A_1458] : memref<4x128xi32, #tpu.memory_space<vmem>> -> memref<1x128xi32, #tpu.memory_space<vmem>>
    %dma_wait3A_1460 = tpu.memref_squeeze %dma_wait3A_1459 : memref<1x128xi32, #tpu.memory_space<vmem>> -> memref<128xi32, #tpu.memory_space<vmem>>
    %dma_wait3A_1461 = arith.constant 0 : i32
    %dma_wait3A_1462 = tpu.memref_slice %arg14[%dma_wait3A_1461] : memref<1000000xf32, #tpu.memory_space<hbm>> -> memref<1000000xf32, #tpu.memory_space<hbm>>
    tpu.wait_indirect_dma semaphore(%arg39 : memref<!tpu.dma_semaphore, #tpu.memory_space<semaphore_mem>>) src(%dma_wait3A_1462 : memref<1000000xf32, #tpu.memory_space<hbm>>) dst(%dma_wait3A_1457 : memref<128xf32, #tpu.memory_space<vmem>>)
    %dma_wait3A_1463 = arith.constant 3 : i32
    %dma_wait3A_1464 = arith.constant 9344 : i32
    %dma_wait3A_1465 = tpu.memref_slice %arg37[%dma_wait3A_1464] : memref<10240xf32, #tpu.memory_space<vmem>> -> memref<128xf32, #tpu.memory_space<vmem>>
    %dma_wait3A_1466 = arith.constant 0 : i32
    %dma_wait3A_1467 = tpu.memref_slice %arg33[%dma_wait3A_1463, %dma_wait3A_1466] : memref<4x128xi32, #tpu.memory_space<vmem>> -> memref<1x128xi32, #tpu.memory_space<vmem>>
    %dma_wait3A_1468 = tpu.memref_squeeze %dma_wait3A_1467 : memref<1x128xi32, #tpu.memory_space<vmem>> -> memref<128xi32, #tpu.memory_space<vmem>>
    %dma_wait3A_1469 = arith.constant 0 : i32
    %dma_wait3A_1470 = tpu.memref_slice %arg15[%dma_wait3A_1469] : memref<1000000xf32, #tpu.memory_space<hbm>> -> memref<1000000xf32, #tpu.memory_space<hbm>>
    tpu.wait_indirect_dma semaphore(%arg39 : memref<!tpu.dma_semaphore, #tpu.memory_space<semaphore_mem>>) src(%dma_wait3A_1470 : memref<1000000xf32, #tpu.memory_space<hbm>>) dst(%dma_wait3A_1465 : memref<128xf32, #tpu.memory_space<vmem>>)
    %dma_wait3A_1471 = arith.constant 3 : i32
    %dma_wait3A_1472 = arith.constant 9472 : i32
    %dma_wait3A_1473 = tpu.memref_slice %arg37[%dma_wait3A_1472] : memref<10240xf32, #tpu.memory_space<vmem>> -> memref<128xf32, #tpu.memory_space<vmem>>
    %dma_wait3A_1474 = arith.constant 0 : i32
    %dma_wait3A_1475 = tpu.memref_slice %arg33[%dma_wait3A_1471, %dma_wait3A_1474] : memref<4x128xi32, #tpu.memory_space<vmem>> -> memref<1x128xi32, #tpu.memory_space<vmem>>
    %dma_wait3A_1476 = tpu.memref_squeeze %dma_wait3A_1475 : memref<1x128xi32, #tpu.memory_space<vmem>> -> memref<128xi32, #tpu.memory_space<vmem>>
    %dma_wait3A_1477 = arith.constant 0 : i32
    %dma_wait3A_1478 = tpu.memref_slice %arg16[%dma_wait3A_1477] : memref<1000000xf32, #tpu.memory_space<hbm>> -> memref<1000000xf32, #tpu.memory_space<hbm>>
    tpu.wait_indirect_dma semaphore(%arg39 : memref<!tpu.dma_semaphore, #tpu.memory_space<semaphore_mem>>) src(%dma_wait3A_1478 : memref<1000000xf32, #tpu.memory_space<hbm>>) dst(%dma_wait3A_1473 : memref<128xf32, #tpu.memory_space<vmem>>)
    %dma_wait3A_1479 = arith.constant 3 : i32
    %dma_wait3A_1480 = arith.constant 9600 : i32
    %dma_wait3A_1481 = tpu.memref_slice %arg37[%dma_wait3A_1480] : memref<10240xf32, #tpu.memory_space<vmem>> -> memref<128xf32, #tpu.memory_space<vmem>>
    %dma_wait3A_1482 = arith.constant 0 : i32
    %dma_wait3A_1483 = tpu.memref_slice %arg33[%dma_wait3A_1479, %dma_wait3A_1482] : memref<4x128xi32, #tpu.memory_space<vmem>> -> memref<1x128xi32, #tpu.memory_space<vmem>>
    %dma_wait3A_1484 = tpu.memref_squeeze %dma_wait3A_1483 : memref<1x128xi32, #tpu.memory_space<vmem>> -> memref<128xi32, #tpu.memory_space<vmem>>
    %dma_wait3A_1485 = arith.constant 0 : i32
    %dma_wait3A_1486 = tpu.memref_slice %arg17[%dma_wait3A_1485] : memref<1000000xf32, #tpu.memory_space<hbm>> -> memref<1000000xf32, #tpu.memory_space<hbm>>
    tpu.wait_indirect_dma semaphore(%arg39 : memref<!tpu.dma_semaphore, #tpu.memory_space<semaphore_mem>>) src(%dma_wait3A_1486 : memref<1000000xf32, #tpu.memory_space<hbm>>) dst(%dma_wait3A_1481 : memref<128xf32, #tpu.memory_space<vmem>>)
    %dma_wait3A_1487 = arith.constant 3 : i32
    %dma_wait3A_1488 = arith.constant 9728 : i32
    %dma_wait3A_1489 = tpu.memref_slice %arg37[%dma_wait3A_1488] : memref<10240xf32, #tpu.memory_space<vmem>> -> memref<128xf32, #tpu.memory_space<vmem>>
    %dma_wait3A_1490 = arith.constant 0 : i32
    %dma_wait3A_1491 = tpu.memref_slice %arg33[%dma_wait3A_1487, %dma_wait3A_1490] : memref<4x128xi32, #tpu.memory_space<vmem>> -> memref<1x128xi32, #tpu.memory_space<vmem>>
    %dma_wait3A_1492 = tpu.memref_squeeze %dma_wait3A_1491 : memref<1x128xi32, #tpu.memory_space<vmem>> -> memref<128xi32, #tpu.memory_space<vmem>>
    %dma_wait3A_1493 = arith.constant 0 : i32
    %dma_wait3A_1494 = tpu.memref_slice %arg18[%dma_wait3A_1493] : memref<1000000xf32, #tpu.memory_space<hbm>> -> memref<1000000xf32, #tpu.memory_space<hbm>>
    tpu.wait_indirect_dma semaphore(%arg39 : memref<!tpu.dma_semaphore, #tpu.memory_space<semaphore_mem>>) src(%dma_wait3A_1494 : memref<1000000xf32, #tpu.memory_space<hbm>>) dst(%dma_wait3A_1489 : memref<128xf32, #tpu.memory_space<vmem>>)
    %dma_wait3A_1495 = arith.constant 3 : i32
    %dma_wait3A_1496 = arith.constant 9856 : i32
    %dma_wait3A_1497 = tpu.memref_slice %arg37[%dma_wait3A_1496] : memref<10240xf32, #tpu.memory_space<vmem>> -> memref<128xf32, #tpu.memory_space<vmem>>
    %dma_wait3A_1498 = arith.constant 0 : i32
    %dma_wait3A_1499 = tpu.memref_slice %arg33[%dma_wait3A_1495, %dma_wait3A_1498] : memref<4x128xi32, #tpu.memory_space<vmem>> -> memref<1x128xi32, #tpu.memory_space<vmem>>
    %dma_wait3A_1500 = tpu.memref_squeeze %dma_wait3A_1499 : memref<1x128xi32, #tpu.memory_space<vmem>> -> memref<128xi32, #tpu.memory_space<vmem>>
    %dma_wait3A_1501 = arith.constant 0 : i32
    %dma_wait3A_1502 = tpu.memref_slice %arg19[%dma_wait3A_1501] : memref<1000000xf32, #tpu.memory_space<hbm>> -> memref<1000000xf32, #tpu.memory_space<hbm>>
    tpu.wait_indirect_dma semaphore(%arg39 : memref<!tpu.dma_semaphore, #tpu.memory_space<semaphore_mem>>) src(%dma_wait3A_1502 : memref<1000000xf32, #tpu.memory_space<hbm>>) dst(%dma_wait3A_1497 : memref<128xf32, #tpu.memory_space<vmem>>)
    %dma_wait3A_1503 = arith.constant 3 : i32
    %dma_wait3A_1504 = arith.constant 9984 : i32
    %dma_wait3A_1505 = tpu.memref_slice %arg37[%dma_wait3A_1504] : memref<10240xf32, #tpu.memory_space<vmem>> -> memref<128xf32, #tpu.memory_space<vmem>>
    %dma_wait3A_1506 = arith.constant 0 : i32
    %dma_wait3A_1507 = tpu.memref_slice %arg33[%dma_wait3A_1503, %dma_wait3A_1506] : memref<4x128xi32, #tpu.memory_space<vmem>> -> memref<1x128xi32, #tpu.memory_space<vmem>>
    %dma_wait3A_1508 = tpu.memref_squeeze %dma_wait3A_1507 : memref<1x128xi32, #tpu.memory_space<vmem>> -> memref<128xi32, #tpu.memory_space<vmem>>
    %dma_wait3A_1509 = arith.constant 0 : i32
    %dma_wait3A_1510 = tpu.memref_slice %arg20[%dma_wait3A_1509] : memref<1000000xf32, #tpu.memory_space<hbm>> -> memref<1000000xf32, #tpu.memory_space<hbm>>
    tpu.wait_indirect_dma semaphore(%arg39 : memref<!tpu.dma_semaphore, #tpu.memory_space<semaphore_mem>>) src(%dma_wait3A_1510 : memref<1000000xf32, #tpu.memory_space<hbm>>) dst(%dma_wait3A_1505 : memref<128xf32, #tpu.memory_space<vmem>>)
    %dma_wait3A_1511 = arith.constant 3 : i32
    %dma_wait3A_1512 = arith.constant 10112 : i32
    %dma_wait3A_1513 = tpu.memref_slice %arg37[%dma_wait3A_1512] : memref<10240xf32, #tpu.memory_space<vmem>> -> memref<128xf32, #tpu.memory_space<vmem>>
    %dma_wait3A_1514 = arith.constant 0 : i32
    %dma_wait3A_1515 = tpu.memref_slice %arg33[%dma_wait3A_1511, %dma_wait3A_1514] : memref<4x128xi32, #tpu.memory_space<vmem>> -> memref<1x128xi32, #tpu.memory_space<vmem>>
    %dma_wait3A_1516 = tpu.memref_squeeze %dma_wait3A_1515 : memref<1x128xi32, #tpu.memory_space<vmem>> -> memref<128xi32, #tpu.memory_space<vmem>>
    %dma_wait3A_1517 = arith.constant 0 : i32
    %dma_wait3A_1518 = tpu.memref_slice %arg21[%dma_wait3A_1517] : memref<1000000xf32, #tpu.memory_space<hbm>> -> memref<1000000xf32, #tpu.memory_space<hbm>>
    tpu.wait_indirect_dma semaphore(%arg39 : memref<!tpu.dma_semaphore, #tpu.memory_space<semaphore_mem>>) src(%dma_wait3A_1518 : memref<1000000xf32, #tpu.memory_space<hbm>>) dst(%dma_wait3A_1513 : memref<128xf32, #tpu.memory_space<vmem>>)
    %dma_wait3A_1519 = arith.constant 3 : i32
    %dma_wait3A_1520 = arith.constant 3 : i32
    %dma_wait3A_1521 = arith.constant 0 : i32
    %dma_wait3A_1522 = tpu.memref_slice %arg35[%dma_wait3A_1520, %dma_wait3A_1521] : memref<4x128xi32, #tpu.memory_space<vmem>> -> memref<1x128xi32, #tpu.memory_space<vmem>>
    %dma_wait3A_1523 = tpu.memref_squeeze %dma_wait3A_1522 : memref<1x128xi32, #tpu.memory_space<vmem>> -> memref<128xi32, #tpu.memory_space<vmem>>
    %dma_wait3A_1524 = arith.constant 0 : i32
    %dma_wait3A_1525 = tpu.memref_slice %arg34[%dma_wait3A_1519, %dma_wait3A_1524] : memref<4x128xi32, #tpu.memory_space<vmem>> -> memref<1x128xi32, #tpu.memory_space<vmem>>
    %dma_wait3A_1526 = tpu.memref_squeeze %dma_wait3A_1525 : memref<1x128xi32, #tpu.memory_space<vmem>> -> memref<128xi32, #tpu.memory_space<vmem>>
    %dma_wait3A_1527 = arith.constant 0 : i32
    %dma_wait3A_1528 = tpu.memref_slice %arg24[%dma_wait3A_1527] : memref<16384xi32, #tpu.memory_space<hbm>> -> memref<16384xi32, #tpu.memory_space<hbm>>
    tpu.wait_indirect_dma semaphore(%arg40 : memref<!tpu.dma_semaphore, #tpu.memory_space<semaphore_mem>>) src(%dma_wait3A_1528 : memref<16384xi32, #tpu.memory_space<hbm>>) dst(%dma_wait3A_1523 : memref<128xi32, #tpu.memory_space<vmem>>)
    %dma_start3A_1529 = arith.constant 0 : i32
    %dma_start3A_1530 = arith.constant 0 : i32
    %dma_start3A_1531 = arith.constant 0 : i32
    %dma_start3A_1532 = tpu.memref_slice %arg36[%dma_start3A_1531] : memref<2048xf32, #tpu.memory_space<vmem>> -> memref<128xf32, #tpu.memory_space<vmem>>
    %dma_start3A_1533 = arith.constant 0 : i32
    %dma_start3A_1534 = tpu.memref_slice %arg35[%dma_start3A_1530, %dma_start3A_1533] : memref<4x128xi32, #tpu.memory_space<vmem>> -> memref<1x128xi32, #tpu.memory_space<vmem>>
    %dma_start3A_1535 = tpu.memref_squeeze %dma_start3A_1534 : memref<1x128xi32, #tpu.memory_space<vmem>> -> memref<128xi32, #tpu.memory_space<vmem>>
    %dma_start3A_1536 = arith.constant 0 : i32
    %dma_start3A_1537 = tpu.memref_slice %arg22[%dma_start3A_1529, %dma_start3A_1536] : memref<4x16384xf32, #tpu.memory_space<hbm>> -> memref<1x16384xf32, #tpu.memory_space<hbm>>
    %dma_start3A_1538 = tpu.memref_squeeze %dma_start3A_1537 : memref<1x16384xf32, #tpu.memory_space<hbm>> -> memref<16384xf32, #tpu.memory_space<hbm>>
    %dma_start3A_1539 = arith.constant 0 : i32
    %dma_start3A_1540 = tpu.memref_slice %dma_start3A_1538[%dma_start3A_1539] : memref<16384xf32, #tpu.memory_space<hbm>> -> memref<16384xf32, #tpu.memory_space<hbm>>
    tpu.enqueue_indirect_dma source(%dma_start3A_1540 : memref<16384xf32, #tpu.memory_space<hbm>>) target(%dma_start3A_1532 : memref<128xf32, #tpu.memory_space<vmem>>) offsets(%dma_start3A_1535 : memref<128xi32, #tpu.memory_space<vmem>>) semaphore(%arg39 : memref<!tpu.dma_semaphore, #tpu.memory_space<semaphore_mem>>)
    %dma_start3A_1541 = arith.constant 1 : i32
    %dma_start3A_1542 = arith.constant 0 : i32
    %dma_start3A_1543 = arith.constant 128 : i32
    %dma_start3A_1544 = tpu.memref_slice %arg36[%dma_start3A_1543] : memref<2048xf32, #tpu.memory_space<vmem>> -> memref<128xf32, #tpu.memory_space<vmem>>
    %dma_start3A_1545 = arith.constant 0 : i32
    %dma_start3A_1546 = tpu.memref_slice %arg35[%dma_start3A_1542, %dma_start3A_1545] : memref<4x128xi32, #tpu.memory_space<vmem>> -> memref<1x128xi32, #tpu.memory_space<vmem>>
    %dma_start3A_1547 = tpu.memref_squeeze %dma_start3A_1546 : memref<1x128xi32, #tpu.memory_space<vmem>> -> memref<128xi32, #tpu.memory_space<vmem>>
    %dma_start3A_1548 = arith.constant 0 : i32
    %dma_start3A_1549 = tpu.memref_slice %arg22[%dma_start3A_1541, %dma_start3A_1548] : memref<4x16384xf32, #tpu.memory_space<hbm>> -> memref<1x16384xf32, #tpu.memory_space<hbm>>
    %dma_start3A_1550 = tpu.memref_squeeze %dma_start3A_1549 : memref<1x16384xf32, #tpu.memory_space<hbm>> -> memref<16384xf32, #tpu.memory_space<hbm>>
    %dma_start3A_1551 = arith.constant 0 : i32
    %dma_start3A_1552 = tpu.memref_slice %dma_start3A_1550[%dma_start3A_1551] : memref<16384xf32, #tpu.memory_space<hbm>> -> memref<16384xf32, #tpu.memory_space<hbm>>
    tpu.enqueue_indirect_dma source(%dma_start3A_1552 : memref<16384xf32, #tpu.memory_space<hbm>>) target(%dma_start3A_1544 : memref<128xf32, #tpu.memory_space<vmem>>) offsets(%dma_start3A_1547 : memref<128xi32, #tpu.memory_space<vmem>>) semaphore(%arg39 : memref<!tpu.dma_semaphore, #tpu.memory_space<semaphore_mem>>)
    %dma_start3A_1553 = arith.constant 2 : i32
    %dma_start3A_1554 = arith.constant 0 : i32
    %dma_start3A_1555 = arith.constant 256 : i32
    %dma_start3A_1556 = tpu.memref_slice %arg36[%dma_start3A_1555] : memref<2048xf32, #tpu.memory_space<vmem>> -> memref<128xf32, #tpu.memory_space<vmem>>
    %dma_start3A_1557 = arith.constant 0 : i32
    %dma_start3A_1558 = tpu.memref_slice %arg35[%dma_start3A_1554, %dma_start3A_1557] : memref<4x128xi32, #tpu.memory_space<vmem>> -> memref<1x128xi32, #tpu.memory_space<vmem>>
    %dma_start3A_1559 = tpu.memref_squeeze %dma_start3A_1558 : memref<1x128xi32, #tpu.memory_space<vmem>> -> memref<128xi32, #tpu.memory_space<vmem>>
    %dma_start3A_1560 = arith.constant 0 : i32
    %dma_start3A_1561 = tpu.memref_slice %arg22[%dma_start3A_1553, %dma_start3A_1560] : memref<4x16384xf32, #tpu.memory_space<hbm>> -> memref<1x16384xf32, #tpu.memory_space<hbm>>
    %dma_start3A_1562 = tpu.memref_squeeze %dma_start3A_1561 : memref<1x16384xf32, #tpu.memory_space<hbm>> -> memref<16384xf32, #tpu.memory_space<hbm>>
    %dma_start3A_1563 = arith.constant 0 : i32
    %dma_start3A_1564 = tpu.memref_slice %dma_start3A_1562[%dma_start3A_1563] : memref<16384xf32, #tpu.memory_space<hbm>> -> memref<16384xf32, #tpu.memory_space<hbm>>
    tpu.enqueue_indirect_dma source(%dma_start3A_1564 : memref<16384xf32, #tpu.memory_space<hbm>>) target(%dma_start3A_1556 : memref<128xf32, #tpu.memory_space<vmem>>) offsets(%dma_start3A_1559 : memref<128xi32, #tpu.memory_space<vmem>>) semaphore(%arg39 : memref<!tpu.dma_semaphore, #tpu.memory_space<semaphore_mem>>)
    %dma_start3A_1565 = arith.constant 3 : i32
    %dma_start3A_1566 = arith.constant 0 : i32
    %dma_start3A_1567 = arith.constant 384 : i32
    %dma_start3A_1568 = tpu.memref_slice %arg36[%dma_start3A_1567] : memref<2048xf32, #tpu.memory_space<vmem>> -> memref<128xf32, #tpu.memory_space<vmem>>
    %dma_start3A_1569 = arith.constant 0 : i32
    %dma_start3A_1570 = tpu.memref_slice %arg35[%dma_start3A_1566, %dma_start3A_1569] : memref<4x128xi32, #tpu.memory_space<vmem>> -> memref<1x128xi32, #tpu.memory_space<vmem>>
    %dma_start3A_1571 = tpu.memref_squeeze %dma_start3A_1570 : memref<1x128xi32, #tpu.memory_space<vmem>> -> memref<128xi32, #tpu.memory_space<vmem>>
    %dma_start3A_1572 = arith.constant 0 : i32
    %dma_start3A_1573 = tpu.memref_slice %arg22[%dma_start3A_1565, %dma_start3A_1572] : memref<4x16384xf32, #tpu.memory_space<hbm>> -> memref<1x16384xf32, #tpu.memory_space<hbm>>
    %dma_start3A_1574 = tpu.memref_squeeze %dma_start3A_1573 : memref<1x16384xf32, #tpu.memory_space<hbm>> -> memref<16384xf32, #tpu.memory_space<hbm>>
    %dma_start3A_1575 = arith.constant 0 : i32
    %dma_start3A_1576 = tpu.memref_slice %dma_start3A_1574[%dma_start3A_1575] : memref<16384xf32, #tpu.memory_space<hbm>> -> memref<16384xf32, #tpu.memory_space<hbm>>
    tpu.enqueue_indirect_dma source(%dma_start3A_1576 : memref<16384xf32, #tpu.memory_space<hbm>>) target(%dma_start3A_1568 : memref<128xf32, #tpu.memory_space<vmem>>) offsets(%dma_start3A_1571 : memref<128xi32, #tpu.memory_space<vmem>>) semaphore(%arg39 : memref<!tpu.dma_semaphore, #tpu.memory_space<semaphore_mem>>)
    %dma_start3A_1577 = arith.constant 0 : i32
    %dma_start3A_1578 = arith.constant 1 : i32
    %dma_start3A_1579 = arith.constant 512 : i32
    %dma_start3A_1580 = tpu.memref_slice %arg36[%dma_start3A_1579] : memref<2048xf32, #tpu.memory_space<vmem>> -> memref<128xf32, #tpu.memory_space<vmem>>
    %dma_start3A_1581 = arith.constant 0 : i32
    %dma_start3A_1582 = tpu.memref_slice %arg35[%dma_start3A_1578, %dma_start3A_1581] : memref<4x128xi32, #tpu.memory_space<vmem>> -> memref<1x128xi32, #tpu.memory_space<vmem>>
    %dma_start3A_1583 = tpu.memref_squeeze %dma_start3A_1582 : memref<1x128xi32, #tpu.memory_space<vmem>> -> memref<128xi32, #tpu.memory_space<vmem>>
    %dma_start3A_1584 = arith.constant 0 : i32
    %dma_start3A_1585 = tpu.memref_slice %arg22[%dma_start3A_1577, %dma_start3A_1584] : memref<4x16384xf32, #tpu.memory_space<hbm>> -> memref<1x16384xf32, #tpu.memory_space<hbm>>
    %dma_start3A_1586 = tpu.memref_squeeze %dma_start3A_1585 : memref<1x16384xf32, #tpu.memory_space<hbm>> -> memref<16384xf32, #tpu.memory_space<hbm>>
    %dma_start3A_1587 = arith.constant 0 : i32
    %dma_start3A_1588 = tpu.memref_slice %dma_start3A_1586[%dma_start3A_1587] : memref<16384xf32, #tpu.memory_space<hbm>> -> memref<16384xf32, #tpu.memory_space<hbm>>
    tpu.enqueue_indirect_dma source(%dma_start3A_1588 : memref<16384xf32, #tpu.memory_space<hbm>>) target(%dma_start3A_1580 : memref<128xf32, #tpu.memory_space<vmem>>) offsets(%dma_start3A_1583 : memref<128xi32, #tpu.memory_space<vmem>>) semaphore(%arg39 : memref<!tpu.dma_semaphore, #tpu.memory_space<semaphore_mem>>)
    %dma_start3A_1589 = arith.constant 1 : i32
    %dma_start3A_1590 = arith.constant 1 : i32
    %dma_start3A_1591 = arith.constant 640 : i32
    %dma_start3A_1592 = tpu.memref_slice %arg36[%dma_start3A_1591] : memref<2048xf32, #tpu.memory_space<vmem>> -> memref<128xf32, #tpu.memory_space<vmem>>
    %dma_start3A_1593 = arith.constant 0 : i32
    %dma_start3A_1594 = tpu.memref_slice %arg35[%dma_start3A_1590, %dma_start3A_1593] : memref<4x128xi32, #tpu.memory_space<vmem>> -> memref<1x128xi32, #tpu.memory_space<vmem>>
    %dma_start3A_1595 = tpu.memref_squeeze %dma_start3A_1594 : memref<1x128xi32, #tpu.memory_space<vmem>> -> memref<128xi32, #tpu.memory_space<vmem>>
    %dma_start3A_1596 = arith.constant 0 : i32
    %dma_start3A_1597 = tpu.memref_slice %arg22[%dma_start3A_1589, %dma_start3A_1596] : memref<4x16384xf32, #tpu.memory_space<hbm>> -> memref<1x16384xf32, #tpu.memory_space<hbm>>
    %dma_start3A_1598 = tpu.memref_squeeze %dma_start3A_1597 : memref<1x16384xf32, #tpu.memory_space<hbm>> -> memref<16384xf32, #tpu.memory_space<hbm>>
    %dma_start3A_1599 = arith.constant 0 : i32
    %dma_start3A_1600 = tpu.memref_slice %dma_start3A_1598[%dma_start3A_1599] : memref<16384xf32, #tpu.memory_space<hbm>> -> memref<16384xf32, #tpu.memory_space<hbm>>
    tpu.enqueue_indirect_dma source(%dma_start3A_1600 : memref<16384xf32, #tpu.memory_space<hbm>>) target(%dma_start3A_1592 : memref<128xf32, #tpu.memory_space<vmem>>) offsets(%dma_start3A_1595 : memref<128xi32, #tpu.memory_space<vmem>>) semaphore(%arg39 : memref<!tpu.dma_semaphore, #tpu.memory_space<semaphore_mem>>)
    %dma_start3A_1601 = arith.constant 2 : i32
    %dma_start3A_1602 = arith.constant 1 : i32
    %dma_start3A_1603 = arith.constant 768 : i32
    %dma_start3A_1604 = tpu.memref_slice %arg36[%dma_start3A_1603] : memref<2048xf32, #tpu.memory_space<vmem>> -> memref<128xf32, #tpu.memory_space<vmem>>
    %dma_start3A_1605 = arith.constant 0 : i32
    %dma_start3A_1606 = tpu.memref_slice %arg35[%dma_start3A_1602, %dma_start3A_1605] : memref<4x128xi32, #tpu.memory_space<vmem>> -> memref<1x128xi32, #tpu.memory_space<vmem>>
    %dma_start3A_1607 = tpu.memref_squeeze %dma_start3A_1606 : memref<1x128xi32, #tpu.memory_space<vmem>> -> memref<128xi32, #tpu.memory_space<vmem>>
    %dma_start3A_1608 = arith.constant 0 : i32
    %dma_start3A_1609 = tpu.memref_slice %arg22[%dma_start3A_1601, %dma_start3A_1608] : memref<4x16384xf32, #tpu.memory_space<hbm>> -> memref<1x16384xf32, #tpu.memory_space<hbm>>
    %dma_start3A_1610 = tpu.memref_squeeze %dma_start3A_1609 : memref<1x16384xf32, #tpu.memory_space<hbm>> -> memref<16384xf32, #tpu.memory_space<hbm>>
    %dma_start3A_1611 = arith.constant 0 : i32
    %dma_start3A_1612 = tpu.memref_slice %dma_start3A_1610[%dma_start3A_1611] : memref<16384xf32, #tpu.memory_space<hbm>> -> memref<16384xf32, #tpu.memory_space<hbm>>
    tpu.enqueue_indirect_dma source(%dma_start3A_1612 : memref<16384xf32, #tpu.memory_space<hbm>>) target(%dma_start3A_1604 : memref<128xf32, #tpu.memory_space<vmem>>) offsets(%dma_start3A_1607 : memref<128xi32, #tpu.memory_space<vmem>>) semaphore(%arg39 : memref<!tpu.dma_semaphore, #tpu.memory_space<semaphore_mem>>)
    %dma_start3A_1613 = arith.constant 3 : i32
    %dma_start3A_1614 = arith.constant 1 : i32
    %dma_start3A_1615 = arith.constant 896 : i32
    %dma_start3A_1616 = tpu.memref_slice %arg36[%dma_start3A_1615] : memref<2048xf32, #tpu.memory_space<vmem>> -> memref<128xf32, #tpu.memory_space<vmem>>
    %dma_start3A_1617 = arith.constant 0 : i32
    %dma_start3A_1618 = tpu.memref_slice %arg35[%dma_start3A_1614, %dma_start3A_1617] : memref<4x128xi32, #tpu.memory_space<vmem>> -> memref<1x128xi32, #tpu.memory_space<vmem>>
    %dma_start3A_1619 = tpu.memref_squeeze %dma_start3A_1618 : memref<1x128xi32, #tpu.memory_space<vmem>> -> memref<128xi32, #tpu.memory_space<vmem>>
    %dma_start3A_1620 = arith.constant 0 : i32
    %dma_start3A_1621 = tpu.memref_slice %arg22[%dma_start3A_1613, %dma_start3A_1620] : memref<4x16384xf32, #tpu.memory_space<hbm>> -> memref<1x16384xf32, #tpu.memory_space<hbm>>
    %dma_start3A_1622 = tpu.memref_squeeze %dma_start3A_1621 : memref<1x16384xf32, #tpu.memory_space<hbm>> -> memref<16384xf32, #tpu.memory_space<hbm>>
    %dma_start3A_1623 = arith.constant 0 : i32
    %dma_start3A_1624 = tpu.memref_slice %dma_start3A_1622[%dma_start3A_1623] : memref<16384xf32, #tpu.memory_space<hbm>> -> memref<16384xf32, #tpu.memory_space<hbm>>
    tpu.enqueue_indirect_dma source(%dma_start3A_1624 : memref<16384xf32, #tpu.memory_space<hbm>>) target(%dma_start3A_1616 : memref<128xf32, #tpu.memory_space<vmem>>) offsets(%dma_start3A_1619 : memref<128xi32, #tpu.memory_space<vmem>>) semaphore(%arg39 : memref<!tpu.dma_semaphore, #tpu.memory_space<semaphore_mem>>)
    %dma_start3A_1625 = arith.constant 0 : i32
    %dma_start3A_1626 = arith.constant 2 : i32
    %dma_start3A_1627 = arith.constant 1024 : i32
    %dma_start3A_1628 = tpu.memref_slice %arg36[%dma_start3A_1627] : memref<2048xf32, #tpu.memory_space<vmem>> -> memref<128xf32, #tpu.memory_space<vmem>>
    %dma_start3A_1629 = arith.constant 0 : i32
    %dma_start3A_1630 = tpu.memref_slice %arg35[%dma_start3A_1626, %dma_start3A_1629] : memref<4x128xi32, #tpu.memory_space<vmem>> -> memref<1x128xi32, #tpu.memory_space<vmem>>
    %dma_start3A_1631 = tpu.memref_squeeze %dma_start3A_1630 : memref<1x128xi32, #tpu.memory_space<vmem>> -> memref<128xi32, #tpu.memory_space<vmem>>
    %dma_start3A_1632 = arith.constant 0 : i32
    %dma_start3A_1633 = tpu.memref_slice %arg22[%dma_start3A_1625, %dma_start3A_1632] : memref<4x16384xf32, #tpu.memory_space<hbm>> -> memref<1x16384xf32, #tpu.memory_space<hbm>>
    %dma_start3A_1634 = tpu.memref_squeeze %dma_start3A_1633 : memref<1x16384xf32, #tpu.memory_space<hbm>> -> memref<16384xf32, #tpu.memory_space<hbm>>
    %dma_start3A_1635 = arith.constant 0 : i32
    %dma_start3A_1636 = tpu.memref_slice %dma_start3A_1634[%dma_start3A_1635] : memref<16384xf32, #tpu.memory_space<hbm>> -> memref<16384xf32, #tpu.memory_space<hbm>>
    tpu.enqueue_indirect_dma source(%dma_start3A_1636 : memref<16384xf32, #tpu.memory_space<hbm>>) target(%dma_start3A_1628 : memref<128xf32, #tpu.memory_space<vmem>>) offsets(%dma_start3A_1631 : memref<128xi32, #tpu.memory_space<vmem>>) semaphore(%arg39 : memref<!tpu.dma_semaphore, #tpu.memory_space<semaphore_mem>>)
    %dma_start3A_1637 = arith.constant 1 : i32
    %dma_start3A_1638 = arith.constant 2 : i32
    %dma_start3A_1639 = arith.constant 1152 : i32
    %dma_start3A_1640 = tpu.memref_slice %arg36[%dma_start3A_1639] : memref<2048xf32, #tpu.memory_space<vmem>> -> memref<128xf32, #tpu.memory_space<vmem>>
    %dma_start3A_1641 = arith.constant 0 : i32
    %dma_start3A_1642 = tpu.memref_slice %arg35[%dma_start3A_1638, %dma_start3A_1641] : memref<4x128xi32, #tpu.memory_space<vmem>> -> memref<1x128xi32, #tpu.memory_space<vmem>>
    %dma_start3A_1643 = tpu.memref_squeeze %dma_start3A_1642 : memref<1x128xi32, #tpu.memory_space<vmem>> -> memref<128xi32, #tpu.memory_space<vmem>>
    %dma_start3A_1644 = arith.constant 0 : i32
    %dma_start3A_1645 = tpu.memref_slice %arg22[%dma_start3A_1637, %dma_start3A_1644] : memref<4x16384xf32, #tpu.memory_space<hbm>> -> memref<1x16384xf32, #tpu.memory_space<hbm>>
    %dma_start3A_1646 = tpu.memref_squeeze %dma_start3A_1645 : memref<1x16384xf32, #tpu.memory_space<hbm>> -> memref<16384xf32, #tpu.memory_space<hbm>>
    %dma_start3A_1647 = arith.constant 0 : i32
    %dma_start3A_1648 = tpu.memref_slice %dma_start3A_1646[%dma_start3A_1647] : memref<16384xf32, #tpu.memory_space<hbm>> -> memref<16384xf32, #tpu.memory_space<hbm>>
    tpu.enqueue_indirect_dma source(%dma_start3A_1648 : memref<16384xf32, #tpu.memory_space<hbm>>) target(%dma_start3A_1640 : memref<128xf32, #tpu.memory_space<vmem>>) offsets(%dma_start3A_1643 : memref<128xi32, #tpu.memory_space<vmem>>) semaphore(%arg39 : memref<!tpu.dma_semaphore, #tpu.memory_space<semaphore_mem>>)
    %dma_start3A_1649 = arith.constant 2 : i32
    %dma_start3A_1650 = arith.constant 2 : i32
    %dma_start3A_1651 = arith.constant 1280 : i32
    %dma_start3A_1652 = tpu.memref_slice %arg36[%dma_start3A_1651] : memref<2048xf32, #tpu.memory_space<vmem>> -> memref<128xf32, #tpu.memory_space<vmem>>
    %dma_start3A_1653 = arith.constant 0 : i32
    %dma_start3A_1654 = tpu.memref_slice %arg35[%dma_start3A_1650, %dma_start3A_1653] : memref<4x128xi32, #tpu.memory_space<vmem>> -> memref<1x128xi32, #tpu.memory_space<vmem>>
    %dma_start3A_1655 = tpu.memref_squeeze %dma_start3A_1654 : memref<1x128xi32, #tpu.memory_space<vmem>> -> memref<128xi32, #tpu.memory_space<vmem>>
    %dma_start3A_1656 = arith.constant 0 : i32
    %dma_start3A_1657 = tpu.memref_slice %arg22[%dma_start3A_1649, %dma_start3A_1656] : memref<4x16384xf32, #tpu.memory_space<hbm>> -> memref<1x16384xf32, #tpu.memory_space<hbm>>
    %dma_start3A_1658 = tpu.memref_squeeze %dma_start3A_1657 : memref<1x16384xf32, #tpu.memory_space<hbm>> -> memref<16384xf32, #tpu.memory_space<hbm>>
    %dma_start3A_1659 = arith.constant 0 : i32
    %dma_start3A_1660 = tpu.memref_slice %dma_start3A_1658[%dma_start3A_1659] : memref<16384xf32, #tpu.memory_space<hbm>> -> memref<16384xf32, #tpu.memory_space<hbm>>
    tpu.enqueue_indirect_dma source(%dma_start3A_1660 : memref<16384xf32, #tpu.memory_space<hbm>>) target(%dma_start3A_1652 : memref<128xf32, #tpu.memory_space<vmem>>) offsets(%dma_start3A_1655 : memref<128xi32, #tpu.memory_space<vmem>>) semaphore(%arg39 : memref<!tpu.dma_semaphore, #tpu.memory_space<semaphore_mem>>)
    %dma_start3A_1661 = arith.constant 3 : i32
    %dma_start3A_1662 = arith.constant 2 : i32
    %dma_start3A_1663 = arith.constant 1408 : i32
    %dma_start3A_1664 = tpu.memref_slice %arg36[%dma_start3A_1663] : memref<2048xf32, #tpu.memory_space<vmem>> -> memref<128xf32, #tpu.memory_space<vmem>>
    %dma_start3A_1665 = arith.constant 0 : i32
    %dma_start3A_1666 = tpu.memref_slice %arg35[%dma_start3A_1662, %dma_start3A_1665] : memref<4x128xi32, #tpu.memory_space<vmem>> -> memref<1x128xi32, #tpu.memory_space<vmem>>
    %dma_start3A_1667 = tpu.memref_squeeze %dma_start3A_1666 : memref<1x128xi32, #tpu.memory_space<vmem>> -> memref<128xi32, #tpu.memory_space<vmem>>
    %dma_start3A_1668 = arith.constant 0 : i32
    %dma_start3A_1669 = tpu.memref_slice %arg22[%dma_start3A_1661, %dma_start3A_1668] : memref<4x16384xf32, #tpu.memory_space<hbm>> -> memref<1x16384xf32, #tpu.memory_space<hbm>>
    %dma_start3A_1670 = tpu.memref_squeeze %dma_start3A_1669 : memref<1x16384xf32, #tpu.memory_space<hbm>> -> memref<16384xf32, #tpu.memory_space<hbm>>
    %dma_start3A_1671 = arith.constant 0 : i32
    %dma_start3A_1672 = tpu.memref_slice %dma_start3A_1670[%dma_start3A_1671] : memref<16384xf32, #tpu.memory_space<hbm>> -> memref<16384xf32, #tpu.memory_space<hbm>>
    tpu.enqueue_indirect_dma source(%dma_start3A_1672 : memref<16384xf32, #tpu.memory_space<hbm>>) target(%dma_start3A_1664 : memref<128xf32, #tpu.memory_space<vmem>>) offsets(%dma_start3A_1667 : memref<128xi32, #tpu.memory_space<vmem>>) semaphore(%arg39 : memref<!tpu.dma_semaphore, #tpu.memory_space<semaphore_mem>>)
    %dma_start3A_1673 = arith.constant 0 : i32
    %dma_start3A_1674 = arith.constant 3 : i32
    %dma_start3A_1675 = arith.constant 1536 : i32
    %dma_start3A_1676 = tpu.memref_slice %arg36[%dma_start3A_1675] : memref<2048xf32, #tpu.memory_space<vmem>> -> memref<128xf32, #tpu.memory_space<vmem>>
    %dma_start3A_1677 = arith.constant 0 : i32
    %dma_start3A_1678 = tpu.memref_slice %arg35[%dma_start3A_1674, %dma_start3A_1677] : memref<4x128xi32, #tpu.memory_space<vmem>> -> memref<1x128xi32, #tpu.memory_space<vmem>>
    %dma_start3A_1679 = tpu.memref_squeeze %dma_start3A_1678 : memref<1x128xi32, #tpu.memory_space<vmem>> -> memref<128xi32, #tpu.memory_space<vmem>>
    %dma_start3A_1680 = arith.constant 0 : i32
    %dma_start3A_1681 = tpu.memref_slice %arg22[%dma_start3A_1673, %dma_start3A_1680] : memref<4x16384xf32, #tpu.memory_space<hbm>> -> memref<1x16384xf32, #tpu.memory_space<hbm>>
    %dma_start3A_1682 = tpu.memref_squeeze %dma_start3A_1681 : memref<1x16384xf32, #tpu.memory_space<hbm>> -> memref<16384xf32, #tpu.memory_space<hbm>>
    %dma_start3A_1683 = arith.constant 0 : i32
    %dma_start3A_1684 = tpu.memref_slice %dma_start3A_1682[%dma_start3A_1683] : memref<16384xf32, #tpu.memory_space<hbm>> -> memref<16384xf32, #tpu.memory_space<hbm>>
    tpu.enqueue_indirect_dma source(%dma_start3A_1684 : memref<16384xf32, #tpu.memory_space<hbm>>) target(%dma_start3A_1676 : memref<128xf32, #tpu.memory_space<vmem>>) offsets(%dma_start3A_1679 : memref<128xi32, #tpu.memory_space<vmem>>) semaphore(%arg39 : memref<!tpu.dma_semaphore, #tpu.memory_space<semaphore_mem>>)
    %dma_start3A_1685 = arith.constant 1 : i32
    %dma_start3A_1686 = arith.constant 3 : i32
    %dma_start3A_1687 = arith.constant 1664 : i32
    %dma_start3A_1688 = tpu.memref_slice %arg36[%dma_start3A_1687] : memref<2048xf32, #tpu.memory_space<vmem>> -> memref<128xf32, #tpu.memory_space<vmem>>
    %dma_start3A_1689 = arith.constant 0 : i32
    %dma_start3A_1690 = tpu.memref_slice %arg35[%dma_start3A_1686, %dma_start3A_1689] : memref<4x128xi32, #tpu.memory_space<vmem>> -> memref<1x128xi32, #tpu.memory_space<vmem>>
    %dma_start3A_1691 = tpu.memref_squeeze %dma_start3A_1690 : memref<1x128xi32, #tpu.memory_space<vmem>> -> memref<128xi32, #tpu.memory_space<vmem>>
    %dma_start3A_1692 = arith.constant 0 : i32
    %dma_start3A_1693 = tpu.memref_slice %arg22[%dma_start3A_1685, %dma_start3A_1692] : memref<4x16384xf32, #tpu.memory_space<hbm>> -> memref<1x16384xf32, #tpu.memory_space<hbm>>
    %dma_start3A_1694 = tpu.memref_squeeze %dma_start3A_1693 : memref<1x16384xf32, #tpu.memory_space<hbm>> -> memref<16384xf32, #tpu.memory_space<hbm>>
    %dma_start3A_1695 = arith.constant 0 : i32
    %dma_start3A_1696 = tpu.memref_slice %dma_start3A_1694[%dma_start3A_1695] : memref<16384xf32, #tpu.memory_space<hbm>> -> memref<16384xf32, #tpu.memory_space<hbm>>
    tpu.enqueue_indirect_dma source(%dma_start3A_1696 : memref<16384xf32, #tpu.memory_space<hbm>>) target(%dma_start3A_1688 : memref<128xf32, #tpu.memory_space<vmem>>) offsets(%dma_start3A_1691 : memref<128xi32, #tpu.memory_space<vmem>>) semaphore(%arg39 : memref<!tpu.dma_semaphore, #tpu.memory_space<semaphore_mem>>)
    %dma_start3A_1697 = arith.constant 2 : i32
    %dma_start3A_1698 = arith.constant 3 : i32
    %dma_start3A_1699 = arith.constant 1792 : i32
    %dma_start3A_1700 = tpu.memref_slice %arg36[%dma_start3A_1699] : memref<2048xf32, #tpu.memory_space<vmem>> -> memref<128xf32, #tpu.memory_space<vmem>>
    %dma_start3A_1701 = arith.constant 0 : i32
    %dma_start3A_1702 = tpu.memref_slice %arg35[%dma_start3A_1698, %dma_start3A_1701] : memref<4x128xi32, #tpu.memory_space<vmem>> -> memref<1x128xi32, #tpu.memory_space<vmem>>
    %dma_start3A_1703 = tpu.memref_squeeze %dma_start3A_1702 : memref<1x128xi32, #tpu.memory_space<vmem>> -> memref<128xi32, #tpu.memory_space<vmem>>
    %dma_start3A_1704 = arith.constant 0 : i32
    %dma_start3A_1705 = tpu.memref_slice %arg22[%dma_start3A_1697, %dma_start3A_1704] : memref<4x16384xf32, #tpu.memory_space<hbm>> -> memref<1x16384xf32, #tpu.memory_space<hbm>>
    %dma_start3A_1706 = tpu.memref_squeeze %dma_start3A_1705 : memref<1x16384xf32, #tpu.memory_space<hbm>> -> memref<16384xf32, #tpu.memory_space<hbm>>
    %dma_start3A_1707 = arith.constant 0 : i32
    %dma_start3A_1708 = tpu.memref_slice %dma_start3A_1706[%dma_start3A_1707] : memref<16384xf32, #tpu.memory_space<hbm>> -> memref<16384xf32, #tpu.memory_space<hbm>>
    tpu.enqueue_indirect_dma source(%dma_start3A_1708 : memref<16384xf32, #tpu.memory_space<hbm>>) target(%dma_start3A_1700 : memref<128xf32, #tpu.memory_space<vmem>>) offsets(%dma_start3A_1703 : memref<128xi32, #tpu.memory_space<vmem>>) semaphore(%arg39 : memref<!tpu.dma_semaphore, #tpu.memory_space<semaphore_mem>>)
    %dma_start3A_1709 = arith.constant 3 : i32
    %dma_start3A_1710 = arith.constant 3 : i32
    %dma_start3A_1711 = arith.constant 1920 : i32
    %dma_start3A_1712 = tpu.memref_slice %arg36[%dma_start3A_1711] : memref<2048xf32, #tpu.memory_space<vmem>> -> memref<128xf32, #tpu.memory_space<vmem>>
    %dma_start3A_1713 = arith.constant 0 : i32
    %dma_start3A_1714 = tpu.memref_slice %arg35[%dma_start3A_1710, %dma_start3A_1713] : memref<4x128xi32, #tpu.memory_space<vmem>> -> memref<1x128xi32, #tpu.memory_space<vmem>>
    %dma_start3A_1715 = tpu.memref_squeeze %dma_start3A_1714 : memref<1x128xi32, #tpu.memory_space<vmem>> -> memref<128xi32, #tpu.memory_space<vmem>>
    %dma_start3A_1716 = arith.constant 0 : i32
    %dma_start3A_1717 = tpu.memref_slice %arg22[%dma_start3A_1709, %dma_start3A_1716] : memref<4x16384xf32, #tpu.memory_space<hbm>> -> memref<1x16384xf32, #tpu.memory_space<hbm>>
    %dma_start3A_1718 = tpu.memref_squeeze %dma_start3A_1717 : memref<1x16384xf32, #tpu.memory_space<hbm>> -> memref<16384xf32, #tpu.memory_space<hbm>>
    %dma_start3A_1719 = arith.constant 0 : i32
    %dma_start3A_1720 = tpu.memref_slice %dma_start3A_1718[%dma_start3A_1719] : memref<16384xf32, #tpu.memory_space<hbm>> -> memref<16384xf32, #tpu.memory_space<hbm>>
    tpu.enqueue_indirect_dma source(%dma_start3A_1720 : memref<16384xf32, #tpu.memory_space<hbm>>) target(%dma_start3A_1712 : memref<128xf32, #tpu.memory_space<vmem>>) offsets(%dma_start3A_1715 : memref<128xi32, #tpu.memory_space<vmem>>) semaphore(%arg39 : memref<!tpu.dma_semaphore, #tpu.memory_space<semaphore_mem>>)
    %dma_wait3A_1721 = arith.constant 0 : i32
    %dma_wait3A_1722 = arith.constant 0 : i32
    %dma_wait3A_1723 = arith.constant 0 : i32
    %dma_wait3A_1724 = tpu.memref_slice %arg36[%dma_wait3A_1723] : memref<2048xf32, #tpu.memory_space<vmem>> -> memref<128xf32, #tpu.memory_space<vmem>>
    %dma_wait3A_1725 = arith.constant 0 : i32
    %dma_wait3A_1726 = tpu.memref_slice %arg35[%dma_wait3A_1722, %dma_wait3A_1725] : memref<4x128xi32, #tpu.memory_space<vmem>> -> memref<1x128xi32, #tpu.memory_space<vmem>>
    %dma_wait3A_1727 = tpu.memref_squeeze %dma_wait3A_1726 : memref<1x128xi32, #tpu.memory_space<vmem>> -> memref<128xi32, #tpu.memory_space<vmem>>
    %dma_wait3A_1728 = arith.constant 0 : i32
    %dma_wait3A_1729 = tpu.memref_slice %arg22[%dma_wait3A_1721, %dma_wait3A_1728] : memref<4x16384xf32, #tpu.memory_space<hbm>> -> memref<1x16384xf32, #tpu.memory_space<hbm>>
    %dma_wait3A_1730 = tpu.memref_squeeze %dma_wait3A_1729 : memref<1x16384xf32, #tpu.memory_space<hbm>> -> memref<16384xf32, #tpu.memory_space<hbm>>
    %dma_wait3A_1731 = arith.constant 0 : i32
    %dma_wait3A_1732 = tpu.memref_slice %dma_wait3A_1730[%dma_wait3A_1731] : memref<16384xf32, #tpu.memory_space<hbm>> -> memref<16384xf32, #tpu.memory_space<hbm>>
    tpu.wait_indirect_dma semaphore(%arg39 : memref<!tpu.dma_semaphore, #tpu.memory_space<semaphore_mem>>) src(%dma_wait3A_1732 : memref<16384xf32, #tpu.memory_space<hbm>>) dst(%dma_wait3A_1724 : memref<128xf32, #tpu.memory_space<vmem>>)
    %dma_wait3A_1733 = arith.constant 1 : i32
    %dma_wait3A_1734 = arith.constant 0 : i32
    %dma_wait3A_1735 = arith.constant 128 : i32
    %dma_wait3A_1736 = tpu.memref_slice %arg36[%dma_wait3A_1735] : memref<2048xf32, #tpu.memory_space<vmem>> -> memref<128xf32, #tpu.memory_space<vmem>>
    %dma_wait3A_1737 = arith.constant 0 : i32
    %dma_wait3A_1738 = tpu.memref_slice %arg35[%dma_wait3A_1734, %dma_wait3A_1737] : memref<4x128xi32, #tpu.memory_space<vmem>> -> memref<1x128xi32, #tpu.memory_space<vmem>>
    %dma_wait3A_1739 = tpu.memref_squeeze %dma_wait3A_1738 : memref<1x128xi32, #tpu.memory_space<vmem>> -> memref<128xi32, #tpu.memory_space<vmem>>
    %dma_wait3A_1740 = arith.constant 0 : i32
    %dma_wait3A_1741 = tpu.memref_slice %arg22[%dma_wait3A_1733, %dma_wait3A_1740] : memref<4x16384xf32, #tpu.memory_space<hbm>> -> memref<1x16384xf32, #tpu.memory_space<hbm>>
    %dma_wait3A_1742 = tpu.memref_squeeze %dma_wait3A_1741 : memref<1x16384xf32, #tpu.memory_space<hbm>> -> memref<16384xf32, #tpu.memory_space<hbm>>
    %dma_wait3A_1743 = arith.constant 0 : i32
    %dma_wait3A_1744 = tpu.memref_slice %dma_wait3A_1742[%dma_wait3A_1743] : memref<16384xf32, #tpu.memory_space<hbm>> -> memref<16384xf32, #tpu.memory_space<hbm>>
    tpu.wait_indirect_dma semaphore(%arg39 : memref<!tpu.dma_semaphore, #tpu.memory_space<semaphore_mem>>) src(%dma_wait3A_1744 : memref<16384xf32, #tpu.memory_space<hbm>>) dst(%dma_wait3A_1736 : memref<128xf32, #tpu.memory_space<vmem>>)
    %dma_wait3A_1745 = arith.constant 2 : i32
    %dma_wait3A_1746 = arith.constant 0 : i32
    %dma_wait3A_1747 = arith.constant 256 : i32
    %dma_wait3A_1748 = tpu.memref_slice %arg36[%dma_wait3A_1747] : memref<2048xf32, #tpu.memory_space<vmem>> -> memref<128xf32, #tpu.memory_space<vmem>>
    %dma_wait3A_1749 = arith.constant 0 : i32
    %dma_wait3A_1750 = tpu.memref_slice %arg35[%dma_wait3A_1746, %dma_wait3A_1749] : memref<4x128xi32, #tpu.memory_space<vmem>> -> memref<1x128xi32, #tpu.memory_space<vmem>>
    %dma_wait3A_1751 = tpu.memref_squeeze %dma_wait3A_1750 : memref<1x128xi32, #tpu.memory_space<vmem>> -> memref<128xi32, #tpu.memory_space<vmem>>
    %dma_wait3A_1752 = arith.constant 0 : i32
    %dma_wait3A_1753 = tpu.memref_slice %arg22[%dma_wait3A_1745, %dma_wait3A_1752] : memref<4x16384xf32, #tpu.memory_space<hbm>> -> memref<1x16384xf32, #tpu.memory_space<hbm>>
    %dma_wait3A_1754 = tpu.memref_squeeze %dma_wait3A_1753 : memref<1x16384xf32, #tpu.memory_space<hbm>> -> memref<16384xf32, #tpu.memory_space<hbm>>
    %dma_wait3A_1755 = arith.constant 0 : i32
    %dma_wait3A_1756 = tpu.memref_slice %dma_wait3A_1754[%dma_wait3A_1755] : memref<16384xf32, #tpu.memory_space<hbm>> -> memref<16384xf32, #tpu.memory_space<hbm>>
    tpu.wait_indirect_dma semaphore(%arg39 : memref<!tpu.dma_semaphore, #tpu.memory_space<semaphore_mem>>) src(%dma_wait3A_1756 : memref<16384xf32, #tpu.memory_space<hbm>>) dst(%dma_wait3A_1748 : memref<128xf32, #tpu.memory_space<vmem>>)
    %dma_wait3A_1757 = arith.constant 3 : i32
    %dma_wait3A_1758 = arith.constant 0 : i32
    %dma_wait3A_1759 = arith.constant 384 : i32
    %dma_wait3A_1760 = tpu.memref_slice %arg36[%dma_wait3A_1759] : memref<2048xf32, #tpu.memory_space<vmem>> -> memref<128xf32, #tpu.memory_space<vmem>>
    %dma_wait3A_1761 = arith.constant 0 : i32
    %dma_wait3A_1762 = tpu.memref_slice %arg35[%dma_wait3A_1758, %dma_wait3A_1761] : memref<4x128xi32, #tpu.memory_space<vmem>> -> memref<1x128xi32, #tpu.memory_space<vmem>>
    %dma_wait3A_1763 = tpu.memref_squeeze %dma_wait3A_1762 : memref<1x128xi32, #tpu.memory_space<vmem>> -> memref<128xi32, #tpu.memory_space<vmem>>
    %dma_wait3A_1764 = arith.constant 0 : i32
    %dma_wait3A_1765 = tpu.memref_slice %arg22[%dma_wait3A_1757, %dma_wait3A_1764] : memref<4x16384xf32, #tpu.memory_space<hbm>> -> memref<1x16384xf32, #tpu.memory_space<hbm>>
    %dma_wait3A_1766 = tpu.memref_squeeze %dma_wait3A_1765 : memref<1x16384xf32, #tpu.memory_space<hbm>> -> memref<16384xf32, #tpu.memory_space<hbm>>
    %dma_wait3A_1767 = arith.constant 0 : i32
    %dma_wait3A_1768 = tpu.memref_slice %dma_wait3A_1766[%dma_wait3A_1767] : memref<16384xf32, #tpu.memory_space<hbm>> -> memref<16384xf32, #tpu.memory_space<hbm>>
    tpu.wait_indirect_dma semaphore(%arg39 : memref<!tpu.dma_semaphore, #tpu.memory_space<semaphore_mem>>) src(%dma_wait3A_1768 : memref<16384xf32, #tpu.memory_space<hbm>>) dst(%dma_wait3A_1760 : memref<128xf32, #tpu.memory_space<vmem>>)
    %dma_wait3A_1769 = arith.constant 0 : i32
    %dma_wait3A_1770 = arith.constant 1 : i32
    %dma_wait3A_1771 = arith.constant 512 : i32
    %dma_wait3A_1772 = tpu.memref_slice %arg36[%dma_wait3A_1771] : memref<2048xf32, #tpu.memory_space<vmem>> -> memref<128xf32, #tpu.memory_space<vmem>>
    %dma_wait3A_1773 = arith.constant 0 : i32
    %dma_wait3A_1774 = tpu.memref_slice %arg35[%dma_wait3A_1770, %dma_wait3A_1773] : memref<4x128xi32, #tpu.memory_space<vmem>> -> memref<1x128xi32, #tpu.memory_space<vmem>>
    %dma_wait3A_1775 = tpu.memref_squeeze %dma_wait3A_1774 : memref<1x128xi32, #tpu.memory_space<vmem>> -> memref<128xi32, #tpu.memory_space<vmem>>
    %dma_wait3A_1776 = arith.constant 0 : i32
    %dma_wait3A_1777 = tpu.memref_slice %arg22[%dma_wait3A_1769, %dma_wait3A_1776] : memref<4x16384xf32, #tpu.memory_space<hbm>> -> memref<1x16384xf32, #tpu.memory_space<hbm>>
    %dma_wait3A_1778 = tpu.memref_squeeze %dma_wait3A_1777 : memref<1x16384xf32, #tpu.memory_space<hbm>> -> memref<16384xf32, #tpu.memory_space<hbm>>
    %dma_wait3A_1779 = arith.constant 0 : i32
    %dma_wait3A_1780 = tpu.memref_slice %dma_wait3A_1778[%dma_wait3A_1779] : memref<16384xf32, #tpu.memory_space<hbm>> -> memref<16384xf32, #tpu.memory_space<hbm>>
    tpu.wait_indirect_dma semaphore(%arg39 : memref<!tpu.dma_semaphore, #tpu.memory_space<semaphore_mem>>) src(%dma_wait3A_1780 : memref<16384xf32, #tpu.memory_space<hbm>>) dst(%dma_wait3A_1772 : memref<128xf32, #tpu.memory_space<vmem>>)
    %dma_wait3A_1781 = arith.constant 1 : i32
    %dma_wait3A_1782 = arith.constant 1 : i32
    %dma_wait3A_1783 = arith.constant 640 : i32
    %dma_wait3A_1784 = tpu.memref_slice %arg36[%dma_wait3A_1783] : memref<2048xf32, #tpu.memory_space<vmem>> -> memref<128xf32, #tpu.memory_space<vmem>>
    %dma_wait3A_1785 = arith.constant 0 : i32
    %dma_wait3A_1786 = tpu.memref_slice %arg35[%dma_wait3A_1782, %dma_wait3A_1785] : memref<4x128xi32, #tpu.memory_space<vmem>> -> memref<1x128xi32, #tpu.memory_space<vmem>>
    %dma_wait3A_1787 = tpu.memref_squeeze %dma_wait3A_1786 : memref<1x128xi32, #tpu.memory_space<vmem>> -> memref<128xi32, #tpu.memory_space<vmem>>
    %dma_wait3A_1788 = arith.constant 0 : i32
    %dma_wait3A_1789 = tpu.memref_slice %arg22[%dma_wait3A_1781, %dma_wait3A_1788] : memref<4x16384xf32, #tpu.memory_space<hbm>> -> memref<1x16384xf32, #tpu.memory_space<hbm>>
    %dma_wait3A_1790 = tpu.memref_squeeze %dma_wait3A_1789 : memref<1x16384xf32, #tpu.memory_space<hbm>> -> memref<16384xf32, #tpu.memory_space<hbm>>
    %dma_wait3A_1791 = arith.constant 0 : i32
    %dma_wait3A_1792 = tpu.memref_slice %dma_wait3A_1790[%dma_wait3A_1791] : memref<16384xf32, #tpu.memory_space<hbm>> -> memref<16384xf32, #tpu.memory_space<hbm>>
    tpu.wait_indirect_dma semaphore(%arg39 : memref<!tpu.dma_semaphore, #tpu.memory_space<semaphore_mem>>) src(%dma_wait3A_1792 : memref<16384xf32, #tpu.memory_space<hbm>>) dst(%dma_wait3A_1784 : memref<128xf32, #tpu.memory_space<vmem>>)
    %dma_wait3A_1793 = arith.constant 2 : i32
    %dma_wait3A_1794 = arith.constant 1 : i32
    %dma_wait3A_1795 = arith.constant 768 : i32
    %dma_wait3A_1796 = tpu.memref_slice %arg36[%dma_wait3A_1795] : memref<2048xf32, #tpu.memory_space<vmem>> -> memref<128xf32, #tpu.memory_space<vmem>>
    %dma_wait3A_1797 = arith.constant 0 : i32
    %dma_wait3A_1798 = tpu.memref_slice %arg35[%dma_wait3A_1794, %dma_wait3A_1797] : memref<4x128xi32, #tpu.memory_space<vmem>> -> memref<1x128xi32, #tpu.memory_space<vmem>>
    %dma_wait3A_1799 = tpu.memref_squeeze %dma_wait3A_1798 : memref<1x128xi32, #tpu.memory_space<vmem>> -> memref<128xi32, #tpu.memory_space<vmem>>
    %dma_wait3A_1800 = arith.constant 0 : i32
    %dma_wait3A_1801 = tpu.memref_slice %arg22[%dma_wait3A_1793, %dma_wait3A_1800] : memref<4x16384xf32, #tpu.memory_space<hbm>> -> memref<1x16384xf32, #tpu.memory_space<hbm>>
    %dma_wait3A_1802 = tpu.memref_squeeze %dma_wait3A_1801 : memref<1x16384xf32, #tpu.memory_space<hbm>> -> memref<16384xf32, #tpu.memory_space<hbm>>
    %dma_wait3A_1803 = arith.constant 0 : i32
    %dma_wait3A_1804 = tpu.memref_slice %dma_wait3A_1802[%dma_wait3A_1803] : memref<16384xf32, #tpu.memory_space<hbm>> -> memref<16384xf32, #tpu.memory_space<hbm>>
    tpu.wait_indirect_dma semaphore(%arg39 : memref<!tpu.dma_semaphore, #tpu.memory_space<semaphore_mem>>) src(%dma_wait3A_1804 : memref<16384xf32, #tpu.memory_space<hbm>>) dst(%dma_wait3A_1796 : memref<128xf32, #tpu.memory_space<vmem>>)
    %dma_wait3A_1805 = arith.constant 3 : i32
    %dma_wait3A_1806 = arith.constant 1 : i32
    %dma_wait3A_1807 = arith.constant 896 : i32
    %dma_wait3A_1808 = tpu.memref_slice %arg36[%dma_wait3A_1807] : memref<2048xf32, #tpu.memory_space<vmem>> -> memref<128xf32, #tpu.memory_space<vmem>>
    %dma_wait3A_1809 = arith.constant 0 : i32
    %dma_wait3A_1810 = tpu.memref_slice %arg35[%dma_wait3A_1806, %dma_wait3A_1809] : memref<4x128xi32, #tpu.memory_space<vmem>> -> memref<1x128xi32, #tpu.memory_space<vmem>>
    %dma_wait3A_1811 = tpu.memref_squeeze %dma_wait3A_1810 : memref<1x128xi32, #tpu.memory_space<vmem>> -> memref<128xi32, #tpu.memory_space<vmem>>
    %dma_wait3A_1812 = arith.constant 0 : i32
    %dma_wait3A_1813 = tpu.memref_slice %arg22[%dma_wait3A_1805, %dma_wait3A_1812] : memref<4x16384xf32, #tpu.memory_space<hbm>> -> memref<1x16384xf32, #tpu.memory_space<hbm>>
    %dma_wait3A_1814 = tpu.memref_squeeze %dma_wait3A_1813 : memref<1x16384xf32, #tpu.memory_space<hbm>> -> memref<16384xf32, #tpu.memory_space<hbm>>
    %dma_wait3A_1815 = arith.constant 0 : i32
    %dma_wait3A_1816 = tpu.memref_slice %dma_wait3A_1814[%dma_wait3A_1815] : memref<16384xf32, #tpu.memory_space<hbm>> -> memref<16384xf32, #tpu.memory_space<hbm>>
    tpu.wait_indirect_dma semaphore(%arg39 : memref<!tpu.dma_semaphore, #tpu.memory_space<semaphore_mem>>) src(%dma_wait3A_1816 : memref<16384xf32, #tpu.memory_space<hbm>>) dst(%dma_wait3A_1808 : memref<128xf32, #tpu.memory_space<vmem>>)
    %dma_wait3A_1817 = arith.constant 0 : i32
    %dma_wait3A_1818 = arith.constant 2 : i32
    %dma_wait3A_1819 = arith.constant 1024 : i32
    %dma_wait3A_1820 = tpu.memref_slice %arg36[%dma_wait3A_1819] : memref<2048xf32, #tpu.memory_space<vmem>> -> memref<128xf32, #tpu.memory_space<vmem>>
    %dma_wait3A_1821 = arith.constant 0 : i32
    %dma_wait3A_1822 = tpu.memref_slice %arg35[%dma_wait3A_1818, %dma_wait3A_1821] : memref<4x128xi32, #tpu.memory_space<vmem>> -> memref<1x128xi32, #tpu.memory_space<vmem>>
    %dma_wait3A_1823 = tpu.memref_squeeze %dma_wait3A_1822 : memref<1x128xi32, #tpu.memory_space<vmem>> -> memref<128xi32, #tpu.memory_space<vmem>>
    %dma_wait3A_1824 = arith.constant 0 : i32
    %dma_wait3A_1825 = tpu.memref_slice %arg22[%dma_wait3A_1817, %dma_wait3A_1824] : memref<4x16384xf32, #tpu.memory_space<hbm>> -> memref<1x16384xf32, #tpu.memory_space<hbm>>
    %dma_wait3A_1826 = tpu.memref_squeeze %dma_wait3A_1825 : memref<1x16384xf32, #tpu.memory_space<hbm>> -> memref<16384xf32, #tpu.memory_space<hbm>>
    %dma_wait3A_1827 = arith.constant 0 : i32
    %dma_wait3A_1828 = tpu.memref_slice %dma_wait3A_1826[%dma_wait3A_1827] : memref<16384xf32, #tpu.memory_space<hbm>> -> memref<16384xf32, #tpu.memory_space<hbm>>
    tpu.wait_indirect_dma semaphore(%arg39 : memref<!tpu.dma_semaphore, #tpu.memory_space<semaphore_mem>>) src(%dma_wait3A_1828 : memref<16384xf32, #tpu.memory_space<hbm>>) dst(%dma_wait3A_1820 : memref<128xf32, #tpu.memory_space<vmem>>)
    %dma_wait3A_1829 = arith.constant 1 : i32
    %dma_wait3A_1830 = arith.constant 2 : i32
    %dma_wait3A_1831 = arith.constant 1152 : i32
    %dma_wait3A_1832 = tpu.memref_slice %arg36[%dma_wait3A_1831] : memref<2048xf32, #tpu.memory_space<vmem>> -> memref<128xf32, #tpu.memory_space<vmem>>
    %dma_wait3A_1833 = arith.constant 0 : i32
    %dma_wait3A_1834 = tpu.memref_slice %arg35[%dma_wait3A_1830, %dma_wait3A_1833] : memref<4x128xi32, #tpu.memory_space<vmem>> -> memref<1x128xi32, #tpu.memory_space<vmem>>
    %dma_wait3A_1835 = tpu.memref_squeeze %dma_wait3A_1834 : memref<1x128xi32, #tpu.memory_space<vmem>> -> memref<128xi32, #tpu.memory_space<vmem>>
    %dma_wait3A_1836 = arith.constant 0 : i32
    %dma_wait3A_1837 = tpu.memref_slice %arg22[%dma_wait3A_1829, %dma_wait3A_1836] : memref<4x16384xf32, #tpu.memory_space<hbm>> -> memref<1x16384xf32, #tpu.memory_space<hbm>>
    %dma_wait3A_1838 = tpu.memref_squeeze %dma_wait3A_1837 : memref<1x16384xf32, #tpu.memory_space<hbm>> -> memref<16384xf32, #tpu.memory_space<hbm>>
    %dma_wait3A_1839 = arith.constant 0 : i32
    %dma_wait3A_1840 = tpu.memref_slice %dma_wait3A_1838[%dma_wait3A_1839] : memref<16384xf32, #tpu.memory_space<hbm>> -> memref<16384xf32, #tpu.memory_space<hbm>>
    tpu.wait_indirect_dma semaphore(%arg39 : memref<!tpu.dma_semaphore, #tpu.memory_space<semaphore_mem>>) src(%dma_wait3A_1840 : memref<16384xf32, #tpu.memory_space<hbm>>) dst(%dma_wait3A_1832 : memref<128xf32, #tpu.memory_space<vmem>>)
    %dma_wait3A_1841 = arith.constant 2 : i32
    %dma_wait3A_1842 = arith.constant 2 : i32
    %dma_wait3A_1843 = arith.constant 1280 : i32
    %dma_wait3A_1844 = tpu.memref_slice %arg36[%dma_wait3A_1843] : memref<2048xf32, #tpu.memory_space<vmem>> -> memref<128xf32, #tpu.memory_space<vmem>>
    %dma_wait3A_1845 = arith.constant 0 : i32
    %dma_wait3A_1846 = tpu.memref_slice %arg35[%dma_wait3A_1842, %dma_wait3A_1845] : memref<4x128xi32, #tpu.memory_space<vmem>> -> memref<1x128xi32, #tpu.memory_space<vmem>>
    %dma_wait3A_1847 = tpu.memref_squeeze %dma_wait3A_1846 : memref<1x128xi32, #tpu.memory_space<vmem>> -> memref<128xi32, #tpu.memory_space<vmem>>
    %dma_wait3A_1848 = arith.constant 0 : i32
    %dma_wait3A_1849 = tpu.memref_slice %arg22[%dma_wait3A_1841, %dma_wait3A_1848] : memref<4x16384xf32, #tpu.memory_space<hbm>> -> memref<1x16384xf32, #tpu.memory_space<hbm>>
    %dma_wait3A_1850 = tpu.memref_squeeze %dma_wait3A_1849 : memref<1x16384xf32, #tpu.memory_space<hbm>> -> memref<16384xf32, #tpu.memory_space<hbm>>
    %dma_wait3A_1851 = arith.constant 0 : i32
    %dma_wait3A_1852 = tpu.memref_slice %dma_wait3A_1850[%dma_wait3A_1851] : memref<16384xf32, #tpu.memory_space<hbm>> -> memref<16384xf32, #tpu.memory_space<hbm>>
    tpu.wait_indirect_dma semaphore(%arg39 : memref<!tpu.dma_semaphore, #tpu.memory_space<semaphore_mem>>) src(%dma_wait3A_1852 : memref<16384xf32, #tpu.memory_space<hbm>>) dst(%dma_wait3A_1844 : memref<128xf32, #tpu.memory_space<vmem>>)
    %dma_wait3A_1853 = arith.constant 3 : i32
    %dma_wait3A_1854 = arith.constant 2 : i32
    %dma_wait3A_1855 = arith.constant 1408 : i32
    %dma_wait3A_1856 = tpu.memref_slice %arg36[%dma_wait3A_1855] : memref<2048xf32, #tpu.memory_space<vmem>> -> memref<128xf32, #tpu.memory_space<vmem>>
    %dma_wait3A_1857 = arith.constant 0 : i32
    %dma_wait3A_1858 = tpu.memref_slice %arg35[%dma_wait3A_1854, %dma_wait3A_1857] : memref<4x128xi32, #tpu.memory_space<vmem>> -> memref<1x128xi32, #tpu.memory_space<vmem>>
    %dma_wait3A_1859 = tpu.memref_squeeze %dma_wait3A_1858 : memref<1x128xi32, #tpu.memory_space<vmem>> -> memref<128xi32, #tpu.memory_space<vmem>>
    %dma_wait3A_1860 = arith.constant 0 : i32
    %dma_wait3A_1861 = tpu.memref_slice %arg22[%dma_wait3A_1853, %dma_wait3A_1860] : memref<4x16384xf32, #tpu.memory_space<hbm>> -> memref<1x16384xf32, #tpu.memory_space<hbm>>
    %dma_wait3A_1862 = tpu.memref_squeeze %dma_wait3A_1861 : memref<1x16384xf32, #tpu.memory_space<hbm>> -> memref<16384xf32, #tpu.memory_space<hbm>>
    %dma_wait3A_1863 = arith.constant 0 : i32
    %dma_wait3A_1864 = tpu.memref_slice %dma_wait3A_1862[%dma_wait3A_1863] : memref<16384xf32, #tpu.memory_space<hbm>> -> memref<16384xf32, #tpu.memory_space<hbm>>
    tpu.wait_indirect_dma semaphore(%arg39 : memref<!tpu.dma_semaphore, #tpu.memory_space<semaphore_mem>>) src(%dma_wait3A_1864 : memref<16384xf32, #tpu.memory_space<hbm>>) dst(%dma_wait3A_1856 : memref<128xf32, #tpu.memory_space<vmem>>)
    %dma_wait3A_1865 = arith.constant 0 : i32
    %dma_wait3A_1866 = arith.constant 3 : i32
    %dma_wait3A_1867 = arith.constant 1536 : i32
    %dma_wait3A_1868 = tpu.memref_slice %arg36[%dma_wait3A_1867] : memref<2048xf32, #tpu.memory_space<vmem>> -> memref<128xf32, #tpu.memory_space<vmem>>
    %dma_wait3A_1869 = arith.constant 0 : i32
    %dma_wait3A_1870 = tpu.memref_slice %arg35[%dma_wait3A_1866, %dma_wait3A_1869] : memref<4x128xi32, #tpu.memory_space<vmem>> -> memref<1x128xi32, #tpu.memory_space<vmem>>
    %dma_wait3A_1871 = tpu.memref_squeeze %dma_wait3A_1870 : memref<1x128xi32, #tpu.memory_space<vmem>> -> memref<128xi32, #tpu.memory_space<vmem>>
    %dma_wait3A_1872 = arith.constant 0 : i32
    %dma_wait3A_1873 = tpu.memref_slice %arg22[%dma_wait3A_1865, %dma_wait3A_1872] : memref<4x16384xf32, #tpu.memory_space<hbm>> -> memref<1x16384xf32, #tpu.memory_space<hbm>>
    %dma_wait3A_1874 = tpu.memref_squeeze %dma_wait3A_1873 : memref<1x16384xf32, #tpu.memory_space<hbm>> -> memref<16384xf32, #tpu.memory_space<hbm>>
    %dma_wait3A_1875 = arith.constant 0 : i32
    %dma_wait3A_1876 = tpu.memref_slice %dma_wait3A_1874[%dma_wait3A_1875] : memref<16384xf32, #tpu.memory_space<hbm>> -> memref<16384xf32, #tpu.memory_space<hbm>>
    tpu.wait_indirect_dma semaphore(%arg39 : memref<!tpu.dma_semaphore, #tpu.memory_space<semaphore_mem>>) src(%dma_wait3A_1876 : memref<16384xf32, #tpu.memory_space<hbm>>) dst(%dma_wait3A_1868 : memref<128xf32, #tpu.memory_space<vmem>>)
    %dma_wait3A_1877 = arith.constant 1 : i32
    %dma_wait3A_1878 = arith.constant 3 : i32
    %dma_wait3A_1879 = arith.constant 1664 : i32
    %dma_wait3A_1880 = tpu.memref_slice %arg36[%dma_wait3A_1879] : memref<2048xf32, #tpu.memory_space<vmem>> -> memref<128xf32, #tpu.memory_space<vmem>>
    %dma_wait3A_1881 = arith.constant 0 : i32
    %dma_wait3A_1882 = tpu.memref_slice %arg35[%dma_wait3A_1878, %dma_wait3A_1881] : memref<4x128xi32, #tpu.memory_space<vmem>> -> memref<1x128xi32, #tpu.memory_space<vmem>>
    %dma_wait3A_1883 = tpu.memref_squeeze %dma_wait3A_1882 : memref<1x128xi32, #tpu.memory_space<vmem>> -> memref<128xi32, #tpu.memory_space<vmem>>
    %dma_wait3A_1884 = arith.constant 0 : i32
    %dma_wait3A_1885 = tpu.memref_slice %arg22[%dma_wait3A_1877, %dma_wait3A_1884] : memref<4x16384xf32, #tpu.memory_space<hbm>> -> memref<1x16384xf32, #tpu.memory_space<hbm>>
    %dma_wait3A_1886 = tpu.memref_squeeze %dma_wait3A_1885 : memref<1x16384xf32, #tpu.memory_space<hbm>> -> memref<16384xf32, #tpu.memory_space<hbm>>
    %dma_wait3A_1887 = arith.constant 0 : i32
    %dma_wait3A_1888 = tpu.memref_slice %dma_wait3A_1886[%dma_wait3A_1887] : memref<16384xf32, #tpu.memory_space<hbm>> -> memref<16384xf32, #tpu.memory_space<hbm>>
    tpu.wait_indirect_dma semaphore(%arg39 : memref<!tpu.dma_semaphore, #tpu.memory_space<semaphore_mem>>) src(%dma_wait3A_1888 : memref<16384xf32, #tpu.memory_space<hbm>>) dst(%dma_wait3A_1880 : memref<128xf32, #tpu.memory_space<vmem>>)
    %dma_wait3A_1889 = arith.constant 2 : i32
    %dma_wait3A_1890 = arith.constant 3 : i32
    %dma_wait3A_1891 = arith.constant 1792 : i32
    %dma_wait3A_1892 = tpu.memref_slice %arg36[%dma_wait3A_1891] : memref<2048xf32, #tpu.memory_space<vmem>> -> memref<128xf32, #tpu.memory_space<vmem>>
    %dma_wait3A_1893 = arith.constant 0 : i32
    %dma_wait3A_1894 = tpu.memref_slice %arg35[%dma_wait3A_1890, %dma_wait3A_1893] : memref<4x128xi32, #tpu.memory_space<vmem>> -> memref<1x128xi32, #tpu.memory_space<vmem>>
    %dma_wait3A_1895 = tpu.memref_squeeze %dma_wait3A_1894 : memref<1x128xi32, #tpu.memory_space<vmem>> -> memref<128xi32, #tpu.memory_space<vmem>>
    %dma_wait3A_1896 = arith.constant 0 : i32
    %dma_wait3A_1897 = tpu.memref_slice %arg22[%dma_wait3A_1889, %dma_wait3A_1896] : memref<4x16384xf32, #tpu.memory_space<hbm>> -> memref<1x16384xf32, #tpu.memory_space<hbm>>
    %dma_wait3A_1898 = tpu.memref_squeeze %dma_wait3A_1897 : memref<1x16384xf32, #tpu.memory_space<hbm>> -> memref<16384xf32, #tpu.memory_space<hbm>>
    %dma_wait3A_1899 = arith.constant 0 : i32
    %dma_wait3A_1900 = tpu.memref_slice %dma_wait3A_1898[%dma_wait3A_1899] : memref<16384xf32, #tpu.memory_space<hbm>> -> memref<16384xf32, #tpu.memory_space<hbm>>
    tpu.wait_indirect_dma semaphore(%arg39 : memref<!tpu.dma_semaphore, #tpu.memory_space<semaphore_mem>>) src(%dma_wait3A_1900 : memref<16384xf32, #tpu.memory_space<hbm>>) dst(%dma_wait3A_1892 : memref<128xf32, #tpu.memory_space<vmem>>)
    %dma_wait3A_1901 = arith.constant 3 : i32
    %dma_wait3A_1902 = arith.constant 3 : i32
    %dma_wait3A_1903 = arith.constant 1920 : i32
    %dma_wait3A_1904 = tpu.memref_slice %arg36[%dma_wait3A_1903] : memref<2048xf32, #tpu.memory_space<vmem>> -> memref<128xf32, #tpu.memory_space<vmem>>
    %dma_wait3A_1905 = arith.constant 0 : i32
    %dma_wait3A_1906 = tpu.memref_slice %arg35[%dma_wait3A_1902, %dma_wait3A_1905] : memref<4x128xi32, #tpu.memory_space<vmem>> -> memref<1x128xi32, #tpu.memory_space<vmem>>
    %dma_wait3A_1907 = tpu.memref_squeeze %dma_wait3A_1906 : memref<1x128xi32, #tpu.memory_space<vmem>> -> memref<128xi32, #tpu.memory_space<vmem>>
    %dma_wait3A_1908 = arith.constant 0 : i32
    %dma_wait3A_1909 = tpu.memref_slice %arg22[%dma_wait3A_1901, %dma_wait3A_1908] : memref<4x16384xf32, #tpu.memory_space<hbm>> -> memref<1x16384xf32, #tpu.memory_space<hbm>>
    %dma_wait3A_1910 = tpu.memref_squeeze %dma_wait3A_1909 : memref<1x16384xf32, #tpu.memory_space<hbm>> -> memref<16384xf32, #tpu.memory_space<hbm>>
    %dma_wait3A_1911 = arith.constant 0 : i32
    %dma_wait3A_1912 = tpu.memref_slice %dma_wait3A_1910[%dma_wait3A_1911] : memref<16384xf32, #tpu.memory_space<hbm>> -> memref<16384xf32, #tpu.memory_space<hbm>>
    tpu.wait_indirect_dma semaphore(%arg39 : memref<!tpu.dma_semaphore, #tpu.memory_space<semaphore_mem>>) src(%dma_wait3A_1912 : memref<16384xf32, #tpu.memory_space<hbm>>) dst(%dma_wait3A_1904 : memref<128xf32, #tpu.memory_space<vmem>>)
    %scan3A_1913 = arith.constant 0 : i32
    %scan3A_1914 = arith.constant 0 : i32
    %scan3A_1915 = arith.constant 32 : i32
    %scan3A_1916 = arith.addi %scan3A_1914, %scan3A_1915 : i32
    %scan3A_1917 = arith.constant 1 : i32
    %scan3A_1918 = scf.for %scan3A_1922 = %scan3A_1914 to %scan3A_1916 step %scan3A_1917 iter_args(%scan3A_1923 = %scan3A_1913) -> (i32)  : i32 {
      %mul3A_1924 = arith.constant 16 : i32
      %mul3A_1925 = arith.muli %scan3A_1922, %mul3A_1924 : i32
      %get3A = arith.index_cast %mul3A_1925 : i32 to index
      %get3A_1926 = tpu.vector_load %arg32[%get3A] {strides = array<i32>} : memref<512xi32, #tpu.memory_space<vmem>>, vector<16xi32>,
      %gt3A = arith.constant 0 : i32
      %gt3A_1927 = vector.broadcast %gt3A : i32 to vector<16xi32>
      %gt3A_1928 = arith.cmpi sgt, %get3A_1926, %gt3A_1927 : vector<16xi32>
      %jit3A = arith.constant 8 : i32
      %div3A = arith.divsi %scan3A_1922, %jit3A : i32
      %sign3A = arith.constant 0 : i32
      %sign3A_1929 = arith.cmpi sgt, %scan3A_1922, %sign3A : i32
      %sign3A_1930 = arith.extui %sign3A_1929 : i1 to i32
      %sign3A_1931 = arith.constant 0 : i32
      %sign3A_1932 = arith.cmpi slt, %scan3A_1922, %sign3A_1931 : i32
      %sign3A_1933 = arith.extui %sign3A_1932 : i1 to i32
      %sign3A_1934 = arith.subi %sign3A_1930, %sign3A_1933 : i32
      %sign3A_1935 = arith.constant 0 : i32
      %sign3A_1936 = arith.cmpi sgt, %jit3A, %sign3A_1935 : i32
      %sign3A_1937 = arith.extui %sign3A_1936 : i1 to i32
      %sign3A_1938 = arith.constant 0 : i32
      %sign3A_1939 = arith.cmpi slt, %jit3A, %sign3A_1938 : i32
      %sign3A_1940 = arith.extui %sign3A_1939 : i1 to i32
      %sign3A_1941 = arith.subi %sign3A_1937, %sign3A_1940 : i32
      %ne3A = arith.cmpi ne, %sign3A_1934, %sign3A_1941 : i32
      %rem3A = arith.remsi %scan3A_1922, %jit3A : i32
      %ne3A_1942 = arith.constant 0 : i32
      %ne3A_1943 = arith.cmpi ne, %rem3A, %ne3A_1942 : i32
      %and3A = arith.andi %ne3A, %ne3A_1943 : i1
      %sub3A = arith.constant 1 : i32
      %sub3A_1944 = arith.subi %div3A, %sub3A : i32
      %select_n3A = arith.select %and3A, %sub3A_1944, %div3A : i32
      %mul3A_1945 = arith.constant 2560 : i32
      %mul3A_1946 = arith.muli %select_n3A, %mul3A_1945 : i32
      %jit3A_1947 = arith.constant 8 : i32
      %eq3A = arith.constant 0 : i32
      %eq3A_1948 = arith.cmpi eq, %jit3A_1947, %eq3A : i32
      %jit3A_1949 = arith.constant 1 : i32
      %select_n3A_1950 = arith.select %eq3A_1948, %jit3A_1949, %jit3A_1947 : i32
      %rem3A_1951 = arith.remsi %scan3A_1922, %select_n3A_1950 : i32
      %ne3A_1952 = arith.constant 0 : i32
      %ne3A_1953 = arith.cmpi ne, %rem3A_1951, %ne3A_1952 : i32
      %lt3A = arith.constant 0 : i32
      %lt3A_1954 = arith.cmpi slt, %rem3A_1951, %lt3A : i32
      %lt3A_1955 = arith.constant 0 : i32
      %lt3A_1956 = arith.cmpi slt, %select_n3A_1950, %lt3A_1955 : i32
      %ne3A_1957 = arith.xori %lt3A_1954, %lt3A_1956 : i1
      %and3A_1958 = arith.andi %ne3A_1957, %ne3A_1953 : i1
      %add3A_1959 = arith.addi %rem3A_1951, %select_n3A_1950 : i32
      %select_n3A_1960 = arith.select %and3A_1958, %add3A_1959, %rem3A_1951 : i32
      %mul3A_1961 = arith.constant 16 : i32
      %mul3A_1962 = arith.muli %select_n3A_1960, %mul3A_1961 : i32
      %add3A_1963 = arith.addi %mul3A_1946, %mul3A_1962 : i32
      %jit3A_1964 = arith.constant 8 : i32
      %div3A_1965 = arith.divsi %scan3A_1922, %jit3A_1964 : i32
      %sign3A_1966 = arith.constant 0 : i32
      %sign3A_1967 = arith.cmpi sgt, %scan3A_1922, %sign3A_1966 : i32
      %sign3A_1968 = arith.extui %sign3A_1967 : i1 to i32
      %sign3A_1969 = arith.constant 0 : i32
      %sign3A_1970 = arith.cmpi slt, %scan3A_1922, %sign3A_1969 : i32
      %sign3A_1971 = arith.extui %sign3A_1970 : i1 to i32
      %sign3A_1972 = arith.subi %sign3A_1968, %sign3A_1971 : i32
      %sign3A_1973 = arith.constant 0 : i32
      %sign3A_1974 = arith.cmpi sgt, %jit3A_1964, %sign3A_1973 : i32
      %sign3A_1975 = arith.extui %sign3A_1974 : i1 to i32
      %sign3A_1976 = arith.constant 0 : i32
      %sign3A_1977 = arith.cmpi slt, %jit3A_1964, %sign3A_1976 : i32
      %sign3A_1978 = arith.extui %sign3A_1977 : i1 to i32
      %sign3A_1979 = arith.subi %sign3A_1975, %sign3A_1978 : i32
      %ne3A_1980 = arith.cmpi ne, %sign3A_1972, %sign3A_1979 : i32
      %rem3A_1981 = arith.remsi %scan3A_1922, %jit3A_1964 : i32
      %ne3A_1982 = arith.constant 0 : i32
      %ne3A_1983 = arith.cmpi ne, %rem3A_1981, %ne3A_1982 : i32
      %and3A_1984 = arith.andi %ne3A_1980, %ne3A_1983 : i1
      %sub3A_1985 = arith.constant 1 : i32
      %sub3A_1986 = arith.subi %div3A_1965, %sub3A_1985 : i32
      %select_n3A_1987 = arith.select %and3A_1984, %sub3A_1986, %div3A_1965 : i32
      %mul3A_1988 = arith.constant 512 : i32
      %mul3A_1989 = arith.muli %select_n3A_1987, %mul3A_1988 : i32
      %jit3A_1990 = arith.constant 8 : i32
      %eq3A_1991 = arith.constant 0 : i32
      %eq3A_1992 = arith.cmpi eq, %jit3A_1990, %eq3A_1991 : i32
      %jit3A_1993 = arith.constant 1 : i32
      %select_n3A_1994 = arith.select %eq3A_1992, %jit3A_1993, %jit3A_1990 : i32
      %rem3A_1995 = arith.remsi %scan3A_1922, %select_n3A_1994 : i32
      %ne3A_1996 = arith.constant 0 : i32
      %ne3A_1997 = arith.cmpi ne, %rem3A_1995, %ne3A_1996 : i32
      %lt3A_1998 = arith.constant 0 : i32
      %lt3A_1999 = arith.cmpi slt, %rem3A_1995, %lt3A_1998 : i32
      %lt3A_2000 = arith.constant 0 : i32
      %lt3A_2001 = arith.cmpi slt, %select_n3A_1994, %lt3A_2000 : i32
      %ne3A_2002 = arith.xori %lt3A_1999, %lt3A_2001 : i1
      %and3A_2003 = arith.andi %ne3A_2002, %ne3A_1997 : i1
      %add3A_2004 = arith.addi %rem3A_1995, %select_n3A_1994 : i32
      %select_n3A_2005 = arith.select %and3A_2003, %add3A_2004, %rem3A_1995 : i32
      %mul3A_2006 = arith.constant 16 : i32
      %mul3A_2007 = arith.muli %select_n3A_2005, %mul3A_2006 : i32
      %add3A_2008 = arith.addi %mul3A_1989, %mul3A_2007 : i32
      %add3A_2009 = arith.constant 0 : i32
      %add3A_2010 = arith.addi %add3A_2008, %add3A_2009 : i32
      %get3A_2011 = arith.index_cast %add3A_2010 : i32 to index
      %get3A_2012 = tpu.vector_load %arg36[%get3A_2011] {strides = array<i32>} : memref<2048xf32, #tpu.memory_space<vmem>>, vector<16xf32>,
      %add3A_2013 = arith.constant 0 : i32
      %add3A_2014 = arith.addi %add3A_1963, %add3A_2013 : i32
      %get3A_2015 = arith.index_cast %add3A_2014 : i32 to index
      %get3A_2016 = tpu.vector_load %arg37[%get3A_2015] {strides = array<i32>} : memref<10240xf32, #tpu.memory_space<vmem>>, vector<16xf32>,
      %select_n3A_2017 = arith.select %gt3A_1928, %get3A_2012, %get3A_2016 : vector<16xi1>, vector<16xf32>
      %add3A_2018 = arith.constant 0 : i32
      %add3A_2019 = arith.addi %add3A_1963, %add3A_2018 : i32
      %swap3A = arith.index_cast %add3A_2019 : i32 to index
      %swap3A_2020 = tpu.vector_load %arg37[%swap3A] {strides = array<i32>} : memref<10240xf32, #tpu.memory_space<vmem>>, vector<16xf32>,
      tpu.vector_store %arg37[%swap3A], %select_n3A_2017 {strides = array<i32>} : memref<10240xf32, #tpu.memory_space<vmem>>, vector<16xf32>,
      %add3A_2021 = arith.constant 512 : i32
      %add3A_2022 = arith.addi %add3A_1963, %add3A_2021 : i32
      %get3A_2023 = arith.index_cast %add3A_2022 : i32 to index
      %get3A_2024 = tpu.vector_load %arg37[%get3A_2023] {strides = array<i32>} : memref<10240xf32, #tpu.memory_space<vmem>>, vector<16xf32>,
      %select_n3A_2025 = arith.select %gt3A_1928, %get3A_2012, %get3A_2024 : vector<16xi1>, vector<16xf32>
      %add3A_2026 = arith.constant 512 : i32
      %add3A_2027 = arith.addi %add3A_1963, %add3A_2026 : i32
      %swap3A_2028 = arith.index_cast %add3A_2027 : i32 to index
      %swap3A_2029 = tpu.vector_load %arg37[%swap3A_2028] {strides = array<i32>} : memref<10240xf32, #tpu.memory_space<vmem>>, vector<16xf32>,
      tpu.vector_store %arg37[%swap3A_2028], %select_n3A_2025 {strides = array<i32>} : memref<10240xf32, #tpu.memory_space<vmem>>, vector<16xf32>,
      %add3A_2030 = arith.constant 1024 : i32
      %add3A_2031 = arith.addi %add3A_1963, %add3A_2030 : i32
      %get3A_2032 = arith.index_cast %add3A_2031 : i32 to index
      %get3A_2033 = tpu.vector_load %arg37[%get3A_2032] {strides = array<i32>} : memref<10240xf32, #tpu.memory_space<vmem>>, vector<16xf32>,
      %select_n3A_2034 = arith.select %gt3A_1928, %get3A_2012, %get3A_2033 : vector<16xi1>, vector<16xf32>
      %add3A_2035 = arith.constant 1024 : i32
      %add3A_2036 = arith.addi %add3A_1963, %add3A_2035 : i32
      %swap3A_2037 = arith.index_cast %add3A_2036 : i32 to index
      %swap3A_2038 = tpu.vector_load %arg37[%swap3A_2037] {strides = array<i32>} : memref<10240xf32, #tpu.memory_space<vmem>>, vector<16xf32>,
      tpu.vector_store %arg37[%swap3A_2037], %select_n3A_2034 {strides = array<i32>} : memref<10240xf32, #tpu.memory_space<vmem>>, vector<16xf32>,
      %add3A_2039 = arith.constant 1536 : i32
      %add3A_2040 = arith.addi %add3A_1963, %add3A_2039 : i32
      %get3A_2041 = arith.index_cast %add3A_2040 : i32 to index
      %get3A_2042 = tpu.vector_load %arg37[%get3A_2041] {strides = array<i32>} : memref<10240xf32, #tpu.memory_space<vmem>>, vector<16xf32>,
      %select_n3A_2043 = arith.select %gt3A_1928, %get3A_2012, %get3A_2042 : vector<16xi1>, vector<16xf32>
      %add3A_2044 = arith.constant 1536 : i32
      %add3A_2045 = arith.addi %add3A_1963, %add3A_2044 : i32
      %swap3A_2046 = arith.index_cast %add3A_2045 : i32 to index
      %swap3A_2047 = tpu.vector_load %arg37[%swap3A_2046] {strides = array<i32>} : memref<10240xf32, #tpu.memory_space<vmem>>, vector<16xf32>,
      tpu.vector_store %arg37[%swap3A_2046], %select_n3A_2043 {strides = array<i32>} : memref<10240xf32, #tpu.memory_space<vmem>>, vector<16xf32>,
      %add3A_2048 = arith.constant 2048 : i32
      %add3A_2049 = arith.addi %add3A_1963, %add3A_2048 : i32
      %get3A_2050 = arith.index_cast %add3A_2049 : i32 to index
      %get3A_2051 = tpu.vector_load %arg37[%get3A_2050] {strides = array<i32>} : memref<10240xf32, #tpu.memory_space<vmem>>, vector<16xf32>,
      %select_n3A_2052 = arith.select %gt3A_1928, %get3A_2012, %get3A_2051 : vector<16xi1>, vector<16xf32>
      %add3A_2053 = arith.constant 2048 : i32
      %add3A_2054 = arith.addi %add3A_1963, %add3A_2053 : i32
      %swap3A_2055 = arith.index_cast %add3A_2054 : i32 to index
      %swap3A_2056 = tpu.vector_load %arg37[%swap3A_2055] {strides = array<i32>} : memref<10240xf32, #tpu.memory_space<vmem>>, vector<16xf32>,
      tpu.vector_store %arg37[%swap3A_2055], %select_n3A_2052 {strides = array<i32>} : memref<10240xf32, #tpu.memory_space<vmem>>, vector<16xf32>,
      %add3A_2057 = arith.constant 128 : i32
      %add3A_2058 = arith.addi %add3A_2008, %add3A_2057 : i32
      %get3A_2059 = arith.index_cast %add3A_2058 : i32 to index
      %get3A_2060 = tpu.vector_load %arg36[%get3A_2059] {strides = array<i32>} : memref<2048xf32, #tpu.memory_space<vmem>>, vector<16xf32>,
      %add3A_2061 = arith.constant 128 : i32
      %add3A_2062 = arith.addi %add3A_1963, %add3A_2061 : i32
      %get3A_2063 = arith.index_cast %add3A_2062 : i32 to index
      %get3A_2064 = tpu.vector_load %arg37[%get3A_2063] {strides = array<i32>} : memref<10240xf32, #tpu.memory_space<vmem>>, vector<16xf32>,
      %select_n3A_2065 = arith.select %gt3A_1928, %get3A_2060, %get3A_2064 : vector<16xi1>, vector<16xf32>
      %add3A_2066 = arith.constant 128 : i32
      %add3A_2067 = arith.addi %add3A_1963, %add3A_2066 : i32
      %swap3A_2068 = arith.index_cast %add3A_2067 : i32 to index
      %swap3A_2069 = tpu.vector_load %arg37[%swap3A_2068] {strides = array<i32>} : memref<10240xf32, #tpu.memory_space<vmem>>, vector<16xf32>,
      tpu.vector_store %arg37[%swap3A_2068], %select_n3A_2065 {strides = array<i32>} : memref<10240xf32, #tpu.memory_space<vmem>>, vector<16xf32>,
      %add3A_2070 = arith.constant 640 : i32
      %add3A_2071 = arith.addi %add3A_1963, %add3A_2070 : i32
      %get3A_2072 = arith.index_cast %add3A_2071 : i32 to index
      %get3A_2073 = tpu.vector_load %arg37[%get3A_2072] {strides = array<i32>} : memref<10240xf32, #tpu.memory_space<vmem>>, vector<16xf32>,
      %select_n3A_2074 = arith.select %gt3A_1928, %get3A_2060, %get3A_2073 : vector<16xi1>, vector<16xf32>
      %add3A_2075 = arith.constant 640 : i32
      %add3A_2076 = arith.addi %add3A_1963, %add3A_2075 : i32
      %swap3A_2077 = arith.index_cast %add3A_2076 : i32 to index
      %swap3A_2078 = tpu.vector_load %arg37[%swap3A_2077] {strides = array<i32>} : memref<10240xf32, #tpu.memory_space<vmem>>, vector<16xf32>,
      tpu.vector_store %arg37[%swap3A_2077], %select_n3A_2074 {strides = array<i32>} : memref<10240xf32, #tpu.memory_space<vmem>>, vector<16xf32>,
      %add3A_2079 = arith.constant 1152 : i32
      %add3A_2080 = arith.addi %add3A_1963, %add3A_2079 : i32
      %get3A_2081 = arith.index_cast %add3A_2080 : i32 to index
      %get3A_2082 = tpu.vector_load %arg37[%get3A_2081] {strides = array<i32>} : memref<10240xf32, #tpu.memory_space<vmem>>, vector<16xf32>,
      %select_n3A_2083 = arith.select %gt3A_1928, %get3A_2060, %get3A_2082 : vector<16xi1>, vector<16xf32>
      %add3A_2084 = arith.constant 1152 : i32
      %add3A_2085 = arith.addi %add3A_1963, %add3A_2084 : i32
      %swap3A_2086 = arith.index_cast %add3A_2085 : i32 to index
      %swap3A_2087 = tpu.vector_load %arg37[%swap3A_2086] {strides = array<i32>} : memref<10240xf32, #tpu.memory_space<vmem>>, vector<16xf32>,
      tpu.vector_store %arg37[%swap3A_2086], %select_n3A_2083 {strides = array<i32>} : memref<10240xf32, #tpu.memory_space<vmem>>, vector<16xf32>,
      %add3A_2088 = arith.constant 1664 : i32
      %add3A_2089 = arith.addi %add3A_1963, %add3A_2088 : i32
      %get3A_2090 = arith.index_cast %add3A_2089 : i32 to index
      %get3A_2091 = tpu.vector_load %arg37[%get3A_2090] {strides = array<i32>} : memref<10240xf32, #tpu.memory_space<vmem>>, vector<16xf32>,
      %select_n3A_2092 = arith.select %gt3A_1928, %get3A_2060, %get3A_2091 : vector<16xi1>, vector<16xf32>
      %add3A_2093 = arith.constant 1664 : i32
      %add3A_2094 = arith.addi %add3A_1963, %add3A_2093 : i32
      %swap3A_2095 = arith.index_cast %add3A_2094 : i32 to index
      %swap3A_2096 = tpu.vector_load %arg37[%swap3A_2095] {strides = array<i32>} : memref<10240xf32, #tpu.memory_space<vmem>>, vector<16xf32>,
      tpu.vector_store %arg37[%swap3A_2095], %select_n3A_2092 {strides = array<i32>} : memref<10240xf32, #tpu.memory_space<vmem>>, vector<16xf32>,
      %add3A_2097 = arith.constant 2176 : i32
      %add3A_2098 = arith.addi %add3A_1963, %add3A_2097 : i32
      %get3A_2099 = arith.index_cast %add3A_2098 : i32 to index
      %get3A_2100 = tpu.vector_load %arg37[%get3A_2099] {strides = array<i32>} : memref<10240xf32, #tpu.memory_space<vmem>>, vector<16xf32>,
      %select_n3A_2101 = arith.select %gt3A_1928, %get3A_2060, %get3A_2100 : vector<16xi1>, vector<16xf32>
      %add3A_2102 = arith.constant 2176 : i32
      %add3A_2103 = arith.addi %add3A_1963, %add3A_2102 : i32
      %swap3A_2104 = arith.index_cast %add3A_2103 : i32 to index
      %swap3A_2105 = tpu.vector_load %arg37[%swap3A_2104] {strides = array<i32>} : memref<10240xf32, #tpu.memory_space<vmem>>, vector<16xf32>,
      tpu.vector_store %arg37[%swap3A_2104], %select_n3A_2101 {strides = array<i32>} : memref<10240xf32, #tpu.memory_space<vmem>>, vector<16xf32>,
      %add3A_2106 = arith.constant 256 : i32
      %add3A_2107 = arith.addi %add3A_2008, %add3A_2106 : i32
      %get3A_2108 = arith.index_cast %add3A_2107 : i32 to index
      %get3A_2109 = tpu.vector_load %arg36[%get3A_2108] {strides = array<i32>} : memref<2048xf32, #tpu.memory_space<vmem>>, vector<16xf32>,
      %add3A_2110 = arith.constant 256 : i32
      %add3A_2111 = arith.addi %add3A_1963, %add3A_2110 : i32
      %get3A_2112 = arith.index_cast %add3A_2111 : i32 to index
      %get3A_2113 = tpu.vector_load %arg37[%get3A_2112] {strides = array<i32>} : memref<10240xf32, #tpu.memory_space<vmem>>, vector<16xf32>,
      %select_n3A_2114 = arith.select %gt3A_1928, %get3A_2109, %get3A_2113 : vector<16xi1>, vector<16xf32>
      %add3A_2115 = arith.constant 256 : i32
      %add3A_2116 = arith.addi %add3A_1963, %add3A_2115 : i32
      %swap3A_2117 = arith.index_cast %add3A_2116 : i32 to index
      %swap3A_2118 = tpu.vector_load %arg37[%swap3A_2117] {strides = array<i32>} : memref<10240xf32, #tpu.memory_space<vmem>>, vector<16xf32>,
      tpu.vector_store %arg37[%swap3A_2117], %select_n3A_2114 {strides = array<i32>} : memref<10240xf32, #tpu.memory_space<vmem>>, vector<16xf32>,
      %add3A_2119 = arith.constant 768 : i32
      %add3A_2120 = arith.addi %add3A_1963, %add3A_2119 : i32
      %get3A_2121 = arith.index_cast %add3A_2120 : i32 to index
      %get3A_2122 = tpu.vector_load %arg37[%get3A_2121] {strides = array<i32>} : memref<10240xf32, #tpu.memory_space<vmem>>, vector<16xf32>,
      %select_n3A_2123 = arith.select %gt3A_1928, %get3A_2109, %get3A_2122 : vector<16xi1>, vector<16xf32>
      %add3A_2124 = arith.constant 768 : i32
      %add3A_2125 = arith.addi %add3A_1963, %add3A_2124 : i32
      %swap3A_2126 = arith.index_cast %add3A_2125 : i32 to index
      %swap3A_2127 = tpu.vector_load %arg37[%swap3A_2126] {strides = array<i32>} : memref<10240xf32, #tpu.memory_space<vmem>>, vector<16xf32>,
      tpu.vector_store %arg37[%swap3A_2126], %select_n3A_2123 {strides = array<i32>} : memref<10240xf32, #tpu.memory_space<vmem>>, vector<16xf32>,
      %add3A_2128 = arith.constant 1280 : i32
      %add3A_2129 = arith.addi %add3A_1963, %add3A_2128 : i32
      %get3A_2130 = arith.index_cast %add3A_2129 : i32 to index
      %get3A_2131 = tpu.vector_load %arg37[%get3A_2130] {strides = array<i32>} : memref<10240xf32, #tpu.memory_space<vmem>>, vector<16xf32>,
      %select_n3A_2132 = arith.select %gt3A_1928, %get3A_2109, %get3A_2131 : vector<16xi1>, vector<16xf32>
      %add3A_2133 = arith.constant 1280 : i32
      %add3A_2134 = arith.addi %add3A_1963, %add3A_2133 : i32
      %swap3A_2135 = arith.index_cast %add3A_2134 : i32 to index
      %swap3A_2136 = tpu.vector_load %arg37[%swap3A_2135] {strides = array<i32>} : memref<10240xf32, #tpu.memory_space<vmem>>, vector<16xf32>,
      tpu.vector_store %arg37[%swap3A_2135], %select_n3A_2132 {strides = array<i32>} : memref<10240xf32, #tpu.memory_space<vmem>>, vector<16xf32>,
      %add3A_2137 = arith.constant 1792 : i32
      %add3A_2138 = arith.addi %add3A_1963, %add3A_2137 : i32
      %get3A_2139 = arith.index_cast %add3A_2138 : i32 to index
      %get3A_2140 = tpu.vector_load %arg37[%get3A_2139] {strides = array<i32>} : memref<10240xf32, #tpu.memory_space<vmem>>, vector<16xf32>,
      %select_n3A_2141 = arith.select %gt3A_1928, %get3A_2109, %get3A_2140 : vector<16xi1>, vector<16xf32>
      %add3A_2142 = arith.constant 1792 : i32
      %add3A_2143 = arith.addi %add3A_1963, %add3A_2142 : i32
      %swap3A_2144 = arith.index_cast %add3A_2143 : i32 to index
      %swap3A_2145 = tpu.vector_load %arg37[%swap3A_2144] {strides = array<i32>} : memref<10240xf32, #tpu.memory_space<vmem>>, vector<16xf32>,
      tpu.vector_store %arg37[%swap3A_2144], %select_n3A_2141 {strides = array<i32>} : memref<10240xf32, #tpu.memory_space<vmem>>, vector<16xf32>,
      %add3A_2146 = arith.constant 2304 : i32
      %add3A_2147 = arith.addi %add3A_1963, %add3A_2146 : i32
      %get3A_2148 = arith.index_cast %add3A_2147 : i32 to index
      %get3A_2149 = tpu.vector_load %arg37[%get3A_2148] {strides = array<i32>} : memref<10240xf32, #tpu.memory_space<vmem>>, vector<16xf32>,
      %select_n3A_2150 = arith.select %gt3A_1928, %get3A_2109, %get3A_2149 : vector<16xi1>, vector<16xf32>
      %add3A_2151 = arith.constant 2304 : i32
      %add3A_2152 = arith.addi %add3A_1963, %add3A_2151 : i32
      %swap3A_2153 = arith.index_cast %add3A_2152 : i32 to index
      %swap3A_2154 = tpu.vector_load %arg37[%swap3A_2153] {strides = array<i32>} : memref<10240xf32, #tpu.memory_space<vmem>>, vector<16xf32>,
      tpu.vector_store %arg37[%swap3A_2153], %select_n3A_2150 {strides = array<i32>} : memref<10240xf32, #tpu.memory_space<vmem>>, vector<16xf32>,
      %add3A_2155 = arith.constant 384 : i32
      %add3A_2156 = arith.addi %add3A_2008, %add3A_2155 : i32
      %get3A_2157 = arith.index_cast %add3A_2156 : i32 to index
      %get3A_2158 = tpu.vector_load %arg36[%get3A_2157] {strides = array<i32>} : memref<2048xf32, #tpu.memory_space<vmem>>, vector<16xf32>,
      %add3A_2159 = arith.constant 384 : i32
      %add3A_2160 = arith.addi %add3A_1963, %add3A_2159 : i32
      %get3A_2161 = arith.index_cast %add3A_2160 : i32 to index
      %get3A_2162 = tpu.vector_load %arg37[%get3A_2161] {strides = array<i32>} : memref<10240xf32, #tpu.memory_space<vmem>>, vector<16xf32>,
      %select_n3A_2163 = arith.select %gt3A_1928, %get3A_2158, %get3A_2162 : vector<16xi1>, vector<16xf32>
      %add3A_2164 = arith.constant 384 : i32
      %add3A_2165 = arith.addi %add3A_1963, %add3A_2164 : i32
      %swap3A_2166 = arith.index_cast %add3A_2165 : i32 to index
      %swap3A_2167 = tpu.vector_load %arg37[%swap3A_2166] {strides = array<i32>} : memref<10240xf32, #tpu.memory_space<vmem>>, vector<16xf32>,
      tpu.vector_store %arg37[%swap3A_2166], %select_n3A_2163 {strides = array<i32>} : memref<10240xf32, #tpu.memory_space<vmem>>, vector<16xf32>,
      %add3A_2168 = arith.constant 896 : i32
      %add3A_2169 = arith.addi %add3A_1963, %add3A_2168 : i32
      %get3A_2170 = arith.index_cast %add3A_2169 : i32 to index
      %get3A_2171 = tpu.vector_load %arg37[%get3A_2170] {strides = array<i32>} : memref<10240xf32, #tpu.memory_space<vmem>>, vector<16xf32>,
      %select_n3A_2172 = arith.select %gt3A_1928, %get3A_2158, %get3A_2171 : vector<16xi1>, vector<16xf32>
      %add3A_2173 = arith.constant 896 : i32
      %add3A_2174 = arith.addi %add3A_1963, %add3A_2173 : i32
      %swap3A_2175 = arith.index_cast %add3A_2174 : i32 to index
      %swap3A_2176 = tpu.vector_load %arg37[%swap3A_2175] {strides = array<i32>} : memref<10240xf32, #tpu.memory_space<vmem>>, vector<16xf32>,
      tpu.vector_store %arg37[%swap3A_2175], %select_n3A_2172 {strides = array<i32>} : memref<10240xf32, #tpu.memory_space<vmem>>, vector<16xf32>,
      %add3A_2177 = arith.constant 1408 : i32
      %add3A_2178 = arith.addi %add3A_1963, %add3A_2177 : i32
      %get3A_2179 = arith.index_cast %add3A_2178 : i32 to index
      %get3A_2180 = tpu.vector_load %arg37[%get3A_2179] {strides = array<i32>} : memref<10240xf32, #tpu.memory_space<vmem>>, vector<16xf32>,
      %select_n3A_2181 = arith.select %gt3A_1928, %get3A_2158, %get3A_2180 : vector<16xi1>, vector<16xf32>
      %add3A_2182 = arith.constant 1408 : i32
      %add3A_2183 = arith.addi %add3A_1963, %add3A_2182 : i32
      %swap3A_2184 = arith.index_cast %add3A_2183 : i32 to index
      %swap3A_2185 = tpu.vector_load %arg37[%swap3A_2184] {strides = array<i32>} : memref<10240xf32, #tpu.memory_space<vmem>>, vector<16xf32>,
      tpu.vector_store %arg37[%swap3A_2184], %select_n3A_2181 {strides = array<i32>} : memref<10240xf32, #tpu.memory_space<vmem>>, vector<16xf32>,
      %add3A_2186 = arith.constant 1920 : i32
      %add3A_2187 = arith.addi %add3A_1963, %add3A_2186 : i32
      %get3A_2188 = arith.index_cast %add3A_2187 : i32 to index
      %get3A_2189 = tpu.vector_load %arg37[%get3A_2188] {strides = array<i32>} : memref<10240xf32, #tpu.memory_space<vmem>>, vector<16xf32>,
      %select_n3A_2190 = arith.select %gt3A_1928, %get3A_2158, %get3A_2189 : vector<16xi1>, vector<16xf32>
      %add3A_2191 = arith.constant 1920 : i32
      %add3A_2192 = arith.addi %add3A_1963, %add3A_2191 : i32
      %swap3A_2193 = arith.index_cast %add3A_2192 : i32 to index
      %swap3A_2194 = tpu.vector_load %arg37[%swap3A_2193] {strides = array<i32>} : memref<10240xf32, #tpu.memory_space<vmem>>, vector<16xf32>,
      tpu.vector_store %arg37[%swap3A_2193], %select_n3A_2190 {strides = array<i32>} : memref<10240xf32, #tpu.memory_space<vmem>>, vector<16xf32>,
      %add3A_2195 = arith.constant 2432 : i32
      %add3A_2196 = arith.addi %add3A_1963, %add3A_2195 : i32
      %get3A_2197 = arith.index_cast %add3A_2196 : i32 to index
      %get3A_2198 = tpu.vector_load %arg37[%get3A_2197] {strides = array<i32>} : memref<10240xf32, #tpu.memory_space<vmem>>, vector<16xf32>,
      %select_n3A_2199 = arith.select %gt3A_1928, %get3A_2158, %get3A_2198 : vector<16xi1>, vector<16xf32>
      %add3A_2200 = arith.constant 2432 : i32
      %add3A_2201 = arith.addi %add3A_1963, %add3A_2200 : i32
      %swap3A_2202 = arith.index_cast %add3A_2201 : i32 to index
      %swap3A_2203 = tpu.vector_load %arg37[%swap3A_2202] {strides = array<i32>} : memref<10240xf32, #tpu.memory_space<vmem>>, vector<16xf32>,
      tpu.vector_store %arg37[%swap3A_2202], %select_n3A_2199 {strides = array<i32>} : memref<10240xf32, #tpu.memory_space<vmem>>, vector<16xf32>,
      %scan3A_2204 = arith.constant 0 : i32
      scf.yield %scan3A_2204 : i32
    }
    %scan3A_1919 = arith.constant 32 : i32
    %mul3A_1920 = arith.constant 20 : i32
    %mul3A_1921 = arith.muli %add3A, %mul3A_1920 : i32
    "tpu.region"() ({
      %run_scoped3A_1922 = tpu.sem_alloc : memref<!tpu.dma_semaphore, #tpu.memory_space<semaphore_mem>>
      %dma_start3A_1923 = tpu.memref_slice %arg26[%mul3A_1921] : memref<327680xf32, #tpu.memory_space<hbm>> -> memref<10240xf32, #tpu.memory_space<hbm>>
      %dma_start3A_1924 = tpu.memref_slice %arg26[%mul3A_1921] : memref<327680xf32, #tpu.memory_space<hbm>> -> memref<10240xf32, #tpu.memory_space<hbm>>
      tpu.enqueue_dma source(%arg37 : memref<10240xf32, #tpu.memory_space<vmem>>) target(%dma_start3A_1924 : memref<10240xf32, #tpu.memory_space<hbm>>) target_semaphore(%run_scoped3A_1922 : memref<!tpu.dma_semaphore, #tpu.memory_space<semaphore_mem>>)
      %dma_wait3A_1925 = tpu.memref_slice %arg26[%mul3A_1921] : memref<327680xf32, #tpu.memory_space<hbm>> -> memref<10240xf32, #tpu.memory_space<hbm>>
      %dma_wait3A_1926 = tpu.memref_slice %arg26[%mul3A_1921] : memref<327680xf32, #tpu.memory_space<hbm>> -> memref<10240xf32, #tpu.memory_space<hbm>>
      tpu.wait_dma2 semaphore(%run_scoped3A_1922 : memref<!tpu.dma_semaphore, #tpu.memory_space<semaphore_mem>>) src(%arg37 : memref<10240xf32, #tpu.memory_space<vmem>>) dst(%dma_wait3A_1926 : memref<10240xf32, #tpu.memory_space<hbm>>)
      tpu.yield
    }) : () -> ()
    return
  }
}

module attributes {stable_mosaic.version = 14 : i64} {
  func.func @enc(%arg0: i32, %arg1: memref<1x128xf32, #tpu.memory_space<vmem>>, %arg2: memref<1x128xf32, #tpu.memory_space<vmem>>, %arg3: memref<512x20xf32, #tpu.memory_space<vmem>>, %arg4: memref<512x640xf32, #tpu.memory_space<vmem>>) attributes {dimension_semantics = [#tpu.dimension_semantics<arbitrary>], iteration_bounds = array<i64: 32>, scalar_prefetch = 0 : i64, scratch_operands = 0 : i64, tpu.core_type = #tpu.core_type<tc>, window_params = [{pipeline_mode = #tpu.pipeline_mode<synchronous>, transform_indices = @transform_0, window_bounds = array<i64: 1, 128>}, {pipeline_mode = #tpu.pipeline_mode<synchronous>, transform_indices = @transform_1, window_bounds = array<i64: 1, 128>}, {transform_indices = @transform_2, window_bounds = array<i64: 512, 20>}, {transform_indices = @transform_3, window_bounds = array<i64: 512, 640>}]} {
    %get3A = arith.constant 0 : index
    %get3A_0 = arith.constant 0 : index
    %get3A_1 = vector.load %arg1[%get3A, %get3A_0] : memref<1x128xf32, #tpu.memory_space<vmem>>, vector<1x128xf32>
    %get3A_2 = arith.constant 0 : index
    %get3A_3 = arith.constant 0 : index
    %get3A_4 = vector.load %arg2[%get3A_2, %get3A_3] : memref<1x128xf32, #tpu.memory_space<vmem>>, vector<1x128xf32>
    %get3A_5 = arith.constant 0 : index
    %get3A_6 = arith.constant 0 : index
    %get3A_7 = vector.load %arg3[%get3A_5, %get3A_6] : memref<512x20xf32, #tpu.memory_space<vmem>>, vector<512x1xf32>
    %broadcast_in_dim3A = vector.shape_cast %get3A_7 : vector<512x1xf32> to vector<512x1xf32>
    %broadcast_in_dim3A_8 = vector.broadcast %broadcast_in_dim3A : vector<512x1xf32> to vector<512x32xf32>
    %get3A_9 = arith.constant 0 : index
    %get3A_10 = arith.constant 1 : index
    %get3A_11 = vector.load %arg3[%get3A_9, %get3A_10] : memref<512x20xf32, #tpu.memory_space<vmem>>, vector<512x1xf32>
    %broadcast_in_dim3A_12 = vector.shape_cast %get3A_11 : vector<512x1xf32> to vector<512x1xf32>
    %broadcast_in_dim3A_13 = vector.broadcast %broadcast_in_dim3A_12 : vector<512x1xf32> to vector<512x32xf32>
    %get3A_14 = arith.constant 0 : index
    %get3A_15 = arith.constant 2 : index
    %get3A_16 = vector.load %arg3[%get3A_14, %get3A_15] : memref<512x20xf32, #tpu.memory_space<vmem>>, vector<512x1xf32>
    %broadcast_in_dim3A_17 = vector.shape_cast %get3A_16 : vector<512x1xf32> to vector<512x1xf32>
    %broadcast_in_dim3A_18 = vector.broadcast %broadcast_in_dim3A_17 : vector<512x1xf32> to vector<512x32xf32>
    %get3A_19 = arith.constant 0 : index
    %get3A_20 = arith.constant 3 : index
    %get3A_21 = vector.load %arg3[%get3A_19, %get3A_20] : memref<512x20xf32, #tpu.memory_space<vmem>>, vector<512x1xf32>
    %broadcast_in_dim3A_22 = vector.shape_cast %get3A_21 : vector<512x1xf32> to vector<512x1xf32>
    %broadcast_in_dim3A_23 = vector.broadcast %broadcast_in_dim3A_22 : vector<512x1xf32> to vector<512x32xf32>
    %concatenate3A = tpu.concatenate %broadcast_in_dim3A_8, %broadcast_in_dim3A_13, %broadcast_in_dim3A_18, %broadcast_in_dim3A_23 in 1 : vector<512x32xf32>, vector<512x32xf32>, vector<512x32xf32>, vector<512x32xf32> -> vector<512x128xf32>
    %mul3A = vector.broadcast %get3A_1 : vector<1x128xf32> to vector<512x128xf32>
    %mul3A_24 = arith.mulf %concatenate3A, %mul3A : vector<512x128xf32>
    %add3A = vector.broadcast %get3A_4 : vector<1x128xf32> to vector<512x128xf32>
    %add3A_25 = arith.addf %mul3A_24, %add3A : vector<512x128xf32>
    %sin3A = math.sin %add3A_25 : vector<512x128xf32>
    %swap3A = arith.constant 0 : index
    %swap3A_26 = arith.constant 0 : index
    %swap3A_27 = vector.load %arg4[%swap3A, %swap3A_26] : memref<512x640xf32, #tpu.memory_space<vmem>>, vector<512x128xf32>
    tpu.vector_store %arg4[%swap3A, %swap3A_26], %sin3A {strides = array<i32>} : memref<512x640xf32, #tpu.memory_space<vmem>>, vector<512x128xf32>,
    %get3A_28 = arith.constant 0 : index
    %get3A_29 = arith.constant 4 : index
    %get3A_30 = vector.load %arg3[%get3A_28, %get3A_29] : memref<512x20xf32, #tpu.memory_space<vmem>>, vector<512x1xf32>
    %broadcast_in_dim3A_31 = vector.shape_cast %get3A_30 : vector<512x1xf32> to vector<512x1xf32>
    %broadcast_in_dim3A_32 = vector.broadcast %broadcast_in_dim3A_31 : vector<512x1xf32> to vector<512x32xf32>
    %get3A_33 = arith.constant 0 : index
    %get3A_34 = arith.constant 5 : index
    %get3A_35 = vector.load %arg3[%get3A_33, %get3A_34] : memref<512x20xf32, #tpu.memory_space<vmem>>, vector<512x1xf32>
    %broadcast_in_dim3A_36 = vector.shape_cast %get3A_35 : vector<512x1xf32> to vector<512x1xf32>
    %broadcast_in_dim3A_37 = vector.broadcast %broadcast_in_dim3A_36 : vector<512x1xf32> to vector<512x32xf32>
    %get3A_38 = arith.constant 0 : index
    %get3A_39 = arith.constant 6 : index
    %get3A_40 = vector.load %arg3[%get3A_38, %get3A_39] : memref<512x20xf32, #tpu.memory_space<vmem>>, vector<512x1xf32>
    %broadcast_in_dim3A_41 = vector.shape_cast %get3A_40 : vector<512x1xf32> to vector<512x1xf32>
    %broadcast_in_dim3A_42 = vector.broadcast %broadcast_in_dim3A_41 : vector<512x1xf32> to vector<512x32xf32>
    %get3A_43 = arith.constant 0 : index
    %get3A_44 = arith.constant 7 : index
    %get3A_45 = vector.load %arg3[%get3A_43, %get3A_44] : memref<512x20xf32, #tpu.memory_space<vmem>>, vector<512x1xf32>
    %broadcast_in_dim3A_46 = vector.shape_cast %get3A_45 : vector<512x1xf32> to vector<512x1xf32>
    %broadcast_in_dim3A_47 = vector.broadcast %broadcast_in_dim3A_46 : vector<512x1xf32> to vector<512x32xf32>
    %concatenate3A_48 = tpu.concatenate %broadcast_in_dim3A_32, %broadcast_in_dim3A_37, %broadcast_in_dim3A_42, %broadcast_in_dim3A_47 in 1 : vector<512x32xf32>, vector<512x32xf32>, vector<512x32xf32>, vector<512x32xf32> -> vector<512x128xf32>
    %mul3A_49 = vector.broadcast %get3A_1 : vector<1x128xf32> to vector<512x128xf32>
    %mul3A_50 = arith.mulf %concatenate3A_48, %mul3A_49 : vector<512x128xf32>
    %add3A_51 = vector.broadcast %get3A_4 : vector<1x128xf32> to vector<512x128xf32>
    %add3A_52 = arith.addf %mul3A_50, %add3A_51 : vector<512x128xf32>
    %sin3A_53 = math.sin %add3A_52 : vector<512x128xf32>
    %swap3A_54 = arith.constant 0 : index
    %swap3A_55 = arith.constant 128 : index
    %swap3A_56 = vector.load %arg4[%swap3A_54, %swap3A_55] : memref<512x640xf32, #tpu.memory_space<vmem>>, vector<512x128xf32>
    tpu.vector_store %arg4[%swap3A_54, %swap3A_55], %sin3A_53 {strides = array<i32>} : memref<512x640xf32, #tpu.memory_space<vmem>>, vector<512x128xf32>,
    %get3A_57 = arith.constant 0 : index
    %get3A_58 = arith.constant 8 : index
    %get3A_59 = vector.load %arg3[%get3A_57, %get3A_58] : memref<512x20xf32, #tpu.memory_space<vmem>>, vector<512x1xf32>
    %broadcast_in_dim3A_60 = vector.shape_cast %get3A_59 : vector<512x1xf32> to vector<512x1xf32>
    %broadcast_in_dim3A_61 = vector.broadcast %broadcast_in_dim3A_60 : vector<512x1xf32> to vector<512x32xf32>
    %get3A_62 = arith.constant 0 : index
    %get3A_63 = arith.constant 9 : index
    %get3A_64 = vector.load %arg3[%get3A_62, %get3A_63] : memref<512x20xf32, #tpu.memory_space<vmem>>, vector<512x1xf32>
    %broadcast_in_dim3A_65 = vector.shape_cast %get3A_64 : vector<512x1xf32> to vector<512x1xf32>
    %broadcast_in_dim3A_66 = vector.broadcast %broadcast_in_dim3A_65 : vector<512x1xf32> to vector<512x32xf32>
    %get3A_67 = arith.constant 0 : index
    %get3A_68 = arith.constant 10 : index
    %get3A_69 = vector.load %arg3[%get3A_67, %get3A_68] : memref<512x20xf32, #tpu.memory_space<vmem>>, vector<512x1xf32>
    %broadcast_in_dim3A_70 = vector.shape_cast %get3A_69 : vector<512x1xf32> to vector<512x1xf32>
    %broadcast_in_dim3A_71 = vector.broadcast %broadcast_in_dim3A_70 : vector<512x1xf32> to vector<512x32xf32>
    %get3A_72 = arith.constant 0 : index
    %get3A_73 = arith.constant 11 : index
    %get3A_74 = vector.load %arg3[%get3A_72, %get3A_73] : memref<512x20xf32, #tpu.memory_space<vmem>>, vector<512x1xf32>
    %broadcast_in_dim3A_75 = vector.shape_cast %get3A_74 : vector<512x1xf32> to vector<512x1xf32>
    %broadcast_in_dim3A_76 = vector.broadcast %broadcast_in_dim3A_75 : vector<512x1xf32> to vector<512x32xf32>
    %concatenate3A_77 = tpu.concatenate %broadcast_in_dim3A_61, %broadcast_in_dim3A_66, %broadcast_in_dim3A_71, %broadcast_in_dim3A_76 in 1 : vector<512x32xf32>, vector<512x32xf32>, vector<512x32xf32>, vector<512x32xf32> -> vector<512x128xf32>
    %mul3A_78 = vector.broadcast %get3A_1 : vector<1x128xf32> to vector<512x128xf32>
    %mul3A_79 = arith.mulf %concatenate3A_77, %mul3A_78 : vector<512x128xf32>
    %add3A_80 = vector.broadcast %get3A_4 : vector<1x128xf32> to vector<512x128xf32>
    %add3A_81 = arith.addf %mul3A_79, %add3A_80 : vector<512x128xf32>
    %sin3A_82 = math.sin %add3A_81 : vector<512x128xf32>
    %swap3A_83 = arith.constant 0 : index
    %swap3A_84 = arith.constant 256 : index
    %swap3A_85 = vector.load %arg4[%swap3A_83, %swap3A_84] : memref<512x640xf32, #tpu.memory_space<vmem>>, vector<512x128xf32>
    tpu.vector_store %arg4[%swap3A_83, %swap3A_84], %sin3A_82 {strides = array<i32>} : memref<512x640xf32, #tpu.memory_space<vmem>>, vector<512x128xf32>,
    %get3A_86 = arith.constant 0 : index
    %get3A_87 = arith.constant 12 : index
    %get3A_88 = vector.load %arg3[%get3A_86, %get3A_87] : memref<512x20xf32, #tpu.memory_space<vmem>>, vector<512x1xf32>
    %broadcast_in_dim3A_89 = vector.shape_cast %get3A_88 : vector<512x1xf32> to vector<512x1xf32>
    %broadcast_in_dim3A_90 = vector.broadcast %broadcast_in_dim3A_89 : vector<512x1xf32> to vector<512x32xf32>
    %get3A_91 = arith.constant 0 : index
    %get3A_92 = arith.constant 13 : index
    %get3A_93 = vector.load %arg3[%get3A_91, %get3A_92] : memref<512x20xf32, #tpu.memory_space<vmem>>, vector<512x1xf32>
    %broadcast_in_dim3A_94 = vector.shape_cast %get3A_93 : vector<512x1xf32> to vector<512x1xf32>
    %broadcast_in_dim3A_95 = vector.broadcast %broadcast_in_dim3A_94 : vector<512x1xf32> to vector<512x32xf32>
    %get3A_96 = arith.constant 0 : index
    %get3A_97 = arith.constant 14 : index
    %get3A_98 = vector.load %arg3[%get3A_96, %get3A_97] : memref<512x20xf32, #tpu.memory_space<vmem>>, vector<512x1xf32>
    %broadcast_in_dim3A_99 = vector.shape_cast %get3A_98 : vector<512x1xf32> to vector<512x1xf32>
    %broadcast_in_dim3A_100 = vector.broadcast %broadcast_in_dim3A_99 : vector<512x1xf32> to vector<512x32xf32>
    %get3A_101 = arith.constant 0 : index
    %get3A_102 = arith.constant 15 : index
    %get3A_103 = vector.load %arg3[%get3A_101, %get3A_102] : memref<512x20xf32, #tpu.memory_space<vmem>>, vector<512x1xf32>
    %broadcast_in_dim3A_104 = vector.shape_cast %get3A_103 : vector<512x1xf32> to vector<512x1xf32>
    %broadcast_in_dim3A_105 = vector.broadcast %broadcast_in_dim3A_104 : vector<512x1xf32> to vector<512x32xf32>
    %concatenate3A_106 = tpu.concatenate %broadcast_in_dim3A_90, %broadcast_in_dim3A_95, %broadcast_in_dim3A_100, %broadcast_in_dim3A_105 in 1 : vector<512x32xf32>, vector<512x32xf32>, vector<512x32xf32>, vector<512x32xf32> -> vector<512x128xf32>
    %mul3A_107 = vector.broadcast %get3A_1 : vector<1x128xf32> to vector<512x128xf32>
    %mul3A_108 = arith.mulf %concatenate3A_106, %mul3A_107 : vector<512x128xf32>
    %add3A_109 = vector.broadcast %get3A_4 : vector<1x128xf32> to vector<512x128xf32>
    %add3A_110 = arith.addf %mul3A_108, %add3A_109 : vector<512x128xf32>
    %sin3A_111 = math.sin %add3A_110 : vector<512x128xf32>
    %swap3A_112 = arith.constant 0 : index
    %swap3A_113 = arith.constant 384 : index
    %swap3A_114 = vector.load %arg4[%swap3A_112, %swap3A_113] : memref<512x640xf32, #tpu.memory_space<vmem>>, vector<512x128xf32>
    tpu.vector_store %arg4[%swap3A_112, %swap3A_113], %sin3A_111 {strides = array<i32>} : memref<512x640xf32, #tpu.memory_space<vmem>>, vector<512x128xf32>,
    %get3A_115 = arith.constant 0 : index
    %get3A_116 = arith.constant 16 : index
    %get3A_117 = vector.load %arg3[%get3A_115, %get3A_116] : memref<512x20xf32, #tpu.memory_space<vmem>>, vector<512x1xf32>
    %broadcast_in_dim3A_118 = vector.shape_cast %get3A_117 : vector<512x1xf32> to vector<512x1xf32>
    %broadcast_in_dim3A_119 = vector.broadcast %broadcast_in_dim3A_118 : vector<512x1xf32> to vector<512x32xf32>
    %get3A_120 = arith.constant 0 : index
    %get3A_121 = arith.constant 17 : index
    %get3A_122 = vector.load %arg3[%get3A_120, %get3A_121] : memref<512x20xf32, #tpu.memory_space<vmem>>, vector<512x1xf32>
    %broadcast_in_dim3A_123 = vector.shape_cast %get3A_122 : vector<512x1xf32> to vector<512x1xf32>
    %broadcast_in_dim3A_124 = vector.broadcast %broadcast_in_dim3A_123 : vector<512x1xf32> to vector<512x32xf32>
    %get3A_125 = arith.constant 0 : index
    %get3A_126 = arith.constant 18 : index
    %get3A_127 = vector.load %arg3[%get3A_125, %get3A_126] : memref<512x20xf32, #tpu.memory_space<vmem>>, vector<512x1xf32>
    %broadcast_in_dim3A_128 = vector.shape_cast %get3A_127 : vector<512x1xf32> to vector<512x1xf32>
    %broadcast_in_dim3A_129 = vector.broadcast %broadcast_in_dim3A_128 : vector<512x1xf32> to vector<512x32xf32>
    %get3A_130 = arith.constant 0 : index
    %get3A_131 = arith.constant 19 : index
    %get3A_132 = vector.load %arg3[%get3A_130, %get3A_131] : memref<512x20xf32, #tpu.memory_space<vmem>>, vector<512x1xf32>
    %broadcast_in_dim3A_133 = vector.shape_cast %get3A_132 : vector<512x1xf32> to vector<512x1xf32>
    %broadcast_in_dim3A_134 = vector.broadcast %broadcast_in_dim3A_133 : vector<512x1xf32> to vector<512x32xf32>
    %concatenate3A_135 = tpu.concatenate %broadcast_in_dim3A_119, %broadcast_in_dim3A_124, %broadcast_in_dim3A_129, %broadcast_in_dim3A_134 in 1 : vector<512x32xf32>, vector<512x32xf32>, vector<512x32xf32>, vector<512x32xf32> -> vector<512x128xf32>
    %mul3A_136 = vector.broadcast %get3A_1 : vector<1x128xf32> to vector<512x128xf32>
    %mul3A_137 = arith.mulf %concatenate3A_135, %mul3A_136 : vector<512x128xf32>
    %add3A_138 = vector.broadcast %get3A_4 : vector<1x128xf32> to vector<512x128xf32>
    %add3A_139 = arith.addf %mul3A_137, %add3A_138 : vector<512x128xf32>
    %sin3A_140 = math.sin %add3A_139 : vector<512x128xf32>
    %swap3A_141 = arith.constant 0 : index
    %swap3A_142 = arith.constant 512 : index
    %swap3A_143 = vector.load %arg4[%swap3A_141, %swap3A_142] : memref<512x640xf32, #tpu.memory_space<vmem>>, vector<512x128xf32>
    tpu.vector_store %arg4[%swap3A_141, %swap3A_142], %sin3A_140 {strides = array<i32>} : memref<512x640xf32, #tpu.memory_space<vmem>>, vector<512x128xf32>,
    return
  }
  func.func @transform_0(%arg0: i32) -> (i32, i32) {
    %c0_i32 = arith.constant 0 : i32
    %c0_i32_0 = arith.constant 0 : i32
    %c0_i32_1 = arith.constant 0 : i32
    return %c0_i32, %c0_i32_0 : i32, i32
  }
  func.func @transform_1(%arg0: i32) -> (i32, i32) {
    %c0_i32 = arith.constant 0 : i32
    %c0_i32_0 = arith.constant 0 : i32
    %c0_i32_1 = arith.constant 0 : i32
    return %c0_i32, %c0_i32_0 : i32, i32
  }
  func.func @transform_2(%arg0: i32) -> (i32, i32) {
    %c0_i32 = arith.constant 0 : i32
    %c0_i32_0 = arith.constant 0 : i32
    return %arg0, %c0_i32 : i32, i32
  }
  func.func @transform_3(%arg0: i32) -> (i32, i32) {
    %c0_i32 = arith.constant 0 : i32
    %c0_i32_0 = arith.constant 0 : i32
    return %arg0, %c0_i32 : i32, i32
  }
}

</mosaic_0001>

<sc_bundles>
// kernel: kernel.4.cloned.1.call-start
scs
__scs_entry_jumppad:
0x0: {  	(pc) =	sbr.rel $0x88, $3  }
0x1: {  	(tag) =	ssettag $0x0;
	lr =	simm.s32 $0x1  }
0x2: {  	[smem:$0x3F9C] =	sst lr;
	_ =	strace $0xD0000000  }
0x3: {  	_ = 	snop  }
0x4: {  	_ = 	snop  }
0x5: {  	_ = 	snop  }
0x6: {  	_ = 	snop  }
0x7: {  	_ = 	snop  }
__scs_overlays_trampoline_lowered:
0x8: {  	[smem:$0x3FAB] =	sst s0  }
0x9: {  	[smem:$0x3FAC] =	sst s1  }
0xa: {  	[smem:$0x3FAD] =	sst s2  }
0xb: {  	[smem:$0x3FAE] =	sst s3  }
0xc: {  	[smem:$0x3FAF] =	sst s4  }
0xd: {  	[smem:$0x3FB0] =	sst s5  }
0xe: {  	[smem:$0x3FB1] =	sst s6  }
0xf: {  	[smem:$0x3FB2] =	sst s7  }
0x10: {  	[smem:$0x3FB3] =	sst s8  }
0x11: {  	[smem:$0x3FB4] =	sst s9;
	s0 =	simm.s32 @!p0 $0x0  }
0x12: {  	s1 =	sld [smem:$0x3F9A];
	s0 =	simm.s32 @p0 $0x1  }
0x13: {  	[smem:$0x3FB5] =	sst s0;
	s0 =	simm.s32 @!p1 $0x0  }
0x14: {  	s2 =	sld [smem:$0x3F99];
	s0 =	simm.s32 @p1 $0x1  }
0x15: {  	[smem:$0x3FB6] =	sst s0;
	s0 =	simm.s32 @!p2 $0x0  }
0x16: {  	s3 =	sld [smem:$0x3FDB];
	s0 =	simm.s32 @p2 $0x1  }
0x17: {  	s4 =	simm.s32 $0x1BF5;
	[smem:$0x3FB8] =	sst s0  }
0x18: {  	s0 =	sld [smem:$0x3F9B];
	_ =	swait.ge [sflag:s4], $0x0  }
0x19: {  	s7 =	sld [smem:$0x3F9C]  }
0x1a: {  	s8 =	sadd.s32 $0xFFFFE003, lr  }
0x1b: {  	s9 =	sadd.s32 $0xFFFFFEF7, lr;
	s5 =	simm.s32 $0xFFFFFFFF;
	p2 =	slt.u32 s8, $0xFFFFF086  }
0x1c: {  	p1 =	slt.u32 s9, $0xF7A;
	s5 =	simm.s32 @!p2 $0x0  }
0x1d: {  	s5 =	simm.s32 @p1 $0x1;
	p0 =	seq.s32 s7, s2  }
0x1e: {  	s7 =	smul.u32 @!p0 $0xF7A, s2;
	p2 =	seq.s32 @!p0 s5, $0x0  }
0x1f: {  	s9 =	smul.u32 $0xF7A, s1;
	s8 =	simm.s32 @!p0 $0x1BF5;
	p2 =	por !p2, p0  }
0x20: {  	[sflag:s8] =	ssyncset.s32 @!p0 $0xFFFFF086;
	s6 =	sadd.s32 @!p0 s3, s7;
	s7 =	simm.s32 @!p0 $0x108  }
0x21: {  	s3 =	sadd.s32 s3, s9;
	s6 =	sadd.s32 @!p0 $0x88, s6;
	s7 =	simm.s32 @p2 $0x1082  }
0x22: {  	[simem:s7], [sflag:s8] =	dma.local @!p0 [hbm:s6], $0xF7A  }
0x23: {  	s9 =	sor.u32 $0xD0000000, s2;
	s6 =	simm.s32 $0x108;
	_ =	swait.ge @!p0 [sflag:s8], $0x0  }
0x24: {  	s3 =	sadd.s32 $0x88, s3;
	s6 =	simm.s32 @!p1 $0x1082;
	[sflag:s4] =	ssyncset.s32 $0xFFFFF086  }
0x25: {  	[simem:s6], [sflag:s4] =	dma.local [hbm:s3], $0xF7A  }
0x26: {  	[smem:$0x3F9C] =	sst s1;
	(tag) =	ssettag s2;
	_ =	strace s9  }
0x27: {  	s1 =	sld [smem:$0x3FAC]  }
0x28: {  	s2 =	sld [smem:$0x3FAD]  }
0x29: {  	s4 =	sld [smem:$0x3FAF]  }
0x2a: {  	p0 =	seq.s32 s5, $0x0;
	s5 =	sld [smem:$0x3FB0]  }
0x2b: {  	s6 =	sld [smem:$0x3FB1]  }
0x2c: {  	s7 =	sld [smem:$0x3FB2]  }
0x2d: {  	s3 =	simm.s32 $0x108;
	s8 =	sld [smem:$0x3FB3]  }
0x2e: {  	s3 =	simm.s32 @!p0 $0x1082;
	s9 =	sld [smem:$0x3FB4]  }
0x2f: {  	lr =	sadd.s32 s0, s3;
	s0 =	sld [smem:$0x3FAB]  }
0x30: {  	s3 =	sld [smem:$0x3FAE]  }
0x31: {  	[smem:$0x3FB7] =	sst s10  }
0x32: {  	s10 =	sld [smem:$0x3FB5];
	_ =	sdelay $0x3  }
0x33: {  	p0 =	seq.s32 s10, $0x1;
	s10 =	sld [smem:$0x3FB7];
	_ =	sdelay $0x3  }
0x34: {  	[smem:$0x3FB7] =	sst s10  }
0x35: {  	s10 =	sld [smem:$0x3FB6];
	_ =	sdelay $0x3  }
0x36: {  	p1 =	seq.s32 s10, $0x1;
	s10 =	sld [smem:$0x3FB7];
	_ =	sdelay $0x3  }
0x37: {  	[smem:$0x3FB7] =	sst s10  }
0x38: {  	s10 =	sld [smem:$0x3FB8]  }
0x39: {  	_ = 	snop;
	(pc) =	sbr.ind lr, $3  }
0x3a: {  	_ = 	snop  }
0x3b: {  	_ = 	snop  }
0x3c: {  	p2 =	seq.s32 s10, $0x1;
	s10 =	sld [smem:$0x3FB7]  }
0x3d: {  	_ =	shalt  }
0x3e: {  	_ =	shalt  }
0x3f: {  	_ =	shalt  }
0x40: {  	_ =	shalt  }
0x41: {  	_ =	shalt  }
0x42: {  	_ =	shalt  }
0x43: {  	_ =	shalt  }
0x44: {  	_ =	shalt  }
0x45: {  	_ =	shalt  }
0x46: {  	_ =	shalt  }
0x47: {  	_ =	shalt  }
0x48: {  	_ =	shalt  }
0x49: {  	_ =	shalt  }
0x4a: {  	_ =	shalt  }
0x4b: {  	_ =	shalt  }
0x4c: {  	_ =	shalt  }
0x4d: {  	_ =	shalt  }
0x4e: {  	_ =	shalt  }
0x4f: {  	_ =	shalt  }
0x50: {  	_ =	shalt  }
0x51: {  	_ =	shalt  }
0x52: {  	_ =	shalt  }
0x53: {  	_ =	shalt  }
0x54: {  	_ =	shalt  }
0x55: {  	_ =	shalt  }
0x56: {  	_ =	shalt  }
0x57: {  	_ =	shalt  }
0x58: {  	_ =	shalt  }
0x59: {  	_ =	shalt  }
0x5a: {  	_ =	shalt  }
0x5b: {  	_ =	shalt  }
0x5c: {  	_ =	shalt  }
0x5d: {  	_ =	shalt  }
0x5e: {  	_ =	shalt  }
0x5f: {  	_ =	shalt  }
0x60: {  	_ =	shalt  }
0x61: {  	_ =	shalt  }
0x62: {  	_ =	shalt  }
0x63: {  	_ =	shalt  }
0x64: {  	_ =	shalt  }
0x65: {  	_ =	shalt  }
0x66: {  	_ =	shalt  }
0x67: {  	_ =	shalt  }
0x68: {  	_ =	shalt  }
0x69: {  	_ =	shalt  }
0x6a: {  	_ =	shalt  }
0x6b: {  	_ =	shalt  }
0x6c: {  	_ =	shalt  }
0x6d: {  	_ =	shalt  }
0x6e: {  	_ =	shalt  }
0x6f: {  	_ =	shalt  }
0x70: {  	_ =	shalt  }
0x71: {  	_ =	shalt  }
0x72: {  	_ =	shalt  }
0x73: {  	_ =	shalt  }
0x74: {  	_ =	shalt  }
0x75: {  	_ =	shalt  }
0x76: {  	_ =	shalt  }
0x77: {  	_ =	shalt  }
0x78: {  	_ =	shalt  }
0x79: {  	_ =	shalt  }
0x7a: {  	_ =	shalt  }
0x7b: {  	_ =	shalt  }
0x7c: {  	_ =	shalt  }
0x7d: {  	_ =	shalt  }
0x7e: {  	_ =	shalt  }
0x7f: {  	_ =	shalt  }
0x80: {  	_ =	shalt  }
0x81: {  	_ =	shalt  }
0x82: {  	_ =	shalt  }
0x83: {  	_ =	shalt  }
0x84: {  	_ =	shalt  }
0x85: {  	_ =	shalt  }
0x86: {  	_ =	shalt  }
0x87: {  	_ =	shalt  }
.Lfunc_end0:
.L_simem_size_0:
called_computation_lowered:
.L_overlay_start_0:
0x88: {  	s2 =	sld [smem:$0x3FD9]  }
0x89: {  	s3 =	sld [smem:$0x3FFE];
	_ =	sdelay $0x1  }
0x8a: {  	s1 =	srdreg.scid  }
0x8b: {  	s0 =	sand.u32 $0x1, s1  }
0x8c: {  	s17 =	sshll.u32 s0, $0xA;
	s2 =	sadd.s32 s3, s2  }
0x8d: {  	s2 =	sadd.s32 s2, s17  }
0x8e: {  	[smem:$0x3FC3] =	sst s2  }
0x8f: {  	_ = 	snop  }
0x90: {  	s2 =	sld [smem:$0x3FC7]  }
0x91: {  	s18 =	sld [smem:$0x3FC6]  }
0x92: {  	s4 =	sld [smem:$0x3FC5]  }
0x93: {  	s5 =	sld [smem:$0x3FD0];
	(tm) =	ssettm $0x1  }
0x94: {  	s6 =	sld [smem:$0x3FFB];
	_ =	sdelay $0x3  }
0x95: {  	_ =	strace s6  }
0x96: {  	s6 =	sld [smem:$0x3FFC];
	_ =	sdelay $0x3  }
0x97: {  	_ =	strace s6  }
0x98: {  	s6 =	sld [smem:$0x3FFD];
	_ =	sdelay $0x3  }
0x99: {  	_ =	strace s6  }
0x9a: {  	_ =	strace $0x8FFFFFFF  }
0x9b: {  	s19 =	sld [smem:$0x3FDB];
	_ =	sdelay $0x1  }
0x9c: {  	s7 =	simm.s32 $_scs_section_size  }
0x9d: {  	s8 =	simm.s32 $_size__tile_overlayer_lowered;
	s9 =	simm.s32 $_tile_overlayer_lowered  }
0x9e: {  	s22 =	simm.s32 $0x1BFF;
	s21 =	sshll.u32 s9, $0x1;
	s6 =	sadd.s32 s7, s19  }
0x9f: {  	s10 =	simm.s32 $0x0;
	s20 =	sshll.u32 s8, $0x1;
	s8 =	sadd.s32 s21, s6  }
0xa0: {  	[timem:s10], [sflag:s22] =	dma.local [hbm:s8], s20  }
0xa1: {  	_ =	swait.ge [sflag:s22], s20  }
0xa2: {  	s7 =	ssub.s32 $0x0, s20;
	[sflag:s22] =	ssyncset.done $0x0  }
0xa3: {  	[sflag:s22] =	ssyncadd.s32 s7;
	_ =	sdelay $0x1  }
0xa4: {  	s23 =	simm.s32 $0x1B8B  }
0xa5: {  	_ =	swait.ge [sflag:s23], $0x1  }
0xa6: {  	[sflag:s23] =	ssyncset.done $0x0  }
0xa7: {  	s25 =	simm.s32 $0x1B8E;
	s24 =	sld [smem:$0x3FFE];
	[sflag:s23] =	ssyncadd.s32 $0xFFFFFFFF  }
0xa8: {  	s26 =	simm.s32 $execute0_lowered;
	[smem:$0x3FD2] =	sst s25  }
0xa9: {  	s8 =	sshll.u32 s26, $0x1;
	_ =	strace $0x80000046;
	[dreg:$0x1] =	wrdreg $0xFFFFFFFF  }
0xaa: {  	s28 =	simm.s32 $_size_execute0_lowered;
	s6 =	sadd.s32 s6, s8;
	[dreg:$0x0] =	wrdreg $0x0  }
0xab: {  	s8 =	sshll.u32 s28, $0x1;
	[dreg:$0x2] =	wrdreg s6  }
0xac: {  	[dreg:$0x3] =	wrdreg s8  }
0xad: {  	[dreg:$0x4] =	wrdreg $0xC0  }
0xae: {  	_ =	task [dreg:s10], $0x5FFFF  }
0xaf: {  	[dreg:$0x1] =	wrdreg $0xFFFFFFFF  }
0xb0: {  	[dreg:$0x0] =	wrdreg $0x60  }
0xb1: {  	[dreg:$0x2] =	wrdreg s24  }
0xb2: {  	[dreg:$0x3] =	wrdreg s5  }
0xb3: {  	[dreg:$0x4] =	wrdreg s2  }
0xb4: {  	[dreg:$0x5] =	wrdreg s18  }
0xb5: {  	[dreg:$0x6] =	wrdreg s4  }
0xb6: {  	[dreg:$0x7] =	wrdreg $0x1AE280  }
0xb7: {  	[dreg:$0x8] =	wrdreg $0x9  }
0xb8: {  	_ =	task.clear_ibuf [dreg:s10], $0x9FFFF;
	_ =	strace $0x90000046  }
0xb9: {  	s29 =	simm.s32 $0x9;
	_ =	strace $0x80000048  }
0xba: {  	_ =	swait.ge [sflag:s29], $0x1  }
0xbb: {  	[sflag:s29] =	ssyncadd.s32 $0xFFFFFFFF  }
0xbc: {  	_ =	strace $0x90000048  }
0xbd: {  	_ =	sfence  }
0xbe: {  	s30 =	sld [smem:$0x0];
	_ =	sdelay $0x2  }
0xbf: {  	s31 =	sshll.u32 s1, $0xD;
	s1 =	sshrl.u32 s1, $0x2  }
0xc0: {  	s3 =	sand.u32 $0x4000, s31;
	s1 =	sadd.s32 s1, s30  }
0xc1: {  	s0 =	sor.u32 s3, s0;
	s1 =	sshll.u32 s1, $0x11  }
0xc2: {  	s0 =	sor.u32 s1, s0  }
0xc3: {  	s0 =	sadd.s32 $0x8F2B, s0  }
0xc4: {  	[sflag:s0] =	ssyncadd.remote.s32 $0x1  }
0xc5: {  	_ =	sfence.sel $0xFFFF  }
0xc6: {  	[dreg:$0x0] =	wrdreg $0xFFFFFFFF;
	(pc) =	sbr.abs _section_cstart, $3  }
0xc7: {  	[dreg:$0x1] =	wrdreg $0xFFFFFFFF  }
0xc8: {  	_ =	task.clear_ibuf [dreg:s10], $0x2FFFF;
	_ =	strace $0x9FFFFFFF  }
0xc9: {  	(tm) =	ssettm $0x7FFFFFFF  }
tec
execute0_lowered:
.L_overlay_start_1:
0x0: {  	(tag) =	ssettag $0x1  }
0x1: {  	s8 =	rddreg [dreg:$0x0]  }
0x2: {  	s0 =	rddreg [dreg:$0x4]  }
0x3: {  	s1 =	rddreg [dreg:$0x5];
	s5 =	simm.s32 $0x0  }
0x4: {  	[smem:$0x7FF] =	sst s5;
	s2 =	sadd.s32 $0x227400, s8  }
0x5: {  	s14 =	sadd.s32 $0x208A00, s8;
	_ =	strace $0x80000047;
	[dreg:$0x7] =	wrdreg s2  }
0x6: {  	s15 =	sadd.s32 $0x1EA000, s8;
	[dreg:$0x8] =	wrdreg s14  }
0x7: {  	s3 =	sadd.s32 $0x1CB600, s8;
	[dreg:$0x9] =	wrdreg s15  }
0x8: {  	s17 =	sadd.s32 $0x1ACC00, s8;
	[dreg:$0xa] =	wrdreg s3  }
0x9: {  	s6 =	sadd.s32 $0x18E200, s8;
	[dreg:$0xb] =	wrdreg s17  }
0xa: {  	s19 =	sadd.s32 $0xB7C00, s8;
	[dreg:$0xc] =	wrdreg s6  }
0xb: {  	s20 =	sadd.s32 $0x99200, s8;
	[dreg:$0xd] =	wrdreg s19  }
0xc: {  	s7 =	sadd.s32 $0x7A800, s8;
	[dreg:$0xe] =	wrdreg s20  }
0xd: {  	s23 =	sadd.s32 $0x5BE00, s8;
	[dreg:$0xf] =	wrdreg s7  }
0xe: {  	s10 =	sadd.s32 $0x3D400, s8;
	[dreg:$0x10] =	wrdreg s23  }
0xf: {  	s25 =	sadd.s32 $0x1EA00, s8;
	[dreg:$0x11] =	wrdreg s10  }
0x10: {  	s9 =	stileid.u32;
	s29 =	sadd.s32 $0x16F800, s8;
	[dreg:$0x12] =	wrdreg s25  }
0x11: {  	s18 =	sshll.u32 s9, $0x9;
	s11 =	sadd.s32 $0x245E00, s8;
	[dreg:$0x16] =	wrdreg s29  }
0x12: {  	s30 =	sadd.s32 $0x13428, s18;
	[dreg:$0x1e] =	wrdreg s11  }
0x13: {  	s3 =	sadd.s32 $0x132400, s8;
	[dreg:$0x17] =	wrdreg s30  }
0x14: {  	s7 =	sadd.s32 $0xF5000, s8;
	[dreg:$0x1a] =	wrdreg s3  }
0x15: {  	s10 =	sadd.s32 $0xD6600, s8;
	[dreg:$0x1c] =	wrdreg s7  }
0x16: {  	s31 =	sadd.s32 s18, s1;
	[dreg:$0x1d] =	wrdreg s10  }
0x17: {  	s12 =	sadd.s32 $0x2000, s31;
	[dreg:$0x18] =	wrdreg s31  }
0x18: {  	s13 =	sadd.s32 $0x4000, s31;
	[dreg:$0x1f] =	wrdreg s12  }
0x19: {  	s16 =	srdreg.scid;
	s15 =	sadd.s32 $0x6000, s31;
	[smem:$0x7EC] =	sst s13  }
0x1a: {  	s2 =	sand.u32 $0x1, s16;
	s16 =	sadd.s32 $0x8000, s31;
	[smem:$0x7ED] =	sst s15  }
0x1b: {  	s17 =	sadd.s32 $0xA000, s31;
	[smem:$0x7EE] =	sst s16  }
0x1c: {  	s19 =	sadd.s32 $0xE000, s31;
	[smem:$0x7EF] =	sst s17  }
0x1d: {  	s20 =	sadd.s32 $0x10000, s31;
	[smem:$0x7F1] =	sst s19  }
0x1e: {  	s4 =	sshll.u32 s2, $0xD;
	s23 =	sadd.s32 $0x16000, s31;
	[smem:$0x7F2] =	sst s20  }
0x1f: {  	s22 =	ssub.s32 $0x2, s2;
	s25 =	sadd.s32 $0x1A000, s31;
	[smem:$0x7F5] =	sst s23  }
0x20: {  	s2 =	sshll.u32 s2, $0xA;
	s30 =	sadd.s32 $0x246E00, s8;
	[smem:$0x7F7] =	sst s25  }
0x21: {  	s0 =	sadd.s32 s0, s2;
	[smem:$0x7FC] =	sst s30  }
0x22: {  	s26 =	sshll.u32 s9, $0xD;
	s2 =	sadd.s32 $0x150E00, s8;
	[dreg:$0x13] =	wrdreg s0  }
0x23: {  	s14 =	sor.u32 s18, s4;
	s18 =	sadd.s32 $0xC000, s31;
	[dreg:$0x19] =	wrdreg s2  }
0x24: {  	s24 =	sshrl.u32 s22, $0x1;
	s0 =	sadd.s32 s26, s1;
	[smem:$0x7F0] =	sst s18  }
0x25: {  	s6 =	ssub.s32 s22, s24;
	s22 =	sadd.s32 $0x14000, s31;
	[dreg:$0x15] =	wrdreg s0  }
0x26: {  	s24 =	sadd.s32 $0x18000, s31;
	[smem:$0x7F4] =	sst s22  }
0x27: {  	s9 =	smul.u32 $0xF424, s9;
	s26 =	sadd.s32 $0x1C000, s31;
	[smem:$0x7F6] =	sst s24  }
0x28: {  	s21 =	smul.u32 $0x14, s14;
	[smem:$0x7F8] =	sst s26;
	s0 =	sadd.s32 $0x1E000, s31  }
0x29: {  	s3 =	simm.s32 $0x17428;
	s29 =	smax.u32 s6, $0x1;
	[smem:$0x7F9] =	sst s0  }
0x2a: {  	s4 =	sshrl.u32 s21, $0x3;
	s21 =	sadd.s32 $0x12000, s31;
	[smem:$0x7FB] =	sst s29  }
0x2b: {  	s31 =	sadd.s32 $0x247600, s8;
	s4 =	sadd.s32 s4, s8;
	[smem:$0x7F3] =	sst s21  }
0x2c: {  	s25 =	simm.s32 $0x80;
	[smem:$0x7FD] =	sst s31;
	s28 =	sadd.s32 $0x247E00, s4  }
0x2d: {  	s1 =	simm.s32 $0x18628;
	s4 =	sadd.s32 $0x113A00, s8;
	[dreg:$0x14] =	wrdreg s28  }
0x2e: {  	v0 =	vlaneseq.u32;
	s2 =	simm.s32 $0x0;
	[dreg:$0x1b] =	wrdreg s4;
	s28 =	sadd.s32 $0x246600, s8  }
0x2f: {  	v2 =	vimm.s32 $0x0;
	v3 =	vadd.s32 $0x1, v0;
	v1 =	vmov s9;
	s22 =	simm.s32 $0x3;
	s24 =	simm.s32 $0x1;
	[smem:$0x7FA] =	sst s28  }
.LBB2_1:
0x30: {  	s10 =	rddreg [dreg:$0x13];
	s0 =	simm.s32 $0x13428  }
0x31: {  	[tilespmem:s0], [sflag:$0x3] =	stream.linear.gather [hbm4b:s10+s5], $0x2000, $0x38;
	[tilespmem:$0x1CE28] =	vst v63  }
0x32: {  	_ =	swait.ge [sflag:s22], $0x2000  }
0x33: {  	[sflag:s22] =	ssyncset.done $0x0  }
0x34: {  	[sflag:s22] =	ssyncadd.s32 $0xFFFFE000  }
0x35: {  	s31 =	simm.s32 $0xF428;
	s30 =	rddreg [dreg:$0x2]  }
0x36: {  	[tilespmem:s31], [sflag:$0x3] =	stream.linear.gather [hbm4b:s30+s5], $0x4000, $0x38;
	[tilespmem:$0x1CE28] =	vst v63  }
0x37: {  	_ =	swait.ge [sflag:s22], $0x4000  }
0x38: {  	[sflag:s22] =	ssyncset.done $0x0  }
0x39: {  	s11 =	simm.s32 $0x0;
	[sflag:s22] =	ssyncadd.s32 $0xFFFFC000  }
.LBB2_2:
0x3a: {  	s10 =	sshra.s32 s11, $0x2  }
0x3b: {  	v4 =	vld [tilespmem:s10+$0x13428];
	_ =	sdelay $0x4  }
0x3c: {  	v4 =	vsub.s32 v4, v1  }
0x3d: {  	vm0 =	vgt.s32 v4, $0x0  }
0x3e: {  	vm1 =	vlt.u32 v4, $0xF424;
	v4 =	vnsel vm0, $0x0, v4  }
0x3f: {  	p0 =	sne.s32 s11, $0x7FC0;
	v4 =	vmin.u32 v4, $0xF423  }
.Ltmp0:
0x40: {  	_ = 	snop;
	(pc) =	sbr.rel @p0 .LBB2_2-.Ltmp0, $3  }
0x41: {  	_ =	sdelay $0x1  }
0x42: {  	s10 =	simm.s32 $0x0  }
0x43: {  	s11 =	sadd.s32 $0x40, s11;
	[tilespmem:v4+s10+$0x0] =	vst.idx.msk vm1, v2  }
0x44: {  	s12 =	simm.s32 $0xF428  }
0x45: {  	s13 =	simm.s32 $0x10;
	s11 =	simm.s32 $0x0;
	v4 =	vld [tilespmem:s12+$0x0]  }
.LBB2_4:
0x46: {  	p0 =	sne.s32 s13, $0x3FF0;
	_ =	sdelay $0x3  }
0x47: {  	v4 =	vsub.s32 v4, v1  }
0x48: {  	vm0 =	vgt.s32 v4, $0x0  }
0x49: {  	vm1 =	vlt.u32 v4, $0xF424;
	v4 =	vnsel vm0, $0x0, v4  }
0x4a: {  	v4 =	vmin.u32 v4, $0xF423;
	_ =	sdelay $0x1  }
.Ltmp1:
0x4b: {  	(pc) =	sbr.rel @p0 .LBB2_4-.Ltmp1, $4  }
0x4c: {  	_ = 	snop  }
0x4d: {  	v5 =	vadd.s32 s11, v3;
	s11 =	smov.u32 s13  }
0x4e: {  	s12 =	sadd.s32 $0x10, s12;
	[tilespmem:v4+s10+$0x0] =	vst.idx.msk vm1, v5  }
0x4f: {  	s13 =	sadd.s32 $0x10, s13;
	v4 =	vld [tilespmem:s12+$0x0]  }
0x50: {  	_ =	sdelay $0x3  }
0x51: {  	v4 =	vsub.s32 v4, v1  }
0x52: {  	vm0 =	vgt.s32 v4, $0x0  }
0x53: {  	vm1 =	vlt.u32 v4, $0xF424;
	v4 =	vnsel vm0, $0x0, v4  }
0x54: {  	v4 =	vmin.u32 v4, $0xF423;
	_ =	sdelay $0x3  }
0x55: {  	v5 =	vadd.s32 s11, v3  }
0x56: {  	s11 =	simm.s32 $0x0;
	[tilespmem:v4+s10+$0x0] =	vst.idx.msk vm1, v5  }
0x57: {  	v4 =	vld [tilespmem:s11+$0x13428];
	_ =	sdelay $0x4  }
0x58: {  	v4 =	vsub.s32 v4, v1  }
0x59: {  	s10 =	simm.s32 $0x10;
	vm0 =	vgt.s32 v4, $0x0  }
0x5a: {  	v5 =	vld [tilespmem:s10+$0x13428];
	vm1 =	vlt.u32 v4, $0xF424;
	v4 =	vnsel vm0, $0x0, v4  }
0x5b: {  	v4 =	vmin.u32 v4, $0xF423;
	_ =	sdelay $0x3  }
0x5c: {  	v5 =	vsub.s32 v5, v1  }
0x5d: {  	vm2 =	vgt.s32 v5, $0x0;
	v4 =	vld.idx.msk [tilespmem:v4+s5+$0x0], vm1  }
0x5e: {  	s12 =	simm.s32 $0x20;
	s13 =	simm.s32 $0xC0;
	vm0 =	vmmov vm1;
	vm1 =	vlt.u32 v5, $0xF424;
	v5 =	vnsel vm2, $0x0, v5  }
.LBB2_6:
0x5f: {  	p0 =	sne.s32 s13, $0x7FC0;
	v6 =	vld [tilespmem:s12+$0x13428];
	v5 =	vmin.u32 v5, $0xF423;
	_ =	sdelay $0x2  }
.Ltmp2:
0x60: {  	v4 =	vnsel vm0, $0x0, v4;
	vm0 =	vmmov vm1;
	(pc) =	sbr.rel @p0 .LBB2_6-.Ltmp2, $4  }
0x61: {  	[tilespmem:s11+$0x15428] =	vst v4;
	s11 =	smov.u32 s10;
	s10 =	smov.u32 s12  }
0x62: {  	v6 =	vsub.s32 v6, v1;
	v4 =	vld.idx.msk [tilespmem:v5+s5+$0x0], vm1  }
0x63: {  	vm2 =	vgt.s32 v6, $0x0  }
0x64: {  	s12 =	sshra.s32 s13, $0x2;
	s13 =	sadd.s32 $0x40, s13;
	vm1 =	vlt.u32 v6, $0xF424;
	v5 =	vnsel vm2, $0x0, v6  }
0x65: {  	v6 =	vld [tilespmem:s12+$0x13428]  }
0x66: {  	v5 =	vmin.u32 v5, $0xF423;
	_ =	sdelay $0x2  }
0x67: {  	v4 =	vnsel vm0, $0x0, v4  }
0x68: {  	[tilespmem:s11+$0x15428] =	vst v4;
	v4 =	vsub.s32 v6, v1  }
0x69: {  	v5 =	vld.idx.msk [tilespmem:v5+s5+$0x0], vm1;
	vm13 =	vgt.s32 v4, $0x0  }
0x6a: {  	vm2 =	vlt.u32 v4, $0xF424;
	v4 =	vnsel vm13, $0x0, v4  }
0x6b: {  	v4 =	vmin.u32 v4, $0xF423;
	_ =	sdelay $0x1  }
0x6c: {  	vm14 =	vmmov vm1  }
0x6d: {  	v5 =	vnsel vm14, $0x0, v5  }
0x6e: {  	[tilespmem:s10+$0x15428] =	vst v5  }
0x6f: {  	v4 =	vld.idx.msk [tilespmem:v4+s5+$0x0], vm2;
	_ =	sdelay $0x3  }
0x70: {  	vm15 =	vmmov vm2  }
0x71: {  	v4 =	vnsel vm15, $0x0, v4  }
0x72: {  	s30 =	rddreg [dreg:$0x15];
	s0 =	simm.s32 $0x15428;
	[tilespmem:s12+$0x15428] =	vst v4  }
0x73: {  	[spmem:s30] =	stream.linear.scatter [tilespmem:s0], [sflag:$0x3], $0x2000, $0x38;
	[tilespmem:$0x1CE28] =	vst v63  }
0x74: {  	_ =	swait.ge [sflag:s22], $0x2000  }
0x75: {  	[sflag:s22] =	ssyncset.done $0x0  }
0x76: {  	[sflag:s22] =	ssyncadd.s32 $0xFFFFE000  }
0x77: {  	[bflag:$0x0] =	sbarrier.arrive $0xFFFF  }
0x78: {  	[tilespmem:$0x17628] =	vst v2  }
0x79: {  	[tilespmem:$0x17638] =	vst v2  }
0x7a: {  	[tilespmem:$0x17648] =	vst v2  }
0x7b: {  	[tilespmem:$0x17658] =	vst v2  }
0x7c: {  	[tilespmem:$0x17668] =	vst v2  }
0x7d: {  	[tilespmem:$0x17678] =	vst v2  }
0x7e: {  	[tilespmem:$0x17688] =	vst v2  }
0x7f: {  	[tilespmem:$0x17698] =	vst v2  }
0x80: {  	[tilespmem:$0x176A8] =	vst v2  }
0x81: {  	[tilespmem:$0x176B8] =	vst v2  }
0x82: {  	[tilespmem:$0x176C8] =	vst v2  }
0x83: {  	[tilespmem:$0x176D8] =	vst v2  }
0x84: {  	[tilespmem:$0x176E8] =	vst v2  }
0x85: {  	[tilespmem:$0x176F8] =	vst v2  }
0x86: {  	[tilespmem:$0x17708] =	vst v2  }
0x87: {  	[tilespmem:$0x17718] =	vst v2  }
0x88: {  	[tilespmem:$0x17728] =	vst v2  }
0x89: {  	[tilespmem:$0x17738] =	vst v2  }
0x8a: {  	[tilespmem:$0x17748] =	vst v2  }
0x8b: {  	[tilespmem:$0x17758] =	vst v2  }
0x8c: {  	[tilespmem:$0x17768] =	vst v2  }
0x8d: {  	[tilespmem:$0x17778] =	vst v2  }
0x8e: {  	[tilespmem:$0x17788] =	vst v2  }
0x8f: {  	[tilespmem:$0x17798] =	vst v2  }
0x90: {  	[tilespmem:$0x177A8] =	vst v2  }
0x91: {  	[tilespmem:$0x177B8] =	vst v2  }
0x92: {  	[tilespmem:$0x177C8] =	vst v2  }
0x93: {  	[tilespmem:$0x177D8] =	vst v2  }
0x94: {  	[tilespmem:$0x177E8] =	vst v2  }
0x95: {  	[tilespmem:$0x177F8] =	vst v2  }
0x96: {  	[tilespmem:$0x17808] =	vst v2  }
0x97: {  	[tilespmem:$0x17818] =	vst v2;
	s31 =	rddreg [dreg:$0x18]  }
0x98: {  	[tilespmem:s3], [sflag:$0x3] =	stream.linear.gather [spmem:s31], $0x200, $0x38;
	[tilespmem:$0x1CE28] =	vst v63  }
0x99: {  	_ =	swait.ge [sflag:s22], $0x200  }
0x9a: {  	[sflag:s22] =	ssyncset.done $0x0  }
0x9b: {  	s10 =	simm.s32 $0x0;
	[sflag:s22] =	ssyncadd.s32 $0xFFFFFE00  }
0x9c: {  	s11 =	simm.s32 $0x40;
	v4 =	vld [tilespmem:s10+$0x17428]  }
.LBB2_8:
0x9d: {  	p0 =	sne.s32 s11, $0x7C0;
	v5 =	vld [tilespmem:s10+$0x17628];
	_ =	sdelay $0x2  }
.Ltmp3:
0x9e: {  	(pc) =	sbr.rel @p0 .LBB2_8-.Ltmp3, $4  }
0x9f: {  	_ = 	snop  }
0xa0: {  	vm0 =	vgt.s32 v5, v4  }
0xa1: {  	s12 =	sshra.s32 s11, $0x2;
	v5 =	vsel vm0, v5, v4  }
0xa2: {  	s11 =	sadd.s32 $0x40, s11;
	v4 =	vld [tilespmem:s12+$0x17428];
	[tilespmem:s10+$0x17628] =	vst v5;
	s10 =	smov.u32 s12  }
0xa3: {  	v5 =	vld [tilespmem:s10+$0x17628];
	_ =	sdelay $0x4  }
0xa4: {  	vm0 =	vgt.s32 v5, v4  }
0xa5: {  	v4 =	vsel vm0, v5, v4  }
0xa6: {  	s0 =	rddreg [dreg:$0x1f];
	[tilespmem:s10+$0x17628] =	vst v4  }
0xa7: {  	[tilespmem:s3], [sflag:$0x3] =	stream.linear.gather [spmem:s0], $0x200, $0x38;
	[tilespmem:$0x1CE28] =	vst v63  }
0xa8: {  	_ =	swait.ge [sflag:s22], $0x200  }
0xa9: {  	[sflag:s22] =	ssyncset.done $0x0  }
0xaa: {  	s10 =	simm.s32 $0x0;
	[sflag:s22] =	ssyncadd.s32 $0xFFFFFE00  }
0xab: {  	s11 =	simm.s32 $0x40;
	v4 =	vld [tilespmem:s10+$0x17428]  }
.LBB2_10:
0xac: {  	p0 =	sne.s32 s11, $0x7C0;
	v5 =	vld [tilespmem:s10+$0x17628];
	_ =	sdelay $0x2  }
.Ltmp4:
0xad: {  	(pc) =	sbr.rel @p0 .LBB2_10-.Ltmp4, $4  }
0xae: {  	_ = 	snop  }
0xaf: {  	vm0 =	vgt.s32 v5, v4  }
0xb0: {  	s12 =	sshra.s32 s11, $0x2;
	v5 =	vsel vm0, v5, v4  }
0xb1: {  	s11 =	sadd.s32 $0x40, s11;
	v4 =	vld [tilespmem:s12+$0x17428];
	[tilespmem:s10+$0x17628] =	vst v5;
	s10 =	smov.u32 s12  }
0xb2: {  	v5 =	vld [tilespmem:s10+$0x17628];
	_ =	sdelay $0x4  }
0xb3: {  	s0 =	sld [smem:$0x7EC];
	vm0 =	vgt.s32 v5, v4  }
0xb4: {  	v4 =	vsel vm0, v5, v4  }
0xb5: {  	[tilespmem:s10+$0x17628] =	vst v4  }
0xb6: {  	[tilespmem:s3], [sflag:$0x3] =	stream.linear.gather [spmem:s0], $0x200, $0x38;
	[tilespmem:$0x1CE28] =	vst v63  }
0xb7: {  	_ =	swait.ge [sflag:s22], $0x200  }
0xb8: {  	[sflag:s22] =	ssyncset.done $0x0  }
0xb9: {  	s10 =	simm.s32 $0x0;
	[sflag:s22] =	ssyncadd.s32 $0xFFFFFE00  }
0xba: {  	s11 =	simm.s32 $0x40;
	v4 =	vld [tilespmem:s10+$0x17428]  }
.LBB2_12:
0xbb: {  	p0 =	sne.s32 s11, $0x7C0;
	v5 =	vld [tilespmem:s10+$0x17628];
	_ =	sdelay $0x2  }
.Ltmp5:
0xbc: {  	(pc) =	sbr.rel @p0 .LBB2_12-.Ltmp5, $4  }
0xbd: {  	_ = 	snop  }
0xbe: {  	vm0 =	vgt.s32 v5, v4  }
0xbf: {  	s12 =	sshra.s32 s11, $0x2;
	v5 =	vsel vm0, v5, v4  }
0xc0: {  	s11 =	sadd.s32 $0x40, s11;
	v4 =	vld [tilespmem:s12+$0x17428];
	[tilespmem:s10+$0x17628] =	vst v5;
	s10 =	smov.u32 s12  }
0xc1: {  	v5 =	vld [tilespmem:s10+$0x17628];
	_ =	sdelay $0x4  }
0xc2: {  	s0 =	sld [smem:$0x7ED];
	vm0 =	vgt.s32 v5, v4  }
0xc3: {  	v4 =	vsel vm0, v5, v4  }
0xc4: {  	[tilespmem:s10+$0x17628] =	vst v4  }
0xc5: {  	[tilespmem:s3], [sflag:$0x3] =	stream.linear.gather [spmem:s0], $0x200, $0x38;
	[tilespmem:$0x1CE28] =	vst v63  }
0xc6: {  	_ =	swait.ge [sflag:s22], $0x200  }
0xc7: {  	[sflag:s22] =	ssyncset.done $0x0  }
0xc8: {  	s10 =	simm.s32 $0x0;
	[sflag:s22] =	ssyncadd.s32 $0xFFFFFE00  }
0xc9: {  	s11 =	simm.s32 $0x40;
	v4 =	vld [tilespmem:s10+$0x17428]  }
.LBB2_14:
0xca: {  	p0 =	sne.s32 s11, $0x7C0;
	v5 =	vld [tilespmem:s10+$0x17628];
	_ =	sdelay $0x2  }
.Ltmp6:
0xcb: {  	(pc) =	sbr.rel @p0 .LBB2_14-.Ltmp6, $4  }
0xcc: {  	_ = 	snop  }
0xcd: {  	vm0 =	vgt.s32 v5, v4  }
0xce: {  	s12 =	sshra.s32 s11, $0x2;
	v5 =	vsel vm0, v5, v4  }
0xcf: {  	s11 =	sadd.s32 $0x40, s11;
	v4 =	vld [tilespmem:s12+$0x17428];
	[tilespmem:s10+$0x17628] =	vst v5;
	s10 =	smov.u32 s12  }
0xd0: {  	v5 =	vld [tilespmem:s10+$0x17628];
	_ =	sdelay $0x4  }
0xd1: {  	s0 =	sld [smem:$0x7EE];
	vm0 =	vgt.s32 v5, v4  }
0xd2: {  	v4 =	vsel vm0, v5, v4  }
0xd3: {  	[tilespmem:s10+$0x17628] =	vst v4  }
0xd4: {  	[tilespmem:s3], [sflag:$0x3] =	stream.linear.gather [spmem:s0], $0x200, $0x38;
	[tilespmem:$0x1CE28] =	vst v63  }
0xd5: {  	_ =	swait.ge [sflag:s22], $0x200  }
0xd6: {  	[sflag:s22] =	ssyncset.done $0x0  }
0xd7: {  	s10 =	simm.s32 $0x0;
	[sflag:s22] =	ssyncadd.s32 $0xFFFFFE00  }
0xd8: {  	s11 =	simm.s32 $0x40;
	v4 =	vld [tilespmem:s10+$0x17428]  }
.LBB2_16:
0xd9: {  	p0 =	sne.s32 s11, $0x7C0;
	v5 =	vld [tilespmem:s10+$0x17628];
	_ =	sdelay $0x2  }
.Ltmp7:
0xda: {  	(pc) =	sbr.rel @p0 .LBB2_16-.Ltmp7, $4  }
0xdb: {  	_ = 	snop  }
0xdc: {  	vm0 =	vgt.s32 v5, v4  }
0xdd: {  	s12 =	sshra.s32 s11, $0x2;
	v5 =	vsel vm0, v5, v4  }
0xde: {  	s11 =	sadd.s32 $0x40, s11;
	v4 =	vld [tilespmem:s12+$0x17428];
	[tilespmem:s10+$0x17628] =	vst v5;
	s10 =	smov.u32 s12  }
0xdf: {  	v5 =	vld [tilespmem:s10+$0x17628];
	_ =	sdelay $0x4  }
0xe0: {  	s0 =	sld [smem:$0x7EF];
	vm0 =	vgt.s32 v5, v4  }
0xe1: {  	v4 =	vsel vm0, v5, v4  }
0xe2: {  	[tilespmem:s10+$0x17628] =	vst v4  }
0xe3: {  	[tilespmem:s3], [sflag:$0x3] =	stream.linear.gather [spmem:s0], $0x200, $0x38;
	[tilespmem:$0x1CE28] =	vst v63  }
0xe4: {  	_ =	swait.ge [sflag:s22], $0x200  }
0xe5: {  	[sflag:s22] =	ssyncset.done $0x0  }
0xe6: {  	s10 =	simm.s32 $0x0;
	[sflag:s22] =	ssyncadd.s32 $0xFFFFFE00  }
0xe7: {  	s11 =	simm.s32 $0x40;
	v4 =	vld [tilespmem:s10+$0x17428]  }
.LBB2_18:
0xe8: {  	p0 =	sne.s32 s11, $0x7C0;
	v5 =	vld [tilespmem:s10+$0x17628];
	_ =	sdelay $0x2  }
.Ltmp8:
0xe9: {  	(pc) =	sbr.rel @p0 .LBB2_18-.Ltmp8, $4  }
0xea: {  	_ = 	snop  }
0xeb: {  	vm0 =	vgt.s32 v5, v4  }
0xec: {  	s12 =	sshra.s32 s11, $0x2;
	v5 =	vsel vm0, v5, v4  }
0xed: {  	s11 =	sadd.s32 $0x40, s11;
	v4 =	vld [tilespmem:s12+$0x17428];
	[tilespmem:s10+$0x17628] =	vst v5;
	s10 =	smov.u32 s12  }
0xee: {  	v5 =	vld [tilespmem:s10+$0x17628];
	_ =	sdelay $0x4  }
0xef: {  	s0 =	sld [smem:$0x7F0];
	vm0 =	vgt.s32 v5, v4  }
0xf0: {  	v4 =	vsel vm0, v5, v4  }
0xf1: {  	[tilespmem:s10+$0x17628] =	vst v4  }
0xf2: {  	[tilespmem:s3], [sflag:$0x3] =	stream.linear.gather [spmem:s0], $0x200, $0x38;
	[tilespmem:$0x1CE28] =	vst v63  }
0xf3: {  	_ =	swait.ge [sflag:s22], $0x200  }
0xf4: {  	[sflag:s22] =	ssyncset.done $0x0  }
0xf5: {  	s10 =	simm.s32 $0x0;
	[sflag:s22] =	ssyncadd.s32 $0xFFFFFE00  }
0xf6: {  	s11 =	simm.s32 $0x40;
	v4 =	vld [tilespmem:s10+$0x17428]  }
.LBB2_20:
0xf7: {  	p0 =	sne.s32 s11, $0x7C0;
	v5 =	vld [tilespmem:s10+$0x17628];
	_ =	sdelay $0x2  }
.Ltmp9:
0xf8: {  	(pc) =	sbr.rel @p0 .LBB2_20-.Ltmp9, $4  }
0xf9: {  	_ = 	snop  }
0xfa: {  	vm0 =	vgt.s32 v5, v4  }
0xfb: {  	s12 =	sshra.s32 s11, $0x2;
	v5 =	vsel vm0, v5, v4  }
0xfc: {  	s11 =	sadd.s32 $0x40, s11;
	v4 =	vld [tilespmem:s12+$0x17428];
	[tilespmem:s10+$0x17628] =	vst v5;
	s10 =	smov.u32 s12  }
0xfd: {  	v5 =	vld [tilespmem:s10+$0x17628];
	_ =	sdelay $0x4  }
0xfe: {  	s0 =	sld [smem:$0x7F1];
	vm0 =	vgt.s32 v5, v4  }
0xff: {  	v4 =	vsel vm0, v5, v4  }
0x100: {  	[tilespmem:s10+$0x17628] =	vst v4  }
0x101: {  	[tilespmem:s3], [sflag:$0x3] =	stream.linear.gather [spmem:s0], $0x200, $0x38;
	[tilespmem:$0x1CE28] =	vst v63  }
0x102: {  	_ =	swait.ge [sflag:s22], $0x200  }
0x103: {  	[sflag:s22] =	ssyncset.done $0x0  }
0x104: {  	s10 =	simm.s32 $0x0;
	[sflag:s22] =	ssyncadd.s32 $0xFFFFFE00  }
0x105: {  	s11 =	simm.s32 $0x40;
	v4 =	vld [tilespmem:s10+$0x17428]  }
.LBB2_22:
0x106: {  	p0 =	sne.s32 s11, $0x7C0;
	v5 =	vld [tilespmem:s10+$0x17628];
	_ =	sdelay $0x2  }
.Ltmp10:
0x107: {  	(pc) =	sbr.rel @p0 .LBB2_22-.Ltmp10, $4  }
0x108: {  	_ = 	snop  }
0x109: {  	vm0 =	vgt.s32 v5, v4  }
0x10a: {  	s12 =	sshra.s32 s11, $0x2;
	v5 =	vsel vm0, v5, v4  }
0x10b: {  	s11 =	sadd.s32 $0x40, s11;
	v4 =	vld [tilespmem:s12+$0x17428];
	[tilespmem:s10+$0x17628] =	vst v5;
	s10 =	smov.u32 s12  }
0x10c: {  	v5 =	vld [tilespmem:s10+$0x17628];
	_ =	sdelay $0x4  }
0x10d: {  	s0 =	sld [smem:$0x7F2];
	vm0 =	vgt.s32 v5, v4  }
0x10e: {  	v4 =	vsel vm0, v5, v4  }
0x10f: {  	[tilespmem:s10+$0x17628] =	vst v4  }
0x110: {  	[tilespmem:s3], [sflag:$0x3] =	stream.linear.gather [spmem:s0], $0x200, $0x38;
	[tilespmem:$0x1CE28] =	vst v63  }
0x111: {  	_ =	swait.ge [sflag:s22], $0x200  }
0x112: {  	[sflag:s22] =	ssyncset.done $0x0  }
0x113: {  	s10 =	simm.s32 $0x0;
	[sflag:s22] =	ssyncadd.s32 $0xFFFFFE00  }
0x114: {  	s11 =	simm.s32 $0x40;
	v4 =	vld [tilespmem:s10+$0x17428]  }
.LBB2_24:
0x115: {  	p0 =	sne.s32 s11, $0x7C0;
	v5 =	vld [tilespmem:s10+$0x17628];
	_ =	sdelay $0x2  }
.Ltmp11:
0x116: {  	(pc) =	sbr.rel @p0 .LBB2_24-.Ltmp11, $4  }
0x117: {  	_ = 	snop  }
0x118: {  	vm0 =	vgt.s32 v5, v4  }
0x119: {  	s12 =	sshra.s32 s11, $0x2;
	v5 =	vsel vm0, v5, v4  }
0x11a: {  	s11 =	sadd.s32 $0x40, s11;
	v4 =	vld [tilespmem:s12+$0x17428];
	[tilespmem:s10+$0x17628] =	vst v5;
	s10 =	smov.u32 s12  }
0x11b: {  	v5 =	vld [tilespmem:s10+$0x17628];
	_ =	sdelay $0x4  }
0x11c: {  	s0 =	sld [smem:$0x7F3];
	vm0 =	vgt.s32 v5, v4  }
0x11d: {  	v4 =	vsel vm0, v5, v4  }
0x11e: {  	[tilespmem:s10+$0x17628] =	vst v4  }
0x11f: {  	[tilespmem:s3], [sflag:$0x3] =	stream.linear.gather [spmem:s0], $0x200, $0x38;
	[tilespmem:$0x1CE28] =	vst v63  }
0x120: {  	_ =	swait.ge [sflag:s22], $0x200  }
0x121: {  	[sflag:s22] =	ssyncset.done $0x0  }
0x122: {  	s10 =	simm.s32 $0x0;
	[sflag:s22] =	ssyncadd.s32 $0xFFFFFE00  }
0x123: {  	s11 =	simm.s32 $0x40;
	v4 =	vld [tilespmem:s10+$0x17428]  }
.LBB2_26:
0x124: {  	p0 =	sne.s32 s11, $0x7C0;
	v5 =	vld [tilespmem:s10+$0x17628];
	_ =	sdelay $0x2  }
.Ltmp12:
0x125: {  	(pc) =	sbr.rel @p0 .LBB2_26-.Ltmp12, $4  }
0x126: {  	_ = 	snop  }
0x127: {  	vm0 =	vgt.s32 v5, v4  }
0x128: {  	s12 =	sshra.s32 s11, $0x2;
	v5 =	vsel vm0, v5, v4  }
0x129: {  	s11 =	sadd.s32 $0x40, s11;
	v4 =	vld [tilespmem:s12+$0x17428];
	[tilespmem:s10+$0x17628] =	vst v5;
	s10 =	smov.u32 s12  }
0x12a: {  	v5 =	vld [tilespmem:s10+$0x17628];
	_ =	sdelay $0x4  }
0x12b: {  	s0 =	sld [smem:$0x7F4];
	vm0 =	vgt.s32 v5, v4  }
0x12c: {  	v4 =	vsel vm0, v5, v4  }
0x12d: {  	[tilespmem:s10+$0x17628] =	vst v4  }
0x12e: {  	[tilespmem:s3], [sflag:$0x3] =	stream.linear.gather [spmem:s0], $0x200, $0x38;
	[tilespmem:$0x1CE28] =	vst v63  }
0x12f: {  	_ =	swait.ge [sflag:s22], $0x200  }
0x130: {  	[sflag:s22] =	ssyncset.done $0x0  }
0x131: {  	s10 =	simm.s32 $0x0;
	[sflag:s22] =	ssyncadd.s32 $0xFFFFFE00  }
0x132: {  	s11 =	simm.s32 $0x40;
	v4 =	vld [tilespmem:s10+$0x17428]  }
.LBB2_28:
0x133: {  	p0 =	sne.s32 s11, $0x7C0;
	v5 =	vld [tilespmem:s10+$0x17628];
	_ =	sdelay $0x2  }
.Ltmp13:
0x134: {  	(pc) =	sbr.rel @p0 .LBB2_28-.Ltmp13, $4  }
0x135: {  	_ = 	snop  }
0x136: {  	vm0 =	vgt.s32 v5, v4  }
0x137: {  	s12 =	sshra.s32 s11, $0x2;
	v5 =	vsel vm0, v5, v4  }
0x138: {  	s11 =	sadd.s32 $0x40, s11;
	v4 =	vld [tilespmem:s12+$0x17428];
	[tilespmem:s10+$0x17628] =	vst v5;
	s10 =	smov.u32 s12  }
0x139: {  	v5 =	vld [tilespmem:s10+$0x17628];
	_ =	sdelay $0x4  }
0x13a: {  	s0 =	sld [smem:$0x7F5];
	vm0 =	vgt.s32 v5, v4  }
0x13b: {  	v4 =	vsel vm0, v5, v4  }
0x13c: {  	[tilespmem:s10+$0x17628] =	vst v4  }
0x13d: {  	[tilespmem:s3], [sflag:$0x3] =	stream.linear.gather [spmem:s0], $0x200, $0x38;
	[tilespmem:$0x1CE28] =	vst v63  }
0x13e: {  	_ =	swait.ge [sflag:s22], $0x200  }
0x13f: {  	[sflag:s22] =	ssyncset.done $0x0  }
0x140: {  	s10 =	simm.s32 $0x0;
	[sflag:s22] =	ssyncadd.s32 $0xFFFFFE00  }
0x141: {  	s11 =	simm.s32 $0x40;
	v4 =	vld [tilespmem:s10+$0x17428]  }
.LBB2_30:
0x142: {  	p0 =	sne.s32 s11, $0x7C0;
	v5 =	vld [tilespmem:s10+$0x17628];
	_ =	sdelay $0x2  }
.Ltmp14:
0x143: {  	(pc) =	sbr.rel @p0 .LBB2_30-.Ltmp14, $4  }
0x144: {  	_ = 	snop  }
0x145: {  	vm0 =	vgt.s32 v5, v4  }
0x146: {  	s12 =	sshra.s32 s11, $0x2;
	v5 =	vsel vm0, v5, v4  }
0x147: {  	s11 =	sadd.s32 $0x40, s11;
	v4 =	vld [tilespmem:s12+$0x17428];
	[tilespmem:s10+$0x17628] =	vst v5;
	s10 =	smov.u32 s12  }
0x148: {  	v5 =	vld [tilespmem:s10+$0x17628];
	_ =	sdelay $0x4  }
0x149: {  	s0 =	sld [smem:$0x7F6];
	vm0 =	vgt.s32 v5, v4  }
0x14a: {  	v4 =	vsel vm0, v5, v4  }
0x14b: {  	[tilespmem:s10+$0x17628] =	vst v4  }
0x14c: {  	[tilespmem:s3], [sflag:$0x3] =	stream.linear.gather [spmem:s0], $0x200, $0x38;
	[tilespmem:$0x1CE28] =	vst v63  }
0x14d: {  	_ =	swait.ge [sflag:s22], $0x200  }
0x14e: {  	[sflag:s22] =	ssyncset.done $0x0  }
0x14f: {  	s10 =	simm.s32 $0x0;
	[sflag:s22] =	ssyncadd.s32 $0xFFFFFE00  }
0x150: {  	s11 =	simm.s32 $0x40;
	v4 =	vld [tilespmem:s10+$0x17428]  }
.LBB2_32:
0x151: {  	p0 =	sne.s32 s11, $0x7C0;
	v5 =	vld [tilespmem:s10+$0x17628];
	_ =	sdelay $0x2  }
.Ltmp15:
0x152: {  	(pc) =	sbr.rel @p0 .LBB2_32-.Ltmp15, $4  }
0x153: {  	_ = 	snop  }
0x154: {  	vm0 =	vgt.s32 v5, v4  }
0x155: {  	s12 =	sshra.s32 s11, $0x2;
	v5 =	vsel vm0, v5, v4  }
0x156: {  	s11 =	sadd.s32 $0x40, s11;
	v4 =	vld [tilespmem:s12+$0x17428];
	[tilespmem:s10+$0x17628] =	vst v5;
	s10 =	smov.u32 s12  }
0x157: {  	v5 =	vld [tilespmem:s10+$0x17628];
	_ =	sdelay $0x4  }
0x158: {  	s0 =	sld [smem:$0x7F7];
	vm0 =	vgt.s32 v5, v4  }
0x159: {  	v4 =	vsel vm0, v5, v4  }
0x15a: {  	[tilespmem:s10+$0x17628] =	vst v4  }
0x15b: {  	[tilespmem:s3], [sflag:$0x3] =	stream.linear.gather [spmem:s0], $0x200, $0x38;
	[tilespmem:$0x1CE28] =	vst v63  }
0x15c: {  	_ =	swait.ge [sflag:s22], $0x200  }
0x15d: {  	[sflag:s22] =	ssyncset.done $0x0  }
0x15e: {  	s10 =	simm.s32 $0x0;
	[sflag:s22] =	ssyncadd.s32 $0xFFFFFE00  }
0x15f: {  	s11 =	simm.s32 $0x40;
	v4 =	vld [tilespmem:s10+$0x17428]  }
.LBB2_34:
0x160: {  	p0 =	sne.s32 s11, $0x7C0;
	v5 =	vld [tilespmem:s10+$0x17628];
	_ =	sdelay $0x2  }
.Ltmp16:
0x161: {  	(pc) =	sbr.rel @p0 .LBB2_34-.Ltmp16, $4  }
0x162: {  	_ = 	snop  }
0x163: {  	vm0 =	vgt.s32 v5, v4  }
0x164: {  	s12 =	sshra.s32 s11, $0x2;
	v5 =	vsel vm0, v5, v4  }
0x165: {  	s11 =	sadd.s32 $0x40, s11;
	v4 =	vld [tilespmem:s12+$0x17428];
	[tilespmem:s10+$0x17628] =	vst v5;
	s10 =	smov.u32 s12  }
0x166: {  	v5 =	vld [tilespmem:s10+$0x17628];
	_ =	sdelay $0x4  }
0x167: {  	s0 =	sld [smem:$0x7F8];
	vm0 =	vgt.s32 v5, v4  }
0x168: {  	v4 =	vsel vm0, v5, v4  }
0x169: {  	[tilespmem:s10+$0x17628] =	vst v4  }
0x16a: {  	[tilespmem:s3], [sflag:$0x3] =	stream.linear.gather [spmem:s0], $0x200, $0x38;
	[tilespmem:$0x1CE28] =	vst v63  }
0x16b: {  	_ =	swait.ge [sflag:s22], $0x200  }
0x16c: {  	[sflag:s22] =	ssyncset.done $0x0  }
0x16d: {  	s10 =	simm.s32 $0x0;
	[sflag:s22] =	ssyncadd.s32 $0xFFFFFE00  }
0x16e: {  	s11 =	simm.s32 $0x40;
	v4 =	vld [tilespmem:s10+$0x17428]  }
.LBB2_36:
0x16f: {  	p0 =	sne.s32 s11, $0x7C0;
	v5 =	vld [tilespmem:s10+$0x17628];
	_ =	sdelay $0x2  }
.Ltmp17:
0x170: {  	(pc) =	sbr.rel @p0 .LBB2_36-.Ltmp17, $4  }
0x171: {  	_ = 	snop  }
0x172: {  	vm0 =	vgt.s32 v5, v4  }
0x173: {  	s12 =	sshra.s32 s11, $0x2;
	v5 =	vsel vm0, v5, v4  }
0x174: {  	s11 =	sadd.s32 $0x40, s11;
	v4 =	vld [tilespmem:s12+$0x17428];
	[tilespmem:s10+$0x17628] =	vst v5;
	s10 =	smov.u32 s12  }
0x175: {  	v5 =	vld [tilespmem:s10+$0x17628];
	_ =	sdelay $0x4  }
0x176: {  	s0 =	sld [smem:$0x7F9];
	vm0 =	vgt.s32 v5, v4  }
0x177: {  	v4 =	vsel vm0, v5, v4  }
0x178: {  	[tilespmem:s10+$0x17628] =	vst v4  }
0x179: {  	[tilespmem:s3], [sflag:$0x3] =	stream.linear.gather [spmem:s0], $0x200, $0x38;
	[tilespmem:$0x1CE28] =	vst v63  }
0x17a: {  	_ =	swait.ge [sflag:s22], $0x200  }
0x17b: {  	[sflag:s22] =	ssyncset.done $0x0  }
0x17c: {  	s11 =	simm.s32 $0x0;
	[sflag:s22] =	ssyncadd.s32 $0xFFFFFE00  }
0x17d: {  	s12 =	simm.s32 $0x40;
	s10 =	simm.s32 $0x0;
	v4 =	vld [tilespmem:s11+$0x17428]  }
.LBB2_38:
0x17e: {  	p0 =	sne.s32 s12, $0x7C0;
	v5 =	vld [tilespmem:s11+$0x17628];
	_ =	sdelay $0x2  }
.Ltmp18:
0x17f: {  	(pc) =	sbr.rel @p0 .LBB2_38-.Ltmp18, $4  }
0x180: {  	_ = 	snop  }
0x181: {  	vm0 =	vgt.s32 v5, v4  }
0x182: {  	s13 =	sshra.s32 s12, $0x2;
	v5 =	vsel vm0, v5, v4  }
0x183: {  	s12 =	sadd.s32 $0x40, s12;
	v4 =	vld [tilespmem:s13+$0x17428];
	[tilespmem:s11+$0x17628] =	vst v5;
	s11 =	smov.u32 s13  }
0x184: {  	v5 =	vld [tilespmem:s11+$0x17628];
	_ =	sdelay $0x4  }
0x185: {  	vm0 =	vgt.s32 v5, v4  }
0x186: {  	v4 =	vsel vm0, v5, v4  }
0x187: {  	s31 =	simm.s32 $0x17628;
	[tilespmem:s11+$0x17628] =	vst v4  }
0x188: {  	v4 =	vld [tilespmem:s31+$0x0];
	_ =	sdelay $0x3  }
0x189: {  	s10 =	sor.u32 s14, s10  }
0x18a: {  	v5 =	vor.u32 s10, v0;
	vm15 =	vgt.s32 v4, $0x0;
	v4 =	vadd.s32 $0xFFFFFFFF, v4  }
0x18b: {  	s10 =	simm.s32 $0x17A28;
	v4 =	vsel vm15, v4, v5  }
0x18c: {  	s12 =	rddreg [dreg:$0x17];
	[tilespmem:s10+$0x0] =	vst v4  }
0x18d: {  	v4 =	vld [tilespmem:s12+$0x0];
	_ =	sdelay $0x3  }
0x18e: {  	s11 =	simm.s32 $0x17828  }
0x18f: {  	s13 =	simm.s32 $0x17638;
	[tilespmem:s11+$0x0] =	vst v4  }
0x190: {  	[smem:$0x7EB] =	sst s2;
	s15 =	simm.s32 $0x10;
	s16 =	simm.s32 $0x20;
	v4 =	vld [tilespmem:s13+$0x0]  }
.LBB2_40:
0x191: {  	p0 =	sne.s32 s16, $0x1F0;
	_ =	sdelay $0x2  }
0x192: {  	s17 =	sor.u32 s14, s15;
	s15 =	smov.u32 s16  }
0x193: {  	v5 =	vor.u32 s17, v0;
	vm0 =	vgt.s32 v4, $0x0;
	v4 =	vadd.s32 $0xFFFFFFFF, v4  }
0x194: {  	s10 =	sadd.s32 $0x10, s10;
	v4 =	vsel vm0, v4, v5  }
0x195: {  	s12 =	sadd.s32 $0x10, s12;
	[tilespmem:s10+$0x0] =	vst v4  }
0x196: {  	v4 =	vld [tilespmem:s12+$0x0];
	_ =	sdelay $0x1  }
.Ltmp19:
0x197: {  	(pc) =	sbr.rel @p0 .LBB2_40-.Ltmp19, $4  }
0x198: {  	_ = 	snop  }
0x199: {  	s11 =	sadd.s32 $0x10, s11  }
0x19a: {  	s13 =	sadd.s32 $0x10, s13;
	[tilespmem:s11+$0x0] =	vst v4  }
0x19b: {  	s16 =	sadd.s32 $0x10, s16;
	v4 =	vld [tilespmem:s13+$0x0]  }
0x19c: {  	_ =	sdelay $0x2  }
0x19d: {  	s13 =	sor.u32 s14, s15  }
0x19e: {  	v5 =	vor.u32 s13, v0;
	vm0 =	vgt.s32 v4, $0x0;
	v4 =	vadd.s32 $0xFFFFFFFF, v4  }
0x19f: {  	s10 =	sadd.s32 $0x10, s10;
	v4 =	vsel vm0, v4, v5  }
0x1a0: {  	s23 =	sadd.s32 $0x10, s12;
	[tilespmem:s10+$0x0] =	vst v4  }
0x1a1: {  	v4 =	vld [tilespmem:s23+$0x0];
	_ =	sdelay $0x3  }
0x1a2: {  	s26 =	sadd.s32 $0x10, s11  }
0x1a3: {  	s2 =	simm.s32 $0x17828;
	s10 =	rddreg [dreg:$0x0];
	[tilespmem:s26+$0x0] =	vst v4  }
0x1a4: {  	[tilespmem:s1], [sflag:$0x1] =	stream.indirect.gather [hbm4b:s10+s25], $0x1, s2, s25, $0xb8;
	[tilespmem:$0x1CE28] =	vst v63  }
0x1a5: {  	s11 =	rddreg [dreg:$0x1];
	s0 =	simm.s32 $0x186A8  }
0x1a6: {  	[tilespmem:s0], [sflag:$0x1] =	stream.indirect.gather [hbm4b:s11+s25], $0x1, s2, s25, $0xb8;
	[tilespmem:$0x1CE28] =	vst v63  }
0x1a7: {  	s28 =	simm.s32 $0x18728;
	s13 =	rddreg [dreg:$0x7]  }
0x1a8: {  	[tilespmem:s28], [sflag:$0x1] =	stream.indirect.gather [hbm4b:s13+s25], $0x1, s2, s25, $0xb8;
	[tilespmem:$0x1CE28] =	vst v63  }
0x1a9: {  	s15 =	rddreg [dreg:$0x8];
	s29 =	simm.s32 $0x187A8  }
0x1aa: {  	[tilespmem:s29], [sflag:$0x1] =	stream.indirect.gather [hbm4b:s15+s25], $0x1, s2, s25, $0xb8;
	[tilespmem:$0x1CE28] =	vst v63  }
0x1ab: {  	s16 =	rddreg [dreg:$0x9];
	s30 =	simm.s32 $0x18828  }
0x1ac: {  	[tilespmem:s30], [sflag:$0x1] =	stream.indirect.gather [hbm4b:s16+s25], $0x1, s2, s25, $0xb8;
	[tilespmem:$0x1CE28] =	vst v63  }
0x1ad: {  	s17 =	rddreg [dreg:$0xa];
	s31 =	simm.s32 $0x188A8  }
0x1ae: {  	[tilespmem:s31], [sflag:$0x1] =	stream.indirect.gather [hbm4b:s17+s25], $0x1, s2, s25, $0xb8;
	[tilespmem:$0x1CE28] =	vst v63  }
0x1af: {  	s18 =	rddreg [dreg:$0xb];
	s1 =	simm.s32 $0x18928  }
0x1b0: {  	[tilespmem:s1], [sflag:$0x1] =	stream.indirect.gather [hbm4b:s18+s25], $0x1, s2, s25, $0xb8;
	[tilespmem:$0x1CE28] =	vst v63  }
0x1b1: {  	s19 =	rddreg [dreg:$0xc];
	s3 =	simm.s32 $0x189A8  }
0x1b2: {  	[tilespmem:s3], [sflag:$0x1] =	stream.indirect.gather [hbm4b:s19+s25], $0x1, s2, s25, $0xb8;
	[tilespmem:$0x1CE28] =	vst v63  }
0x1b3: {  	s4 =	simm.s32 $0x18A28;
	s23 =	rddreg [dreg:$0xd]  }
0x1b4: {  	[tilespmem:s4], [sflag:$0x1] =	stream.indirect.gather [hbm4b:s23+s25], $0x1, s2, s25, $0xb8;
	[tilespmem:$0x1CE28] =	vst v63  }
0x1b5: {  	s6 =	simm.s32 $0x18AA8;
	s26 =	rddreg [dreg:$0xe]  }
0x1b6: {  	[tilespmem:s6], [sflag:$0x1] =	stream.indirect.gather [hbm4b:s26+s25], $0x1, s2, s25, $0xb8;
	[tilespmem:$0x1CE28] =	vst v63  }
0x1b7: {  	s7 =	simm.s32 $0x18B28;
	s28 =	rddreg [dreg:$0xf]  }
0x1b8: {  	[tilespmem:s7], [sflag:$0x1] =	stream.indirect.gather [hbm4b:s28+s25], $0x1, s2, s25, $0xb8;
	[tilespmem:$0x1CE28] =	vst v63  }
0x1b9: {  	s8 =	simm.s32 $0x18BA8;
	s29 =	rddreg [dreg:$0x10]  }
0x1ba: {  	[tilespmem:s8], [sflag:$0x1] =	stream.indirect.gather [hbm4b:s29+s25], $0x1, s2, s25, $0xb8;
	[tilespmem:$0x1CE28] =	vst v63  }
0x1bb: {  	s9 =	simm.s32 $0x18C28;
	s30 =	rddreg [dreg:$0x11]  }
0x1bc: {  	[tilespmem:s9], [sflag:$0x1] =	stream.indirect.gather [hbm4b:s30+s25], $0x1, s2, s25, $0xb8;
	[tilespmem:$0x1CE28] =	vst v63  }
0x1bd: {  	s12 =	simm.s32 $0x18CA8;
	s31 =	rddreg [dreg:$0x12]  }
0x1be: {  	[tilespmem:s12], [sflag:$0x1] =	stream.indirect.gather [hbm4b:s31+s25], $0x1, s2, s25, $0xb8;
	[tilespmem:$0x1CE28] =	vst v63  }
0x1bf: {  	s20 =	simm.s32 $0x18D28;
	s0 =	rddreg [dreg:$0x16]  }
0x1c0: {  	[tilespmem:s20], [sflag:$0x1] =	stream.indirect.gather [hbm4b:s0+s25], $0x1, s2, s25, $0xb8;
	[tilespmem:$0x1CE28] =	vst v63  }
0x1c1: {  	s21 =	simm.s32 $0x18DA8;
	s7 =	rddreg [dreg:$0x19]  }
0x1c2: {  	[tilespmem:s21], [sflag:$0x1] =	stream.indirect.gather [hbm4b:s7+s25], $0x1, s2, s25, $0xb8;
	[tilespmem:$0x1CE28] =	vst v63  }
0x1c3: {  	s3 =	simm.s32 $0x18E28;
	s20 =	rddreg [dreg:$0x1a]  }
0x1c4: {  	[tilespmem:s3], [sflag:$0x1] =	stream.indirect.gather [hbm4b:s20+s25], $0x1, s2, s25, $0xb8;
	[tilespmem:$0x1CE28] =	vst v63  }
0x1c5: {  	s4 =	simm.s32 $0x18EA8;
	s21 =	rddreg [dreg:$0x1b]  }
0x1c6: {  	[tilespmem:s4], [sflag:$0x1] =	stream.indirect.gather [hbm4b:s21+s25], $0x1, s2, s25, $0xb8;
	[tilespmem:$0x1CE28] =	vst v63  }
0x1c7: {  	s1 =	rddreg [dreg:$0x1c];
	s9 =	simm.s32 $0x18F28  }
0x1c8: {  	[tilespmem:s9], [sflag:$0x1] =	stream.indirect.gather [hbm4b:s1+s25], $0x1, s2, s25, $0xb8;
	[tilespmem:$0x1CE28] =	vst v63  }
0x1c9: {  	s6 =	simm.s32 $0x18FA8;
	s9 =	rddreg [dreg:$0x1d]  }
0x1ca: {  	[tilespmem:s6], [sflag:$0x1] =	stream.indirect.gather [hbm4b:s9+s25], $0x1, s2, s25, $0xb8;
	[tilespmem:$0x1CE28] =	vst v63  }
0x1cb: {  	s8 =	simm.s32 $0x17C28;
	s12 =	rddreg [dreg:$0x3];
	s3 =	simm.s32 $0x17A28  }
0x1cc: {  	[tilespmem:s8], [sflag:$0x2] =	stream.indirect.gather [hbm4b:s12+s25], $0x1, s3, s25, $0xb8;
	[tilespmem:$0x1CE28] =	vst v63  }
0x1cd: {  	_ =	swait.ge [sflag:s24], $0x80  }
0x1ce: {  	[sflag:s24] =	ssyncset.done $0x0  }
0x1cf: {  	[sflag:s24] =	ssyncadd.s32 $0xFFFFFF80  }
0x1d0: {  	_ =	swait.ge [sflag:s24], $0x80  }
0x1d1: {  	[sflag:s24] =	ssyncset.done $0x0  }
0x1d2: {  	[sflag:s24] =	ssyncadd.s32 $0xFFFFFF80  }
0x1d3: {  	_ =	swait.ge [sflag:s24], $0x80  }
0x1d4: {  	[sflag:s24] =	ssyncset.done $0x0  }
0x1d5: {  	[sflag:s24] =	ssyncadd.s32 $0xFFFFFF80  }
0x1d6: {  	_ =	swait.ge [sflag:s24], $0x80  }
0x1d7: {  	[sflag:s24] =	ssyncset.done $0x0  }
0x1d8: {  	[sflag:s24] =	ssyncadd.s32 $0xFFFFFF80  }
0x1d9: {  	_ =	swait.ge [sflag:s24], $0x80  }
0x1da: {  	[sflag:s24] =	ssyncset.done $0x0  }
0x1db: {  	[sflag:s24] =	ssyncadd.s32 $0xFFFFFF80  }
0x1dc: {  	_ =	swait.ge [sflag:s24], $0x80  }
0x1dd: {  	[sflag:s24] =	ssyncset.done $0x0  }
0x1de: {  	[sflag:s24] =	ssyncadd.s32 $0xFFFFFF80  }
0x1df: {  	_ =	swait.ge [sflag:s24], $0x80  }
0x1e0: {  	[sflag:s24] =	ssyncset.done $0x0  }
0x1e1: {  	[sflag:s24] =	ssyncadd.s32 $0xFFFFFF80  }
0x1e2: {  	_ =	swait.ge [sflag:s24], $0x80  }
0x1e3: {  	[sflag:s24] =	ssyncset.done $0x0  }
0x1e4: {  	[sflag:s24] =	ssyncadd.s32 $0xFFFFFF80  }
0x1e5: {  	_ =	swait.ge [sflag:s24], $0x80  }
0x1e6: {  	[sflag:s24] =	ssyncset.done $0x0  }
0x1e7: {  	[sflag:s24] =	ssyncadd.s32 $0xFFFFFF80  }
0x1e8: {  	_ =	swait.ge [sflag:s24], $0x80  }
0x1e9: {  	[sflag:s24] =	ssyncset.done $0x0  }
0x1ea: {  	[sflag:s24] =	ssyncadd.s32 $0xFFFFFF80  }
0x1eb: {  	_ =	swait.ge [sflag:s24], $0x80  }
0x1ec: {  	[sflag:s24] =	ssyncset.done $0x0  }
0x1ed: {  	[sflag:s24] =	ssyncadd.s32 $0xFFFFFF80  }
0x1ee: {  	_ =	swait.ge [sflag:s24], $0x80  }
0x1ef: {  	[sflag:s24] =	ssyncset.done $0x0  }
0x1f0: {  	[sflag:s24] =	ssyncadd.s32 $0xFFFFFF80  }
0x1f1: {  	_ =	swait.ge [sflag:s24], $0x80  }
0x1f2: {  	[sflag:s24] =	ssyncset.done $0x0  }
0x1f3: {  	[sflag:s24] =	ssyncadd.s32 $0xFFFFFF80  }
0x1f4: {  	_ =	swait.ge [sflag:s24], $0x80  }
0x1f5: {  	[sflag:s24] =	ssyncset.done $0x0  }
0x1f6: {  	[sflag:s24] =	ssyncadd.s32 $0xFFFFFF80  }
0x1f7: {  	_ =	swait.ge [sflag:s24], $0x80  }
0x1f8: {  	[sflag:s24] =	ssyncset.done $0x0  }
0x1f9: {  	[sflag:s24] =	ssyncadd.s32 $0xFFFFFF80  }
0x1fa: {  	_ =	swait.ge [sflag:s24], $0x80  }
0x1fb: {  	[sflag:s24] =	ssyncset.done $0x0  }
0x1fc: {  	[sflag:s24] =	ssyncadd.s32 $0xFFFFFF80  }
0x1fd: {  	_ =	swait.ge [sflag:s24], $0x80  }
0x1fe: {  	[sflag:s24] =	ssyncset.done $0x0  }
0x1ff: {  	[sflag:s24] =	ssyncadd.s32 $0xFFFFFF80  }
0x200: {  	_ =	swait.ge [sflag:s24], $0x80  }
0x201: {  	[sflag:s24] =	ssyncset.done $0x0  }
0x202: {  	[sflag:s24] =	ssyncadd.s32 $0xFFFFFF80  }
0x203: {  	_ =	swait.ge [sflag:s24], $0x80  }
0x204: {  	[sflag:s24] =	ssyncset.done $0x0  }
0x205: {  	[sflag:s24] =	ssyncadd.s32 $0xFFFFFF80  }
0x206: {  	_ =	swait.ge [sflag:s24], $0x80  }
0x207: {  	[sflag:s24] =	ssyncset.done $0x0  }
0x208: {  	s3 =	simm.s32 $0x2;
	[sflag:s24] =	ssyncadd.s32 $0xFFFFFF80  }
0x209: {  	_ =	swait.ge [sflag:s3], $0x80  }
0x20a: {  	[sflag:s3] =	ssyncset.done $0x0  }
0x20b: {  	s4 =	simm.s32 $0x19028;
	s6 =	simm.s32 $0x178A8;
	[sflag:s3] =	ssyncadd.s32 $0xFFFFFF80  }
0x20c: {  	[tilespmem:s4], [sflag:$0x1] =	stream.indirect.gather [hbm4b:s10+s25], $0x1, s6, s25, $0xb8;
	[tilespmem:$0x1CE28] =	vst v63  }
0x20d: {  	s2 =	simm.s32 $0x190A8  }
0x20e: {  	[tilespmem:s2], [sflag:$0x1] =	stream.indirect.gather [hbm4b:s11+s25], $0x1, s6, s25, $0xb8;
	[tilespmem:$0x1CE28] =	vst v63  }
0x20f: {  	s8 =	simm.s32 $0x19128  }
0x210: {  	[tilespmem:s8], [sflag:$0x1] =	stream.indirect.gather [hbm4b:s13+s25], $0x1, s6, s25, $0xb8;
	[tilespmem:$0x1CE28] =	vst v63  }
0x211: {  	s2 =	simm.s32 $0x191A8  }
0x212: {  	[tilespmem:s2], [sflag:$0x1] =	stream.indirect.gather [hbm4b:s15+s25], $0x1, s6, s25, $0xb8;
	[tilespmem:$0x1CE28] =	vst v63  }
0x213: {  	s8 =	simm.s32 $0x19228  }
0x214: {  	[tilespmem:s8], [sflag:$0x1] =	stream.indirect.gather [hbm4b:s16+s25], $0x1, s6, s25, $0xb8;
	[tilespmem:$0x1CE28] =	vst v63  }
0x215: {  	s2 =	simm.s32 $0x192A8  }
0x216: {  	[tilespmem:s2], [sflag:$0x1] =	stream.indirect.gather [hbm4b:s17+s25], $0x1, s6, s25, $0xb8;
	[tilespmem:$0x1CE28] =	vst v63  }
0x217: {  	s8 =	simm.s32 $0x19328  }
0x218: {  	[tilespmem:s8], [sflag:$0x1] =	stream.indirect.gather [hbm4b:s18+s25], $0x1, s6, s25, $0xb8;
	[tilespmem:$0x1CE28] =	vst v63  }
0x219: {  	s2 =	simm.s32 $0x193A8  }
0x21a: {  	[tilespmem:s2], [sflag:$0x1] =	stream.indirect.gather [hbm4b:s19+s25], $0x1, s6, s25, $0xb8;
	[tilespmem:$0x1CE28] =	vst v63  }
0x21b: {  	s8 =	simm.s32 $0x19428  }
0x21c: {  	[tilespmem:s8], [sflag:$0x1] =	stream.indirect.gather [hbm4b:s23+s25], $0x1, s6, s25, $0xb8;
	[tilespmem:$0x1CE28] =	vst v63  }
0x21d: {  	s2 =	simm.s32 $0x194A8  }
0x21e: {  	[tilespmem:s2], [sflag:$0x1] =	stream.indirect.gather [hbm4b:s26+s25], $0x1, s6, s25, $0xb8;
	[tilespmem:$0x1CE28] =	vst v63  }
0x21f: {  	s8 =	simm.s32 $0x19528  }
0x220: {  	[tilespmem:s8], [sflag:$0x1] =	stream.indirect.gather [hbm4b:s28+s25], $0x1, s6, s25, $0xb8;
	[tilespmem:$0x1CE28] =	vst v63  }
0x221: {  	s2 =	simm.s32 $0x195A8  }
0x222: {  	[tilespmem:s2], [sflag:$0x1] =	stream.indirect.gather [hbm4b:s29+s25], $0x1, s6, s25, $0xb8;
	[tilespmem:$0x1CE28] =	vst v63  }
0x223: {  	s8 =	simm.s32 $0x19628  }
0x224: {  	[tilespmem:s8], [sflag:$0x1] =	stream.indirect.gather [hbm4b:s30+s25], $0x1, s6, s25, $0xb8;
	[tilespmem:$0x1CE28] =	vst v63  }
0x225: {  	s2 =	simm.s32 $0x196A8  }
0x226: {  	[tilespmem:s2], [sflag:$0x1] =	stream.indirect.gather [hbm4b:s31+s25], $0x1, s6, s25, $0xb8;
	[tilespmem:$0x1CE28] =	vst v63  }
0x227: {  	s8 =	simm.s32 $0x19728  }
0x228: {  	[tilespmem:s8], [sflag:$0x1] =	stream.indirect.gather [hbm4b:s0+s25], $0x1, s6, s25, $0xb8;
	[tilespmem:$0x1CE28] =	vst v63  }
0x229: {  	s2 =	simm.s32 $0x197A8  }
0x22a: {  	[tilespmem:s2], [sflag:$0x1] =	stream.indirect.gather [hbm4b:s7+s25], $0x1, s6, s25, $0xb8;
	[tilespmem:$0x1CE28] =	vst v63  }
0x22b: {  	s8 =	simm.s32 $0x19828  }
0x22c: {  	[tilespmem:s8], [sflag:$0x1] =	stream.indirect.gather [hbm4b:s20+s25], $0x1, s6, s25, $0xb8;
	[tilespmem:$0x1CE28] =	vst v63  }
0x22d: {  	s2 =	simm.s32 $0x198A8  }
0x22e: {  	[tilespmem:s2], [sflag:$0x1] =	stream.indirect.gather [hbm4b:s21+s25], $0x1, s6, s25, $0xb8;
	[tilespmem:$0x1CE28] =	vst v63  }
0x22f: {  	s8 =	simm.s32 $0x19928  }
0x230: {  	[tilespmem:s8], [sflag:$0x1] =	stream.indirect.gather [hbm4b:s1+s25], $0x1, s6, s25, $0xb8;
	[tilespmem:$0x1CE28] =	vst v63  }
0x231: {  	s2 =	simm.s32 $0x199A8  }
0x232: {  	[tilespmem:s2], [sflag:$0x1] =	stream.indirect.gather [hbm4b:s9+s25], $0x1, s6, s25, $0xb8;
	[tilespmem:$0x1CE28] =	vst v63  }
0x233: {  	s8 =	simm.s32 $0x17AA8;
	s6 =	simm.s32 $0x17CA8  }
0x234: {  	[tilespmem:s6], [sflag:$0x2] =	stream.indirect.gather [hbm4b:s12+s25], $0x1, s8, s25, $0xb8;
	[tilespmem:$0x1CE28] =	vst v63  }
0x235: {  	_ =	swait.ge [sflag:s24], $0x80  }
0x236: {  	[sflag:s24] =	ssyncset.done $0x0  }
0x237: {  	[sflag:s24] =	ssyncadd.s32 $0xFFFFFF80  }
0x238: {  	_ =	swait.ge [sflag:s24], $0x80  }
0x239: {  	[sflag:s24] =	ssyncset.done $0x0  }
0x23a: {  	[sflag:s24] =	ssyncadd.s32 $0xFFFFFF80  }
0x23b: {  	_ =	swait.ge [sflag:s24], $0x80  }
0x23c: {  	[sflag:s24] =	ssyncset.done $0x0  }
0x23d: {  	[sflag:s24] =	ssyncadd.s32 $0xFFFFFF80  }
0x23e: {  	_ =	swait.ge [sflag:s24], $0x80  }
0x23f: {  	[sflag:s24] =	ssyncset.done $0x0  }
0x240: {  	[sflag:s24] =	ssyncadd.s32 $0xFFFFFF80  }
0x241: {  	_ =	swait.ge [sflag:s24], $0x80  }
0x242: {  	[sflag:s24] =	ssyncset.done $0x0  }
0x243: {  	[sflag:s24] =	ssyncadd.s32 $0xFFFFFF80  }
0x244: {  	_ =	swait.ge [sflag:s24], $0x80  }
0x245: {  	[sflag:s24] =	ssyncset.done $0x0  }
0x246: {  	[sflag:s24] =	ssyncadd.s32 $0xFFFFFF80  }
0x247: {  	_ =	swait.ge [sflag:s24], $0x80  }
0x248: {  	[sflag:s24] =	ssyncset.done $0x0  }
0x249: {  	[sflag:s24] =	ssyncadd.s32 $0xFFFFFF80  }
0x24a: {  	_ =	swait.ge [sflag:s24], $0x80  }
0x24b: {  	[sflag:s24] =	ssyncset.done $0x0  }
0x24c: {  	[sflag:s24] =	ssyncadd.s32 $0xFFFFFF80  }
0x24d: {  	_ =	swait.ge [sflag:s24], $0x80  }
0x24e: {  	[sflag:s24] =	ssyncset.done $0x0  }
0x24f: {  	[sflag:s24] =	ssyncadd.s32 $0xFFFFFF80  }
0x250: {  	_ =	swait.ge [sflag:s24], $0x80  }
0x251: {  	[sflag:s24] =	ssyncset.done $0x0  }
0x252: {  	[sflag:s24] =	ssyncadd.s32 $0xFFFFFF80  }
0x253: {  	_ =	swait.ge [sflag:s24], $0x80  }
0x254: {  	[sflag:s24] =	ssyncset.done $0x0  }
0x255: {  	[sflag:s24] =	ssyncadd.s32 $0xFFFFFF80  }
0x256: {  	_ =	swait.ge [sflag:s24], $0x80  }
0x257: {  	[sflag:s24] =	ssyncset.done $0x0  }
0x258: {  	[sflag:s24] =	ssyncadd.s32 $0xFFFFFF80  }
0x259: {  	_ =	swait.ge [sflag:s24], $0x80  }
0x25a: {  	[sflag:s24] =	ssyncset.done $0x0  }
0x25b: {  	[sflag:s24] =	ssyncadd.s32 $0xFFFFFF80  }
0x25c: {  	_ =	swait.ge [sflag:s24], $0x80  }
0x25d: {  	[sflag:s24] =	ssyncset.done $0x0  }
0x25e: {  	[sflag:s24] =	ssyncadd.s32 $0xFFFFFF80  }
0x25f: {  	_ =	swait.ge [sflag:s24], $0x80  }
0x260: {  	[sflag:s24] =	ssyncset.done $0x0  }
0x261: {  	[sflag:s24] =	ssyncadd.s32 $0xFFFFFF80  }
0x262: {  	_ =	swait.ge [sflag:s24], $0x80  }
0x263: {  	[sflag:s24] =	ssyncset.done $0x0  }
0x264: {  	[sflag:s24] =	ssyncadd.s32 $0xFFFFFF80  }
0x265: {  	_ =	swait.ge [sflag:s24], $0x80  }
0x266: {  	[sflag:s24] =	ssyncset.done $0x0  }
0x267: {  	[sflag:s24] =	ssyncadd.s32 $0xFFFFFF80  }
0x268: {  	_ =	swait.ge [sflag:s24], $0x80  }
0x269: {  	[sflag:s24] =	ssyncset.done $0x0  }
0x26a: {  	[sflag:s24] =	ssyncadd.s32 $0xFFFFFF80  }
0x26b: {  	_ =	swait.ge [sflag:s24], $0x80  }
0x26c: {  	[sflag:s24] =	ssyncset.done $0x0  }
0x26d: {  	[sflag:s24] =	ssyncadd.s32 $0xFFFFFF80  }
0x26e: {  	_ =	swait.ge [sflag:s24], $0x80  }
0x26f: {  	[sflag:s24] =	ssyncset.done $0x0  }
0x270: {  	[sflag:s24] =	ssyncadd.s32 $0xFFFFFF80  }
0x271: {  	_ =	swait.ge [sflag:s3], $0x80  }
0x272: {  	[sflag:s3] =	ssyncset.done $0x0  }
0x273: {  	s4 =	simm.s32 $0x17928;
	s8 =	simm.s32 $0x19A28;
	[sflag:s3] =	ssyncadd.s32 $0xFFFFFF80  }
0x274: {  	[tilespmem:s8], [sflag:$0x1] =	stream.indirect.gather [hbm4b:s10+s25], $0x1, s4, s25, $0xb8;
	[tilespmem:$0x1CE28] =	vst v63  }
0x275: {  	s2 =	simm.s32 $0x19AA8  }
0x276: {  	[tilespmem:s2], [sflag:$0x1] =	stream.indirect.gather [hbm4b:s11+s25], $0x1, s4, s25, $0xb8;
	[tilespmem:$0x1CE28] =	vst v63  }
0x277: {  	s2 =	simm.s32 $0x19B28  }
0x278: {  	[tilespmem:s2], [sflag:$0x1] =	stream.indirect.gather [hbm4b:s13+s25], $0x1, s4, s25, $0xb8;
	[tilespmem:$0x1CE28] =	vst v63  }
0x279: {  	s2 =	simm.s32 $0x19BA8  }
0x27a: {  	[tilespmem:s2], [sflag:$0x1] =	stream.indirect.gather [hbm4b:s15+s25], $0x1, s4, s25, $0xb8;
	[tilespmem:$0x1CE28] =	vst v63  }
0x27b: {  	s2 =	simm.s32 $0x19C28  }
0x27c: {  	[tilespmem:s2], [sflag:$0x1] =	stream.indirect.gather [hbm4b:s16+s25], $0x1, s4, s25, $0xb8;
	[tilespmem:$0x1CE28] =	vst v63  }
0x27d: {  	s2 =	simm.s32 $0x19CA8  }
0x27e: {  	[tilespmem:s2], [sflag:$0x1] =	stream.indirect.gather [hbm4b:s17+s25], $0x1, s4, s25, $0xb8;
	[tilespmem:$0x1CE28] =	vst v63  }
0x27f: {  	s2 =	simm.s32 $0x19D28  }
0x280: {  	[tilespmem:s2], [sflag:$0x1] =	stream.indirect.gather [hbm4b:s18+s25], $0x1, s4, s25, $0xb8;
	[tilespmem:$0x1CE28] =	vst v63  }
0x281: {  	s2 =	simm.s32 $0x19DA8  }
0x282: {  	[tilespmem:s2], [sflag:$0x1] =	stream.indirect.gather [hbm4b:s19+s25], $0x1, s4, s25, $0xb8;
	[tilespmem:$0x1CE28] =	vst v63  }
0x283: {  	s2 =	simm.s32 $0x19E28  }
0x284: {  	[tilespmem:s2], [sflag:$0x1] =	stream.indirect.gather [hbm4b:s23+s25], $0x1, s4, s25, $0xb8;
	[tilespmem:$0x1CE28] =	vst v63  }
0x285: {  	s2 =	simm.s32 $0x19EA8  }
0x286: {  	[tilespmem:s2], [sflag:$0x1] =	stream.indirect.gather [hbm4b:s26+s25], $0x1, s4, s25, $0xb8;
	[tilespmem:$0x1CE28] =	vst v63  }
0x287: {  	s2 =	simm.s32 $0x19F28  }
0x288: {  	[tilespmem:s2], [sflag:$0x1] =	stream.indirect.gather [hbm4b:s28+s25], $0x1, s4, s25, $0xb8;
	[tilespmem:$0x1CE28] =	vst v63  }
0x289: {  	s2 =	simm.s32 $0x19FA8  }
0x28a: {  	[tilespmem:s2], [sflag:$0x1] =	stream.indirect.gather [hbm4b:s29+s25], $0x1, s4, s25, $0xb8;
	[tilespmem:$0x1CE28] =	vst v63  }
0x28b: {  	s2 =	simm.s32 $0x1A028  }
0x28c: {  	[tilespmem:s2], [sflag:$0x1] =	stream.indirect.gather [hbm4b:s30+s25], $0x1, s4, s25, $0xb8;
	[tilespmem:$0x1CE28] =	vst v63  }
0x28d: {  	s2 =	simm.s32 $0x1A0A8  }
0x28e: {  	[tilespmem:s2], [sflag:$0x1] =	stream.indirect.gather [hbm4b:s31+s25], $0x1, s4, s25, $0xb8;
	[tilespmem:$0x1CE28] =	vst v63  }
0x28f: {  	s2 =	simm.s32 $0x1A128  }
0x290: {  	[tilespmem:s2], [sflag:$0x1] =	stream.indirect.gather [hbm4b:s0+s25], $0x1, s4, s25, $0xb8;
	[tilespmem:$0x1CE28] =	vst v63  }
0x291: {  	s2 =	simm.s32 $0x1A1A8  }
0x292: {  	[tilespmem:s2], [sflag:$0x1] =	stream.indirect.gather [hbm4b:s7+s25], $0x1, s4, s25, $0xb8;
	[tilespmem:$0x1CE28] =	vst v63  }
0x293: {  	s2 =	simm.s32 $0x1A228  }
0x294: {  	[tilespmem:s2], [sflag:$0x1] =	stream.indirect.gather [hbm4b:s20+s25], $0x1, s4, s25, $0xb8;
	[tilespmem:$0x1CE28] =	vst v63  }
0x295: {  	s2 =	simm.s32 $0x1A2A8  }
0x296: {  	[tilespmem:s2], [sflag:$0x1] =	stream.indirect.gather [hbm4b:s21+s25], $0x1, s4, s25, $0xb8;
	[tilespmem:$0x1CE28] =	vst v63  }
0x297: {  	s2 =	simm.s32 $0x1A328  }
0x298: {  	[tilespmem:s2], [sflag:$0x1] =	stream.indirect.gather [hbm4b:s1+s25], $0x1, s4, s25, $0xb8;
	[tilespmem:$0x1CE28] =	vst v63  }
0x299: {  	s2 =	simm.s32 $0x1A3A8  }
0x29a: {  	[tilespmem:s2], [sflag:$0x1] =	stream.indirect.gather [hbm4b:s9+s25], $0x1, s4, s25, $0xb8;
	[tilespmem:$0x1CE28] =	vst v63  }
0x29b: {  	s8 =	simm.s32 $0x17D28;
	s2 =	simm.s32 $0x17B28  }
0x29c: {  	[tilespmem:s8], [sflag:$0x2] =	stream.indirect.gather [hbm4b:s12+s25], $0x1, s2, s25, $0xb8;
	[tilespmem:$0x1CE28] =	vst v63  }
0x29d: {  	_ =	swait.ge [sflag:s24], $0x80  }
0x29e: {  	[sflag:s24] =	ssyncset.done $0x0  }
0x29f: {  	[sflag:s24] =	ssyncadd.s32 $0xFFFFFF80  }
0x2a0: {  	_ =	swait.ge [sflag:s24], $0x80  }
0x2a1: {  	[sflag:s24] =	ssyncset.done $0x0  }
0x2a2: {  	[sflag:s24] =	ssyncadd.s32 $0xFFFFFF80  }
0x2a3: {  	_ =	swait.ge [sflag:s24], $0x80  }
0x2a4: {  	[sflag:s24] =	ssyncset.done $0x0  }
0x2a5: {  	[sflag:s24] =	ssyncadd.s32 $0xFFFFFF80  }
0x2a6: {  	_ =	swait.ge [sflag:s24], $0x80  }
0x2a7: {  	[sflag:s24] =	ssyncset.done $0x0  }
0x2a8: {  	[sflag:s24] =	ssyncadd.s32 $0xFFFFFF80  }
0x2a9: {  	_ =	swait.ge [sflag:s24], $0x80  }
0x2aa: {  	[sflag:s24] =	ssyncset.done $0x0  }
0x2ab: {  	[sflag:s24] =	ssyncadd.s32 $0xFFFFFF80  }
0x2ac: {  	_ =	swait.ge [sflag:s24], $0x80  }
0x2ad: {  	[sflag:s24] =	ssyncset.done $0x0  }
0x2ae: {  	[sflag:s24] =	ssyncadd.s32 $0xFFFFFF80  }
0x2af: {  	_ =	swait.ge [sflag:s24], $0x80  }
0x2b0: {  	[sflag:s24] =	ssyncset.done $0x0  }
0x2b1: {  	[sflag:s24] =	ssyncadd.s32 $0xFFFFFF80  }
0x2b2: {  	_ =	swait.ge [sflag:s24], $0x80  }
0x2b3: {  	[sflag:s24] =	ssyncset.done $0x0  }
0x2b4: {  	[sflag:s24] =	ssyncadd.s32 $0xFFFFFF80  }
0x2b5: {  	_ =	swait.ge [sflag:s24], $0x80  }
0x2b6: {  	[sflag:s24] =	ssyncset.done $0x0  }
0x2b7: {  	[sflag:s24] =	ssyncadd.s32 $0xFFFFFF80  }
0x2b8: {  	_ =	swait.ge [sflag:s24], $0x80  }
0x2b9: {  	[sflag:s24] =	ssyncset.done $0x0  }
0x2ba: {  	[sflag:s24] =	ssyncadd.s32 $0xFFFFFF80  }
0x2bb: {  	_ =	swait.ge [sflag:s24], $0x80  }
0x2bc: {  	[sflag:s24] =	ssyncset.done $0x0  }
0x2bd: {  	[sflag:s24] =	ssyncadd.s32 $0xFFFFFF80  }
0x2be: {  	_ =	swait.ge [sflag:s24], $0x80  }
0x2bf: {  	[sflag:s24] =	ssyncset.done $0x0  }
0x2c0: {  	[sflag:s24] =	ssyncadd.s32 $0xFFFFFF80  }
0x2c1: {  	_ =	swait.ge [sflag:s24], $0x80  }
0x2c2: {  	[sflag:s24] =	ssyncset.done $0x0  }
0x2c3: {  	[sflag:s24] =	ssyncadd.s32 $0xFFFFFF80  }
0x2c4: {  	_ =	swait.ge [sflag:s24], $0x80  }
0x2c5: {  	[sflag:s24] =	ssyncset.done $0x0  }
0x2c6: {  	[sflag:s24] =	ssyncadd.s32 $0xFFFFFF80  }
0x2c7: {  	_ =	swait.ge [sflag:s24], $0x80  }
0x2c8: {  	[sflag:s24] =	ssyncset.done $0x0  }
0x2c9: {  	[sflag:s24] =	ssyncadd.s32 $0xFFFFFF80  }
0x2ca: {  	_ =	swait.ge [sflag:s24], $0x80  }
0x2cb: {  	[sflag:s24] =	ssyncset.done $0x0  }
0x2cc: {  	[sflag:s24] =	ssyncadd.s32 $0xFFFFFF80  }
0x2cd: {  	_ =	swait.ge [sflag:s24], $0x80  }
0x2ce: {  	[sflag:s24] =	ssyncset.done $0x0  }
0x2cf: {  	[sflag:s24] =	ssyncadd.s32 $0xFFFFFF80  }
0x2d0: {  	_ =	swait.ge [sflag:s24], $0x80  }
0x2d1: {  	[sflag:s24] =	ssyncset.done $0x0  }
0x2d2: {  	[sflag:s24] =	ssyncadd.s32 $0xFFFFFF80  }
0x2d3: {  	_ =	swait.ge [sflag:s24], $0x80  }
0x2d4: {  	[sflag:s24] =	ssyncset.done $0x0  }
0x2d5: {  	[sflag:s24] =	ssyncadd.s32 $0xFFFFFF80  }
0x2d6: {  	_ =	swait.ge [sflag:s24], $0x80  }
0x2d7: {  	[sflag:s24] =	ssyncset.done $0x0  }
0x2d8: {  	[sflag:s24] =	ssyncadd.s32 $0xFFFFFF80  }
0x2d9: {  	_ =	swait.ge [sflag:s3], $0x80  }
0x2da: {  	[sflag:s3] =	ssyncset.done $0x0  }
0x2db: {  	s4 =	simm.s32 $0x179A8;
	s2 =	simm.s32 $0x1A428;
	[sflag:s3] =	ssyncadd.s32 $0xFFFFFF80  }
0x2dc: {  	[tilespmem:s2], [sflag:$0x1] =	stream.indirect.gather [hbm4b:s10+s25], $0x1, s4, s25, $0xb8;
	[tilespmem:$0x1CE28] =	vst v63  }
0x2dd: {  	s10 =	simm.s32 $0x1A4A8  }
0x2de: {  	[tilespmem:s10], [sflag:$0x1] =	stream.indirect.gather [hbm4b:s11+s25], $0x1, s4, s25, $0xb8;
	[tilespmem:$0x1CE28] =	vst v63  }
0x2df: {  	s11 =	simm.s32 $0x1A528  }
0x2e0: {  	[tilespmem:s11], [sflag:$0x1] =	stream.indirect.gather [hbm4b:s13+s25], $0x1, s4, s25, $0xb8;
	[tilespmem:$0x1CE28] =	vst v63  }
0x2e1: {  	s13 =	simm.s32 $0x1A5A8  }
0x2e2: {  	[tilespmem:s13], [sflag:$0x1] =	stream.indirect.gather [hbm4b:s15+s25], $0x1, s4, s25, $0xb8;
	[tilespmem:$0x1CE28] =	vst v63  }
0x2e3: {  	s15 =	simm.s32 $0x1A628  }
0x2e4: {  	[tilespmem:s15], [sflag:$0x1] =	stream.indirect.gather [hbm4b:s16+s25], $0x1, s4, s25, $0xb8;
	[tilespmem:$0x1CE28] =	vst v63  }
0x2e5: {  	s10 =	simm.s32 $0x1A6A8  }
0x2e6: {  	[tilespmem:s10], [sflag:$0x1] =	stream.indirect.gather [hbm4b:s17+s25], $0x1, s4, s25, $0xb8;
	[tilespmem:$0x1CE28] =	vst v63  }
0x2e7: {  	s11 =	simm.s32 $0x1A728  }
0x2e8: {  	[tilespmem:s11], [sflag:$0x1] =	stream.indirect.gather [hbm4b:s18+s25], $0x1, s4, s25, $0xb8;
	[tilespmem:$0x1CE28] =	vst v63  }
0x2e9: {  	s13 =	simm.s32 $0x1A7A8  }
0x2ea: {  	[tilespmem:s13], [sflag:$0x1] =	stream.indirect.gather [hbm4b:s19+s25], $0x1, s4, s25, $0xb8;
	[tilespmem:$0x1CE28] =	vst v63  }
0x2eb: {  	s15 =	simm.s32 $0x1A828  }
0x2ec: {  	[tilespmem:s15], [sflag:$0x1] =	stream.indirect.gather [hbm4b:s23+s25], $0x1, s4, s25, $0xb8;
	[tilespmem:$0x1CE28] =	vst v63  }
0x2ed: {  	s16 =	simm.s32 $0x1A8A8  }
0x2ee: {  	[tilespmem:s16], [sflag:$0x1] =	stream.indirect.gather [hbm4b:s26+s25], $0x1, s4, s25, $0xb8;
	[tilespmem:$0x1CE28] =	vst v63  }
0x2ef: {  	s17 =	simm.s32 $0x1A928  }
0x2f0: {  	[tilespmem:s17], [sflag:$0x1] =	stream.indirect.gather [hbm4b:s28+s25], $0x1, s4, s25, $0xb8;
	[tilespmem:$0x1CE28] =	vst v63  }
0x2f1: {  	s18 =	simm.s32 $0x1A9A8  }
0x2f2: {  	[tilespmem:s18], [sflag:$0x1] =	stream.indirect.gather [hbm4b:s29+s25], $0x1, s4, s25, $0xb8;
	[tilespmem:$0x1CE28] =	vst v63  }
0x2f3: {  	s19 =	simm.s32 $0x1AA28  }
0x2f4: {  	[tilespmem:s19], [sflag:$0x1] =	stream.indirect.gather [hbm4b:s30+s25], $0x1, s4, s25, $0xb8;
	[tilespmem:$0x1CE28] =	vst v63  }
0x2f5: {  	s23 =	simm.s32 $0x1AAA8  }
0x2f6: {  	[tilespmem:s23], [sflag:$0x1] =	stream.indirect.gather [hbm4b:s31+s25], $0x1, s4, s25, $0xb8;
	[tilespmem:$0x1CE28] =	vst v63  }
0x2f7: {  	s26 =	simm.s32 $0x1AB28  }
0x2f8: {  	[tilespmem:s26], [sflag:$0x1] =	stream.indirect.gather [hbm4b:s0+s25], $0x1, s4, s25, $0xb8;
	[tilespmem:$0x1CE28] =	vst v63  }
0x2f9: {  	s28 =	simm.s32 $0x1ABA8  }
0x2fa: {  	[tilespmem:s28], [sflag:$0x1] =	stream.indirect.gather [hbm4b:s7+s25], $0x1, s4, s25, $0xb8;
	[tilespmem:$0x1CE28] =	vst v63  }
0x2fb: {  	s29 =	simm.s32 $0x1AC28  }
0x2fc: {  	[tilespmem:s29], [sflag:$0x1] =	stream.indirect.gather [hbm4b:s20+s25], $0x1, s4, s25, $0xb8;
	[tilespmem:$0x1CE28] =	vst v63  }
0x2fd: {  	s30 =	simm.s32 $0x1ACA8  }
0x2fe: {  	[tilespmem:s30], [sflag:$0x1] =	stream.indirect.gather [hbm4b:s21+s25], $0x1, s4, s25, $0xb8;
	[tilespmem:$0x1CE28] =	vst v63  }
0x2ff: {  	s31 =	simm.s32 $0x1AD28  }
0x300: {  	[tilespmem:s31], [sflag:$0x1] =	stream.indirect.gather [hbm4b:s1+s25], $0x1, s4, s25, $0xb8;
	[tilespmem:$0x1CE28] =	vst v63  }
0x301: {  	s2 =	simm.s32 $0x1ADA8  }
0x302: {  	[tilespmem:s2], [sflag:$0x1] =	stream.indirect.gather [hbm4b:s9+s25], $0x1, s4, s25, $0xb8;
	[tilespmem:$0x1CE28] =	vst v63  }
0x303: {  	s7 =	simm.s32 $0x17BA8;
	s2 =	simm.s32 $0x17DA8  }
0x304: {  	[tilespmem:s2], [sflag:$0x2] =	stream.indirect.gather [hbm4b:s12+s25], $0x1, s7, s25, $0xb8;
	[tilespmem:$0x1CE28] =	vst v63  }
0x305: {  	_ =	swait.ge [sflag:s24], $0x80  }
0x306: {  	[sflag:s24] =	ssyncset.done $0x0  }
0x307: {  	[sflag:s24] =	ssyncadd.s32 $0xFFFFFF80  }
0x308: {  	_ =	swait.ge [sflag:s24], $0x80  }
0x309: {  	[sflag:s24] =	ssyncset.done $0x0  }
0x30a: {  	[sflag:s24] =	ssyncadd.s32 $0xFFFFFF80  }
0x30b: {  	_ =	swait.ge [sflag:s24], $0x80  }
0x30c: {  	[sflag:s24] =	ssyncset.done $0x0  }
0x30d: {  	[sflag:s24] =	ssyncadd.s32 $0xFFFFFF80  }
0x30e: {  	_ =	swait.ge [sflag:s24], $0x80  }
0x30f: {  	[sflag:s24] =	ssyncset.done $0x0  }
0x310: {  	[sflag:s24] =	ssyncadd.s32 $0xFFFFFF80  }
0x311: {  	_ =	swait.ge [sflag:s24], $0x80  }
0x312: {  	[sflag:s24] =	ssyncset.done $0x0  }
0x313: {  	[sflag:s24] =	ssyncadd.s32 $0xFFFFFF80  }
0x314: {  	_ =	swait.ge [sflag:s24], $0x80  }
0x315: {  	[sflag:s24] =	ssyncset.done $0x0  }
0x316: {  	[sflag:s24] =	ssyncadd.s32 $0xFFFFFF80  }
0x317: {  	_ =	swait.ge [sflag:s24], $0x80  }
0x318: {  	[sflag:s24] =	ssyncset.done $0x0  }
0x319: {  	[sflag:s24] =	ssyncadd.s32 $0xFFFFFF80  }
0x31a: {  	_ =	swait.ge [sflag:s24], $0x80  }
0x31b: {  	[sflag:s24] =	ssyncset.done $0x0  }
0x31c: {  	[sflag:s24] =	ssyncadd.s32 $0xFFFFFF80  }
0x31d: {  	_ =	swait.ge [sflag:s24], $0x80  }
0x31e: {  	[sflag:s24] =	ssyncset.done $0x0  }
0x31f: {  	[sflag:s24] =	ssyncadd.s32 $0xFFFFFF80  }
0x320: {  	_ =	swait.ge [sflag:s24], $0x80  }
0x321: {  	[sflag:s24] =	ssyncset.done $0x0  }
0x322: {  	[sflag:s24] =	ssyncadd.s32 $0xFFFFFF80  }
0x323: {  	_ =	swait.ge [sflag:s24], $0x80  }
0x324: {  	[sflag:s24] =	ssyncset.done $0x0  }
0x325: {  	[sflag:s24] =	ssyncadd.s32 $0xFFFFFF80  }
0x326: {  	_ =	swait.ge [sflag:s24], $0x80  }
0x327: {  	[sflag:s24] =	ssyncset.done $0x0  }
0x328: {  	[sflag:s24] =	ssyncadd.s32 $0xFFFFFF80  }
0x329: {  	_ =	swait.ge [sflag:s24], $0x80  }
0x32a: {  	[sflag:s24] =	ssyncset.done $0x0  }
0x32b: {  	[sflag:s24] =	ssyncadd.s32 $0xFFFFFF80  }
0x32c: {  	_ =	swait.ge [sflag:s24], $0x80  }
0x32d: {  	[sflag:s24] =	ssyncset.done $0x0  }
0x32e: {  	[sflag:s24] =	ssyncadd.s32 $0xFFFFFF80  }
0x32f: {  	_ =	swait.ge [sflag:s24], $0x80  }
0x330: {  	[sflag:s24] =	ssyncset.done $0x0  }
0x331: {  	[sflag:s24] =	ssyncadd.s32 $0xFFFFFF80  }
0x332: {  	_ =	swait.ge [sflag:s24], $0x80  }
0x333: {  	[sflag:s24] =	ssyncset.done $0x0  }
0x334: {  	[sflag:s24] =	ssyncadd.s32 $0xFFFFFF80  }
0x335: {  	_ =	swait.ge [sflag:s24], $0x80  }
0x336: {  	[sflag:s24] =	ssyncset.done $0x0  }
0x337: {  	[sflag:s24] =	ssyncadd.s32 $0xFFFFFF80  }
0x338: {  	_ =	swait.ge [sflag:s24], $0x80  }
0x339: {  	[sflag:s24] =	ssyncset.done $0x0  }
0x33a: {  	[sflag:s24] =	ssyncadd.s32 $0xFFFFFF80  }
0x33b: {  	_ =	swait.ge [sflag:s24], $0x80  }
0x33c: {  	[sflag:s24] =	ssyncset.done $0x0  }
0x33d: {  	[sflag:s24] =	ssyncadd.s32 $0xFFFFFF80  }
0x33e: {  	_ =	swait.ge [sflag:s24], $0x80  }
0x33f: {  	[sflag:s24] =	ssyncset.done $0x0  }
0x340: {  	[sflag:s24] =	ssyncadd.s32 $0xFFFFFF80  }
0x341: {  	_ =	swait.ge [sflag:s3], $0x80  }
0x342: {  	s20 =	simm.s32 $0x17E28;
	[sflag:s3] =	ssyncset.done $0x0;
	s9 =	rddreg [dreg:$0x1e]  }
0x343: {  	s21 =	simm.s32 $0x17C28;
	s23 =	sld [smem:$0x7FA];
	[sflag:s3] =	ssyncadd.s32 $0xFFFFFF80  }
0x344: {  	[tilespmem:s20], [sflag:$0x1] =	stream.indirect.gather [hbm4b:s9+s25], $0x1, s21, s25, $0xb8;
	[tilespmem:$0x1CE28] =	vst v63  }
0x345: {  	s26 =	simm.s32 $0x17EA8;
	s28 =	sld [smem:$0x7FC]  }
0x346: {  	[tilespmem:s26], [sflag:$0x1] =	stream.indirect.gather [hbm4b:s23+s25], $0x1, s21, s25, $0xb8;
	[tilespmem:$0x1CE28] =	vst v63  }
0x347: {  	s29 =	simm.s32 $0x17F28;
	s31 =	sld [smem:$0x7FD]  }
0x348: {  	[tilespmem:s29], [sflag:$0x1] =	stream.indirect.gather [hbm4b:s28+s25], $0x1, s21, s25, $0xb8;
	[tilespmem:$0x1CE28] =	vst v63  }
0x349: {  	s10 =	simm.s32 $0x17FA8;
	s30 =	simm.s32 $0x17C28  }
0x34a: {  	[tilespmem:s10], [sflag:$0x1] =	stream.indirect.gather [hbm4b:s31+s25], $0x1, s30, s25, $0xb8;
	[tilespmem:$0x1CE28] =	vst v63  }
0x34b: {  	s11 =	simm.s32 $0x18028  }
0x34c: {  	[tilespmem:s11], [sflag:$0x1] =	stream.indirect.gather [hbm4b:s9+s25], $0x1, s6, s25, $0xb8;
	[tilespmem:$0x1CE28] =	vst v63  }
0x34d: {  	s12 =	simm.s32 $0x180A8  }
0x34e: {  	[tilespmem:s12], [sflag:$0x1] =	stream.indirect.gather [hbm4b:s23+s25], $0x1, s6, s25, $0xb8;
	[tilespmem:$0x1CE28] =	vst v63  }
0x34f: {  	s13 =	simm.s32 $0x18128  }
0x350: {  	[tilespmem:s13], [sflag:$0x1] =	stream.indirect.gather [hbm4b:s28+s25], $0x1, s6, s25, $0xb8;
	[tilespmem:$0x1CE28] =	vst v63  }
0x351: {  	s15 =	simm.s32 $0x181A8  }
0x352: {  	[tilespmem:s15], [sflag:$0x1] =	stream.indirect.gather [hbm4b:s31+s25], $0x1, s6, s25, $0xb8;
	[tilespmem:$0x1CE28] =	vst v63  }
0x353: {  	s16 =	simm.s32 $0x18228  }
0x354: {  	[tilespmem:s16], [sflag:$0x1] =	stream.indirect.gather [hbm4b:s9+s25], $0x1, s8, s25, $0xb8;
	[tilespmem:$0x1CE28] =	vst v63  }
0x355: {  	s17 =	simm.s32 $0x182A8  }
0x356: {  	[tilespmem:s17], [sflag:$0x1] =	stream.indirect.gather [hbm4b:s23+s25], $0x1, s8, s25, $0xb8;
	[tilespmem:$0x1CE28] =	vst v63  }
0x357: {  	s18 =	simm.s32 $0x18328  }
0x358: {  	[tilespmem:s18], [sflag:$0x1] =	stream.indirect.gather [hbm4b:s28+s25], $0x1, s8, s25, $0xb8;
	[tilespmem:$0x1CE28] =	vst v63  }
0x359: {  	s19 =	simm.s32 $0x183A8  }
0x35a: {  	[tilespmem:s19], [sflag:$0x1] =	stream.indirect.gather [hbm4b:s31+s25], $0x1, s8, s25, $0xb8;
	[tilespmem:$0x1CE28] =	vst v63  }
0x35b: {  	s20 =	simm.s32 $0x18428  }
0x35c: {  	[tilespmem:s20], [sflag:$0x1] =	stream.indirect.gather [hbm4b:s9+s25], $0x1, s2, s25, $0xb8;
	[tilespmem:$0x1CE28] =	vst v63  }
0x35d: {  	s21 =	simm.s32 $0x184A8  }
0x35e: {  	[tilespmem:s21], [sflag:$0x1] =	stream.indirect.gather [hbm4b:s23+s25], $0x1, s2, s25, $0xb8;
	[tilespmem:$0x1CE28] =	vst v63  }
0x35f: {  	s23 =	simm.s32 $0x18528  }
0x360: {  	[tilespmem:s23], [sflag:$0x1] =	stream.indirect.gather [hbm4b:s28+s25], $0x1, s2, s25, $0xb8;
	[tilespmem:$0x1CE28] =	vst v63  }
0x361: {  	s26 =	simm.s32 $0x185A8  }
0x362: {  	[tilespmem:s26], [sflag:$0x1] =	stream.indirect.gather [hbm4b:s31+s25], $0x1, s2, s25, $0xb8;
	[tilespmem:$0x1CE28] =	vst v63  }
0x363: {  	_ =	swait.ge [sflag:s24], $0x80  }
0x364: {  	[sflag:s24] =	ssyncset.done $0x0  }
0x365: {  	[sflag:s24] =	ssyncadd.s32 $0xFFFFFF80  }
0x366: {  	_ =	swait.ge [sflag:s24], $0x80  }
0x367: {  	[sflag:s24] =	ssyncset.done $0x0  }
0x368: {  	[sflag:s24] =	ssyncadd.s32 $0xFFFFFF80  }
0x369: {  	_ =	swait.ge [sflag:s24], $0x80  }
0x36a: {  	[sflag:s24] =	ssyncset.done $0x0  }
0x36b: {  	[sflag:s24] =	ssyncadd.s32 $0xFFFFFF80  }
0x36c: {  	_ =	swait.ge [sflag:s24], $0x80  }
0x36d: {  	[sflag:s24] =	ssyncset.done $0x0  }
0x36e: {  	[sflag:s24] =	ssyncadd.s32 $0xFFFFFF80  }
0x36f: {  	_ =	swait.ge [sflag:s24], $0x80  }
0x370: {  	[sflag:s24] =	ssyncset.done $0x0  }
0x371: {  	[sflag:s24] =	ssyncadd.s32 $0xFFFFFF80  }
0x372: {  	_ =	swait.ge [sflag:s24], $0x80  }
0x373: {  	[sflag:s24] =	ssyncset.done $0x0  }
0x374: {  	[sflag:s24] =	ssyncadd.s32 $0xFFFFFF80  }
0x375: {  	_ =	swait.ge [sflag:s24], $0x80  }
0x376: {  	[sflag:s24] =	ssyncset.done $0x0  }
0x377: {  	[sflag:s24] =	ssyncadd.s32 $0xFFFFFF80  }
0x378: {  	_ =	swait.ge [sflag:s24], $0x80  }
0x379: {  	[sflag:s24] =	ssyncset.done $0x0  }
0x37a: {  	[sflag:s24] =	ssyncadd.s32 $0xFFFFFF80  }
0x37b: {  	_ =	swait.ge [sflag:s24], $0x80  }
0x37c: {  	[sflag:s24] =	ssyncset.done $0x0  }
0x37d: {  	[sflag:s24] =	ssyncadd.s32 $0xFFFFFF80  }
0x37e: {  	_ =	swait.ge [sflag:s24], $0x80  }
0x37f: {  	[sflag:s24] =	ssyncset.done $0x0  }
0x380: {  	[sflag:s24] =	ssyncadd.s32 $0xFFFFFF80  }
0x381: {  	_ =	swait.ge [sflag:s24], $0x80  }
0x382: {  	[sflag:s24] =	ssyncset.done $0x0  }
0x383: {  	[sflag:s24] =	ssyncadd.s32 $0xFFFFFF80  }
0x384: {  	_ =	swait.ge [sflag:s24], $0x80  }
0x385: {  	[sflag:s24] =	ssyncset.done $0x0  }
0x386: {  	[sflag:s24] =	ssyncadd.s32 $0xFFFFFF80  }
0x387: {  	_ =	swait.ge [sflag:s24], $0x80  }
0x388: {  	[sflag:s24] =	ssyncset.done $0x0  }
0x389: {  	[sflag:s24] =	ssyncadd.s32 $0xFFFFFF80  }
0x38a: {  	_ =	swait.ge [sflag:s24], $0x80  }
0x38b: {  	[sflag:s24] =	ssyncset.done $0x0  }
0x38c: {  	[sflag:s24] =	ssyncadd.s32 $0xFFFFFF80  }
0x38d: {  	s28 =	simm.s32 $0x0;
	_ =	swait.ge [sflag:s24], $0x80  }
0x38e: {  	s10 =	smul.u32 $0x2800, s28;
	[sflag:s24] =	ssyncset.done $0x0  }
0x38f: {  	s11 =	simm.s32 $0x0;
	[sflag:s24] =	ssyncadd.s32 $0xFFFFFF80  }
0x390: {  	s29 =	sand.u32 $0x70, s11;
	s10 =	sshra.s32 s10, $0x2;
	_ =	swait.ge [sflag:s24], $0x80  }
0x391: {  	s30 =	sor.u32 s29, s10;
	[sflag:s24] =	ssyncset.done $0x0  }
0x392: {  	s31 =	simm.s32 $0x0;
	s10 =	sadd.s32 $0x18628, s30;
	[sflag:s24] =	ssyncadd.s32 $0xFFFFFF80  }
0x393: {  	s12 =	simm.s32 $0x17628;
	s16 =	sand.u32 $0x3FFFFE00, s31;
	v4 =	vld [tilespmem:s10+$0x200]  }
0x394: {  	s13 =	sor.u32 s29, s16;
	v5 =	vld [tilespmem:s12+$0x0]  }
0x395: {  	v7 =	vld [tilespmem:s13+$0x17E28]  }
0x396: {  	v6 =	vld [tilespmem:s30+$0x18628]  }
0x397: {  	v8 =	vld [tilespmem:s10+$0x400]  }
0x398: {  	v9 =	vld [tilespmem:s10+$0x600]  }
0x399: {  	v10 =	vld [tilespmem:s10+$0x800];
	vm0 =	vgt.s32 v5, $0x0  }
0x39a: {  	v5 =	vsel vm0, v7, v4  }
0x39b: {  	v4 =	vld [tilespmem:s10+$0x680];
	v6 =	vsel vm0, v7, v6;
	[tilespmem:s10+$0x200] =	vst v5  }
0x39c: {  	v8 =	vsel vm0, v7, v8;
	v5 =	vld [tilespmem:s10+$0x880];
	[tilespmem:s30+$0x18628] =	vst v6  }
0x39d: {  	v9 =	vsel vm0, v7, v9;
	[tilespmem:s10+$0x400] =	vst v8;
	v6 =	vld [tilespmem:s10+$0x480]  }
0x39e: {  	v8 =	vsel vm0, v7, v10;
	[tilespmem:s10+$0x600] =	vst v9;
	v7 =	vld [tilespmem:s10+$0x280]  }
0x39f: {  	s15 =	sadd.s32 $0x17E28, s13;
	v9 =	vld [tilespmem:s10+$0x80];
	[tilespmem:s10+$0x800] =	vst v8  }
0x3a0: {  	s13 =	simm.s32 $0x1;
	v8 =	vld [tilespmem:s15+$0x80]  }
.LBB2_42:
0x3a1: {  	p0 =	sne.s32 s13, $0x1F;
	s12 =	sadd.s32 $0x10, s12;
	s11 =	sadd.s32 $0x10, s11  }
0x3a2: {  	s16 =	smov.u32 s13;
	s13 =	sadd.s32 $0x1, s13;
	_ =	sdelay $0x2  }
0x3a3: {  	v9 =	vsel vm0, v8, v9;
	v7 =	vsel vm0, v8, v7;
	v6 =	vsel vm0, v8, v6  }
0x3a4: {  	v4 =	vsel vm0, v8, v4;
	v5 =	vsel vm0, v8, v5;
	[tilespmem:s10+$0x80] =	vst v9  }
0x3a5: {  	[tilespmem:s10+$0x480] =	vst v6;
	v6 =	vld [tilespmem:s10+$0x900]  }
0x3a6: {  	[tilespmem:s10+$0x680] =	vst v4;
	v4 =	vld [tilespmem:s10+$0x500]  }
0x3a7: {  	[tilespmem:s10+$0x880] =	vst v5;
	v5 =	vld [tilespmem:s10+$0x100]  }
0x3a8: {  	[tilespmem:s10+$0x280] =	vst v7;
	v7 =	vld [tilespmem:s10+$0x300]  }
0x3a9: {  	v8 =	vld [tilespmem:s15+$0x100]  }
0x3aa: {  	v9 =	vld [tilespmem:s10+$0x700]  }
0x3ab: {  	s17 =	sshrl.u32 s16, $0x3  }
0x3ac: {  	s17 =	smul.u32 $0x2800, s17;
	v10 =	vld [tilespmem:s10+$0x180]  }
0x3ad: {  	v11 =	vld [tilespmem:s10+$0x980]  }
0x3ae: {  	s18 =	sand.u32 $0x70, s11;
	s17 =	sshra.s32 s17, $0x2;
	v5 =	vsel vm0, v8, v5;
	v7 =	vsel vm0, v8, v7;
	v4 =	vsel vm0, v8, v4;
	v12 =	vld [tilespmem:s10+$0x380]  }
0x3af: {  	s17 =	sor.u32 s18, s17;
	v6 =	vsel vm0, v8, v6;
	[tilespmem:s10+$0x100] =	vst v5;
	v5 =	vsel vm0, v8, v9;
	v8 =	vld [tilespmem:s10+$0x780]  }
0x3b0: {  	s19 =	sadd.s32 $0x18628, s17;
	[tilespmem:s10+$0x900] =	vst v6;
	v6 =	vld [tilespmem:s10+$0x580]  }
0x3b1: {  	v9 =	vld [tilespmem:s17+$0x18628];
	[tilespmem:s10+$0x300] =	vst v7  }
0x3b2: {  	v7 =	vld [tilespmem:s19+$0x200];
	[tilespmem:s10+$0x500] =	vst v4  }
0x3b3: {  	v13 =	vld [tilespmem:s19+$0x800];
	[tilespmem:s10+$0x700] =	vst v5  }
0x3b4: {  	v14 =	vld [tilespmem:s15+$0x180]  }
0x3b5: {  	v4 =	vld [tilespmem:s19+$0x680]  }
0x3b6: {  	v5 =	vld [tilespmem:s19+$0x880]  }
0x3b7: {  	v15 =	vld [tilespmem:s19+$0x400];
	_ =	sdelay $0x1  }
0x3b8: {  	v10 =	vsel vm0, v14, v10;
	v12 =	vsel vm0, v14, v12;
	v6 =	vsel vm0, v14, v6  }
0x3b9: {  	v8 =	vsel vm0, v14, v8;
	[tilespmem:s10+$0x180] =	vst v10;
	v10 =	vsel vm0, v14, v11  }
0x3ba: {  	[tilespmem:s10+$0x380] =	vst v12  }
0x3bb: {  	v11 =	vld [tilespmem:s19+$0x600];
	[tilespmem:s10+$0x980] =	vst v10  }
0x3bc: {  	s15 =	sshll.u32 s16, $0x6;
	[tilespmem:s10+$0x580] =	vst v6  }
0x3bd: {  	s15 =	sand.u32 $0x3FFFFE00, s15;
	[tilespmem:s10+$0x780] =	vst v8;
	s10 =	smov.u32 s19  }
0x3be: {  	s15 =	sor.u32 s18, s15;
	v6 =	vld [tilespmem:s12+$0x0]  }
0x3bf: {  	v8 =	vld [tilespmem:s15+$0x17E28];
	_ =	sdelay $0x3  }
0x3c0: {  	vm0 =	vgt.s32 v6, $0x0  }
0x3c1: {  	v6 =	vsel vm0, v8, v9;
	v7 =	vsel vm0, v8, v7;
	v9 =	vsel vm0, v8, v15  }
0x3c2: {  	[tilespmem:s10+$0x200] =	vst v7;
	v7 =	vsel vm0, v8, v11;
	v8 =	vsel vm0, v8, v13  }
.Ltmp20:
0x3c3: {  	[tilespmem:s17+$0x18628] =	vst v6;
	(pc) =	sbr.rel @p0 .LBB2_42-.Ltmp20, $4  }
0x3c4: {  	[tilespmem:s10+$0x400] =	vst v9;
	v6 =	vld [tilespmem:s10+$0x480]  }
0x3c5: {  	[tilespmem:s10+$0x600] =	vst v7;
	v7 =	vld [tilespmem:s10+$0x280]  }
0x3c6: {  	s15 =	sadd.s32 $0x17E28, s15;
	[tilespmem:s10+$0x800] =	vst v8;
	v9 =	vld [tilespmem:s10+$0x80]  }
0x3c7: {  	v8 =	vld [tilespmem:s15+$0x80]  }
0x3c8: {  	_ =	sdelay $0x3  }
0x3c9: {  	v9 =	vsel vm0, v8, v9  }
0x3ca: {  	v6 =	vsel vm0, v8, v6;
	[tilespmem:s10+$0x80] =	vst v9  }
0x3cb: {  	v4 =	vsel vm0, v8, v4;
	[tilespmem:s10+$0x480] =	vst v6  }
0x3cc: {  	v5 =	vsel vm0, v8, v5;
	[tilespmem:s10+$0x680] =	vst v4  }
0x3cd: {  	v4 =	vsel vm0, v8, v7;
	[tilespmem:s10+$0x880] =	vst v5  }
0x3ce: {  	v5 =	vld [tilespmem:s10+$0x100];
	[tilespmem:s10+$0x280] =	vst v4  }
0x3cf: {  	v4 =	vld [tilespmem:s15+$0x100]  }
0x3d0: {  	v55 =	vld [tilespmem:s10+$0x300]  }
0x3d1: {  	v54 =	vld [tilespmem:s10+$0x900]  }
0x3d2: {  	v56 =	vld [tilespmem:s10+$0x500]  }
0x3d3: {  	v57 =	vld [tilespmem:s10+$0x700]  }
0x3d4: {  	v5 =	vsel vm0, v4, v5  }
0x3d5: {  	v58 =	vsel vm0, v4, v55;
	[tilespmem:s10+$0x100] =	vst v5  }
0x3d6: {  	v5 =	vsel vm0, v4, v54;
	[tilespmem:s10+$0x300] =	vst v58  }
0x3d7: {  	[tilespmem:s10+$0x900] =	vst v5;
	v5 =	vsel vm0, v4, v56  }
0x3d8: {  	v4 =	vsel vm0, v4, v57;
	[tilespmem:s10+$0x500] =	vst v5  }
0x3d9: {  	v5 =	vld [tilespmem:s10+$0x180];
	[tilespmem:s10+$0x700] =	vst v4  }
0x3da: {  	v4 =	vld [tilespmem:s15+$0x180]  }
0x3db: {  	v59 =	vld [tilespmem:s10+$0x380]  }
0x3dc: {  	v61 =	vld [tilespmem:s10+$0x580]  }
0x3dd: {  	v60 =	vld [tilespmem:s10+$0x980]  }
0x3de: {  	v62 =	vld [tilespmem:s10+$0x780]  }
0x3df: {  	v5 =	vsel vm0, v4, v5  }
0x3e0: {  	v6 =	vsel vm0, v4, v59;
	[tilespmem:s10+$0x180] =	vst v5  }
0x3e1: {  	v63 =	vsel vm0, v4, v61;
	[tilespmem:s10+$0x380] =	vst v6  }
0x3e2: {  	v5 =	vsel vm0, v4, v60;
	[tilespmem:s10+$0x580] =	vst v63  }
0x3e3: {  	v4 =	vsel vm0, v4, v62;
	[tilespmem:s10+$0x980] =	vst v5  }
0x3e4: {  	s31 =	rddreg [dreg:$0x14];
	s1 =	simm.s32 $0x18628;
	[tilespmem:s10+$0x780] =	vst v4  }
0x3e5: {  	[hbm4b:s31+s5] =	stream.linear.scatter [tilespmem:s1], [sflag:$0x3], $0x2800, $0x38;
	[tilespmem:$0x1CE28] =	vst v63  }
0x3e6: {  	_ =	swait.ge [sflag:s22], $0x2800  }
0x3e7: {  	s2 =	sld [smem:$0x7EB]  }
0x3e8: {  	s0 =	sld [smem:$0x7FB];
	_ =	sdelay $0x1  }
0x3e9: {  	s2 =	sadd.s32 $0x1, s2  }
0x3ea: {  	p0 =	sne.s32 s2, s0  }
.Ltmp21:
0x3eb: {  	_ = 	snop;
	(pc) =	sbr.rel @p0 .LBB2_1-.Ltmp21, $3  }
0x3ec: {  	_ =	sdelay $0x1  }
0x3ed: {  	[sflag:s22] =	ssyncset.done $0x0  }
0x3ee: {  	s3 =	simm.s32 $0x17428;
	[sflag:s22] =	ssyncadd.s32 $0xFFFFD800  }
0x3ef: {  	_ =	sfence.sel $0x180000  }
0x3f0: {  	[bflag:$0x0] =	sbarrier.arrive $0xFFFF  }
0x3f1: {  	_ =	strace $0x90000047  }
0x3f2: {  	s0 =	stileid.u32;
	[bflag:$0x2] =	sbarrier.arrive $0xFFFF  }
0x3f3: {  	p0 =	sne.s32 s0, $0x0;
	s0 =	rddreg [dreg:$0x6]  }
0x3f4: {  	s0 =	sadd.s32 @!p0 $0x100000, s0  }
0x3f5: {  	[sflag:s0] =	ssyncadd.tile.s32 @!p0 $0x1;
	_ =	shalt  }
.Lfunc_end2:
_tile_overlayer_lowered:
.L_overlay_start_2:
0x3f6: {  	(tag) =	ssettag $0x2  }
0x3f7: {  	s0 =	rddreg [dreg:$0x0];
	s2 =	stileid.u32  }
0x3f8: {  	s1 =	rddreg [dreg:$0x1];
	p0 =	sne.s32 s2, $0x0  }
0x3f9: {  	s3 =	rddreg [dreg:$0x2];
	[bflag:$0x3] =	sbarrier.arrive $0xFFFF;
	s2 =	simm.s32 @!p0 $0x1C03  }
0x3fa: {  	[timem:s3], [sflag:s2] =	dma.local @!p0 [hbm:s0], s1  }
0x3fb: {  	s0 =	simm.s32 @!p0 $0x3  }
0x3fc: {  	_ =	swait.ge @!p0 [sflag:s0], s1  }
0x3fd: {  	s1 =	ssub.s32 @!p0 $0x0, s1;
	[sflag:s0] =	ssyncset.done @!p0 $0x0  }
0x3fe: {  	[sflag:s0] =	ssyncadd.s32 @!p0 s1  }
0x3ff: {  	[bflag:$0x3] =	sbarrier.arrive $0xFFFF  }
0x400: {  	_ =	shalt  }

</sc_bundles>
